<compile_context>
chip_gen: v7x
topology: tpu7x:2x2x1
jax: 0.10.2.dev20260603
libtpu: 0.0.44.dev20260713+nightly
codegen_flags: <defaults>
</compile_context>

<pallas_src>
import functools

import jax
import jax.numpy as jnp
from jax import lax
from jax.experimental import pallas as pl
from jax.experimental.pallas import tpu as pltpu
from jax.experimental.pallas import tpu_sc as plsc

N = 10000
E = 320000
G = 256

NC = 2
NS = 16
NW = NC * NS
CH = 128
NCHUNK = E // CH
ITERS = (NCHUNK + NW - 1) // NW
PH = 40
NCHUNK_PAD = 2560
RPT = N // NS
DEGF = 16

BLK = 5000
NBLK = N // BLK


def _sc_mesh():
    return plsc.VectorSubcoreMesh(core_axis_name="c", subcore_axis_name="s")


_SC_PARAMS = pltpu.CompilerParams(use_tc_tiling_on_sc=False)


def _deg_body(dst2d_hbm, ones_hbm, zeros_hbm, out_hbm, didx, ones_v, acc, sem):
    c = lax.axis_index("c")
    s = lax.axis_index("s")
    w = c * NS + s
    r0 = s * RPT
    c0 = w * NCHUNK // NW
    n_w = (w + 1) * NCHUNK // NW - c0
    pltpu.sync_copy(dst2d_hbm.at[pl.ds(c0, ITERS)], didx)
    pltpu.sync_copy(ones_hbm, ones_v)
    pltpu.sync_copy(zeros_hbm, acc.at[pl.ds(r0, RPT)])
    plsc.subcore_barrier()

    LAG = 4

    def body(i, _):
        @pl.when(i < n_w)
        def _():
            @pl.when(i >= LAG)
            def _():
                pltpu.make_async_copy(ones_v, acc.at[didx.at[0]], sem).wait()

            pltpu.async_copy(ones_v, acc.at[didx.at[i]], sem, add=True)

        return 0

    lax.fori_loop(0, ITERS, body, 0)
    for _ in range(LAG):
        pltpu.make_async_copy(ones_v, acc.at[didx.at[0]], sem).wait()
    plsc.subcore_barrier()
    pltpu.sync_copy(acc.at[pl.ds(r0, RPT)], out_hbm.at[c, pl.ds(r0, RPT), :])


def _make_deg_kernel():
    return functools.partial(
        pl.kernel,
        out_type=jax.ShapeDtypeStruct((NC, N, DEGF), jnp.float32),
        mesh=_sc_mesh(),
        compiler_params=_SC_PARAMS,
        scratch_types=[
            pltpu.VMEM((ITERS, CH), jnp.int32),
            pltpu.VMEM((CH, DEGF), jnp.float32),
            pltpu.VMEM_SHARED((N, DEGF), jnp.float32),
            pltpu.SemaphoreType.DMA,
        ],
    )(_deg_body)


def _make_agg_body(nbuf, ch, ph):
    nchunk = E // ch
    iters = (nchunk + NW - 1) // NW
    npass = (iters + ph - 1) // ph

    def body(xs_hbm, src2d_hbm, dst2d_hbm, zeros_hbm, out_hbm, *scr):
        sidx, didx = scr[0], scr[1]
        rows = scr[2:2 + nbuf]
        acc = scr[2 + nbuf]
        gsems = scr[3 + nbuf:3 + 2 * nbuf]
        ssems = scr[3 + 2 * nbuf:3 + 3 * nbuf]
        c = lax.axis_index("c")
        s = lax.axis_index("s")
        w = c * NS + s
        r0 = s * RPT
        c0 = w * nchunk // NW
        n_w = (w + 1) * nchunk // NW - c0

        pltpu.sync_copy(zeros_hbm, acc.at[pl.ds(r0, RPT)])
        plsc.subcore_barrier()

        for p in range(npass):
            rem = jnp.minimum(n_w - ph * p, ph)
            pltpu.sync_copy(src2d_hbm.at[pl.ds(c0 + ph * p, ph)], sidx)
            pltpu.sync_copy(dst2d_hbm.at[pl.ds(c0 + ph * p, ph)], didx)

            def group(t, _, rem=rem):
                for k in range(nbuf):
                    j = nbuf * t + k

                    @pl.when(j < rem)
                    def _(j=j, k=k):
                        @pl.when(t >= 1)
                        def _(k=k):
                            pltpu.make_async_copy(
                                rows[k], acc.at[didx.at[0]], ssems[k]).wait()

                        pltpu.async_copy(
                            xs_hbm.at[sidx.at[j]], rows[k], gsems[k])

                for k in range(nbuf):
                    j = nbuf * t + k

                    @pl.when(j < rem)
                    def _(j=j, k=k):
                        pltpu.make_async_copy(
                            xs_hbm.at[sidx.at[j]], rows[k], gsems[k]).wait()
                        pltpu.async_copy(
                            rows[k], acc.at[didx.at[j]], ssems[k], add=True)

                return 0

            lax.fori_loop(0, ph // nbuf, group, 0)
            for k in range(nbuf):
                pltpu.make_async_copy(
                    rows[k], acc.at[didx.at[0]], ssems[k]).wait()
        plsc.subcore_barrier()
        pltpu.sync_copy(acc.at[pl.ds(r0, RPT)], out_hbm.at[c, pl.ds(r0, RPT), :])

    return body


def _make_agg_kernel(F, nbuf, ch, ph):
    return functools.partial(
        pl.kernel,
        out_type=jax.ShapeDtypeStruct((NC, N, F), jnp.float32),
        mesh=_sc_mesh(),
        compiler_params=_SC_PARAMS,
        scratch_types=(
            [pltpu.VMEM((ph, ch), jnp.int32),
             pltpu.VMEM((ph, ch), jnp.int32)]
            + [pltpu.VMEM((ch, F), jnp.float32) for _ in range(nbuf)]
            + [pltpu.VMEM_SHARED((N, F), jnp.float32)]
            + [pltpu.SemaphoreType.DMA for _ in range(2 * nbuf)]
        ),
    )(_make_agg_body(nbuf, ch, ph))


def _dinv_blk(degp_ref):
    deg = degp_ref[0, :, 0:1] + degp_ref[1, :, 0:1] + 1.0
    return lax.rsqrt(deg)


def _mm1_body(x_ref, w1_ref, degp_ref, xs1_ref):
    dinv = _dinv_blk(degp_ref)
    xw = jnp.dot(x_ref[...], w1_ref[...], preferred_element_type=jnp.float32)
    xs1_ref[...] = dinv * xw


def _mid_body(accp_ref, xs1_ref, degp_ref, w2_ref, b1_ref, xs2_ref):
    dinv = _dinv_blk(degp_ref)
    agg = accp_ref[0] + accp_ref[1] + xs1_ref[...]
    h1 = jnp.maximum(dinv * agg + b1_ref[...], 0.0)
    xw = jnp.dot(h1, w2_ref[...], preferred_element_type=jnp.float32)
    xs2_ref[...] = dinv * xw


def _fin_body(accp_ref, xs2_ref, degp_ref, b2_ref, batch_ref, wf_ref, bf_ref,
              out_ref, sums_ref, cnt_ref):
    i = pl.program_id(0)

    @pl.when(i == 0)
    def _():
        sums_ref[...] = jnp.zeros_like(sums_ref)
        cnt_ref[...] = jnp.zeros_like(cnt_ref)

    dinv = _dinv_blk(degp_ref)
    agg = accp_ref[0] + accp_ref[1] + xs2_ref[...]
    h2 = jnp.maximum(dinv * agg + b2_ref[...], 0.0)

    gids = lax.broadcasted_iota(jnp.int32, (BLK, G), 1)
    oh = (batch_ref[...] == gids).astype(jnp.float32)
    dn = (((0,), (0,)), ((), ()))
    sums_ref[...] += lax.dot_general(oh, h2, dn,
                                     preferred_element_type=jnp.float32)
    cnt_ref[...] += lax.dot_general(oh, jnp.ones((BLK, 1), jnp.float32), dn,
                                    preferred_element_type=jnp.float32)

    @pl.when(i == NBLK - 1)
    def _():
        pooled = sums_ref[...] / jnp.maximum(cnt_ref[...], 1.0)
        out_ref[...] = jnp.dot(pooled, wf_ref[...],
                               preferred_element_type=jnp.float32) + bf_ref[...]


def _mm1_call(x, W1, degp):
    return pl.pallas_call(
        _mm1_body,
        grid=(NBLK,),
        in_specs=[
            pl.BlockSpec((BLK, 128), lambda i: (i, 0)),
            pl.BlockSpec((128, 64), lambda i: (0, 0)),
            pl.BlockSpec((NC, BLK, DEGF), lambda i: (0, i, 0)),
        ],
        out_specs=pl.BlockSpec((BLK, 64), lambda i: (i, 0)),
        out_shape=jax.ShapeDtypeStruct((N, 64), jnp.float32),
    )(x, W1, degp)


def _mid_call(accp1, xs1, degp, W2, b1):
    return pl.pallas_call(
        _mid_body,
        grid=(NBLK,),
        in_specs=[
            pl.BlockSpec((NC, BLK, 64), lambda i: (0, i, 0)),
            pl.BlockSpec((BLK, 64), lambda i: (i, 0)),
            pl.BlockSpec((NC, BLK, DEGF), lambda i: (0, i, 0)),
            pl.BlockSpec((64, 128), lambda i: (0, 0)),
            pl.BlockSpec((1, 64), lambda i: (0, 0)),
        ],
        out_specs=pl.BlockSpec((BLK, 128), lambda i: (i, 0)),
        out_shape=jax.ShapeDtypeStruct((N, 128), jnp.float32),
    )(accp1, xs1, degp, W2, b1)


def _fin_call(accp2, xs2, degp, b2, batch2d, Wf, bf):
    return pl.pallas_call(
        _fin_body,
        grid=(NBLK,),
        in_specs=[
            pl.BlockSpec((NC, BLK, 128), lambda i: (0, i, 0)),
            pl.BlockSpec((BLK, 128), lambda i: (i, 0)),
            pl.BlockSpec((NC, BLK, DEGF), lambda i: (0, i, 0)),
            pl.BlockSpec((1, 128), lambda i: (0, 0)),
            pl.BlockSpec((BLK, 1), lambda i: (i, 0)),
            pl.BlockSpec((128, 128), lambda i: (0, 0)),
            pl.BlockSpec((1, 128), lambda i: (0, 0)),
        ],
        out_specs=pl.BlockSpec((G, 128), lambda i: (0, 0)),
        out_shape=jax.ShapeDtypeStruct((G, 128), jnp.float32),
        scratch_shapes=[
            pltpu.VMEM((G, 128), jnp.float32),
            pltpu.VMEM((G, 1), jnp.float32),
        ],
    )(accp2, xs2, degp, b2, batch2d, Wf, bf)


def kernel(x, edge_index, batch, W1, b1, W2, b2, Wf, bf):
    def edges2d(vec, ch, padrows):
        nchunk = E // ch
        return jnp.concatenate(
            [vec.reshape(nchunk, ch), jnp.zeros((padrows, ch), jnp.int32)])

    src2d = edges2d(edge_index[0], CH, NCHUNK_PAD - NCHUNK)
    dst2d = edges2d(edge_index[1], CH, NCHUNK_PAD - NCHUNK)
    src2d80 = edges2d(edge_index[0], 80, 64)
    dst2d80 = edges2d(edge_index[1], 80, 64)
    batch2d = batch.reshape(N, 1)
    b1r = b1.reshape(1, 64)
    b2r = b2.reshape(1, 128)
    bfr = bf.reshape(1, 128)

    ones_rows = jnp.ones((CH, DEGF), jnp.float32)
    zdeg = jnp.zeros((RPT, DEGF), jnp.float32)
    z64 = jnp.zeros((RPT, 64), jnp.float32)
    z128 = jnp.zeros((RPT, 128), jnp.float32)

    degp = _make_deg_kernel()(dst2d, ones_rows, zdeg)
    xs1 = _mm1_call(x, W1, degp)
    accp1 = _make_agg_kernel(64, 8, CH, 80)(xs1, src2d, dst2d, z64)
    xs2 = _mid_call(accp1, xs1, degp, W2, b1r)
    accp2 = _make_agg_kernel(128, 4, 80, 60)(xs2, src2d80, dst2d80, z128)
    return _fin_call(accp2, xs2, degp, b2r, batch2d, Wf, bfr)

# --- scband reference (transcript-rebuilt; emitter-appended) ---
"""Pipeline reference for scband-drug-graph-embedding-11836929868222 (READ-ONLY COPY).

The authoritative reference and input builder live on the scoring server;
editing this copy changes nothing except your own understanding.
"""

import jax, jax.numpy as jnp
import numpy as np

N = 10000
E = 320000
IN = 128
H1 = 64
H2 = 128
OUT = 128
G = 256


def setup_inputs(seed: int = 0) -> dict:
    key = jax.random.key(seed)
    ks = jax.random.split(key, 10)
    x = jax.random.normal(ks[0], (N, IN), dtype=jnp.float32)
    edge_index = jax.random.randint(ks[1], (2, E), 0, N, dtype=jnp.int32)
    batch = jnp.sort(jax.random.randint(ks[2], (N,), 0, G, dtype=jnp.int32))
    W1 = jax.random.normal(ks[3], (IN, H1), dtype=jnp.float32) * (1.0 / np.sqrt(IN))
    b1 = jnp.zeros((H1,), dtype=jnp.float32)
    W2 = jax.random.normal(ks[4], (H1, H2), dtype=jnp.float32) * (1.0 / np.sqrt(H1))
    b2 = jnp.zeros((H2,), dtype=jnp.float32)
    Wf = jax.random.normal(ks[5], (H2, OUT), dtype=jnp.float32) * (1.0 / np.sqrt(H2))
    bf = jnp.zeros((OUT,), dtype=jnp.float32)
    return {"x": x, "edge_index": edge_index, "batch": batch,
            "W1": W1, "b1": b1, "W2": W2, "b2": b2, "Wf": Wf, "bf": bf}


def _gcn_conv(x, edge_index, W, b):
    src = edge_index[0]
    dst = edge_index[1]
    loop = jnp.arange(N, dtype=src.dtype)
    src2 = jnp.concatenate([src, loop])
    dst2 = jnp.concatenate([dst, loop])
    deg = jax.ops.segment_sum(jnp.ones_like(dst2, dtype=jnp.float32), dst2, num_segments=N)
    dinv = jnp.where(deg > 0, 1.0 / jnp.sqrt(jnp.maximum(deg, 1e-12)), 0.0)
    norm = dinv[src2] * dinv[dst2]
    xw = x @ W
    msgs = jnp.take(xw, src2, axis=0) * norm[:, None]
    out = jax.ops.segment_sum(msgs, dst2, num_segments=N)
    return out + b


def reference(x, edge_index, batch, W1, b1, W2, b2, Wf, bf):
    h = jax.nn.relu(_gcn_conv(x, edge_index, W1, b1))
    h = jax.nn.relu(_gcn_conv(h, edge_index, W2, b2))
    sums = jax.ops.segment_sum(h, batch, num_segments=G)
    counts = jax.ops.segment_sum(jnp.ones((N,), dtype=jnp.float32), batch, num_segments=G)
    pooled = sums / jnp.maximum(counts, 1.0)[:, None]
    return pooled @ Wf + bf

if __name__ == "__main__":
    import jax
    _d = setup_inputs()
    print(jax.jit(kernel)(*tuple(_d.values())))

</pallas_src>

<mosaic_0001>
#map = affine_map<(d0, d1) -> (0, 0)>
#map1 = affine_map<(d0, d1) -> (0, 0, 0)>
module attributes {stable_mosaic.version = 14 : i64} {
  func.func @body(%arg0: i32, %arg1: i32, %arg2: memref<10000x128xf32, #tpu.memory_space<hbm>>, %arg3: memref<4064x80xi32, #tpu.memory_space<hbm>>, %arg4: memref<4064x80xi32, #tpu.memory_space<hbm>>, %arg5: memref<625x128xf32, #tpu.memory_space<hbm>>, %arg6: memref<2x10000x128xf32, #tpu.memory_space<hbm>>, %arg7: memref<60x80xi32, #tpu.memory_space<vmem>>, %arg8: memref<60x80xi32, #tpu.memory_space<vmem>>, %arg9: memref<80x128xf32, #tpu.memory_space<vmem>>, %arg10: memref<80x128xf32, #tpu.memory_space<vmem>>, %arg11: memref<80x128xf32, #tpu.memory_space<vmem>>, %arg12: memref<80x128xf32, #tpu.memory_space<vmem>>, %arg13: memref<10000x128xf32, #tpu.memory_space<vmem_shared>>, %arg14: memref<!tpu.dma_semaphore, #tpu.memory_space<semaphore_mem>>, %arg15: memref<!tpu.dma_semaphore, #tpu.memory_space<semaphore_mem>>, %arg16: memref<!tpu.dma_semaphore, #tpu.memory_space<semaphore_mem>>, %arg17: memref<!tpu.dma_semaphore, #tpu.memory_space<semaphore_mem>>, %arg18: memref<!tpu.dma_semaphore, #tpu.memory_space<semaphore_mem>>, %arg19: memref<!tpu.dma_semaphore, #tpu.memory_space<semaphore_mem>>, %arg20: memref<!tpu.dma_semaphore, #tpu.memory_space<semaphore_mem>>, %arg21: memref<!tpu.dma_semaphore, #tpu.memory_space<semaphore_mem>>) attributes {dimension_semantics = [#tpu.dimension_semantics<core_parallel>, #tpu.dimension_semantics<subcore_parallel>], iteration_bounds = array<i64: 2, 16>, scalar_prefetch = 0 : i64, scratch_operands = 15 : i64, tpu.core_type = #tpu.core_type<sc_vector_subcore>, window_params = [{transform_indices = #map}, {transform_indices = #map}, {transform_indices = #map}, {transform_indices = #map}, {transform_indices = #map1}]} {
    %mul3A = arith.constant 16 : i32
    %mul3A_0 = arith.muli %arg0, %mul3A : i32
    %add3A = arith.addi %mul3A_0, %arg1 : i32
    %mul3A_1 = arith.constant 625 : i32
    %mul3A_2 = arith.muli %arg1, %mul3A_1 : i32
    %mul3A_3 = arith.constant 4000 : i32
    %mul3A_4 = arith.muli %add3A, %mul3A_3 : i32
    %jit3A = arith.constant 32 : i32
    %div3A = arith.divsi %mul3A_4, %jit3A : i32
    %sign3A = arith.constant 0 : i32
    %sign3A_5 = arith.cmpi sgt, %mul3A_4, %sign3A : i32
    %sign3A_6 = arith.extui %sign3A_5 : i1 to i32
    %sign3A_7 = arith.constant 0 : i32
    %sign3A_8 = arith.cmpi slt, %mul3A_4, %sign3A_7 : i32
    %sign3A_9 = arith.extui %sign3A_8 : i1 to i32
    %sign3A_10 = arith.subi %sign3A_6, %sign3A_9 : i32
    %sign3A_11 = arith.constant 0 : i32
    %sign3A_12 = arith.cmpi sgt, %jit3A, %sign3A_11 : i32
    %sign3A_13 = arith.extui %sign3A_12 : i1 to i32
    %sign3A_14 = arith.constant 0 : i32
    %sign3A_15 = arith.cmpi slt, %jit3A, %sign3A_14 : i32
    %sign3A_16 = arith.extui %sign3A_15 : i1 to i32
    %sign3A_17 = arith.subi %sign3A_13, %sign3A_16 : i32
    %ne3A = arith.cmpi ne, %sign3A_10, %sign3A_17 : i32
    %rem3A = arith.remsi %mul3A_4, %jit3A : i32
    %ne3A_18 = arith.constant 0 : i32
    %ne3A_19 = arith.cmpi ne, %rem3A, %ne3A_18 : i32
    %and3A = arith.andi %ne3A, %ne3A_19 : i1
    %sub3A = arith.constant 1 : i32
    %sub3A_20 = arith.subi %div3A, %sub3A : i32
    %select_n3A = arith.select %and3A, %sub3A_20, %div3A : i32
    %add3A_21 = arith.constant 1 : i32
    %add3A_22 = arith.addi %add3A, %add3A_21 : i32
    %mul3A_23 = arith.constant 4000 : i32
    %mul3A_24 = arith.muli %add3A_22, %mul3A_23 : i32
    %jit3A_25 = arith.constant 32 : i32
    %div3A_26 = arith.divsi %mul3A_24, %jit3A_25 : i32
    %sign3A_27 = arith.constant 0 : i32
    %sign3A_28 = arith.cmpi sgt, %mul3A_24, %sign3A_27 : i32
    %sign3A_29 = arith.extui %sign3A_28 : i1 to i32
    %sign3A_30 = arith.constant 0 : i32
    %sign3A_31 = arith.cmpi slt, %mul3A_24, %sign3A_30 : i32
    %sign3A_32 = arith.extui %sign3A_31 : i1 to i32
    %sign3A_33 = arith.subi %sign3A_29, %sign3A_32 : i32
    %sign3A_34 = arith.constant 0 : i32
    %sign3A_35 = arith.cmpi sgt, %jit3A_25, %sign3A_34 : i32
    %sign3A_36 = arith.extui %sign3A_35 : i1 to i32
    %sign3A_37 = arith.constant 0 : i32
    %sign3A_38 = arith.cmpi slt, %jit3A_25, %sign3A_37 : i32
    %sign3A_39 = arith.extui %sign3A_38 : i1 to i32
    %sign3A_40 = arith.subi %sign3A_36, %sign3A_39 : i32
    %ne3A_41 = arith.cmpi ne, %sign3A_33, %sign3A_40 : i32
    %rem3A_42 = arith.remsi %mul3A_24, %jit3A_25 : i32
    %ne3A_43 = arith.constant 0 : i32
    %ne3A_44 = arith.cmpi ne, %rem3A_42, %ne3A_43 : i32
    %and3A_45 = arith.andi %ne3A_41, %ne3A_44 : i1
    %sub3A_46 = arith.constant 1 : i32
    %sub3A_47 = arith.subi %div3A_26, %sub3A_46 : i32
    %select_n3A_48 = arith.select %and3A_45, %sub3A_47, %div3A_26 : i32
    %sub3A_49 = arith.subi %select_n3A_48, %select_n3A : i32
    "tpu.region"() ({
      %run_scoped3A = tpu.sem_alloc : memref<!tpu.dma_semaphore, #tpu.memory_space<semaphore_mem>>
      %dma_start3A = arith.constant 0 : i32
      %dma_start3A_177 = tpu.memref_slice %arg13[%mul3A_2, %dma_start3A] : memref<10000x128xf32, #tpu.memory_space<vmem_shared>> -> memref<625x128xf32, #tpu.memory_space<vmem_shared>>
      tpu.enqueue_dma source(%arg5 : memref<625x128xf32, #tpu.memory_space<hbm>>) target(%dma_start3A_177 : memref<625x128xf32, #tpu.memory_space<vmem_shared>>) target_semaphore(%run_scoped3A : memref<!tpu.dma_semaphore, #tpu.memory_space<semaphore_mem>>)
      %dma_wait3A_178 = arith.constant 0 : i32
      %dma_wait3A_179 = tpu.memref_slice %arg13[%mul3A_2, %dma_wait3A_178] : memref<10000x128xf32, #tpu.memory_space<vmem_shared>> -> memref<625x128xf32, #tpu.memory_space<vmem_shared>>
      tpu.wait_dma2 semaphore(%run_scoped3A : memref<!tpu.dma_semaphore, #tpu.memory_space<semaphore_mem>>) src(%arg5 : memref<625x128xf32, #tpu.memory_space<hbm>>) dst(%dma_wait3A_179 : memref<625x128xf32, #tpu.memory_space<vmem_shared>>)
      tpu.yield
    }) : () -> ()
    %barrier3A = arith.constant 0 : index
    tpu.barrier barrier_id(%barrier3A)
    %sub3A_50 = arith.constant 0 : i32
    %sub3A_51 = arith.subi %sub3A_49, %sub3A_50 : i32
    %min3A = arith.constant 60 : i32
    %min3A_52 = arith.minsi %sub3A_51, %min3A : i32
    %add3A_53 = arith.constant 0 : i32
    %add3A_54 = arith.addi %select_n3A, %add3A_53 : i32
    "tpu.region"() ({
      %run_scoped3A = tpu.sem_alloc : memref<!tpu.dma_semaphore, #tpu.memory_space<semaphore_mem>>
      %dma_start3A = arith.constant 0 : i32
      %dma_start3A_177 = tpu.memref_slice %arg3[%add3A_54, %dma_start3A] : memref<4064x80xi32, #tpu.memory_space<hbm>> -> memref<60x80xi32, #tpu.memory_space<hbm>>
      %dma_start3A_178 = arith.constant 0 : i32
      %dma_start3A_179 = tpu.memref_slice %arg3[%add3A_54, %dma_start3A_178] : memref<4064x80xi32, #tpu.memory_space<hbm>> -> memref<60x80xi32, #tpu.memory_space<hbm>>
      tpu.enqueue_dma source(%dma_start3A_179 : memref<60x80xi32, #tpu.memory_space<hbm>>) target(%arg7 : memref<60x80xi32, #tpu.memory_space<vmem>>) target_semaphore(%run_scoped3A : memref<!tpu.dma_semaphore, #tpu.memory_space<semaphore_mem>>)
      %dma_wait3A_180 = arith.constant 0 : i32
      %dma_wait3A_181 = tpu.memref_slice %arg3[%add3A_54, %dma_wait3A_180] : memref<4064x80xi32, #tpu.memory_space<hbm>> -> memref<60x80xi32, #tpu.memory_space<hbm>>
      %dma_wait3A_182 = arith.constant 0 : i32
      %dma_wait3A_183 = tpu.memref_slice %arg3[%add3A_54, %dma_wait3A_182] : memref<4064x80xi32, #tpu.memory_space<hbm>> -> memref<60x80xi32, #tpu.memory_space<hbm>>
      tpu.wait_dma2 semaphore(%run_scoped3A : memref<!tpu.dma_semaphore, #tpu.memory_space<semaphore_mem>>) src(%dma_wait3A_183 : memref<60x80xi32, #tpu.memory_space<hbm>>) dst(%arg7 : memref<60x80xi32, #tpu.memory_space<vmem>>)
      tpu.yield
    }) : () -> ()
    %add3A_55 = arith.constant 0 : i32
    %add3A_56 = arith.addi %select_n3A, %add3A_55 : i32
    "tpu.region"() ({
      %run_scoped3A = tpu.sem_alloc : memref<!tpu.dma_semaphore, #tpu.memory_space<semaphore_mem>>
      %dma_start3A = arith.constant 0 : i32
      %dma_start3A_177 = tpu.memref_slice %arg4[%add3A_56, %dma_start3A] : memref<4064x80xi32, #tpu.memory_space<hbm>> -> memref<60x80xi32, #tpu.memory_space<hbm>>
      %dma_start3A_178 = arith.constant 0 : i32
      %dma_start3A_179 = tpu.memref_slice %arg4[%add3A_56, %dma_start3A_178] : memref<4064x80xi32, #tpu.memory_space<hbm>> -> memref<60x80xi32, #tpu.memory_space<hbm>>
      tpu.enqueue_dma source(%dma_start3A_179 : memref<60x80xi32, #tpu.memory_space<hbm>>) target(%arg8 : memref<60x80xi32, #tpu.memory_space<vmem>>) target_semaphore(%run_scoped3A : memref<!tpu.dma_semaphore, #tpu.memory_space<semaphore_mem>>)
      %dma_wait3A_180 = arith.constant 0 : i32
      %dma_wait3A_181 = tpu.memref_slice %arg4[%add3A_56, %dma_wait3A_180] : memref<4064x80xi32, #tpu.memory_space<hbm>> -> memref<60x80xi32, #tpu.memory_space<hbm>>
      %dma_wait3A_182 = arith.constant 0 : i32
      %dma_wait3A_183 = tpu.memref_slice %arg4[%add3A_56, %dma_wait3A_182] : memref<4064x80xi32, #tpu.memory_space<hbm>> -> memref<60x80xi32, #tpu.memory_space<hbm>>
      tpu.wait_dma2 semaphore(%run_scoped3A : memref<!tpu.dma_semaphore, #tpu.memory_space<semaphore_mem>>) src(%dma_wait3A_183 : memref<60x80xi32, #tpu.memory_space<hbm>>) dst(%arg8 : memref<60x80xi32, #tpu.memory_space<vmem>>)
      tpu.yield
    }) : () -> ()
    %scan3A = arith.constant 0 : i32
    %scan3A_57 = arith.constant 0 : i32
    %scan3A_58 = arith.constant 15 : i32
    %scan3A_59 = arith.addi %scan3A_57, %scan3A_58 : i32
    %scan3A_60 = arith.constant 1 : i32
    %scan3A_61 = scf.for %scan3A_177 = %scan3A_57 to %scan3A_59 step %scan3A_60 iter_args(%scan3A_178 = %scan3A) -> (i32)  : i32 {
      %mul3A_179 = arith.constant 4 : i32
      %mul3A_180 = arith.muli %mul3A_179, %scan3A_177 : i32
      %add3A_181 = arith.constant 0 : i32
      %add3A_182 = arith.addi %mul3A_180, %add3A_181 : i32
      %lt3A = arith.cmpi slt, %add3A_182, %min3A_52 : i32
      %convert_element_type3A = arith.extui %lt3A : i1 to i32
      %cond3A = arith.constant 0 : i32
      %cond3A_183 = arith.cmpi ne, %convert_element_type3A, %cond3A : i32
      scf.if %cond3A_183 {
        %ge3A = arith.constant 1 : i32
        %ge3A_241 = arith.cmpi sge, %scan3A_177, %ge3A : i32
        %convert_element_type3A_242 = arith.extui %ge3A_241 : i1 to i32
        %cond3A_243 = arith.constant 0 : i32
        %cond3A_244 = arith.cmpi ne, %convert_element_type3A_242, %cond3A_243 : i32
        scf.if %cond3A_244 {
          %dma_wait3A_250 = arith.constant 0 : i32
          %dma_wait3A_251 = arith.constant 0 : i32
          %dma_wait3A_252 = tpu.memref_slice %arg8[%dma_wait3A_250, %dma_wait3A_251] : memref<60x80xi32, #tpu.memory_space<vmem>> -> memref<1x80xi32, #tpu.memory_space<vmem>>
          %dma_wait3A_253 = tpu.memref_squeeze %dma_wait3A_252 : memref<1x80xi32, #tpu.memory_space<vmem>> -> memref<80xi32, #tpu.memory_space<vmem>>
          %dma_wait3A_254 = arith.constant 0 : i32
          %dma_wait3A_255 = arith.constant 0 : i32
          %dma_wait3A_256 = tpu.memref_slice %arg13[%dma_wait3A_254, %dma_wait3A_255] : memref<10000x128xf32, #tpu.memory_space<vmem_shared>> -> memref<10000x128xf32, #tpu.memory_space<vmem_shared>>
          tpu.wait_indirect_dma semaphore(%arg18 : memref<!tpu.dma_semaphore, #tpu.memory_space<semaphore_mem>>) src(%arg9 : memref<80x128xf32, #tpu.memory_space<vmem>>) dst(%dma_wait3A_256 : memref<10000x128xf32, #tpu.memory_space<vmem_shared>>)
        } else {
        }
        %dma_start3A = arith.constant 0 : i32
        %dma_start3A_245 = tpu.memref_slice %arg7[%add3A_182, %dma_start3A] : memref<60x80xi32, #tpu.memory_space<vmem>> -> memref<1x80xi32, #tpu.memory_space<vmem>>
        %dma_start3A_246 = tpu.memref_squeeze %dma_start3A_245 : memref<1x80xi32, #tpu.memory_space<vmem>> -> memref<80xi32, #tpu.memory_space<vmem>>
        %dma_start3A_247 = arith.constant 0 : i32
        %dma_start3A_248 = arith.constant 0 : i32
        %dma_start3A_249 = tpu.memref_slice %arg2[%dma_start3A_247, %dma_start3A_248] : memref<10000x128xf32, #tpu.memory_space<hbm>> -> memref<10000x128xf32, #tpu.memory_space<hbm>>
        tpu.enqueue_indirect_dma source(%dma_start3A_249 : memref<10000x128xf32, #tpu.memory_space<hbm>>) target(%arg9 : memref<80x128xf32, #tpu.memory_space<vmem>>) offsets(%dma_start3A_246 : memref<80xi32, #tpu.memory_space<vmem>>) semaphore(%arg14 : memref<!tpu.dma_semaphore, #tpu.memory_space<semaphore_mem>>)
      } else {
      }
      %mul3A_184 = arith.constant 4 : i32
      %mul3A_185 = arith.muli %mul3A_184, %scan3A_177 : i32
      %add3A_186 = arith.constant 1 : i32
      %add3A_187 = arith.addi %mul3A_185, %add3A_186 : i32
      %lt3A_188 = arith.cmpi slt, %add3A_187, %min3A_52 : i32
      %convert_element_type3A_189 = arith.extui %lt3A_188 : i1 to i32
      %cond3A_190 = arith.constant 0 : i32
      %cond3A_191 = arith.cmpi ne, %convert_element_type3A_189, %cond3A_190 : i32
      scf.if %cond3A_191 {
        %ge3A = arith.constant 1 : i32
        %ge3A_241 = arith.cmpi sge, %scan3A_177, %ge3A : i32
        %convert_element_type3A_242 = arith.extui %ge3A_241 : i1 to i32
        %cond3A_243 = arith.constant 0 : i32
        %cond3A_244 = arith.cmpi ne, %convert_element_type3A_242, %cond3A_243 : i32
        scf.if %cond3A_244 {
          %dma_wait3A_250 = arith.constant 0 : i32
          %dma_wait3A_251 = arith.constant 0 : i32
          %dma_wait3A_252 = tpu.memref_slice %arg8[%dma_wait3A_250, %dma_wait3A_251] : memref<60x80xi32, #tpu.memory_space<vmem>> -> memref<1x80xi32, #tpu.memory_space<vmem>>
          %dma_wait3A_253 = tpu.memref_squeeze %dma_wait3A_252 : memref<1x80xi32, #tpu.memory_space<vmem>> -> memref<80xi32, #tpu.memory_space<vmem>>
          %dma_wait3A_254 = arith.constant 0 : i32
          %dma_wait3A_255 = arith.constant 0 : i32
          %dma_wait3A_256 = tpu.memref_slice %arg13[%dma_wait3A_254, %dma_wait3A_255] : memref<10000x128xf32, #tpu.memory_space<vmem_shared>> -> memref<10000x128xf32, #tpu.memory_space<vmem_shared>>
          tpu.wait_indirect_dma semaphore(%arg19 : memref<!tpu.dma_semaphore, #tpu.memory_space<semaphore_mem>>) src(%arg10 : memref<80x128xf32, #tpu.memory_space<vmem>>) dst(%dma_wait3A_256 : memref<10000x128xf32, #tpu.memory_space<vmem_shared>>)
        } else {
        }
        %dma_start3A = arith.constant 0 : i32
        %dma_start3A_245 = tpu.memref_slice %arg7[%add3A_187, %dma_start3A] : memref<60x80xi32, #tpu.memory_space<vmem>> -> memref<1x80xi32, #tpu.memory_space<vmem>>
        %dma_start3A_246 = tpu.memref_squeeze %dma_start3A_245 : memref<1x80xi32, #tpu.memory_space<vmem>> -> memref<80xi32, #tpu.memory_space<vmem>>
        %dma_start3A_247 = arith.constant 0 : i32
        %dma_start3A_248 = arith.constant 0 : i32
        %dma_start3A_249 = tpu.memref_slice %arg2[%dma_start3A_247, %dma_start3A_248] : memref<10000x128xf32, #tpu.memory_space<hbm>> -> memref<10000x128xf32, #tpu.memory_space<hbm>>
        tpu.enqueue_indirect_dma source(%dma_start3A_249 : memref<10000x128xf32, #tpu.memory_space<hbm>>) target(%arg10 : memref<80x128xf32, #tpu.memory_space<vmem>>) offsets(%dma_start3A_246 : memref<80xi32, #tpu.memory_space<vmem>>) semaphore(%arg15 : memref<!tpu.dma_semaphore, #tpu.memory_space<semaphore_mem>>)
      } else {
      }
      %mul3A_192 = arith.constant 4 : i32
      %mul3A_193 = arith.muli %mul3A_192, %scan3A_177 : i32
      %add3A_194 = arith.constant 2 : i32
      %add3A_195 = arith.addi %mul3A_193, %add3A_194 : i32
      %lt3A_196 = arith.cmpi slt, %add3A_195, %min3A_52 : i32
      %convert_element_type3A_197 = arith.extui %lt3A_196 : i1 to i32
      %cond3A_198 = arith.constant 0 : i32
      %cond3A_199 = arith.cmpi ne, %convert_element_type3A_197, %cond3A_198 : i32
      scf.if %cond3A_199 {
        %ge3A = arith.constant 1 : i32
        %ge3A_241 = arith.cmpi sge, %scan3A_177, %ge3A : i32
        %convert_element_type3A_242 = arith.extui %ge3A_241 : i1 to i32
        %cond3A_243 = arith.constant 0 : i32
        %cond3A_244 = arith.cmpi ne, %convert_element_type3A_242, %cond3A_243 : i32
        scf.if %cond3A_244 {
          %dma_wait3A_250 = arith.constant 0 : i32
          %dma_wait3A_251 = arith.constant 0 : i32
          %dma_wait3A_252 = tpu.memref_slice %arg8[%dma_wait3A_250, %dma_wait3A_251] : memref<60x80xi32, #tpu.memory_space<vmem>> -> memref<1x80xi32, #tpu.memory_space<vmem>>
          %dma_wait3A_253 = tpu.memref_squeeze %dma_wait3A_252 : memref<1x80xi32, #tpu.memory_space<vmem>> -> memref<80xi32, #tpu.memory_space<vmem>>
          %dma_wait3A_254 = arith.constant 0 : i32
          %dma_wait3A_255 = arith.constant 0 : i32
          %dma_wait3A_256 = tpu.memref_slice %arg13[%dma_wait3A_254, %dma_wait3A_255] : memref<10000x128xf32, #tpu.memory_space<vmem_shared>> -> memref<10000x128xf32, #tpu.memory_space<vmem_shared>>
          tpu.wait_indirect_dma semaphore(%arg20 : memref<!tpu.dma_semaphore, #tpu.memory_space<semaphore_mem>>) src(%arg11 : memref<80x128xf32, #tpu.memory_space<vmem>>) dst(%dma_wait3A_256 : memref<10000x128xf32, #tpu.memory_space<vmem_shared>>)
        } else {
        }
        %dma_start3A = arith.constant 0 : i32
        %dma_start3A_245 = tpu.memref_slice %arg7[%add3A_195, %dma_start3A] : memref<60x80xi32, #tpu.memory_space<vmem>> -> memref<1x80xi32, #tpu.memory_space<vmem>>
        %dma_start3A_246 = tpu.memref_squeeze %dma_start3A_245 : memref<1x80xi32, #tpu.memory_space<vmem>> -> memref<80xi32, #tpu.memory_space<vmem>>
        %dma_start3A_247 = arith.constant 0 : i32
        %dma_start3A_248 = arith.constant 0 : i32
        %dma_start3A_249 = tpu.memref_slice %arg2[%dma_start3A_247, %dma_start3A_248] : memref<10000x128xf32, #tpu.memory_space<hbm>> -> memref<10000x128xf32, #tpu.memory_space<hbm>>
        tpu.enqueue_indirect_dma source(%dma_start3A_249 : memref<10000x128xf32, #tpu.memory_space<hbm>>) target(%arg11 : memref<80x128xf32, #tpu.memory_space<vmem>>) offsets(%dma_start3A_246 : memref<80xi32, #tpu.memory_space<vmem>>) semaphore(%arg16 : memref<!tpu.dma_semaphore, #tpu.memory_space<semaphore_mem>>)
      } else {
      }
      %mul3A_200 = arith.constant 4 : i32
      %mul3A_201 = arith.muli %mul3A_200, %scan3A_177 : i32
      %add3A_202 = arith.constant 3 : i32
      %add3A_203 = arith.addi %mul3A_201, %add3A_202 : i32
      %lt3A_204 = arith.cmpi slt, %add3A_203, %min3A_52 : i32
      %convert_element_type3A_205 = arith.extui %lt3A_204 : i1 to i32
      %cond3A_206 = arith.constant 0 : i32
      %cond3A_207 = arith.cmpi ne, %convert_element_type3A_205, %cond3A_206 : i32
      scf.if %cond3A_207 {
        %ge3A = arith.constant 1 : i32
        %ge3A_241 = arith.cmpi sge, %scan3A_177, %ge3A : i32
        %convert_element_type3A_242 = arith.extui %ge3A_241 : i1 to i32
        %cond3A_243 = arith.constant 0 : i32
        %cond3A_244 = arith.cmpi ne, %convert_element_type3A_242, %cond3A_243 : i32
        scf.if %cond3A_244 {
          %dma_wait3A_250 = arith.constant 0 : i32
          %dma_wait3A_251 = arith.constant 0 : i32
          %dma_wait3A_252 = tpu.memref_slice %arg8[%dma_wait3A_250, %dma_wait3A_251] : memref<60x80xi32, #tpu.memory_space<vmem>> -> memref<1x80xi32, #tpu.memory_space<vmem>>
          %dma_wait3A_253 = tpu.memref_squeeze %dma_wait3A_252 : memref<1x80xi32, #tpu.memory_space<vmem>> -> memref<80xi32, #tpu.memory_space<vmem>>
          %dma_wait3A_254 = arith.constant 0 : i32
          %dma_wait3A_255 = arith.constant 0 : i32
          %dma_wait3A_256 = tpu.memref_slice %arg13[%dma_wait3A_254, %dma_wait3A_255] : memref<10000x128xf32, #tpu.memory_space<vmem_shared>> -> memref<10000x128xf32, #tpu.memory_space<vmem_shared>>
          tpu.wait_indirect_dma semaphore(%arg21 : memref<!tpu.dma_semaphore, #tpu.memory_space<semaphore_mem>>) src(%arg12 : memref<80x128xf32, #tpu.memory_space<vmem>>) dst(%dma_wait3A_256 : memref<10000x128xf32, #tpu.memory_space<vmem_shared>>)
        } else {
        }
        %dma_start3A = arith.constant 0 : i32
        %dma_start3A_245 = tpu.memref_slice %arg7[%add3A_203, %dma_start3A] : memref<60x80xi32, #tpu.memory_space<vmem>> -> memref<1x80xi32, #tpu.memory_space<vmem>>
        %dma_start3A_246 = tpu.memref_squeeze %dma_start3A_245 : memref<1x80xi32, #tpu.memory_space<vmem>> -> memref<80xi32, #tpu.memory_space<vmem>>
        %dma_start3A_247 = arith.constant 0 : i32
        %dma_start3A_248 = arith.constant 0 : i32
        %dma_start3A_249 = tpu.memref_slice %arg2[%dma_start3A_247, %dma_start3A_248] : memref<10000x128xf32, #tpu.memory_space<hbm>> -> memref<10000x128xf32, #tpu.memory_space<hbm>>
        tpu.enqueue_indirect_dma source(%dma_start3A_249 : memref<10000x128xf32, #tpu.memory_space<hbm>>) target(%arg12 : memref<80x128xf32, #tpu.memory_space<vmem>>) offsets(%dma_start3A_246 : memref<80xi32, #tpu.memory_space<vmem>>) semaphore(%arg17 : memref<!tpu.dma_semaphore, #tpu.memory_space<semaphore_mem>>)
      } else {
      }
      %mul3A_208 = arith.constant 4 : i32
      %mul3A_209 = arith.muli %mul3A_208, %scan3A_177 : i32
      %add3A_210 = arith.constant 0 : i32
      %add3A_211 = arith.addi %mul3A_209, %add3A_210 : i32
      %lt3A_212 = arith.cmpi slt, %add3A_211, %min3A_52 : i32
      %convert_element_type3A_213 = arith.extui %lt3A_212 : i1 to i32
      %cond3A_214 = arith.constant 0 : i32
      %cond3A_215 = arith.cmpi ne, %convert_element_type3A_213, %cond3A_214 : i32
      scf.if %cond3A_215 {
        %dma_wait3A_241 = arith.constant 0 : i32
        %dma_wait3A_242 = tpu.memref_slice %arg7[%add3A_211, %dma_wait3A_241] : memref<60x80xi32, #tpu.memory_space<vmem>> -> memref<1x80xi32, #tpu.memory_space<vmem>>
        %dma_wait3A_243 = tpu.memref_squeeze %dma_wait3A_242 : memref<1x80xi32, #tpu.memory_space<vmem>> -> memref<80xi32, #tpu.memory_space<vmem>>
        %dma_wait3A_244 = arith.constant 0 : i32
        %dma_wait3A_245 = arith.constant 0 : i32
        %dma_wait3A_246 = tpu.memref_slice %arg2[%dma_wait3A_244, %dma_wait3A_245] : memref<10000x128xf32, #tpu.memory_space<hbm>> -> memref<10000x128xf32, #tpu.memory_space<hbm>>
        tpu.wait_indirect_dma semaphore(%arg14 : memref<!tpu.dma_semaphore, #tpu.memory_space<semaphore_mem>>) src(%dma_wait3A_246 : memref<10000x128xf32, #tpu.memory_space<hbm>>) dst(%arg9 : memref<80x128xf32, #tpu.memory_space<vmem>>)
        %dma_start3A = arith.constant 0 : i32
        %dma_start3A_247 = tpu.memref_slice %arg8[%add3A_211, %dma_start3A] : memref<60x80xi32, #tpu.memory_space<vmem>> -> memref<1x80xi32, #tpu.memory_space<vmem>>
        %dma_start3A_248 = tpu.memref_squeeze %dma_start3A_247 : memref<1x80xi32, #tpu.memory_space<vmem>> -> memref<80xi32, #tpu.memory_space<vmem>>
        %dma_start3A_249 = arith.constant 0 : i32
        %dma_start3A_250 = arith.constant 0 : i32
        %dma_start3A_251 = tpu.memref_slice %arg13[%dma_start3A_249, %dma_start3A_250] : memref<10000x128xf32, #tpu.memory_space<vmem_shared>> -> memref<10000x128xf32, #tpu.memory_space<vmem_shared>>
        tpu.enqueue_indirect_dma source(%arg9 : memref<80x128xf32, #tpu.memory_space<vmem>>) target(%dma_start3A_251 : memref<10000x128xf32, #tpu.memory_space<vmem_shared>>) offsets(%dma_start3A_248 : memref<80xi32, #tpu.memory_space<vmem>>) semaphore(%arg18 : memref<!tpu.dma_semaphore, #tpu.memory_space<semaphore_mem>>) {add = true}
      } else {
      }
      %mul3A_216 = arith.constant 4 : i32
      %mul3A_217 = arith.muli %mul3A_216, %scan3A_177 : i32
      %add3A_218 = arith.constant 1 : i32
      %add3A_219 = arith.addi %mul3A_217, %add3A_218 : i32
      %lt3A_220 = arith.cmpi slt, %add3A_219, %min3A_52 : i32
      %convert_element_type3A_221 = arith.extui %lt3A_220 : i1 to i32
      %cond3A_222 = arith.constant 0 : i32
      %cond3A_223 = arith.cmpi ne, %convert_element_type3A_221, %cond3A_222 : i32
      scf.if %cond3A_223 {
        %dma_wait3A_241 = arith.constant 0 : i32
        %dma_wait3A_242 = tpu.memref_slice %arg7[%add3A_219, %dma_wait3A_241] : memref<60x80xi32, #tpu.memory_space<vmem>> -> memref<1x80xi32, #tpu.memory_space<vmem>>
        %dma_wait3A_243 = tpu.memref_squeeze %dma_wait3A_242 : memref<1x80xi32, #tpu.memory_space<vmem>> -> memref<80xi32, #tpu.memory_space<vmem>>
        %dma_wait3A_244 = arith.constant 0 : i32
        %dma_wait3A_245 = arith.constant 0 : i32
        %dma_wait3A_246 = tpu.memref_slice %arg2[%dma_wait3A_244, %dma_wait3A_245] : memref<10000x128xf32, #tpu.memory_space<hbm>> -> memref<10000x128xf32, #tpu.memory_space<hbm>>
        tpu.wait_indirect_dma semaphore(%arg15 : memref<!tpu.dma_semaphore, #tpu.memory_space<semaphore_mem>>) src(%dma_wait3A_246 : memref<10000x128xf32, #tpu.memory_space<hbm>>) dst(%arg10 : memref<80x128xf32, #tpu.memory_space<vmem>>)
        %dma_start3A = arith.constant 0 : i32
        %dma_start3A_247 = tpu.memref_slice %arg8[%add3A_219, %dma_start3A] : memref<60x80xi32, #tpu.memory_space<vmem>> -> memref<1x80xi32, #tpu.memory_space<vmem>>
        %dma_start3A_248 = tpu.memref_squeeze %dma_start3A_247 : memref<1x80xi32, #tpu.memory_space<vmem>> -> memref<80xi32, #tpu.memory_space<vmem>>
        %dma_start3A_249 = arith.constant 0 : i32
        %dma_start3A_250 = arith.constant 0 : i32
        %dma_start3A_251 = tpu.memref_slice %arg13[%dma_start3A_249, %dma_start3A_250] : memref<10000x128xf32, #tpu.memory_space<vmem_shared>> -> memref<10000x128xf32, #tpu.memory_space<vmem_shared>>
        tpu.enqueue_indirect_dma source(%arg10 : memref<80x128xf32, #tpu.memory_space<vmem>>) target(%dma_start3A_251 : memref<10000x128xf32, #tpu.memory_space<vmem_shared>>) offsets(%dma_start3A_248 : memref<80xi32, #tpu.memory_space<vmem>>) semaphore(%arg19 : memref<!tpu.dma_semaphore, #tpu.memory_space<semaphore_mem>>) {add = true}
      } else {
      }
      %mul3A_224 = arith.constant 4 : i32
      %mul3A_225 = arith.muli %mul3A_224, %scan3A_177 : i32
      %add3A_226 = arith.constant 2 : i32
      %add3A_227 = arith.addi %mul3A_225, %add3A_226 : i32
      %lt3A_228 = arith.cmpi slt, %add3A_227, %min3A_52 : i32
      %convert_element_type3A_229 = arith.extui %lt3A_228 : i1 to i32
      %cond3A_230 = arith.constant 0 : i32
      %cond3A_231 = arith.cmpi ne, %convert_element_type3A_229, %cond3A_230 : i32
      scf.if %cond3A_231 {
        %dma_wait3A_241 = arith.constant 0 : i32
        %dma_wait3A_242 = tpu.memref_slice %arg7[%add3A_227, %dma_wait3A_241] : memref<60x80xi32, #tpu.memory_space<vmem>> -> memref<1x80xi32, #tpu.memory_space<vmem>>
        %dma_wait3A_243 = tpu.memref_squeeze %dma_wait3A_242 : memref<1x80xi32, #tpu.memory_space<vmem>> -> memref<80xi32, #tpu.memory_space<vmem>>
        %dma_wait3A_244 = arith.constant 0 : i32
        %dma_wait3A_245 = arith.constant 0 : i32
        %dma_wait3A_246 = tpu.memref_slice %arg2[%dma_wait3A_244, %dma_wait3A_245] : memref<10000x128xf32, #tpu.memory_space<hbm>> -> memref<10000x128xf32, #tpu.memory_space<hbm>>
        tpu.wait_indirect_dma semaphore(%arg16 : memref<!tpu.dma_semaphore, #tpu.memory_space<semaphore_mem>>) src(%dma_wait3A_246 : memref<10000x128xf32, #tpu.memory_space<hbm>>) dst(%arg11 : memref<80x128xf32, #tpu.memory_space<vmem>>)
        %dma_start3A = arith.constant 0 : i32
        %dma_start3A_247 = tpu.memref_slice %arg8[%add3A_227, %dma_start3A] : memref<60x80xi32, #tpu.memory_space<vmem>> -> memref<1x80xi32, #tpu.memory_space<vmem>>
        %dma_start3A_248 = tpu.memref_squeeze %dma_start3A_247 : memref<1x80xi32, #tpu.memory_space<vmem>> -> memref<80xi32, #tpu.memory_space<vmem>>
        %dma_start3A_249 = arith.constant 0 : i32
        %dma_start3A_250 = arith.constant 0 : i32
        %dma_start3A_251 = tpu.memref_slice %arg13[%dma_start3A_249, %dma_start3A_250] : memref<10000x128xf32, #tpu.memory_space<vmem_shared>> -> memref<10000x128xf32, #tpu.memory_space<vmem_shared>>
        tpu.enqueue_indirect_dma source(%arg11 : memref<80x128xf32, #tpu.memory_space<vmem>>) target(%dma_start3A_251 : memref<10000x128xf32, #tpu.memory_space<vmem_shared>>) offsets(%dma_start3A_248 : memref<80xi32, #tpu.memory_space<vmem>>) semaphore(%arg20 : memref<!tpu.dma_semaphore, #tpu.memory_space<semaphore_mem>>) {add = true}
      } else {
      }
      %mul3A_232 = arith.constant 4 : i32
      %mul3A_233 = arith.muli %mul3A_232, %scan3A_177 : i32
      %add3A_234 = arith.constant 3 : i32
      %add3A_235 = arith.addi %mul3A_233, %add3A_234 : i32
      %lt3A_236 = arith.cmpi slt, %add3A_235, %min3A_52 : i32
      %convert_element_type3A_237 = arith.extui %lt3A_236 : i1 to i32
      %cond3A_238 = arith.constant 0 : i32
      %cond3A_239 = arith.cmpi ne, %convert_element_type3A_237, %cond3A_238 : i32
      scf.if %cond3A_239 {
        %dma_wait3A_241 = arith.constant 0 : i32
        %dma_wait3A_242 = tpu.memref_slice %arg7[%add3A_235, %dma_wait3A_241] : memref<60x80xi32, #tpu.memory_space<vmem>> -> memref<1x80xi32, #tpu.memory_space<vmem>>
        %dma_wait3A_243 = tpu.memref_squeeze %dma_wait3A_242 : memref<1x80xi32, #tpu.memory_space<vmem>> -> memref<80xi32, #tpu.memory_space<vmem>>
        %dma_wait3A_244 = arith.constant 0 : i32
        %dma_wait3A_245 = arith.constant 0 : i32
        %dma_wait3A_246 = tpu.memref_slice %arg2[%dma_wait3A_244, %dma_wait3A_245] : memref<10000x128xf32, #tpu.memory_space<hbm>> -> memref<10000x128xf32, #tpu.memory_space<hbm>>
        tpu.wait_indirect_dma semaphore(%arg17 : memref<!tpu.dma_semaphore, #tpu.memory_space<semaphore_mem>>) src(%dma_wait3A_246 : memref<10000x128xf32, #tpu.memory_space<hbm>>) dst(%arg12 : memref<80x128xf32, #tpu.memory_space<vmem>>)
        %dma_start3A = arith.constant 0 : i32
        %dma_start3A_247 = tpu.memref_slice %arg8[%add3A_235, %dma_start3A] : memref<60x80xi32, #tpu.memory_space<vmem>> -> memref<1x80xi32, #tpu.memory_space<vmem>>
        %dma_start3A_248 = tpu.memref_squeeze %dma_start3A_247 : memref<1x80xi32, #tpu.memory_space<vmem>> -> memref<80xi32, #tpu.memory_space<vmem>>
        %dma_start3A_249 = arith.constant 0 : i32
        %dma_start3A_250 = arith.constant 0 : i32
        %dma_start3A_251 = tpu.memref_slice %arg13[%dma_start3A_249, %dma_start3A_250] : memref<10000x128xf32, #tpu.memory_space<vmem_shared>> -> memref<10000x128xf32, #tpu.memory_space<vmem_shared>>
        tpu.enqueue_indirect_dma source(%arg12 : memref<80x128xf32, #tpu.memory_space<vmem>>) target(%dma_start3A_251 : memref<10000x128xf32, #tpu.memory_space<vmem_shared>>) offsets(%dma_start3A_248 : memref<80xi32, #tpu.memory_space<vmem>>) semaphore(%arg21 : memref<!tpu.dma_semaphore, #tpu.memory_space<semaphore_mem>>) {add = true}
      } else {
      }
      %scan3A_240 = arith.constant 0 : i32
      scf.yield %scan3A_240 : i32
    }
    %scan3A_62 = arith.constant 15 : i32
    %dma_wait3A = arith.constant 0 : i32
    %dma_wait3A_63 = arith.constant 0 : i32
    %dma_wait3A_64 = tpu.memref_slice %arg8[%dma_wait3A, %dma_wait3A_63] : memref<60x80xi32, #tpu.memory_space<vmem>> -> memref<1x80xi32, #tpu.memory_space<vmem>>
    %dma_wait3A_65 = tpu.memref_squeeze %dma_wait3A_64 : memref<1x80xi32, #tpu.memory_space<vmem>> -> memref<80xi32, #tpu.memory_space<vmem>>
    %dma_wait3A_66 = arith.constant 0 : i32
    %dma_wait3A_67 = arith.constant 0 : i32
    %dma_wait3A_68 = tpu.memref_slice %arg13[%dma_wait3A_66, %dma_wait3A_67] : memref<10000x128xf32, #tpu.memory_space<vmem_shared>> -> memref<10000x128xf32, #tpu.memory_space<vmem_shared>>
    tpu.wait_indirect_dma semaphore(%arg18 : memref<!tpu.dma_semaphore, #tpu.memory_space<semaphore_mem>>) src(%arg9 : memref<80x128xf32, #tpu.memory_space<vmem>>) dst(%dma_wait3A_68 : memref<10000x128xf32, #tpu.memory_space<vmem_shared>>)
    %dma_wait3A_69 = arith.constant 0 : i32
    %dma_wait3A_70 = arith.constant 0 : i32
    %dma_wait3A_71 = tpu.memref_slice %arg8[%dma_wait3A_69, %dma_wait3A_70] : memref<60x80xi32, #tpu.memory_space<vmem>> -> memref<1x80xi32, #tpu.memory_space<vmem>>
    %dma_wait3A_72 = tpu.memref_squeeze %dma_wait3A_71 : memref<1x80xi32, #tpu.memory_space<vmem>> -> memref<80xi32, #tpu.memory_space<vmem>>
    %dma_wait3A_73 = arith.constant 0 : i32
    %dma_wait3A_74 = arith.constant 0 : i32
    %dma_wait3A_75 = tpu.memref_slice %arg13[%dma_wait3A_73, %dma_wait3A_74] : memref<10000x128xf32, #tpu.memory_space<vmem_shared>> -> memref<10000x128xf32, #tpu.memory_space<vmem_shared>>
    tpu.wait_indirect_dma semaphore(%arg19 : memref<!tpu.dma_semaphore, #tpu.memory_space<semaphore_mem>>) src(%arg10 : memref<80x128xf32, #tpu.memory_space<vmem>>) dst(%dma_wait3A_75 : memref<10000x128xf32, #tpu.memory_space<vmem_shared>>)
    %dma_wait3A_76 = arith.constant 0 : i32
    %dma_wait3A_77 = arith.constant 0 : i32
    %dma_wait3A_78 = tpu.memref_slice %arg8[%dma_wait3A_76, %dma_wait3A_77] : memref<60x80xi32, #tpu.memory_space<vmem>> -> memref<1x80xi32, #tpu.memory_space<vmem>>
    %dma_wait3A_79 = tpu.memref_squeeze %dma_wait3A_78 : memref<1x80xi32, #tpu.memory_space<vmem>> -> memref<80xi32, #tpu.memory_space<vmem>>
    %dma_wait3A_80 = arith.constant 0 : i32
    %dma_wait3A_81 = arith.constant 0 : i32
    %dma_wait3A_82 = tpu.memref_slice %arg13[%dma_wait3A_80, %dma_wait3A_81] : memref<10000x128xf32, #tpu.memory_space<vmem_shared>> -> memref<10000x128xf32, #tpu.memory_space<vmem_shared>>
    tpu.wait_indirect_dma semaphore(%arg20 : memref<!tpu.dma_semaphore, #tpu.memory_space<semaphore_mem>>) src(%arg11 : memref<80x128xf32, #tpu.memory_space<vmem>>) dst(%dma_wait3A_82 : memref<10000x128xf32, #tpu.memory_space<vmem_shared>>)
    %dma_wait3A_83 = arith.constant 0 : i32
    %dma_wait3A_84 = arith.constant 0 : i32
    %dma_wait3A_85 = tpu.memref_slice %arg8[%dma_wait3A_83, %dma_wait3A_84] : memref<60x80xi32, #tpu.memory_space<vmem>> -> memref<1x80xi32, #tpu.memory_space<vmem>>
    %dma_wait3A_86 = tpu.memref_squeeze %dma_wait3A_85 : memref<1x80xi32, #tpu.memory_space<vmem>> -> memref<80xi32, #tpu.memory_space<vmem>>
    %dma_wait3A_87 = arith.constant 0 : i32
    %dma_wait3A_88 = arith.constant 0 : i32
    %dma_wait3A_89 = tpu.memref_slice %arg13[%dma_wait3A_87, %dma_wait3A_88] : memref<10000x128xf32, #tpu.memory_space<vmem_shared>> -> memref<10000x128xf32, #tpu.memory_space<vmem_shared>>
    tpu.wait_indirect_dma semaphore(%arg21 : memref<!tpu.dma_semaphore, #tpu.memory_space<semaphore_mem>>) src(%arg12 : memref<80x128xf32, #tpu.memory_space<vmem>>) dst(%dma_wait3A_89 : memref<10000x128xf32, #tpu.memory_space<vmem_shared>>)
    %sub3A_90 = arith.constant 60 : i32
    %sub3A_91 = arith.subi %sub3A_49, %sub3A_90 : i32
    %min3A_92 = arith.constant 60 : i32
    %min3A_93 = arith.minsi %sub3A_91, %min3A_92 : i32
    %add3A_94 = arith.constant 60 : i32
    %add3A_95 = arith.addi %select_n3A, %add3A_94 : i32
    "tpu.region"() ({
      %run_scoped3A = tpu.sem_alloc : memref<!tpu.dma_semaphore, #tpu.memory_space<semaphore_mem>>
      %dma_start3A = arith.constant 0 : i32
      %dma_start3A_177 = tpu.memref_slice %arg3[%add3A_95, %dma_start3A] : memref<4064x80xi32, #tpu.memory_space<hbm>> -> memref<60x80xi32, #tpu.memory_space<hbm>>
      %dma_start3A_178 = arith.constant 0 : i32
      %dma_start3A_179 = tpu.memref_slice %arg3[%add3A_95, %dma_start3A_178] : memref<4064x80xi32, #tpu.memory_space<hbm>> -> memref<60x80xi32, #tpu.memory_space<hbm>>
      tpu.enqueue_dma source(%dma_start3A_179 : memref<60x80xi32, #tpu.memory_space<hbm>>) target(%arg7 : memref<60x80xi32, #tpu.memory_space<vmem>>) target_semaphore(%run_scoped3A : memref<!tpu.dma_semaphore, #tpu.memory_space<semaphore_mem>>)
      %dma_wait3A_180 = arith.constant 0 : i32
      %dma_wait3A_181 = tpu.memref_slice %arg3[%add3A_95, %dma_wait3A_180] : memref<4064x80xi32, #tpu.memory_space<hbm>> -> memref<60x80xi32, #tpu.memory_space<hbm>>
      %dma_wait3A_182 = arith.constant 0 : i32
      %dma_wait3A_183 = tpu.memref_slice %arg3[%add3A_95, %dma_wait3A_182] : memref<4064x80xi32, #tpu.memory_space<hbm>> -> memref<60x80xi32, #tpu.memory_space<hbm>>
      tpu.wait_dma2 semaphore(%run_scoped3A : memref<!tpu.dma_semaphore, #tpu.memory_space<semaphore_mem>>) src(%dma_wait3A_183 : memref<60x80xi32, #tpu.memory_space<hbm>>) dst(%arg7 : memref<60x80xi32, #tpu.memory_space<vmem>>)
      tpu.yield
    }) : () -> ()
    %add3A_96 = arith.constant 60 : i32
    %add3A_97 = arith.addi %select_n3A, %add3A_96 : i32
    "tpu.region"() ({
      %run_scoped3A = tpu.sem_alloc : memref<!tpu.dma_semaphore, #tpu.memory_space<semaphore_mem>>
      %dma_start3A = arith.constant 0 : i32
      %dma_start3A_177 = tpu.memref_slice %arg4[%add3A_97, %dma_start3A] : memref<4064x80xi32, #tpu.memory_space<hbm>> -> memref<60x80xi32, #tpu.memory_space<hbm>>
      %dma_start3A_178 = arith.constant 0 : i32
      %dma_start3A_179 = tpu.memref_slice %arg4[%add3A_97, %dma_start3A_178] : memref<4064x80xi32, #tpu.memory_space<hbm>> -> memref<60x80xi32, #tpu.memory_space<hbm>>
      tpu.enqueue_dma source(%dma_start3A_179 : memref<60x80xi32, #tpu.memory_space<hbm>>) target(%arg8 : memref<60x80xi32, #tpu.memory_space<vmem>>) target_semaphore(%run_scoped3A : memref<!tpu.dma_semaphore, #tpu.memory_space<semaphore_mem>>)
      %dma_wait3A_180 = arith.constant 0 : i32
      %dma_wait3A_181 = tpu.memref_slice %arg4[%add3A_97, %dma_wait3A_180] : memref<4064x80xi32, #tpu.memory_space<hbm>> -> memref<60x80xi32, #tpu.memory_space<hbm>>
      %dma_wait3A_182 = arith.constant 0 : i32
      %dma_wait3A_183 = tpu.memref_slice %arg4[%add3A_97, %dma_wait3A_182] : memref<4064x80xi32, #tpu.memory_space<hbm>> -> memref<60x80xi32, #tpu.memory_space<hbm>>
      tpu.wait_dma2 semaphore(%run_scoped3A : memref<!tpu.dma_semaphore, #tpu.memory_space<semaphore_mem>>) src(%dma_wait3A_183 : memref<60x80xi32, #tpu.memory_space<hbm>>) dst(%arg8 : memref<60x80xi32, #tpu.memory_space<vmem>>)
      tpu.yield
    }) : () -> ()
    %scan3A_98 = arith.constant 0 : i32
    %scan3A_99 = arith.constant 0 : i32
    %scan3A_100 = arith.constant 15 : i32
    %scan3A_101 = arith.addi %scan3A_99, %scan3A_100 : i32
    %scan3A_102 = arith.constant 1 : i32
    %scan3A_103 = scf.for %scan3A_177 = %scan3A_99 to %scan3A_101 step %scan3A_102 iter_args(%scan3A_178 = %scan3A_98) -> (i32)  : i32 {
      %mul3A_179 = arith.constant 4 : i32
      %mul3A_180 = arith.muli %mul3A_179, %scan3A_177 : i32
      %add3A_181 = arith.constant 0 : i32
      %add3A_182 = arith.addi %mul3A_180, %add3A_181 : i32
      %lt3A = arith.cmpi slt, %add3A_182, %min3A_93 : i32
      %convert_element_type3A = arith.extui %lt3A : i1 to i32
      %cond3A = arith.constant 0 : i32
      %cond3A_183 = arith.cmpi ne, %convert_element_type3A, %cond3A : i32
      scf.if %cond3A_183 {
        %ge3A = arith.constant 1 : i32
        %ge3A_241 = arith.cmpi sge, %scan3A_177, %ge3A : i32
        %convert_element_type3A_242 = arith.extui %ge3A_241 : i1 to i32
        %cond3A_243 = arith.constant 0 : i32
        %cond3A_244 = arith.cmpi ne, %convert_element_type3A_242, %cond3A_243 : i32
        scf.if %cond3A_244 {
          %dma_wait3A_250 = arith.constant 0 : i32
          %dma_wait3A_251 = arith.constant 0 : i32
          %dma_wait3A_252 = tpu.memref_slice %arg8[%dma_wait3A_250, %dma_wait3A_251] : memref<60x80xi32, #tpu.memory_space<vmem>> -> memref<1x80xi32, #tpu.memory_space<vmem>>
          %dma_wait3A_253 = tpu.memref_squeeze %dma_wait3A_252 : memref<1x80xi32, #tpu.memory_space<vmem>> -> memref<80xi32, #tpu.memory_space<vmem>>
          %dma_wait3A_254 = arith.constant 0 : i32
          %dma_wait3A_255 = arith.constant 0 : i32
          %dma_wait3A_256 = tpu.memref_slice %arg13[%dma_wait3A_254, %dma_wait3A_255] : memref<10000x128xf32, #tpu.memory_space<vmem_shared>> -> memref<10000x128xf32, #tpu.memory_space<vmem_shared>>
          tpu.wait_indirect_dma semaphore(%arg18 : memref<!tpu.dma_semaphore, #tpu.memory_space<semaphore_mem>>) src(%arg9 : memref<80x128xf32, #tpu.memory_space<vmem>>) dst(%dma_wait3A_256 : memref<10000x128xf32, #tpu.memory_space<vmem_shared>>)
        } else {
        }
        %dma_start3A = arith.constant 0 : i32
        %dma_start3A_245 = tpu.memref_slice %arg7[%add3A_182, %dma_start3A] : memref<60x80xi32, #tpu.memory_space<vmem>> -> memref<1x80xi32, #tpu.memory_space<vmem>>
        %dma_start3A_246 = tpu.memref_squeeze %dma_start3A_245 : memref<1x80xi32, #tpu.memory_space<vmem>> -> memref<80xi32, #tpu.memory_space<vmem>>
        %dma_start3A_247 = arith.constant 0 : i32
        %dma_start3A_248 = arith.constant 0 : i32
        %dma_start3A_249 = tpu.memref_slice %arg2[%dma_start3A_247, %dma_start3A_248] : memref<10000x128xf32, #tpu.memory_space<hbm>> -> memref<10000x128xf32, #tpu.memory_space<hbm>>
        tpu.enqueue_indirect_dma source(%dma_start3A_249 : memref<10000x128xf32, #tpu.memory_space<hbm>>) target(%arg9 : memref<80x128xf32, #tpu.memory_space<vmem>>) offsets(%dma_start3A_246 : memref<80xi32, #tpu.memory_space<vmem>>) semaphore(%arg14 : memref<!tpu.dma_semaphore, #tpu.memory_space<semaphore_mem>>)
      } else {
      }
      %mul3A_184 = arith.constant 4 : i32
      %mul3A_185 = arith.muli %mul3A_184, %scan3A_177 : i32
      %add3A_186 = arith.constant 1 : i32
      %add3A_187 = arith.addi %mul3A_185, %add3A_186 : i32
      %lt3A_188 = arith.cmpi slt, %add3A_187, %min3A_93 : i32
      %convert_element_type3A_189 = arith.extui %lt3A_188 : i1 to i32
      %cond3A_190 = arith.constant 0 : i32
      %cond3A_191 = arith.cmpi ne, %convert_element_type3A_189, %cond3A_190 : i32
      scf.if %cond3A_191 {
        %ge3A = arith.constant 1 : i32
        %ge3A_241 = arith.cmpi sge, %scan3A_177, %ge3A : i32
        %convert_element_type3A_242 = arith.extui %ge3A_241 : i1 to i32
        %cond3A_243 = arith.constant 0 : i32
        %cond3A_244 = arith.cmpi ne, %convert_element_type3A_242, %cond3A_243 : i32
        scf.if %cond3A_244 {
          %dma_wait3A_250 = arith.constant 0 : i32
          %dma_wait3A_251 = arith.constant 0 : i32
          %dma_wait3A_252 = tpu.memref_slice %arg8[%dma_wait3A_250, %dma_wait3A_251] : memref<60x80xi32, #tpu.memory_space<vmem>> -> memref<1x80xi32, #tpu.memory_space<vmem>>
          %dma_wait3A_253 = tpu.memref_squeeze %dma_wait3A_252 : memref<1x80xi32, #tpu.memory_space<vmem>> -> memref<80xi32, #tpu.memory_space<vmem>>
          %dma_wait3A_254 = arith.constant 0 : i32
          %dma_wait3A_255 = arith.constant 0 : i32
          %dma_wait3A_256 = tpu.memref_slice %arg13[%dma_wait3A_254, %dma_wait3A_255] : memref<10000x128xf32, #tpu.memory_space<vmem_shared>> -> memref<10000x128xf32, #tpu.memory_space<vmem_shared>>
          tpu.wait_indirect_dma semaphore(%arg19 : memref<!tpu.dma_semaphore, #tpu.memory_space<semaphore_mem>>) src(%arg10 : memref<80x128xf32, #tpu.memory_space<vmem>>) dst(%dma_wait3A_256 : memref<10000x128xf32, #tpu.memory_space<vmem_shared>>)
        } else {
        }
        %dma_start3A = arith.constant 0 : i32
        %dma_start3A_245 = tpu.memref_slice %arg7[%add3A_187, %dma_start3A] : memref<60x80xi32, #tpu.memory_space<vmem>> -> memref<1x80xi32, #tpu.memory_space<vmem>>
        %dma_start3A_246 = tpu.memref_squeeze %dma_start3A_245 : memref<1x80xi32, #tpu.memory_space<vmem>> -> memref<80xi32, #tpu.memory_space<vmem>>
        %dma_start3A_247 = arith.constant 0 : i32
        %dma_start3A_248 = arith.constant 0 : i32
        %dma_start3A_249 = tpu.memref_slice %arg2[%dma_start3A_247, %dma_start3A_248] : memref<10000x128xf32, #tpu.memory_space<hbm>> -> memref<10000x128xf32, #tpu.memory_space<hbm>>
        tpu.enqueue_indirect_dma source(%dma_start3A_249 : memref<10000x128xf32, #tpu.memory_space<hbm>>) target(%arg10 : memref<80x128xf32, #tpu.memory_space<vmem>>) offsets(%dma_start3A_246 : memref<80xi32, #tpu.memory_space<vmem>>) semaphore(%arg15 : memref<!tpu.dma_semaphore, #tpu.memory_space<semaphore_mem>>)
      } else {
      }
      %mul3A_192 = arith.constant 4 : i32
      %mul3A_193 = arith.muli %mul3A_192, %scan3A_177 : i32
      %add3A_194 = arith.constant 2 : i32
      %add3A_195 = arith.addi %mul3A_193, %add3A_194 : i32
      %lt3A_196 = arith.cmpi slt, %add3A_195, %min3A_93 : i32
      %convert_element_type3A_197 = arith.extui %lt3A_196 : i1 to i32
      %cond3A_198 = arith.constant 0 : i32
      %cond3A_199 = arith.cmpi ne, %convert_element_type3A_197, %cond3A_198 : i32
      scf.if %cond3A_199 {
        %ge3A = arith.constant 1 : i32
        %ge3A_241 = arith.cmpi sge, %scan3A_177, %ge3A : i32
        %convert_element_type3A_242 = arith.extui %ge3A_241 : i1 to i32
        %cond3A_243 = arith.constant 0 : i32
        %cond3A_244 = arith.cmpi ne, %convert_element_type3A_242, %cond3A_243 : i32
        scf.if %cond3A_244 {
          %dma_wait3A_250 = arith.constant 0 : i32
          %dma_wait3A_251 = arith.constant 0 : i32
          %dma_wait3A_252 = tpu.memref_slice %arg8[%dma_wait3A_250, %dma_wait3A_251] : memref<60x80xi32, #tpu.memory_space<vmem>> -> memref<1x80xi32, #tpu.memory_space<vmem>>
          %dma_wait3A_253 = tpu.memref_squeeze %dma_wait3A_252 : memref<1x80xi32, #tpu.memory_space<vmem>> -> memref<80xi32, #tpu.memory_space<vmem>>
          %dma_wait3A_254 = arith.constant 0 : i32
          %dma_wait3A_255 = arith.constant 0 : i32
          %dma_wait3A_256 = tpu.memref_slice %arg13[%dma_wait3A_254, %dma_wait3A_255] : memref<10000x128xf32, #tpu.memory_space<vmem_shared>> -> memref<10000x128xf32, #tpu.memory_space<vmem_shared>>
          tpu.wait_indirect_dma semaphore(%arg20 : memref<!tpu.dma_semaphore, #tpu.memory_space<semaphore_mem>>) src(%arg11 : memref<80x128xf32, #tpu.memory_space<vmem>>) dst(%dma_wait3A_256 : memref<10000x128xf32, #tpu.memory_space<vmem_shared>>)
        } else {
        }
        %dma_start3A = arith.constant 0 : i32
        %dma_start3A_245 = tpu.memref_slice %arg7[%add3A_195, %dma_start3A] : memref<60x80xi32, #tpu.memory_space<vmem>> -> memref<1x80xi32, #tpu.memory_space<vmem>>
        %dma_start3A_246 = tpu.memref_squeeze %dma_start3A_245 : memref<1x80xi32, #tpu.memory_space<vmem>> -> memref<80xi32, #tpu.memory_space<vmem>>
        %dma_start3A_247 = arith.constant 0 : i32
        %dma_start3A_248 = arith.constant 0 : i32
        %dma_start3A_249 = tpu.memref_slice %arg2[%dma_start3A_247, %dma_start3A_248] : memref<10000x128xf32, #tpu.memory_space<hbm>> -> memref<10000x128xf32, #tpu.memory_space<hbm>>
        tpu.enqueue_indirect_dma source(%dma_start3A_249 : memref<10000x128xf32, #tpu.memory_space<hbm>>) target(%arg11 : memref<80x128xf32, #tpu.memory_space<vmem>>) offsets(%dma_start3A_246 : memref<80xi32, #tpu.memory_space<vmem>>) semaphore(%arg16 : memref<!tpu.dma_semaphore, #tpu.memory_space<semaphore_mem>>)
      } else {
      }
      %mul3A_200 = arith.constant 4 : i32
      %mul3A_201 = arith.muli %mul3A_200, %scan3A_177 : i32
      %add3A_202 = arith.constant 3 : i32
      %add3A_203 = arith.addi %mul3A_201, %add3A_202 : i32
      %lt3A_204 = arith.cmpi slt, %add3A_203, %min3A_93 : i32
      %convert_element_type3A_205 = arith.extui %lt3A_204 : i1 to i32
      %cond3A_206 = arith.constant 0 : i32
      %cond3A_207 = arith.cmpi ne, %convert_element_type3A_205, %cond3A_206 : i32
      scf.if %cond3A_207 {
        %ge3A = arith.constant 1 : i32
        %ge3A_241 = arith.cmpi sge, %scan3A_177, %ge3A : i32
        %convert_element_type3A_242 = arith.extui %ge3A_241 : i1 to i32
        %cond3A_243 = arith.constant 0 : i32
        %cond3A_244 = arith.cmpi ne, %convert_element_type3A_242, %cond3A_243 : i32
        scf.if %cond3A_244 {
          %dma_wait3A_250 = arith.constant 0 : i32
          %dma_wait3A_251 = arith.constant 0 : i32
          %dma_wait3A_252 = tpu.memref_slice %arg8[%dma_wait3A_250, %dma_wait3A_251] : memref<60x80xi32, #tpu.memory_space<vmem>> -> memref<1x80xi32, #tpu.memory_space<vmem>>
          %dma_wait3A_253 = tpu.memref_squeeze %dma_wait3A_252 : memref<1x80xi32, #tpu.memory_space<vmem>> -> memref<80xi32, #tpu.memory_space<vmem>>
          %dma_wait3A_254 = arith.constant 0 : i32
          %dma_wait3A_255 = arith.constant 0 : i32
          %dma_wait3A_256 = tpu.memref_slice %arg13[%dma_wait3A_254, %dma_wait3A_255] : memref<10000x128xf32, #tpu.memory_space<vmem_shared>> -> memref<10000x128xf32, #tpu.memory_space<vmem_shared>>
          tpu.wait_indirect_dma semaphore(%arg21 : memref<!tpu.dma_semaphore, #tpu.memory_space<semaphore_mem>>) src(%arg12 : memref<80x128xf32, #tpu.memory_space<vmem>>) dst(%dma_wait3A_256 : memref<10000x128xf32, #tpu.memory_space<vmem_shared>>)
        } else {
        }
        %dma_start3A = arith.constant 0 : i32
        %dma_start3A_245 = tpu.memref_slice %arg7[%add3A_203, %dma_start3A] : memref<60x80xi32, #tpu.memory_space<vmem>> -> memref<1x80xi32, #tpu.memory_space<vmem>>
        %dma_start3A_246 = tpu.memref_squeeze %dma_start3A_245 : memref<1x80xi32, #tpu.memory_space<vmem>> -> memref<80xi32, #tpu.memory_space<vmem>>
        %dma_start3A_247 = arith.constant 0 : i32
        %dma_start3A_248 = arith.constant 0 : i32
        %dma_start3A_249 = tpu.memref_slice %arg2[%dma_start3A_247, %dma_start3A_248] : memref<10000x128xf32, #tpu.memory_space<hbm>> -> memref<10000x128xf32, #tpu.memory_space<hbm>>
        tpu.enqueue_indirect_dma source(%dma_start3A_249 : memref<10000x128xf32, #tpu.memory_space<hbm>>) target(%arg12 : memref<80x128xf32, #tpu.memory_space<vmem>>) offsets(%dma_start3A_246 : memref<80xi32, #tpu.memory_space<vmem>>) semaphore(%arg17 : memref<!tpu.dma_semaphore, #tpu.memory_space<semaphore_mem>>)
      } else {
      }
      %mul3A_208 = arith.constant 4 : i32
      %mul3A_209 = arith.muli %mul3A_208, %scan3A_177 : i32
      %add3A_210 = arith.constant 0 : i32
      %add3A_211 = arith.addi %mul3A_209, %add3A_210 : i32
      %lt3A_212 = arith.cmpi slt, %add3A_211, %min3A_93 : i32
      %convert_element_type3A_213 = arith.extui %lt3A_212 : i1 to i32
      %cond3A_214 = arith.constant 0 : i32
      %cond3A_215 = arith.cmpi ne, %convert_element_type3A_213, %cond3A_214 : i32
      scf.if %cond3A_215 {
        %dma_wait3A_241 = arith.constant 0 : i32
        %dma_wait3A_242 = tpu.memref_slice %arg7[%add3A_211, %dma_wait3A_241] : memref<60x80xi32, #tpu.memory_space<vmem>> -> memref<1x80xi32, #tpu.memory_space<vmem>>
        %dma_wait3A_243 = tpu.memref_squeeze %dma_wait3A_242 : memref<1x80xi32, #tpu.memory_space<vmem>> -> memref<80xi32, #tpu.memory_space<vmem>>
        %dma_wait3A_244 = arith.constant 0 : i32
        %dma_wait3A_245 = arith.constant 0 : i32
        %dma_wait3A_246 = tpu.memref_slice %arg2[%dma_wait3A_244, %dma_wait3A_245] : memref<10000x128xf32, #tpu.memory_space<hbm>> -> memref<10000x128xf32, #tpu.memory_space<hbm>>
        tpu.wait_indirect_dma semaphore(%arg14 : memref<!tpu.dma_semaphore, #tpu.memory_space<semaphore_mem>>) src(%dma_wait3A_246 : memref<10000x128xf32, #tpu.memory_space<hbm>>) dst(%arg9 : memref<80x128xf32, #tpu.memory_space<vmem>>)
        %dma_start3A = arith.constant 0 : i32
        %dma_start3A_247 = tpu.memref_slice %arg8[%add3A_211, %dma_start3A] : memref<60x80xi32, #tpu.memory_space<vmem>> -> memref<1x80xi32, #tpu.memory_space<vmem>>
        %dma_start3A_248 = tpu.memref_squeeze %dma_start3A_247 : memref<1x80xi32, #tpu.memory_space<vmem>> -> memref<80xi32, #tpu.memory_space<vmem>>
        %dma_start3A_249 = arith.constant 0 : i32
        %dma_start3A_250 = arith.constant 0 : i32
        %dma_start3A_251 = tpu.memref_slice %arg13[%dma_start3A_249, %dma_start3A_250] : memref<10000x128xf32, #tpu.memory_space<vmem_shared>> -> memref<10000x128xf32, #tpu.memory_space<vmem_shared>>
        tpu.enqueue_indirect_dma source(%arg9 : memref<80x128xf32, #tpu.memory_space<vmem>>) target(%dma_start3A_251 : memref<10000x128xf32, #tpu.memory_space<vmem_shared>>) offsets(%dma_start3A_248 : memref<80xi32, #tpu.memory_space<vmem>>) semaphore(%arg18 : memref<!tpu.dma_semaphore, #tpu.memory_space<semaphore_mem>>) {add = true}
      } else {
      }
      %mul3A_216 = arith.constant 4 : i32
      %mul3A_217 = arith.muli %mul3A_216, %scan3A_177 : i32
      %add3A_218 = arith.constant 1 : i32
      %add3A_219 = arith.addi %mul3A_217, %add3A_218 : i32
      %lt3A_220 = arith.cmpi slt, %add3A_219, %min3A_93 : i32
      %convert_element_type3A_221 = arith.extui %lt3A_220 : i1 to i32
      %cond3A_222 = arith.constant 0 : i32
      %cond3A_223 = arith.cmpi ne, %convert_element_type3A_221, %cond3A_222 : i32
      scf.if %cond3A_223 {
        %dma_wait3A_241 = arith.constant 0 : i32
        %dma_wait3A_242 = tpu.memref_slice %arg7[%add3A_219, %dma_wait3A_241] : memref<60x80xi32, #tpu.memory_space<vmem>> -> memref<1x80xi32, #tpu.memory_space<vmem>>
        %dma_wait3A_243 = tpu.memref_squeeze %dma_wait3A_242 : memref<1x80xi32, #tpu.memory_space<vmem>> -> memref<80xi32, #tpu.memory_space<vmem>>
        %dma_wait3A_244 = arith.constant 0 : i32
        %dma_wait3A_245 = arith.constant 0 : i32
        %dma_wait3A_246 = tpu.memref_slice %arg2[%dma_wait3A_244, %dma_wait3A_245] : memref<10000x128xf32, #tpu.memory_space<hbm>> -> memref<10000x128xf32, #tpu.memory_space<hbm>>
        tpu.wait_indirect_dma semaphore(%arg15 : memref<!tpu.dma_semaphore, #tpu.memory_space<semaphore_mem>>) src(%dma_wait3A_246 : memref<10000x128xf32, #tpu.memory_space<hbm>>) dst(%arg10 : memref<80x128xf32, #tpu.memory_space<vmem>>)
        %dma_start3A = arith.constant 0 : i32
        %dma_start3A_247 = tpu.memref_slice %arg8[%add3A_219, %dma_start3A] : memref<60x80xi32, #tpu.memory_space<vmem>> -> memref<1x80xi32, #tpu.memory_space<vmem>>
        %dma_start3A_248 = tpu.memref_squeeze %dma_start3A_247 : memref<1x80xi32, #tpu.memory_space<vmem>> -> memref<80xi32, #tpu.memory_space<vmem>>
        %dma_start3A_249 = arith.constant 0 : i32
        %dma_start3A_250 = arith.constant 0 : i32
        %dma_start3A_251 = tpu.memref_slice %arg13[%dma_start3A_249, %dma_start3A_250] : memref<10000x128xf32, #tpu.memory_space<vmem_shared>> -> memref<10000x128xf32, #tpu.memory_space<vmem_shared>>
        tpu.enqueue_indirect_dma source(%arg10 : memref<80x128xf32, #tpu.memory_space<vmem>>) target(%dma_start3A_251 : memref<10000x128xf32, #tpu.memory_space<vmem_shared>>) offsets(%dma_start3A_248 : memref<80xi32, #tpu.memory_space<vmem>>) semaphore(%arg19 : memref<!tpu.dma_semaphore, #tpu.memory_space<semaphore_mem>>) {add = true}
      } else {
      }
      %mul3A_224 = arith.constant 4 : i32
      %mul3A_225 = arith.muli %mul3A_224, %scan3A_177 : i32
      %add3A_226 = arith.constant 2 : i32
      %add3A_227 = arith.addi %mul3A_225, %add3A_226 : i32
      %lt3A_228 = arith.cmpi slt, %add3A_227, %min3A_93 : i32
      %convert_element_type3A_229 = arith.extui %lt3A_228 : i1 to i32
      %cond3A_230 = arith.constant 0 : i32
      %cond3A_231 = arith.cmpi ne, %convert_element_type3A_229, %cond3A_230 : i32
      scf.if %cond3A_231 {
        %dma_wait3A_241 = arith.constant 0 : i32
        %dma_wait3A_242 = tpu.memref_slice %arg7[%add3A_227, %dma_wait3A_241] : memref<60x80xi32, #tpu.memory_space<vmem>> -> memref<1x80xi32, #tpu.memory_space<vmem>>
        %dma_wait3A_243 = tpu.memref_squeeze %dma_wait3A_242 : memref<1x80xi32, #tpu.memory_space<vmem>> -> memref<80xi32, #tpu.memory_space<vmem>>
        %dma_wait3A_244 = arith.constant 0 : i32
        %dma_wait3A_245 = arith.constant 0 : i32
        %dma_wait3A_246 = tpu.memref_slice %arg2[%dma_wait3A_244, %dma_wait3A_245] : memref<10000x128xf32, #tpu.memory_space<hbm>> -> memref<10000x128xf32, #tpu.memory_space<hbm>>
        tpu.wait_indirect_dma semaphore(%arg16 : memref<!tpu.dma_semaphore, #tpu.memory_space<semaphore_mem>>) src(%dma_wait3A_246 : memref<10000x128xf32, #tpu.memory_space<hbm>>) dst(%arg11 : memref<80x128xf32, #tpu.memory_space<vmem>>)
        %dma_start3A = arith.constant 0 : i32
        %dma_start3A_247 = tpu.memref_slice %arg8[%add3A_227, %dma_start3A] : memref<60x80xi32, #tpu.memory_space<vmem>> -> memref<1x80xi32, #tpu.memory_space<vmem>>
        %dma_start3A_248 = tpu.memref_squeeze %dma_start3A_247 : memref<1x80xi32, #tpu.memory_space<vmem>> -> memref<80xi32, #tpu.memory_space<vmem>>
        %dma_start3A_249 = arith.constant 0 : i32
        %dma_start3A_250 = arith.constant 0 : i32
        %dma_start3A_251 = tpu.memref_slice %arg13[%dma_start3A_249, %dma_start3A_250] : memref<10000x128xf32, #tpu.memory_space<vmem_shared>> -> memref<10000x128xf32, #tpu.memory_space<vmem_shared>>
        tpu.enqueue_indirect_dma source(%arg11 : memref<80x128xf32, #tpu.memory_space<vmem>>) target(%dma_start3A_251 : memref<10000x128xf32, #tpu.memory_space<vmem_shared>>) offsets(%dma_start3A_248 : memref<80xi32, #tpu.memory_space<vmem>>) semaphore(%arg20 : memref<!tpu.dma_semaphore, #tpu.memory_space<semaphore_mem>>) {add = true}
      } else {
      }
      %mul3A_232 = arith.constant 4 : i32
      %mul3A_233 = arith.muli %mul3A_232, %scan3A_177 : i32
      %add3A_234 = arith.constant 3 : i32
      %add3A_235 = arith.addi %mul3A_233, %add3A_234 : i32
      %lt3A_236 = arith.cmpi slt, %add3A_235, %min3A_93 : i32
      %convert_element_type3A_237 = arith.extui %lt3A_236 : i1 to i32
      %cond3A_238 = arith.constant 0 : i32
      %cond3A_239 = arith.cmpi ne, %convert_element_type3A_237, %cond3A_238 : i32
      scf.if %cond3A_239 {
        %dma_wait3A_241 = arith.constant 0 : i32
        %dma_wait3A_242 = tpu.memref_slice %arg7[%add3A_235, %dma_wait3A_241] : memref<60x80xi32, #tpu.memory_space<vmem>> -> memref<1x80xi32, #tpu.memory_space<vmem>>
        %dma_wait3A_243 = tpu.memref_squeeze %dma_wait3A_242 : memref<1x80xi32, #tpu.memory_space<vmem>> -> memref<80xi32, #tpu.memory_space<vmem>>
        %dma_wait3A_244 = arith.constant 0 : i32
        %dma_wait3A_245 = arith.constant 0 : i32
        %dma_wait3A_246 = tpu.memref_slice %arg2[%dma_wait3A_244, %dma_wait3A_245] : memref<10000x128xf32, #tpu.memory_space<hbm>> -> memref<10000x128xf32, #tpu.memory_space<hbm>>
        tpu.wait_indirect_dma semaphore(%arg17 : memref<!tpu.dma_semaphore, #tpu.memory_space<semaphore_mem>>) src(%dma_wait3A_246 : memref<10000x128xf32, #tpu.memory_space<hbm>>) dst(%arg12 : memref<80x128xf32, #tpu.memory_space<vmem>>)
        %dma_start3A = arith.constant 0 : i32
        %dma_start3A_247 = tpu.memref_slice %arg8[%add3A_235, %dma_start3A] : memref<60x80xi32, #tpu.memory_space<vmem>> -> memref<1x80xi32, #tpu.memory_space<vmem>>
        %dma_start3A_248 = tpu.memref_squeeze %dma_start3A_247 : memref<1x80xi32, #tpu.memory_space<vmem>> -> memref<80xi32, #tpu.memory_space<vmem>>
        %dma_start3A_249 = arith.constant 0 : i32
        %dma_start3A_250 = arith.constant 0 : i32
        %dma_start3A_251 = tpu.memref_slice %arg13[%dma_start3A_249, %dma_start3A_250] : memref<10000x128xf32, #tpu.memory_space<vmem_shared>> -> memref<10000x128xf32, #tpu.memory_space<vmem_shared>>
        tpu.enqueue_indirect_dma source(%arg12 : memref<80x128xf32, #tpu.memory_space<vmem>>) target(%dma_start3A_251 : memref<10000x128xf32, #tpu.memory_space<vmem_shared>>) offsets(%dma_start3A_248 : memref<80xi32, #tpu.memory_space<vmem>>) semaphore(%arg21 : memref<!tpu.dma_semaphore, #tpu.memory_space<semaphore_mem>>) {add = true}
      } else {
      }
      %scan3A_240 = arith.constant 0 : i32
      scf.yield %scan3A_240 : i32
    }
    %scan3A_104 = arith.constant 15 : i32
    %dma_wait3A_105 = arith.constant 0 : i32
    %dma_wait3A_106 = arith.constant 0 : i32
    %dma_wait3A_107 = tpu.memref_slice %arg8[%dma_wait3A_105, %dma_wait3A_106] : memref<60x80xi32, #tpu.memory_space<vmem>> -> memref<1x80xi32, #tpu.memory_space<vmem>>
    %dma_wait3A_108 = tpu.memref_squeeze %dma_wait3A_107 : memref<1x80xi32, #tpu.memory_space<vmem>> -> memref<80xi32, #tpu.memory_space<vmem>>
    %dma_wait3A_109 = arith.constant 0 : i32
    %dma_wait3A_110 = arith.constant 0 : i32
    %dma_wait3A_111 = tpu.memref_slice %arg13[%dma_wait3A_109, %dma_wait3A_110] : memref<10000x128xf32, #tpu.memory_space<vmem_shared>> -> memref<10000x128xf32, #tpu.memory_space<vmem_shared>>
    tpu.wait_indirect_dma semaphore(%arg18 : memref<!tpu.dma_semaphore, #tpu.memory_space<semaphore_mem>>) src(%arg9 : memref<80x128xf32, #tpu.memory_space<vmem>>) dst(%dma_wait3A_111 : memref<10000x128xf32, #tpu.memory_space<vmem_shared>>)
    %dma_wait3A_112 = arith.constant 0 : i32
    %dma_wait3A_113 = arith.constant 0 : i32
    %dma_wait3A_114 = tpu.memref_slice %arg8[%dma_wait3A_112, %dma_wait3A_113] : memref<60x80xi32, #tpu.memory_space<vmem>> -> memref<1x80xi32, #tpu.memory_space<vmem>>
    %dma_wait3A_115 = tpu.memref_squeeze %dma_wait3A_114 : memref<1x80xi32, #tpu.memory_space<vmem>> -> memref<80xi32, #tpu.memory_space<vmem>>
    %dma_wait3A_116 = arith.constant 0 : i32
    %dma_wait3A_117 = arith.constant 0 : i32
    %dma_wait3A_118 = tpu.memref_slice %arg13[%dma_wait3A_116, %dma_wait3A_117] : memref<10000x128xf32, #tpu.memory_space<vmem_shared>> -> memref<10000x128xf32, #tpu.memory_space<vmem_shared>>
    tpu.wait_indirect_dma semaphore(%arg19 : memref<!tpu.dma_semaphore, #tpu.memory_space<semaphore_mem>>) src(%arg10 : memref<80x128xf32, #tpu.memory_space<vmem>>) dst(%dma_wait3A_118 : memref<10000x128xf32, #tpu.memory_space<vmem_shared>>)
    %dma_wait3A_119 = arith.constant 0 : i32
    %dma_wait3A_120 = arith.constant 0 : i32
    %dma_wait3A_121 = tpu.memref_slice %arg8[%dma_wait3A_119, %dma_wait3A_120] : memref<60x80xi32, #tpu.memory_space<vmem>> -> memref<1x80xi32, #tpu.memory_space<vmem>>
    %dma_wait3A_122 = tpu.memref_squeeze %dma_wait3A_121 : memref<1x80xi32, #tpu.memory_space<vmem>> -> memref<80xi32, #tpu.memory_space<vmem>>
    %dma_wait3A_123 = arith.constant 0 : i32
    %dma_wait3A_124 = arith.constant 0 : i32
    %dma_wait3A_125 = tpu.memref_slice %arg13[%dma_wait3A_123, %dma_wait3A_124] : memref<10000x128xf32, #tpu.memory_space<vmem_shared>> -> memref<10000x128xf32, #tpu.memory_space<vmem_shared>>
    tpu.wait_indirect_dma semaphore(%arg20 : memref<!tpu.dma_semaphore, #tpu.memory_space<semaphore_mem>>) src(%arg11 : memref<80x128xf32, #tpu.memory_space<vmem>>) dst(%dma_wait3A_125 : memref<10000x128xf32, #tpu.memory_space<vmem_shared>>)
    %dma_wait3A_126 = arith.constant 0 : i32
    %dma_wait3A_127 = arith.constant 0 : i32
    %dma_wait3A_128 = tpu.memref_slice %arg8[%dma_wait3A_126, %dma_wait3A_127] : memref<60x80xi32, #tpu.memory_space<vmem>> -> memref<1x80xi32, #tpu.memory_space<vmem>>
    %dma_wait3A_129 = tpu.memref_squeeze %dma_wait3A_128 : memref<1x80xi32, #tpu.memory_space<vmem>> -> memref<80xi32, #tpu.memory_space<vmem>>
    %dma_wait3A_130 = arith.constant 0 : i32
    %dma_wait3A_131 = arith.constant 0 : i32
    %dma_wait3A_132 = tpu.memref_slice %arg13[%dma_wait3A_130, %dma_wait3A_131] : memref<10000x128xf32, #tpu.memory_space<vmem_shared>> -> memref<10000x128xf32, #tpu.memory_space<vmem_shared>>
    tpu.wait_indirect_dma semaphore(%arg21 : memref<!tpu.dma_semaphore, #tpu.memory_space<semaphore_mem>>) src(%arg12 : memref<80x128xf32, #tpu.memory_space<vmem>>) dst(%dma_wait3A_132 : memref<10000x128xf32, #tpu.memory_space<vmem_shared>>)
    %sub3A_133 = arith.constant 120 : i32
    %sub3A_134 = arith.subi %sub3A_49, %sub3A_133 : i32
    %min3A_135 = arith.constant 60 : i32
    %min3A_136 = arith.minsi %sub3A_134, %min3A_135 : i32
    %add3A_137 = arith.constant 120 : i32
    %add3A_138 = arith.addi %select_n3A, %add3A_137 : i32
    "tpu.region"() ({
      %run_scoped3A = tpu.sem_alloc : memref<!tpu.dma_semaphore, #tpu.memory_space<semaphore_mem>>
      %dma_start3A = arith.constant 0 : i32
      %dma_start3A_177 = tpu.memref_slice %arg3[%add3A_138, %dma_start3A] : memref<4064x80xi32, #tpu.memory_space<hbm>> -> memref<60x80xi32, #tpu.memory_space<hbm>>
      %dma_start3A_178 = arith.constant 0 : i32
      %dma_start3A_179 = tpu.memref_slice %arg3[%add3A_138, %dma_start3A_178] : memref<4064x80xi32, #tpu.memory_space<hbm>> -> memref<60x80xi32, #tpu.memory_space<hbm>>
      tpu.enqueue_dma source(%dma_start3A_179 : memref<60x80xi32, #tpu.memory_space<hbm>>) target(%arg7 : memref<60x80xi32, #tpu.memory_space<vmem>>) target_semaphore(%run_scoped3A : memref<!tpu.dma_semaphore, #tpu.memory_space<semaphore_mem>>)
      %dma_wait3A_180 = arith.constant 0 : i32
      %dma_wait3A_181 = tpu.memref_slice %arg3[%add3A_138, %dma_wait3A_180] : memref<4064x80xi32, #tpu.memory_space<hbm>> -> memref<60x80xi32, #tpu.memory_space<hbm>>
      %dma_wait3A_182 = arith.constant 0 : i32
      %dma_wait3A_183 = tpu.memref_slice %arg3[%add3A_138, %dma_wait3A_182] : memref<4064x80xi32, #tpu.memory_space<hbm>> -> memref<60x80xi32, #tpu.memory_space<hbm>>
      tpu.wait_dma2 semaphore(%run_scoped3A : memref<!tpu.dma_semaphore, #tpu.memory_space<semaphore_mem>>) src(%dma_wait3A_183 : memref<60x80xi32, #tpu.memory_space<hbm>>) dst(%arg7 : memref<60x80xi32, #tpu.memory_space<vmem>>)
      tpu.yield
    }) : () -> ()
    %add3A_139 = arith.constant 120 : i32
    %add3A_140 = arith.addi %select_n3A, %add3A_139 : i32
    "tpu.region"() ({
      %run_scoped3A = tpu.sem_alloc : memref<!tpu.dma_semaphore, #tpu.memory_space<semaphore_mem>>
      %dma_start3A = arith.constant 0 : i32
      %dma_start3A_177 = tpu.memref_slice %arg4[%add3A_140, %dma_start3A] : memref<4064x80xi32, #tpu.memory_space<hbm>> -> memref<60x80xi32, #tpu.memory_space<hbm>>
      %dma_start3A_178 = arith.constant 0 : i32
      %dma_start3A_179 = tpu.memref_slice %arg4[%add3A_140, %dma_start3A_178] : memref<4064x80xi32, #tpu.memory_space<hbm>> -> memref<60x80xi32, #tpu.memory_space<hbm>>
      tpu.enqueue_dma source(%dma_start3A_179 : memref<60x80xi32, #tpu.memory_space<hbm>>) target(%arg8 : memref<60x80xi32, #tpu.memory_space<vmem>>) target_semaphore(%run_scoped3A : memref<!tpu.dma_semaphore, #tpu.memory_space<semaphore_mem>>)
      %dma_wait3A_180 = arith.constant 0 : i32
      %dma_wait3A_181 = tpu.memref_slice %arg4[%add3A_140, %dma_wait3A_180] : memref<4064x80xi32, #tpu.memory_space<hbm>> -> memref<60x80xi32, #tpu.memory_space<hbm>>
      %dma_wait3A_182 = arith.constant 0 : i32
      %dma_wait3A_183 = tpu.memref_slice %arg4[%add3A_140, %dma_wait3A_182] : memref<4064x80xi32, #tpu.memory_space<hbm>> -> memref<60x80xi32, #tpu.memory_space<hbm>>
      tpu.wait_dma2 semaphore(%run_scoped3A : memref<!tpu.dma_semaphore, #tpu.memory_space<semaphore_mem>>) src(%dma_wait3A_183 : memref<60x80xi32, #tpu.memory_space<hbm>>) dst(%arg8 : memref<60x80xi32, #tpu.memory_space<vmem>>)
      tpu.yield
    }) : () -> ()
    %scan3A_141 = arith.constant 0 : i32
    %scan3A_142 = arith.constant 0 : i32
    %scan3A_143 = arith.constant 15 : i32
    %scan3A_144 = arith.addi %scan3A_142, %scan3A_143 : i32
    %scan3A_145 = arith.constant 1 : i32
    %scan3A_146 = scf.for %scan3A_177 = %scan3A_142 to %scan3A_144 step %scan3A_145 iter_args(%scan3A_178 = %scan3A_141) -> (i32)  : i32 {
      %mul3A_179 = arith.constant 4 : i32
      %mul3A_180 = arith.muli %mul3A_179, %scan3A_177 : i32
      %add3A_181 = arith.constant 0 : i32
      %add3A_182 = arith.addi %mul3A_180, %add3A_181 : i32
      %lt3A = arith.cmpi slt, %add3A_182, %min3A_136 : i32
      %convert_element_type3A = arith.extui %lt3A : i1 to i32
      %cond3A = arith.constant 0 : i32
      %cond3A_183 = arith.cmpi ne, %convert_element_type3A, %cond3A : i32
      scf.if %cond3A_183 {
        %ge3A = arith.constant 1 : i32
        %ge3A_241 = arith.cmpi sge, %scan3A_177, %ge3A : i32
        %convert_element_type3A_242 = arith.extui %ge3A_241 : i1 to i32
        %cond3A_243 = arith.constant 0 : i32
        %cond3A_244 = arith.cmpi ne, %convert_element_type3A_242, %cond3A_243 : i32
        scf.if %cond3A_244 {
          %dma_wait3A_250 = arith.constant 0 : i32
          %dma_wait3A_251 = arith.constant 0 : i32
          %dma_wait3A_252 = tpu.memref_slice %arg8[%dma_wait3A_250, %dma_wait3A_251] : memref<60x80xi32, #tpu.memory_space<vmem>> -> memref<1x80xi32, #tpu.memory_space<vmem>>
          %dma_wait3A_253 = tpu.memref_squeeze %dma_wait3A_252 : memref<1x80xi32, #tpu.memory_space<vmem>> -> memref<80xi32, #tpu.memory_space<vmem>>
          %dma_wait3A_254 = arith.constant 0 : i32
          %dma_wait3A_255 = arith.constant 0 : i32
          %dma_wait3A_256 = tpu.memref_slice %arg13[%dma_wait3A_254, %dma_wait3A_255] : memref<10000x128xf32, #tpu.memory_space<vmem_shared>> -> memref<10000x128xf32, #tpu.memory_space<vmem_shared>>
          tpu.wait_indirect_dma semaphore(%arg18 : memref<!tpu.dma_semaphore, #tpu.memory_space<semaphore_mem>>) src(%arg9 : memref<80x128xf32, #tpu.memory_space<vmem>>) dst(%dma_wait3A_256 : memref<10000x128xf32, #tpu.memory_space<vmem_shared>>)
        } else {
        }
        %dma_start3A = arith.constant 0 : i32
        %dma_start3A_245 = tpu.memref_slice %arg7[%add3A_182, %dma_start3A] : memref<60x80xi32, #tpu.memory_space<vmem>> -> memref<1x80xi32, #tpu.memory_space<vmem>>
        %dma_start3A_246 = tpu.memref_squeeze %dma_start3A_245 : memref<1x80xi32, #tpu.memory_space<vmem>> -> memref<80xi32, #tpu.memory_space<vmem>>
        %dma_start3A_247 = arith.constant 0 : i32
        %dma_start3A_248 = arith.constant 0 : i32
        %dma_start3A_249 = tpu.memref_slice %arg2[%dma_start3A_247, %dma_start3A_248] : memref<10000x128xf32, #tpu.memory_space<hbm>> -> memref<10000x128xf32, #tpu.memory_space<hbm>>
        tpu.enqueue_indirect_dma source(%dma_start3A_249 : memref<10000x128xf32, #tpu.memory_space<hbm>>) target(%arg9 : memref<80x128xf32, #tpu.memory_space<vmem>>) offsets(%dma_start3A_246 : memref<80xi32, #tpu.memory_space<vmem>>) semaphore(%arg14 : memref<!tpu.dma_semaphore, #tpu.memory_space<semaphore_mem>>)
      } else {
      }
      %mul3A_184 = arith.constant 4 : i32
      %mul3A_185 = arith.muli %mul3A_184, %scan3A_177 : i32
      %add3A_186 = arith.constant 1 : i32
      %add3A_187 = arith.addi %mul3A_185, %add3A_186 : i32
      %lt3A_188 = arith.cmpi slt, %add3A_187, %min3A_136 : i32
      %convert_element_type3A_189 = arith.extui %lt3A_188 : i1 to i32
      %cond3A_190 = arith.constant 0 : i32
      %cond3A_191 = arith.cmpi ne, %convert_element_type3A_189, %cond3A_190 : i32
      scf.if %cond3A_191 {
        %ge3A = arith.constant 1 : i32
        %ge3A_241 = arith.cmpi sge, %scan3A_177, %ge3A : i32
        %convert_element_type3A_242 = arith.extui %ge3A_241 : i1 to i32
        %cond3A_243 = arith.constant 0 : i32
        %cond3A_244 = arith.cmpi ne, %convert_element_type3A_242, %cond3A_243 : i32
        scf.if %cond3A_244 {
          %dma_wait3A_250 = arith.constant 0 : i32
          %dma_wait3A_251 = arith.constant 0 : i32
          %dma_wait3A_252 = tpu.memref_slice %arg8[%dma_wait3A_250, %dma_wait3A_251] : memref<60x80xi32, #tpu.memory_space<vmem>> -> memref<1x80xi32, #tpu.memory_space<vmem>>
          %dma_wait3A_253 = tpu.memref_squeeze %dma_wait3A_252 : memref<1x80xi32, #tpu.memory_space<vmem>> -> memref<80xi32, #tpu.memory_space<vmem>>
          %dma_wait3A_254 = arith.constant 0 : i32
          %dma_wait3A_255 = arith.constant 0 : i32
          %dma_wait3A_256 = tpu.memref_slice %arg13[%dma_wait3A_254, %dma_wait3A_255] : memref<10000x128xf32, #tpu.memory_space<vmem_shared>> -> memref<10000x128xf32, #tpu.memory_space<vmem_shared>>
          tpu.wait_indirect_dma semaphore(%arg19 : memref<!tpu.dma_semaphore, #tpu.memory_space<semaphore_mem>>) src(%arg10 : memref<80x128xf32, #tpu.memory_space<vmem>>) dst(%dma_wait3A_256 : memref<10000x128xf32, #tpu.memory_space<vmem_shared>>)
        } else {
        }
        %dma_start3A = arith.constant 0 : i32
        %dma_start3A_245 = tpu.memref_slice %arg7[%add3A_187, %dma_start3A] : memref<60x80xi32, #tpu.memory_space<vmem>> -> memref<1x80xi32, #tpu.memory_space<vmem>>
        %dma_start3A_246 = tpu.memref_squeeze %dma_start3A_245 : memref<1x80xi32, #tpu.memory_space<vmem>> -> memref<80xi32, #tpu.memory_space<vmem>>
        %dma_start3A_247 = arith.constant 0 : i32
        %dma_start3A_248 = arith.constant 0 : i32
        %dma_start3A_249 = tpu.memref_slice %arg2[%dma_start3A_247, %dma_start3A_248] : memref<10000x128xf32, #tpu.memory_space<hbm>> -> memref<10000x128xf32, #tpu.memory_space<hbm>>
        tpu.enqueue_indirect_dma source(%dma_start3A_249 : memref<10000x128xf32, #tpu.memory_space<hbm>>) target(%arg10 : memref<80x128xf32, #tpu.memory_space<vmem>>) offsets(%dma_start3A_246 : memref<80xi32, #tpu.memory_space<vmem>>) semaphore(%arg15 : memref<!tpu.dma_semaphore, #tpu.memory_space<semaphore_mem>>)
      } else {
      }
      %mul3A_192 = arith.constant 4 : i32
      %mul3A_193 = arith.muli %mul3A_192, %scan3A_177 : i32
      %add3A_194 = arith.constant 2 : i32
      %add3A_195 = arith.addi %mul3A_193, %add3A_194 : i32
      %lt3A_196 = arith.cmpi slt, %add3A_195, %min3A_136 : i32
      %convert_element_type3A_197 = arith.extui %lt3A_196 : i1 to i32
      %cond3A_198 = arith.constant 0 : i32
      %cond3A_199 = arith.cmpi ne, %convert_element_type3A_197, %cond3A_198 : i32
      scf.if %cond3A_199 {
        %ge3A = arith.constant 1 : i32
        %ge3A_241 = arith.cmpi sge, %scan3A_177, %ge3A : i32
        %convert_element_type3A_242 = arith.extui %ge3A_241 : i1 to i32
        %cond3A_243 = arith.constant 0 : i32
        %cond3A_244 = arith.cmpi ne, %convert_element_type3A_242, %cond3A_243 : i32
        scf.if %cond3A_244 {
          %dma_wait3A_250 = arith.constant 0 : i32
          %dma_wait3A_251 = arith.constant 0 : i32
          %dma_wait3A_252 = tpu.memref_slice %arg8[%dma_wait3A_250, %dma_wait3A_251] : memref<60x80xi32, #tpu.memory_space<vmem>> -> memref<1x80xi32, #tpu.memory_space<vmem>>
          %dma_wait3A_253 = tpu.memref_squeeze %dma_wait3A_252 : memref<1x80xi32, #tpu.memory_space<vmem>> -> memref<80xi32, #tpu.memory_space<vmem>>
          %dma_wait3A_254 = arith.constant 0 : i32
          %dma_wait3A_255 = arith.constant 0 : i32
          %dma_wait3A_256 = tpu.memref_slice %arg13[%dma_wait3A_254, %dma_wait3A_255] : memref<10000x128xf32, #tpu.memory_space<vmem_shared>> -> memref<10000x128xf32, #tpu.memory_space<vmem_shared>>
          tpu.wait_indirect_dma semaphore(%arg20 : memref<!tpu.dma_semaphore, #tpu.memory_space<semaphore_mem>>) src(%arg11 : memref<80x128xf32, #tpu.memory_space<vmem>>) dst(%dma_wait3A_256 : memref<10000x128xf32, #tpu.memory_space<vmem_shared>>)
        } else {
        }
        %dma_start3A = arith.constant 0 : i32
        %dma_start3A_245 = tpu.memref_slice %arg7[%add3A_195, %dma_start3A] : memref<60x80xi32, #tpu.memory_space<vmem>> -> memref<1x80xi32, #tpu.memory_space<vmem>>
        %dma_start3A_246 = tpu.memref_squeeze %dma_start3A_245 : memref<1x80xi32, #tpu.memory_space<vmem>> -> memref<80xi32, #tpu.memory_space<vmem>>
        %dma_start3A_247 = arith.constant 0 : i32
        %dma_start3A_248 = arith.constant 0 : i32
        %dma_start3A_249 = tpu.memref_slice %arg2[%dma_start3A_247, %dma_start3A_248] : memref<10000x128xf32, #tpu.memory_space<hbm>> -> memref<10000x128xf32, #tpu.memory_space<hbm>>
        tpu.enqueue_indirect_dma source(%dma_start3A_249 : memref<10000x128xf32, #tpu.memory_space<hbm>>) target(%arg11 : memref<80x128xf32, #tpu.memory_space<vmem>>) offsets(%dma_start3A_246 : memref<80xi32, #tpu.memory_space<vmem>>) semaphore(%arg16 : memref<!tpu.dma_semaphore, #tpu.memory_space<semaphore_mem>>)
      } else {
      }
      %mul3A_200 = arith.constant 4 : i32
      %mul3A_201 = arith.muli %mul3A_200, %scan3A_177 : i32
      %add3A_202 = arith.constant 3 : i32
      %add3A_203 = arith.addi %mul3A_201, %add3A_202 : i32
      %lt3A_204 = arith.cmpi slt, %add3A_203, %min3A_136 : i32
      %convert_element_type3A_205 = arith.extui %lt3A_204 : i1 to i32
      %cond3A_206 = arith.constant 0 : i32
      %cond3A_207 = arith.cmpi ne, %convert_element_type3A_205, %cond3A_206 : i32
      scf.if %cond3A_207 {
        %ge3A = arith.constant 1 : i32
        %ge3A_241 = arith.cmpi sge, %scan3A_177, %ge3A : i32
        %convert_element_type3A_242 = arith.extui %ge3A_241 : i1 to i32
        %cond3A_243 = arith.constant 0 : i32
        %cond3A_244 = arith.cmpi ne, %convert_element_type3A_242, %cond3A_243 : i32
        scf.if %cond3A_244 {
          %dma_wait3A_250 = arith.constant 0 : i32
          %dma_wait3A_251 = arith.constant 0 : i32
          %dma_wait3A_252 = tpu.memref_slice %arg8[%dma_wait3A_250, %dma_wait3A_251] : memref<60x80xi32, #tpu.memory_space<vmem>> -> memref<1x80xi32, #tpu.memory_space<vmem>>
          %dma_wait3A_253 = tpu.memref_squeeze %dma_wait3A_252 : memref<1x80xi32, #tpu.memory_space<vmem>> -> memref<80xi32, #tpu.memory_space<vmem>>
          %dma_wait3A_254 = arith.constant 0 : i32
          %dma_wait3A_255 = arith.constant 0 : i32
          %dma_wait3A_256 = tpu.memref_slice %arg13[%dma_wait3A_254, %dma_wait3A_255] : memref<10000x128xf32, #tpu.memory_space<vmem_shared>> -> memref<10000x128xf32, #tpu.memory_space<vmem_shared>>
          tpu.wait_indirect_dma semaphore(%arg21 : memref<!tpu.dma_semaphore, #tpu.memory_space<semaphore_mem>>) src(%arg12 : memref<80x128xf32, #tpu.memory_space<vmem>>) dst(%dma_wait3A_256 : memref<10000x128xf32, #tpu.memory_space<vmem_shared>>)
        } else {
        }
        %dma_start3A = arith.constant 0 : i32
        %dma_start3A_245 = tpu.memref_slice %arg7[%add3A_203, %dma_start3A] : memref<60x80xi32, #tpu.memory_space<vmem>> -> memref<1x80xi32, #tpu.memory_space<vmem>>
        %dma_start3A_246 = tpu.memref_squeeze %dma_start3A_245 : memref<1x80xi32, #tpu.memory_space<vmem>> -> memref<80xi32, #tpu.memory_space<vmem>>
        %dma_start3A_247 = arith.constant 0 : i32
        %dma_start3A_248 = arith.constant 0 : i32
        %dma_start3A_249 = tpu.memref_slice %arg2[%dma_start3A_247, %dma_start3A_248] : memref<10000x128xf32, #tpu.memory_space<hbm>> -> memref<10000x128xf32, #tpu.memory_space<hbm>>
        tpu.enqueue_indirect_dma source(%dma_start3A_249 : memref<10000x128xf32, #tpu.memory_space<hbm>>) target(%arg12 : memref<80x128xf32, #tpu.memory_space<vmem>>) offsets(%dma_start3A_246 : memref<80xi32, #tpu.memory_space<vmem>>) semaphore(%arg17 : memref<!tpu.dma_semaphore, #tpu.memory_space<semaphore_mem>>)
      } else {
      }
      %mul3A_208 = arith.constant 4 : i32
      %mul3A_209 = arith.muli %mul3A_208, %scan3A_177 : i32
      %add3A_210 = arith.constant 0 : i32
      %add3A_211 = arith.addi %mul3A_209, %add3A_210 : i32
      %lt3A_212 = arith.cmpi slt, %add3A_211, %min3A_136 : i32
      %convert_element_type3A_213 = arith.extui %lt3A_212 : i1 to i32
      %cond3A_214 = arith.constant 0 : i32
      %cond3A_215 = arith.cmpi ne, %convert_element_type3A_213, %cond3A_214 : i32
      scf.if %cond3A_215 {
        %dma_wait3A_241 = arith.constant 0 : i32
        %dma_wait3A_242 = tpu.memref_slice %arg7[%add3A_211, %dma_wait3A_241] : memref<60x80xi32, #tpu.memory_space<vmem>> -> memref<1x80xi32, #tpu.memory_space<vmem>>
        %dma_wait3A_243 = tpu.memref_squeeze %dma_wait3A_242 : memref<1x80xi32, #tpu.memory_space<vmem>> -> memref<80xi32, #tpu.memory_space<vmem>>
        %dma_wait3A_244 = arith.constant 0 : i32
        %dma_wait3A_245 = arith.constant 0 : i32
        %dma_wait3A_246 = tpu.memref_slice %arg2[%dma_wait3A_244, %dma_wait3A_245] : memref<10000x128xf32, #tpu.memory_space<hbm>> -> memref<10000x128xf32, #tpu.memory_space<hbm>>
        tpu.wait_indirect_dma semaphore(%arg14 : memref<!tpu.dma_semaphore, #tpu.memory_space<semaphore_mem>>) src(%dma_wait3A_246 : memref<10000x128xf32, #tpu.memory_space<hbm>>) dst(%arg9 : memref<80x128xf32, #tpu.memory_space<vmem>>)
        %dma_start3A = arith.constant 0 : i32
        %dma_start3A_247 = tpu.memref_slice %arg8[%add3A_211, %dma_start3A] : memref<60x80xi32, #tpu.memory_space<vmem>> -> memref<1x80xi32, #tpu.memory_space<vmem>>
        %dma_start3A_248 = tpu.memref_squeeze %dma_start3A_247 : memref<1x80xi32, #tpu.memory_space<vmem>> -> memref<80xi32, #tpu.memory_space<vmem>>
        %dma_start3A_249 = arith.constant 0 : i32
        %dma_start3A_250 = arith.constant 0 : i32
        %dma_start3A_251 = tpu.memref_slice %arg13[%dma_start3A_249, %dma_start3A_250] : memref<10000x128xf32, #tpu.memory_space<vmem_shared>> -> memref<10000x128xf32, #tpu.memory_space<vmem_shared>>
        tpu.enqueue_indirect_dma source(%arg9 : memref<80x128xf32, #tpu.memory_space<vmem>>) target(%dma_start3A_251 : memref<10000x128xf32, #tpu.memory_space<vmem_shared>>) offsets(%dma_start3A_248 : memref<80xi32, #tpu.memory_space<vmem>>) semaphore(%arg18 : memref<!tpu.dma_semaphore, #tpu.memory_space<semaphore_mem>>) {add = true}
      } else {
      }
      %mul3A_216 = arith.constant 4 : i32
      %mul3A_217 = arith.muli %mul3A_216, %scan3A_177 : i32
      %add3A_218 = arith.constant 1 : i32
      %add3A_219 = arith.addi %mul3A_217, %add3A_218 : i32
      %lt3A_220 = arith.cmpi slt, %add3A_219, %min3A_136 : i32
      %convert_element_type3A_221 = arith.extui %lt3A_220 : i1 to i32
      %cond3A_222 = arith.constant 0 : i32
      %cond3A_223 = arith.cmpi ne, %convert_element_type3A_221, %cond3A_222 : i32
      scf.if %cond3A_223 {
        %dma_wait3A_241 = arith.constant 0 : i32
        %dma_wait3A_242 = tpu.memref_slice %arg7[%add3A_219, %dma_wait3A_241] : memref<60x80xi32, #tpu.memory_space<vmem>> -> memref<1x80xi32, #tpu.memory_space<vmem>>
        %dma_wait3A_243 = tpu.memref_squeeze %dma_wait3A_242 : memref<1x80xi32, #tpu.memory_space<vmem>> -> memref<80xi32, #tpu.memory_space<vmem>>
        %dma_wait3A_244 = arith.constant 0 : i32
        %dma_wait3A_245 = arith.constant 0 : i32
        %dma_wait3A_246 = tpu.memref_slice %arg2[%dma_wait3A_244, %dma_wait3A_245] : memref<10000x128xf32, #tpu.memory_space<hbm>> -> memref<10000x128xf32, #tpu.memory_space<hbm>>
        tpu.wait_indirect_dma semaphore(%arg15 : memref<!tpu.dma_semaphore, #tpu.memory_space<semaphore_mem>>) src(%dma_wait3A_246 : memref<10000x128xf32, #tpu.memory_space<hbm>>) dst(%arg10 : memref<80x128xf32, #tpu.memory_space<vmem>>)
        %dma_start3A = arith.constant 0 : i32
        %dma_start3A_247 = tpu.memref_slice %arg8[%add3A_219, %dma_start3A] : memref<60x80xi32, #tpu.memory_space<vmem>> -> memref<1x80xi32, #tpu.memory_space<vmem>>
        %dma_start3A_248 = tpu.memref_squeeze %dma_start3A_247 : memref<1x80xi32, #tpu.memory_space<vmem>> -> memref<80xi32, #tpu.memory_space<vmem>>
        %dma_start3A_249 = arith.constant 0 : i32
        %dma_start3A_250 = arith.constant 0 : i32
        %dma_start3A_251 = tpu.memref_slice %arg13[%dma_start3A_249, %dma_start3A_250] : memref<10000x128xf32, #tpu.memory_space<vmem_shared>> -> memref<10000x128xf32, #tpu.memory_space<vmem_shared>>
        tpu.enqueue_indirect_dma source(%arg10 : memref<80x128xf32, #tpu.memory_space<vmem>>) target(%dma_start3A_251 : memref<10000x128xf32, #tpu.memory_space<vmem_shared>>) offsets(%dma_start3A_248 : memref<80xi32, #tpu.memory_space<vmem>>) semaphore(%arg19 : memref<!tpu.dma_semaphore, #tpu.memory_space<semaphore_mem>>) {add = true}
      } else {
      }
      %mul3A_224 = arith.constant 4 : i32
      %mul3A_225 = arith.muli %mul3A_224, %scan3A_177 : i32
      %add3A_226 = arith.constant 2 : i32
      %add3A_227 = arith.addi %mul3A_225, %add3A_226 : i32
      %lt3A_228 = arith.cmpi slt, %add3A_227, %min3A_136 : i32
      %convert_element_type3A_229 = arith.extui %lt3A_228 : i1 to i32
      %cond3A_230 = arith.constant 0 : i32
      %cond3A_231 = arith.cmpi ne, %convert_element_type3A_229, %cond3A_230 : i32
      scf.if %cond3A_231 {
        %dma_wait3A_241 = arith.constant 0 : i32
        %dma_wait3A_242 = tpu.memref_slice %arg7[%add3A_227, %dma_wait3A_241] : memref<60x80xi32, #tpu.memory_space<vmem>> -> memref<1x80xi32, #tpu.memory_space<vmem>>
        %dma_wait3A_243 = tpu.memref_squeeze %dma_wait3A_242 : memref<1x80xi32, #tpu.memory_space<vmem>> -> memref<80xi32, #tpu.memory_space<vmem>>
        %dma_wait3A_244 = arith.constant 0 : i32
        %dma_wait3A_245 = arith.constant 0 : i32
        %dma_wait3A_246 = tpu.memref_slice %arg2[%dma_wait3A_244, %dma_wait3A_245] : memref<10000x128xf32, #tpu.memory_space<hbm>> -> memref<10000x128xf32, #tpu.memory_space<hbm>>
        tpu.wait_indirect_dma semaphore(%arg16 : memref<!tpu.dma_semaphore, #tpu.memory_space<semaphore_mem>>) src(%dma_wait3A_246 : memref<10000x128xf32, #tpu.memory_space<hbm>>) dst(%arg11 : memref<80x128xf32, #tpu.memory_space<vmem>>)
        %dma_start3A = arith.constant 0 : i32
        %dma_start3A_247 = tpu.memref_slice %arg8[%add3A_227, %dma_start3A] : memref<60x80xi32, #tpu.memory_space<vmem>> -> memref<1x80xi32, #tpu.memory_space<vmem>>
        %dma_start3A_248 = tpu.memref_squeeze %dma_start3A_247 : memref<1x80xi32, #tpu.memory_space<vmem>> -> memref<80xi32, #tpu.memory_space<vmem>>
        %dma_start3A_249 = arith.constant 0 : i32
        %dma_start3A_250 = arith.constant 0 : i32
        %dma_start3A_251 = tpu.memref_slice %arg13[%dma_start3A_249, %dma_start3A_250] : memref<10000x128xf32, #tpu.memory_space<vmem_shared>> -> memref<10000x128xf32, #tpu.memory_space<vmem_shared>>
        tpu.enqueue_indirect_dma source(%arg11 : memref<80x128xf32, #tpu.memory_space<vmem>>) target(%dma_start3A_251 : memref<10000x128xf32, #tpu.memory_space<vmem_shared>>) offsets(%dma_start3A_248 : memref<80xi32, #tpu.memory_space<vmem>>) semaphore(%arg20 : memref<!tpu.dma_semaphore, #tpu.memory_space<semaphore_mem>>) {add = true}
      } else {
      }
      %mul3A_232 = arith.constant 4 : i32
      %mul3A_233 = arith.muli %mul3A_232, %scan3A_177 : i32
      %add3A_234 = arith.constant 3 : i32
      %add3A_235 = arith.addi %mul3A_233, %add3A_234 : i32
      %lt3A_236 = arith.cmpi slt, %add3A_235, %min3A_136 : i32
      %convert_element_type3A_237 = arith.extui %lt3A_236 : i1 to i32
      %cond3A_238 = arith.constant 0 : i32
      %cond3A_239 = arith.cmpi ne, %convert_element_type3A_237, %cond3A_238 : i32
      scf.if %cond3A_239 {
        %dma_wait3A_241 = arith.constant 0 : i32
        %dma_wait3A_242 = tpu.memref_slice %arg7[%add3A_235, %dma_wait3A_241] : memref<60x80xi32, #tpu.memory_space<vmem>> -> memref<1x80xi32, #tpu.memory_space<vmem>>
        %dma_wait3A_243 = tpu.memref_squeeze %dma_wait3A_242 : memref<1x80xi32, #tpu.memory_space<vmem>> -> memref<80xi32, #tpu.memory_space<vmem>>
        %dma_wait3A_244 = arith.constant 0 : i32
        %dma_wait3A_245 = arith.constant 0 : i32
        %dma_wait3A_246 = tpu.memref_slice %arg2[%dma_wait3A_244, %dma_wait3A_245] : memref<10000x128xf32, #tpu.memory_space<hbm>> -> memref<10000x128xf32, #tpu.memory_space<hbm>>
        tpu.wait_indirect_dma semaphore(%arg17 : memref<!tpu.dma_semaphore, #tpu.memory_space<semaphore_mem>>) src(%dma_wait3A_246 : memref<10000x128xf32, #tpu.memory_space<hbm>>) dst(%arg12 : memref<80x128xf32, #tpu.memory_space<vmem>>)
        %dma_start3A = arith.constant 0 : i32
        %dma_start3A_247 = tpu.memref_slice %arg8[%add3A_235, %dma_start3A] : memref<60x80xi32, #tpu.memory_space<vmem>> -> memref<1x80xi32, #tpu.memory_space<vmem>>
        %dma_start3A_248 = tpu.memref_squeeze %dma_start3A_247 : memref<1x80xi32, #tpu.memory_space<vmem>> -> memref<80xi32, #tpu.memory_space<vmem>>
        %dma_start3A_249 = arith.constant 0 : i32
        %dma_start3A_250 = arith.constant 0 : i32
        %dma_start3A_251 = tpu.memref_slice %arg13[%dma_start3A_249, %dma_start3A_250] : memref<10000x128xf32, #tpu.memory_space<vmem_shared>> -> memref<10000x128xf32, #tpu.memory_space<vmem_shared>>
        tpu.enqueue_indirect_dma source(%arg12 : memref<80x128xf32, #tpu.memory_space<vmem>>) target(%dma_start3A_251 : memref<10000x128xf32, #tpu.memory_space<vmem_shared>>) offsets(%dma_start3A_248 : memref<80xi32, #tpu.memory_space<vmem>>) semaphore(%arg21 : memref<!tpu.dma_semaphore, #tpu.memory_space<semaphore_mem>>) {add = true}
      } else {
      }
      %scan3A_240 = arith.constant 0 : i32
      scf.yield %scan3A_240 : i32
    }
    %scan3A_147 = arith.constant 15 : i32
    %dma_wait3A_148 = arith.constant 0 : i32
    %dma_wait3A_149 = arith.constant 0 : i32
    %dma_wait3A_150 = tpu.memref_slice %arg8[%dma_wait3A_148, %dma_wait3A_149] : memref<60x80xi32, #tpu.memory_space<vmem>> -> memref<1x80xi32, #tpu.memory_space<vmem>>
    %dma_wait3A_151 = tpu.memref_squeeze %dma_wait3A_150 : memref<1x80xi32, #tpu.memory_space<vmem>> -> memref<80xi32, #tpu.memory_space<vmem>>
    %dma_wait3A_152 = arith.constant 0 : i32
    %dma_wait3A_153 = arith.constant 0 : i32
    %dma_wait3A_154 = tpu.memref_slice %arg13[%dma_wait3A_152, %dma_wait3A_153] : memref<10000x128xf32, #tpu.memory_space<vmem_shared>> -> memref<10000x128xf32, #tpu.memory_space<vmem_shared>>
    tpu.wait_indirect_dma semaphore(%arg18 : memref<!tpu.dma_semaphore, #tpu.memory_space<semaphore_mem>>) src(%arg9 : memref<80x128xf32, #tpu.memory_space<vmem>>) dst(%dma_wait3A_154 : memref<10000x128xf32, #tpu.memory_space<vmem_shared>>)
    %dma_wait3A_155 = arith.constant 0 : i32
    %dma_wait3A_156 = arith.constant 0 : i32
    %dma_wait3A_157 = tpu.memref_slice %arg8[%dma_wait3A_155, %dma_wait3A_156] : memref<60x80xi32, #tpu.memory_space<vmem>> -> memref<1x80xi32, #tpu.memory_space<vmem>>
    %dma_wait3A_158 = tpu.memref_squeeze %dma_wait3A_157 : memref<1x80xi32, #tpu.memory_space<vmem>> -> memref<80xi32, #tpu.memory_space<vmem>>
    %dma_wait3A_159 = arith.constant 0 : i32
    %dma_wait3A_160 = arith.constant 0 : i32
    %dma_wait3A_161 = tpu.memref_slice %arg13[%dma_wait3A_159, %dma_wait3A_160] : memref<10000x128xf32, #tpu.memory_space<vmem_shared>> -> memref<10000x128xf32, #tpu.memory_space<vmem_shared>>
    tpu.wait_indirect_dma semaphore(%arg19 : memref<!tpu.dma_semaphore, #tpu.memory_space<semaphore_mem>>) src(%arg10 : memref<80x128xf32, #tpu.memory_space<vmem>>) dst(%dma_wait3A_161 : memref<10000x128xf32, #tpu.memory_space<vmem_shared>>)
    %dma_wait3A_162 = arith.constant 0 : i32
    %dma_wait3A_163 = arith.constant 0 : i32
    %dma_wait3A_164 = tpu.memref_slice %arg8[%dma_wait3A_162, %dma_wait3A_163] : memref<60x80xi32, #tpu.memory_space<vmem>> -> memref<1x80xi32, #tpu.memory_space<vmem>>
    %dma_wait3A_165 = tpu.memref_squeeze %dma_wait3A_164 : memref<1x80xi32, #tpu.memory_space<vmem>> -> memref<80xi32, #tpu.memory_space<vmem>>
    %dma_wait3A_166 = arith.constant 0 : i32
    %dma_wait3A_167 = arith.constant 0 : i32
    %dma_wait3A_168 = tpu.memref_slice %arg13[%dma_wait3A_166, %dma_wait3A_167] : memref<10000x128xf32, #tpu.memory_space<vmem_shared>> -> memref<10000x128xf32, #tpu.memory_space<vmem_shared>>
    tpu.wait_indirect_dma semaphore(%arg20 : memref<!tpu.dma_semaphore, #tpu.memory_space<semaphore_mem>>) src(%arg11 : memref<80x128xf32, #tpu.memory_space<vmem>>) dst(%dma_wait3A_168 : memref<10000x128xf32, #tpu.memory_space<vmem_shared>>)
    %dma_wait3A_169 = arith.constant 0 : i32
    %dma_wait3A_170 = arith.constant 0 : i32
    %dma_wait3A_171 = tpu.memref_slice %arg8[%dma_wait3A_169, %dma_wait3A_170] : memref<60x80xi32, #tpu.memory_space<vmem>> -> memref<1x80xi32, #tpu.memory_space<vmem>>
    %dma_wait3A_172 = tpu.memref_squeeze %dma_wait3A_171 : memref<1x80xi32, #tpu.memory_space<vmem>> -> memref<80xi32, #tpu.memory_space<vmem>>
    %dma_wait3A_173 = arith.constant 0 : i32
    %dma_wait3A_174 = arith.constant 0 : i32
    %dma_wait3A_175 = tpu.memref_slice %arg13[%dma_wait3A_173, %dma_wait3A_174] : memref<10000x128xf32, #tpu.memory_space<vmem_shared>> -> memref<10000x128xf32, #tpu.memory_space<vmem_shared>>
    tpu.wait_indirect_dma semaphore(%arg21 : memref<!tpu.dma_semaphore, #tpu.memory_space<semaphore_mem>>) src(%arg12 : memref<80x128xf32, #tpu.memory_space<vmem>>) dst(%dma_wait3A_175 : memref<10000x128xf32, #tpu.memory_space<vmem_shared>>)
    %barrier3A_176 = arith.constant 0 : index
    tpu.barrier barrier_id(%barrier3A_176)
    "tpu.region"() ({
      %run_scoped3A = tpu.sem_alloc : memref<!tpu.dma_semaphore, #tpu.memory_space<semaphore_mem>>
      %dma_start3A = arith.constant 0 : i32
      %dma_start3A_177 = tpu.memref_slice %arg6[%arg0, %mul3A_2, %dma_start3A] : memref<2x10000x128xf32, #tpu.memory_space<hbm>> -> memref<1x625x128xf32, #tpu.memory_space<hbm>>
      %dma_start3A_178 = tpu.memref_squeeze %dma_start3A_177 : memref<1x625x128xf32, #tpu.memory_space<hbm>> -> memref<625x128xf32, #tpu.memory_space<hbm>>
      %dma_start3A_179 = arith.constant 0 : i32
      %dma_start3A_180 = tpu.memref_slice %arg13[%mul3A_2, %dma_start3A_179] : memref<10000x128xf32, #tpu.memory_space<vmem_shared>> -> memref<625x128xf32, #tpu.memory_space<vmem_shared>>
      tpu.enqueue_dma source(%dma_start3A_180 : memref<625x128xf32, #tpu.memory_space<vmem_shared>>) target(%dma_start3A_178 : memref<625x128xf32, #tpu.memory_space<hbm>>) target_semaphore(%run_scoped3A : memref<!tpu.dma_semaphore, #tpu.memory_space<semaphore_mem>>)
      %dma_wait3A_181 = arith.constant 0 : i32
      %dma_wait3A_182 = tpu.memref_slice %arg6[%arg0, %mul3A_2, %dma_wait3A_181] : memref<2x10000x128xf32, #tpu.memory_space<hbm>> -> memref<1x625x128xf32, #tpu.memory_space<hbm>>
      %dma_wait3A_183 = tpu.memref_squeeze %dma_wait3A_182 : memref<1x625x128xf32, #tpu.memory_space<hbm>> -> memref<625x128xf32, #tpu.memory_space<hbm>>
      %dma_wait3A_184 = arith.constant 0 : i32
      %dma_wait3A_185 = tpu.memref_slice %arg13[%mul3A_2, %dma_wait3A_184] : memref<10000x128xf32, #tpu.memory_space<vmem_shared>> -> memref<625x128xf32, #tpu.memory_space<vmem_shared>>
      tpu.wait_dma2 semaphore(%run_scoped3A : memref<!tpu.dma_semaphore, #tpu.memory_space<semaphore_mem>>) src(%dma_wait3A_185 : memref<625x128xf32, #tpu.memory_space<vmem_shared>>) dst(%dma_wait3A_183 : memref<625x128xf32, #tpu.memory_space<hbm>>)
      tpu.yield
    }) : () -> ()
    return
  }
}

#map = affine_map<(d0, d1) -> (0, 0)>
#map1 = affine_map<(d0, d1) -> (0, 0, 0)>
module attributes {stable_mosaic.version = 14 : i64} {
  func.func @_deg_body(%arg0: i32, %arg1: i32, %arg2: memref<2560x128xi32, #tpu.memory_space<hbm>>, %arg3: memref<128x16xf32, #tpu.memory_space<hbm>>, %arg4: memref<625x16xf32, #tpu.memory_space<hbm>>, %arg5: memref<2x10000x16xf32, #tpu.memory_space<hbm>>, %arg6: memref<79x128xi32, #tpu.memory_space<vmem>>, %arg7: memref<128x16xf32, #tpu.memory_space<vmem>>, %arg8: memref<10000x16xf32, #tpu.memory_space<vmem_shared>>, %arg9: memref<!tpu.dma_semaphore, #tpu.memory_space<semaphore_mem>>) attributes {dimension_semantics = [#tpu.dimension_semantics<core_parallel>, #tpu.dimension_semantics<subcore_parallel>], iteration_bounds = array<i64: 2, 16>, scalar_prefetch = 0 : i64, scratch_operands = 4 : i64, tpu.core_type = #tpu.core_type<sc_vector_subcore>, window_params = [{transform_indices = #map}, {transform_indices = #map}, {transform_indices = #map}, {transform_indices = #map1}]} {
    %mul3A = arith.constant 16 : i32
    %mul3A_0 = arith.muli %arg0, %mul3A : i32
    %add3A = arith.addi %mul3A_0, %arg1 : i32
    %mul3A_1 = arith.constant 625 : i32
    %mul3A_2 = arith.muli %arg1, %mul3A_1 : i32
    %mul3A_3 = arith.constant 2500 : i32
    %mul3A_4 = arith.muli %add3A, %mul3A_3 : i32
    %jit3A = arith.constant 32 : i32
    %div3A = arith.divsi %mul3A_4, %jit3A : i32
    %sign3A = arith.constant 0 : i32
    %sign3A_5 = arith.cmpi sgt, %mul3A_4, %sign3A : i32
    %sign3A_6 = arith.extui %sign3A_5 : i1 to i32
    %sign3A_7 = arith.constant 0 : i32
    %sign3A_8 = arith.cmpi slt, %mul3A_4, %sign3A_7 : i32
    %sign3A_9 = arith.extui %sign3A_8 : i1 to i32
    %sign3A_10 = arith.subi %sign3A_6, %sign3A_9 : i32
    %sign3A_11 = arith.constant 0 : i32
    %sign3A_12 = arith.cmpi sgt, %jit3A, %sign3A_11 : i32
    %sign3A_13 = arith.extui %sign3A_12 : i1 to i32
    %sign3A_14 = arith.constant 0 : i32
    %sign3A_15 = arith.cmpi slt, %jit3A, %sign3A_14 : i32
    %sign3A_16 = arith.extui %sign3A_15 : i1 to i32
    %sign3A_17 = arith.subi %sign3A_13, %sign3A_16 : i32
    %ne3A = arith.cmpi ne, %sign3A_10, %sign3A_17 : i32
    %rem3A = arith.remsi %mul3A_4, %jit3A : i32
    %ne3A_18 = arith.constant 0 : i32
    %ne3A_19 = arith.cmpi ne, %rem3A, %ne3A_18 : i32
    %and3A = arith.andi %ne3A, %ne3A_19 : i1
    %sub3A = arith.constant 1 : i32
    %sub3A_20 = arith.subi %div3A, %sub3A : i32
    %select_n3A = arith.select %and3A, %sub3A_20, %div3A : i32
    %add3A_21 = arith.constant 1 : i32
    %add3A_22 = arith.addi %add3A, %add3A_21 : i32
    %mul3A_23 = arith.constant 2500 : i32
    %mul3A_24 = arith.muli %add3A_22, %mul3A_23 : i32
    %jit3A_25 = arith.constant 32 : i32
    %div3A_26 = arith.divsi %mul3A_24, %jit3A_25 : i32
    %sign3A_27 = arith.constant 0 : i32
    %sign3A_28 = arith.cmpi sgt, %mul3A_24, %sign3A_27 : i32
    %sign3A_29 = arith.extui %sign3A_28 : i1 to i32
    %sign3A_30 = arith.constant 0 : i32
    %sign3A_31 = arith.cmpi slt, %mul3A_24, %sign3A_30 : i32
    %sign3A_32 = arith.extui %sign3A_31 : i1 to i32
    %sign3A_33 = arith.subi %sign3A_29, %sign3A_32 : i32
    %sign3A_34 = arith.constant 0 : i32
    %sign3A_35 = arith.cmpi sgt, %jit3A_25, %sign3A_34 : i32
    %sign3A_36 = arith.extui %sign3A_35 : i1 to i32
    %sign3A_37 = arith.constant 0 : i32
    %sign3A_38 = arith.cmpi slt, %jit3A_25, %sign3A_37 : i32
    %sign3A_39 = arith.extui %sign3A_38 : i1 to i32
    %sign3A_40 = arith.subi %sign3A_36, %sign3A_39 : i32
    %ne3A_41 = arith.cmpi ne, %sign3A_33, %sign3A_40 : i32
    %rem3A_42 = arith.remsi %mul3A_24, %jit3A_25 : i32
    %ne3A_43 = arith.constant 0 : i32
    %ne3A_44 = arith.cmpi ne, %rem3A_42, %ne3A_43 : i32
    %and3A_45 = arith.andi %ne3A_41, %ne3A_44 : i1
    %sub3A_46 = arith.constant 1 : i32
    %sub3A_47 = arith.subi %div3A_26, %sub3A_46 : i32
    %select_n3A_48 = arith.select %and3A_45, %sub3A_47, %div3A_26 : i32
    %sub3A_49 = arith.subi %select_n3A_48, %select_n3A : i32
    "tpu.region"() ({
      %run_scoped3A = tpu.sem_alloc : memref<!tpu.dma_semaphore, #tpu.memory_space<semaphore_mem>>
      %dma_start3A = arith.constant 0 : i32
      %dma_start3A_84 = tpu.memref_slice %arg2[%select_n3A, %dma_start3A] : memref<2560x128xi32, #tpu.memory_space<hbm>> -> memref<79x128xi32, #tpu.memory_space<hbm>>
      %dma_start3A_85 = arith.constant 0 : i32
      %dma_start3A_86 = tpu.memref_slice %arg2[%select_n3A, %dma_start3A_85] : memref<2560x128xi32, #tpu.memory_space<hbm>> -> memref<79x128xi32, #tpu.memory_space<hbm>>
      tpu.enqueue_dma source(%dma_start3A_86 : memref<79x128xi32, #tpu.memory_space<hbm>>) target(%arg6 : memref<79x128xi32, #tpu.memory_space<vmem>>) target_semaphore(%run_scoped3A : memref<!tpu.dma_semaphore, #tpu.memory_space<semaphore_mem>>)
      %dma_wait3A_87 = arith.constant 0 : i32
      %dma_wait3A_88 = tpu.memref_slice %arg2[%select_n3A, %dma_wait3A_87] : memref<2560x128xi32, #tpu.memory_space<hbm>> -> memref<79x128xi32, #tpu.memory_space<hbm>>
      %dma_wait3A_89 = arith.constant 0 : i32
      %dma_wait3A_90 = tpu.memref_slice %arg2[%select_n3A, %dma_wait3A_89] : memref<2560x128xi32, #tpu.memory_space<hbm>> -> memref<79x128xi32, #tpu.memory_space<hbm>>
      tpu.wait_dma2 semaphore(%run_scoped3A : memref<!tpu.dma_semaphore, #tpu.memory_space<semaphore_mem>>) src(%dma_wait3A_90 : memref<79x128xi32, #tpu.memory_space<hbm>>) dst(%arg6 : memref<79x128xi32, #tpu.memory_space<vmem>>)
      tpu.yield
    }) : () -> ()
    "tpu.region"() ({
      %run_scoped3A = tpu.sem_alloc : memref<!tpu.dma_semaphore, #tpu.memory_space<semaphore_mem>>
      tpu.enqueue_dma source(%arg3 : memref<128x16xf32, #tpu.memory_space<hbm>>) target(%arg7 : memref<128x16xf32, #tpu.memory_space<vmem>>) target_semaphore(%run_scoped3A : memref<!tpu.dma_semaphore, #tpu.memory_space<semaphore_mem>>)
      tpu.wait_dma2 semaphore(%run_scoped3A : memref<!tpu.dma_semaphore, #tpu.memory_space<semaphore_mem>>) src(%arg3 : memref<128x16xf32, #tpu.memory_space<hbm>>) dst(%arg7 : memref<128x16xf32, #tpu.memory_space<vmem>>)
      tpu.yield
    }) : () -> ()
    "tpu.region"() ({
      %run_scoped3A = tpu.sem_alloc : memref<!tpu.dma_semaphore, #tpu.memory_space<semaphore_mem>>
      %dma_start3A = arith.constant 0 : i32
      %dma_start3A_84 = tpu.memref_slice %arg8[%mul3A_2, %dma_start3A] : memref<10000x16xf32, #tpu.memory_space<vmem_shared>> -> memref<625x16xf32, #tpu.memory_space<vmem_shared>>
      tpu.enqueue_dma source(%arg4 : memref<625x16xf32, #tpu.memory_space<hbm>>) target(%dma_start3A_84 : memref<625x16xf32, #tpu.memory_space<vmem_shared>>) target_semaphore(%run_scoped3A : memref<!tpu.dma_semaphore, #tpu.memory_space<semaphore_mem>>)
      %dma_wait3A_85 = arith.constant 0 : i32
      %dma_wait3A_86 = tpu.memref_slice %arg8[%mul3A_2, %dma_wait3A_85] : memref<10000x16xf32, #tpu.memory_space<vmem_shared>> -> memref<625x16xf32, #tpu.memory_space<vmem_shared>>
      tpu.wait_dma2 semaphore(%run_scoped3A : memref<!tpu.dma_semaphore, #tpu.memory_space<semaphore_mem>>) src(%arg4 : memref<625x16xf32, #tpu.memory_space<hbm>>) dst(%dma_wait3A_86 : memref<625x16xf32, #tpu.memory_space<vmem_shared>>)
      tpu.yield
    }) : () -> ()
    %barrier3A = arith.constant 0 : index
    tpu.barrier barrier_id(%barrier3A)
    %scan3A = arith.constant 0 : i32
    %scan3A_50 = arith.constant 0 : i32
    %scan3A_51 = arith.constant 79 : i32
    %scan3A_52 = arith.addi %scan3A_50, %scan3A_51 : i32
    %scan3A_53 = arith.constant 1 : i32
    %scan3A_54 = scf.for %scan3A_84 = %scan3A_50 to %scan3A_52 step %scan3A_53 iter_args(%scan3A_85 = %scan3A) -> (i32)  : i32 {
      %lt3A = arith.cmpi slt, %scan3A_84, %sub3A_49 : i32
      %convert_element_type3A = arith.extui %lt3A : i1 to i32
      %cond3A = arith.constant 0 : i32
      %cond3A_86 = arith.cmpi ne, %convert_element_type3A, %cond3A : i32
      scf.if %cond3A_86 {
        %ge3A = arith.constant 4 : i32
        %ge3A_88 = arith.cmpi sge, %scan3A_84, %ge3A : i32
        %convert_element_type3A_89 = arith.extui %ge3A_88 : i1 to i32
        %cond3A_90 = arith.constant 0 : i32
        %cond3A_91 = arith.cmpi ne, %convert_element_type3A_89, %cond3A_90 : i32
        scf.if %cond3A_91 {
          %dma_wait3A_97 = arith.constant 0 : i32
          %dma_wait3A_98 = arith.constant 0 : i32
          %dma_wait3A_99 = tpu.memref_slice %arg6[%dma_wait3A_97, %dma_wait3A_98] : memref<79x128xi32, #tpu.memory_space<vmem>> -> memref<1x128xi32, #tpu.memory_space<vmem>>
          %dma_wait3A_100 = tpu.memref_squeeze %dma_wait3A_99 : memref<1x128xi32, #tpu.memory_space<vmem>> -> memref<128xi32, #tpu.memory_space<vmem>>
          %dma_wait3A_101 = arith.constant 0 : i32
          %dma_wait3A_102 = arith.constant 0 : i32
          %dma_wait3A_103 = tpu.memref_slice %arg8[%dma_wait3A_101, %dma_wait3A_102] : memref<10000x16xf32, #tpu.memory_space<vmem_shared>> -> memref<10000x16xf32, #tpu.memory_space<vmem_shared>>
          tpu.wait_indirect_dma semaphore(%arg9 : memref<!tpu.dma_semaphore, #tpu.memory_space<semaphore_mem>>) src(%arg7 : memref<128x16xf32, #tpu.memory_space<vmem>>) dst(%dma_wait3A_103 : memref<10000x16xf32, #tpu.memory_space<vmem_shared>>)
        } else {
        }
        %dma_start3A = arith.constant 0 : i32
        %dma_start3A_92 = tpu.memref_slice %arg6[%scan3A_84, %dma_start3A] : memref<79x128xi32, #tpu.memory_space<vmem>> -> memref<1x128xi32, #tpu.memory_space<vmem>>
        %dma_start3A_93 = tpu.memref_squeeze %dma_start3A_92 : memref<1x128xi32, #tpu.memory_space<vmem>> -> memref<128xi32, #tpu.memory_space<vmem>>
        %dma_start3A_94 = arith.constant 0 : i32
        %dma_start3A_95 = arith.constant 0 : i32
        %dma_start3A_96 = tpu.memref_slice %arg8[%dma_start3A_94, %dma_start3A_95] : memref<10000x16xf32, #tpu.memory_space<vmem_shared>> -> memref<10000x16xf32, #tpu.memory_space<vmem_shared>>
        tpu.enqueue_indirect_dma source(%arg7 : memref<128x16xf32, #tpu.memory_space<vmem>>) target(%dma_start3A_96 : memref<10000x16xf32, #tpu.memory_space<vmem_shared>>) offsets(%dma_start3A_93 : memref<128xi32, #tpu.memory_space<vmem>>) semaphore(%arg9 : memref<!tpu.dma_semaphore, #tpu.memory_space<semaphore_mem>>) {add = true}
      } else {
      }
      %scan3A_87 = arith.constant 0 : i32
      scf.yield %scan3A_87 : i32
    }
    %scan3A_55 = arith.constant 79 : i32
    %dma_wait3A = arith.constant 0 : i32
    %dma_wait3A_56 = arith.constant 0 : i32
    %dma_wait3A_57 = tpu.memref_slice %arg6[%dma_wait3A, %dma_wait3A_56] : memref<79x128xi32, #tpu.memory_space<vmem>> -> memref<1x128xi32, #tpu.memory_space<vmem>>
    %dma_wait3A_58 = tpu.memref_squeeze %dma_wait3A_57 : memref<1x128xi32, #tpu.memory_space<vmem>> -> memref<128xi32, #tpu.memory_space<vmem>>
    %dma_wait3A_59 = arith.constant 0 : i32
    %dma_wait3A_60 = arith.constant 0 : i32
    %dma_wait3A_61 = tpu.memref_slice %arg8[%dma_wait3A_59, %dma_wait3A_60] : memref<10000x16xf32, #tpu.memory_space<vmem_shared>> -> memref<10000x16xf32, #tpu.memory_space<vmem_shared>>
    tpu.wait_indirect_dma semaphore(%arg9 : memref<!tpu.dma_semaphore, #tpu.memory_space<semaphore_mem>>) src(%arg7 : memref<128x16xf32, #tpu.memory_space<vmem>>) dst(%dma_wait3A_61 : memref<10000x16xf32, #tpu.memory_space<vmem_shared>>)
    %dma_wait3A_62 = arith.constant 0 : i32
    %dma_wait3A_63 = arith.constant 0 : i32
    %dma_wait3A_64 = tpu.memref_slice %arg6[%dma_wait3A_62, %dma_wait3A_63] : memref<79x128xi32, #tpu.memory_space<vmem>> -> memref<1x128xi32, #tpu.memory_space<vmem>>
    %dma_wait3A_65 = tpu.memref_squeeze %dma_wait3A_64 : memref<1x128xi32, #tpu.memory_space<vmem>> -> memref<128xi32, #tpu.memory_space<vmem>>
    %dma_wait3A_66 = arith.constant 0 : i32
    %dma_wait3A_67 = arith.constant 0 : i32
    %dma_wait3A_68 = tpu.memref_slice %arg8[%dma_wait3A_66, %dma_wait3A_67] : memref<10000x16xf32, #tpu.memory_space<vmem_shared>> -> memref<10000x16xf32, #tpu.memory_space<vmem_shared>>
    tpu.wait_indirect_dma semaphore(%arg9 : memref<!tpu.dma_semaphore, #tpu.memory_space<semaphore_mem>>) src(%arg7 : memref<128x16xf32, #tpu.memory_space<vmem>>) dst(%dma_wait3A_68 : memref<10000x16xf32, #tpu.memory_space<vmem_shared>>)
    %dma_wait3A_69 = arith.constant 0 : i32
    %dma_wait3A_70 = arith.constant 0 : i32
    %dma_wait3A_71 = tpu.memref_slice %arg6[%dma_wait3A_69, %dma_wait3A_70] : memref<79x128xi32, #tpu.memory_space<vmem>> -> memref<1x128xi32, #tpu.memory_space<vmem>>
    %dma_wait3A_72 = tpu.memref_squeeze %dma_wait3A_71 : memref<1x128xi32, #tpu.memory_space<vmem>> -> memref<128xi32, #tpu.memory_space<vmem>>
    %dma_wait3A_73 = arith.constant 0 : i32
    %dma_wait3A_74 = arith.constant 0 : i32
    %dma_wait3A_75 = tpu.memref_slice %arg8[%dma_wait3A_73, %dma_wait3A_74] : memref<10000x16xf32, #tpu.memory_space<vmem_shared>> -> memref<10000x16xf32, #tpu.memory_space<vmem_shared>>
    tpu.wait_indirect_dma semaphore(%arg9 : memref<!tpu.dma_semaphore, #tpu.memory_space<semaphore_mem>>) src(%arg7 : memref<128x16xf32, #tpu.memory_space<vmem>>) dst(%dma_wait3A_75 : memref<10000x16xf32, #tpu.memory_space<vmem_shared>>)
    %dma_wait3A_76 = arith.constant 0 : i32
    %dma_wait3A_77 = arith.constant 0 : i32
    %dma_wait3A_78 = tpu.memref_slice %arg6[%dma_wait3A_76, %dma_wait3A_77] : memref<79x128xi32, #tpu.memory_space<vmem>> -> memref<1x128xi32, #tpu.memory_space<vmem>>
    %dma_wait3A_79 = tpu.memref_squeeze %dma_wait3A_78 : memref<1x128xi32, #tpu.memory_space<vmem>> -> memref<128xi32, #tpu.memory_space<vmem>>
    %dma_wait3A_80 = arith.constant 0 : i32
    %dma_wait3A_81 = arith.constant 0 : i32
    %dma_wait3A_82 = tpu.memref_slice %arg8[%dma_wait3A_80, %dma_wait3A_81] : memref<10000x16xf32, #tpu.memory_space<vmem_shared>> -> memref<10000x16xf32, #tpu.memory_space<vmem_shared>>
    tpu.wait_indirect_dma semaphore(%arg9 : memref<!tpu.dma_semaphore, #tpu.memory_space<semaphore_mem>>) src(%arg7 : memref<128x16xf32, #tpu.memory_space<vmem>>) dst(%dma_wait3A_82 : memref<10000x16xf32, #tpu.memory_space<vmem_shared>>)
    %barrier3A_83 = arith.constant 0 : index
    tpu.barrier barrier_id(%barrier3A_83)
    "tpu.region"() ({
      %run_scoped3A = tpu.sem_alloc : memref<!tpu.dma_semaphore, #tpu.memory_space<semaphore_mem>>
      %dma_start3A = arith.constant 0 : i32
      %dma_start3A_84 = tpu.memref_slice %arg5[%arg0, %mul3A_2, %dma_start3A] : memref<2x10000x16xf32, #tpu.memory_space<hbm>> -> memref<1x625x16xf32, #tpu.memory_space<hbm>>
      %dma_start3A_85 = tpu.memref_squeeze %dma_start3A_84 : memref<1x625x16xf32, #tpu.memory_space<hbm>> -> memref<625x16xf32, #tpu.memory_space<hbm>>
      %dma_start3A_86 = arith.constant 0 : i32
      %dma_start3A_87 = tpu.memref_slice %arg8[%mul3A_2, %dma_start3A_86] : memref<10000x16xf32, #tpu.memory_space<vmem_shared>> -> memref<625x16xf32, #tpu.memory_space<vmem_shared>>
      tpu.enqueue_dma source(%dma_start3A_87 : memref<625x16xf32, #tpu.memory_space<vmem_shared>>) target(%dma_start3A_85 : memref<625x16xf32, #tpu.memory_space<hbm>>) target_semaphore(%run_scoped3A : memref<!tpu.dma_semaphore, #tpu.memory_space<semaphore_mem>>)
      %dma_wait3A_88 = arith.constant 0 : i32
      %dma_wait3A_89 = tpu.memref_slice %arg5[%arg0, %mul3A_2, %dma_wait3A_88] : memref<2x10000x16xf32, #tpu.memory_space<hbm>> -> memref<1x625x16xf32, #tpu.memory_space<hbm>>
      %dma_wait3A_90 = tpu.memref_squeeze %dma_wait3A_89 : memref<1x625x16xf32, #tpu.memory_space<hbm>> -> memref<625x16xf32, #tpu.memory_space<hbm>>
      %dma_wait3A_91 = arith.constant 0 : i32
      %dma_wait3A_92 = tpu.memref_slice %arg8[%mul3A_2, %dma_wait3A_91] : memref<10000x16xf32, #tpu.memory_space<vmem_shared>> -> memref<625x16xf32, #tpu.memory_space<vmem_shared>>
      tpu.wait_dma2 semaphore(%run_scoped3A : memref<!tpu.dma_semaphore, #tpu.memory_space<semaphore_mem>>) src(%dma_wait3A_92 : memref<625x16xf32, #tpu.memory_space<vmem_shared>>) dst(%dma_wait3A_90 : memref<625x16xf32, #tpu.memory_space<hbm>>)
      tpu.yield
    }) : () -> ()
    return
  }
}

#map = affine_map<(d0, d1) -> (0, 0)>
#map1 = affine_map<(d0, d1) -> (0, 0, 0)>
module attributes {stable_mosaic.version = 14 : i64} {
  func.func @body(%arg0: i32, %arg1: i32, %arg2: memref<10000x64xf32, #tpu.memory_space<hbm>>, %arg3: memref<2560x128xi32, #tpu.memory_space<hbm>>, %arg4: memref<2560x128xi32, #tpu.memory_space<hbm>>, %arg5: memref<625x64xf32, #tpu.memory_space<hbm>>, %arg6: memref<2x10000x64xf32, #tpu.memory_space<hbm>>, %arg7: memref<80x128xi32, #tpu.memory_space<vmem>>, %arg8: memref<80x128xi32, #tpu.memory_space<vmem>>, %arg9: memref<128x64xf32, #tpu.memory_space<vmem>>, %arg10: memref<128x64xf32, #tpu.memory_space<vmem>>, %arg11: memref<128x64xf32, #tpu.memory_space<vmem>>, %arg12: memref<128x64xf32, #tpu.memory_space<vmem>>, %arg13: memref<128x64xf32, #tpu.memory_space<vmem>>, %arg14: memref<128x64xf32, #tpu.memory_space<vmem>>, %arg15: memref<128x64xf32, #tpu.memory_space<vmem>>, %arg16: memref<128x64xf32, #tpu.memory_space<vmem>>, %arg17: memref<10000x64xf32, #tpu.memory_space<vmem_shared>>, %arg18: memref<!tpu.dma_semaphore, #tpu.memory_space<semaphore_mem>>, %arg19: memref<!tpu.dma_semaphore, #tpu.memory_space<semaphore_mem>>, %arg20: memref<!tpu.dma_semaphore, #tpu.memory_space<semaphore_mem>>, %arg21: memref<!tpu.dma_semaphore, #tpu.memory_space<semaphore_mem>>, %arg22: memref<!tpu.dma_semaphore, #tpu.memory_space<semaphore_mem>>, %arg23: memref<!tpu.dma_semaphore, #tpu.memory_space<semaphore_mem>>, %arg24: memref<!tpu.dma_semaphore, #tpu.memory_space<semaphore_mem>>, %arg25: memref<!tpu.dma_semaphore, #tpu.memory_space<semaphore_mem>>, %arg26: memref<!tpu.dma_semaphore, #tpu.memory_space<semaphore_mem>>, %arg27: memref<!tpu.dma_semaphore, #tpu.memory_space<semaphore_mem>>, %arg28: memref<!tpu.dma_semaphore, #tpu.memory_space<semaphore_mem>>, %arg29: memref<!tpu.dma_semaphore, #tpu.memory_space<semaphore_mem>>, %arg30: memref<!tpu.dma_semaphore, #tpu.memory_space<semaphore_mem>>, %arg31: memref<!tpu.dma_semaphore, #tpu.memory_space<semaphore_mem>>, %arg32: memref<!tpu.dma_semaphore, #tpu.memory_space<semaphore_mem>>, %arg33: memref<!tpu.dma_semaphore, #tpu.memory_space<semaphore_mem>>) attributes {dimension_semantics = [#tpu.dimension_semantics<core_parallel>, #tpu.dimension_semantics<subcore_parallel>], iteration_bounds = array<i64: 2, 16>, scalar_prefetch = 0 : i64, scratch_operands = 27 : i64, tpu.core_type = #tpu.core_type<sc_vector_subcore>, window_params = [{transform_indices = #map}, {transform_indices = #map}, {transform_indices = #map}, {transform_indices = #map}, {transform_indices = #map1}]} {
    %mul3A = arith.constant 16 : i32
    %mul3A_0 = arith.muli %arg0, %mul3A : i32
    %add3A = arith.addi %mul3A_0, %arg1 : i32
    %mul3A_1 = arith.constant 625 : i32
    %mul3A_2 = arith.muli %arg1, %mul3A_1 : i32
    %mul3A_3 = arith.constant 2500 : i32
    %mul3A_4 = arith.muli %add3A, %mul3A_3 : i32
    %jit3A = arith.constant 32 : i32
    %div3A = arith.divsi %mul3A_4, %jit3A : i32
    %sign3A = arith.constant 0 : i32
    %sign3A_5 = arith.cmpi sgt, %mul3A_4, %sign3A : i32
    %sign3A_6 = arith.extui %sign3A_5 : i1 to i32
    %sign3A_7 = arith.constant 0 : i32
    %sign3A_8 = arith.cmpi slt, %mul3A_4, %sign3A_7 : i32
    %sign3A_9 = arith.extui %sign3A_8 : i1 to i32
    %sign3A_10 = arith.subi %sign3A_6, %sign3A_9 : i32
    %sign3A_11 = arith.constant 0 : i32
    %sign3A_12 = arith.cmpi sgt, %jit3A, %sign3A_11 : i32
    %sign3A_13 = arith.extui %sign3A_12 : i1 to i32
    %sign3A_14 = arith.constant 0 : i32
    %sign3A_15 = arith.cmpi slt, %jit3A, %sign3A_14 : i32
    %sign3A_16 = arith.extui %sign3A_15 : i1 to i32
    %sign3A_17 = arith.subi %sign3A_13, %sign3A_16 : i32
    %ne3A = arith.cmpi ne, %sign3A_10, %sign3A_17 : i32
    %rem3A = arith.remsi %mul3A_4, %jit3A : i32
    %ne3A_18 = arith.constant 0 : i32
    %ne3A_19 = arith.cmpi ne, %rem3A, %ne3A_18 : i32
    %and3A = arith.andi %ne3A, %ne3A_19 : i1
    %sub3A = arith.constant 1 : i32
    %sub3A_20 = arith.subi %div3A, %sub3A : i32
    %select_n3A = arith.select %and3A, %sub3A_20, %div3A : i32
    %add3A_21 = arith.constant 1 : i32
    %add3A_22 = arith.addi %add3A, %add3A_21 : i32
    %mul3A_23 = arith.constant 2500 : i32
    %mul3A_24 = arith.muli %add3A_22, %mul3A_23 : i32
    %jit3A_25 = arith.constant 32 : i32
    %div3A_26 = arith.divsi %mul3A_24, %jit3A_25 : i32
    %sign3A_27 = arith.constant 0 : i32
    %sign3A_28 = arith.cmpi sgt, %mul3A_24, %sign3A_27 : i32
    %sign3A_29 = arith.extui %sign3A_28 : i1 to i32
    %sign3A_30 = arith.constant 0 : i32
    %sign3A_31 = arith.cmpi slt, %mul3A_24, %sign3A_30 : i32
    %sign3A_32 = arith.extui %sign3A_31 : i1 to i32
    %sign3A_33 = arith.subi %sign3A_29, %sign3A_32 : i32
    %sign3A_34 = arith.constant 0 : i32
    %sign3A_35 = arith.cmpi sgt, %jit3A_25, %sign3A_34 : i32
    %sign3A_36 = arith.extui %sign3A_35 : i1 to i32
    %sign3A_37 = arith.constant 0 : i32
    %sign3A_38 = arith.cmpi slt, %jit3A_25, %sign3A_37 : i32
    %sign3A_39 = arith.extui %sign3A_38 : i1 to i32
    %sign3A_40 = arith.subi %sign3A_36, %sign3A_39 : i32
    %ne3A_41 = arith.cmpi ne, %sign3A_33, %sign3A_40 : i32
    %rem3A_42 = arith.remsi %mul3A_24, %jit3A_25 : i32
    %ne3A_43 = arith.constant 0 : i32
    %ne3A_44 = arith.cmpi ne, %rem3A_42, %ne3A_43 : i32
    %and3A_45 = arith.andi %ne3A_41, %ne3A_44 : i1
    %sub3A_46 = arith.constant 1 : i32
    %sub3A_47 = arith.subi %div3A_26, %sub3A_46 : i32
    %select_n3A_48 = arith.select %and3A_45, %sub3A_47, %div3A_26 : i32
    %sub3A_49 = arith.subi %select_n3A_48, %select_n3A : i32
    "tpu.region"() ({
      %run_scoped3A = tpu.sem_alloc : memref<!tpu.dma_semaphore, #tpu.memory_space<semaphore_mem>>
      %dma_start3A = arith.constant 0 : i32
      %dma_start3A_119 = tpu.memref_slice %arg17[%mul3A_2, %dma_start3A] : memref<10000x64xf32, #tpu.memory_space<vmem_shared>> -> memref<625x64xf32, #tpu.memory_space<vmem_shared>>
      tpu.enqueue_dma source(%arg5 : memref<625x64xf32, #tpu.memory_space<hbm>>) target(%dma_start3A_119 : memref<625x64xf32, #tpu.memory_space<vmem_shared>>) target_semaphore(%run_scoped3A : memref<!tpu.dma_semaphore, #tpu.memory_space<semaphore_mem>>)
      %dma_wait3A_120 = arith.constant 0 : i32
      %dma_wait3A_121 = tpu.memref_slice %arg17[%mul3A_2, %dma_wait3A_120] : memref<10000x64xf32, #tpu.memory_space<vmem_shared>> -> memref<625x64xf32, #tpu.memory_space<vmem_shared>>
      tpu.wait_dma2 semaphore(%run_scoped3A : memref<!tpu.dma_semaphore, #tpu.memory_space<semaphore_mem>>) src(%arg5 : memref<625x64xf32, #tpu.memory_space<hbm>>) dst(%dma_wait3A_121 : memref<625x64xf32, #tpu.memory_space<vmem_shared>>)
      tpu.yield
    }) : () -> ()
    %barrier3A = arith.constant 0 : index
    tpu.barrier barrier_id(%barrier3A)
    %sub3A_50 = arith.constant 0 : i32
    %sub3A_51 = arith.subi %sub3A_49, %sub3A_50 : i32
    %min3A = arith.constant 80 : i32
    %min3A_52 = arith.minsi %sub3A_51, %min3A : i32
    %add3A_53 = arith.constant 0 : i32
    %add3A_54 = arith.addi %select_n3A, %add3A_53 : i32
    "tpu.region"() ({
      %run_scoped3A = tpu.sem_alloc : memref<!tpu.dma_semaphore, #tpu.memory_space<semaphore_mem>>
      %dma_start3A = arith.constant 0 : i32
      %dma_start3A_119 = tpu.memref_slice %arg3[%add3A_54, %dma_start3A] : memref<2560x128xi32, #tpu.memory_space<hbm>> -> memref<80x128xi32, #tpu.memory_space<hbm>>
      %dma_start3A_120 = arith.constant 0 : i32
      %dma_start3A_121 = tpu.memref_slice %arg3[%add3A_54, %dma_start3A_120] : memref<2560x128xi32, #tpu.memory_space<hbm>> -> memref<80x128xi32, #tpu.memory_space<hbm>>
      tpu.enqueue_dma source(%dma_start3A_121 : memref<80x128xi32, #tpu.memory_space<hbm>>) target(%arg7 : memref<80x128xi32, #tpu.memory_space<vmem>>) target_semaphore(%run_scoped3A : memref<!tpu.dma_semaphore, #tpu.memory_space<semaphore_mem>>)
      %dma_wait3A_122 = arith.constant 0 : i32
      %dma_wait3A_123 = tpu.memref_slice %arg3[%add3A_54, %dma_wait3A_122] : memref<2560x128xi32, #tpu.memory_space<hbm>> -> memref<80x128xi32, #tpu.memory_space<hbm>>
      %dma_wait3A_124 = arith.constant 0 : i32
      %dma_wait3A_125 = tpu.memref_slice %arg3[%add3A_54, %dma_wait3A_124] : memref<2560x128xi32, #tpu.memory_space<hbm>> -> memref<80x128xi32, #tpu.memory_space<hbm>>
      tpu.wait_dma2 semaphore(%run_scoped3A : memref<!tpu.dma_semaphore, #tpu.memory_space<semaphore_mem>>) src(%dma_wait3A_125 : memref<80x128xi32, #tpu.memory_space<hbm>>) dst(%arg7 : memref<80x128xi32, #tpu.memory_space<vmem>>)
      tpu.yield
    }) : () -> ()
    %add3A_55 = arith.constant 0 : i32
    %add3A_56 = arith.addi %select_n3A, %add3A_55 : i32
    "tpu.region"() ({
      %run_scoped3A = tpu.sem_alloc : memref<!tpu.dma_semaphore, #tpu.memory_space<semaphore_mem>>
      %dma_start3A = arith.constant 0 : i32
      %dma_start3A_119 = tpu.memref_slice %arg4[%add3A_56, %dma_start3A] : memref<2560x128xi32, #tpu.memory_space<hbm>> -> memref<80x128xi32, #tpu.memory_space<hbm>>
      %dma_start3A_120 = arith.constant 0 : i32
      %dma_start3A_121 = tpu.memref_slice %arg4[%add3A_56, %dma_start3A_120] : memref<2560x128xi32, #tpu.memory_space<hbm>> -> memref<80x128xi32, #tpu.memory_space<hbm>>
      tpu.enqueue_dma source(%dma_start3A_121 : memref<80x128xi32, #tpu.memory_space<hbm>>) target(%arg8 : memref<80x128xi32, #tpu.memory_space<vmem>>) target_semaphore(%run_scoped3A : memref<!tpu.dma_semaphore, #tpu.memory_space<semaphore_mem>>)
      %dma_wait3A_122 = arith.constant 0 : i32
      %dma_wait3A_123 = tpu.memref_slice %arg4[%add3A_56, %dma_wait3A_122] : memref<2560x128xi32, #tpu.memory_space<hbm>> -> memref<80x128xi32, #tpu.memory_space<hbm>>
      %dma_wait3A_124 = arith.constant 0 : i32
      %dma_wait3A_125 = tpu.memref_slice %arg4[%add3A_56, %dma_wait3A_124] : memref<2560x128xi32, #tpu.memory_space<hbm>> -> memref<80x128xi32, #tpu.memory_space<hbm>>
      tpu.wait_dma2 semaphore(%run_scoped3A : memref<!tpu.dma_semaphore, #tpu.memory_space<semaphore_mem>>) src(%dma_wait3A_125 : memref<80x128xi32, #tpu.memory_space<hbm>>) dst(%arg8 : memref<80x128xi32, #tpu.memory_space<vmem>>)
      tpu.yield
    }) : () -> ()
    %scan3A = arith.constant 0 : i32
    %scan3A_57 = arith.constant 0 : i32
    %scan3A_58 = arith.constant 10 : i32
    %scan3A_59 = arith.addi %scan3A_57, %scan3A_58 : i32
    %scan3A_60 = arith.constant 1 : i32
    %scan3A_61 = scf.for %scan3A_119 = %scan3A_57 to %scan3A_59 step %scan3A_60 iter_args(%scan3A_120 = %scan3A) -> (i32)  : i32 {
      %mul3A_121 = arith.constant 8 : i32
      %mul3A_122 = arith.muli %mul3A_121, %scan3A_119 : i32
      %add3A_123 = arith.constant 0 : i32
      %add3A_124 = arith.addi %mul3A_122, %add3A_123 : i32
      %lt3A = arith.cmpi slt, %add3A_124, %min3A_52 : i32
      %convert_element_type3A = arith.extui %lt3A : i1 to i32
      %cond3A = arith.constant 0 : i32
      %cond3A_125 = arith.cmpi ne, %convert_element_type3A, %cond3A : i32
      scf.if %cond3A_125 {
        %ge3A = arith.constant 1 : i32
        %ge3A_247 = arith.cmpi sge, %scan3A_119, %ge3A : i32
        %convert_element_type3A_248 = arith.extui %ge3A_247 : i1 to i32
        %cond3A_249 = arith.constant 0 : i32
        %cond3A_250 = arith.cmpi ne, %convert_element_type3A_248, %cond3A_249 : i32
        scf.if %cond3A_250 {
          %dma_wait3A_256 = arith.constant 0 : i32
          %dma_wait3A_257 = arith.constant 0 : i32
          %dma_wait3A_258 = tpu.memref_slice %arg8[%dma_wait3A_256, %dma_wait3A_257] : memref<80x128xi32, #tpu.memory_space<vmem>> -> memref<1x128xi32, #tpu.memory_space<vmem>>
          %dma_wait3A_259 = tpu.memref_squeeze %dma_wait3A_258 : memref<1x128xi32, #tpu.memory_space<vmem>> -> memref<128xi32, #tpu.memory_space<vmem>>
          %dma_wait3A_260 = arith.constant 0 : i32
          %dma_wait3A_261 = arith.constant 0 : i32
          %dma_wait3A_262 = tpu.memref_slice %arg17[%dma_wait3A_260, %dma_wait3A_261] : memref<10000x64xf32, #tpu.memory_space<vmem_shared>> -> memref<10000x64xf32, #tpu.memory_space<vmem_shared>>
          tpu.wait_indirect_dma semaphore(%arg26 : memref<!tpu.dma_semaphore, #tpu.memory_space<semaphore_mem>>) src(%arg9 : memref<128x64xf32, #tpu.memory_space<vmem>>) dst(%dma_wait3A_262 : memref<10000x64xf32, #tpu.memory_space<vmem_shared>>)
        } else {
        }
        %dma_start3A = arith.constant 0 : i32
        %dma_start3A_251 = tpu.memref_slice %arg7[%add3A_124, %dma_start3A] : memref<80x128xi32, #tpu.memory_space<vmem>> -> memref<1x128xi32, #tpu.memory_space<vmem>>
        %dma_start3A_252 = tpu.memref_squeeze %dma_start3A_251 : memref<1x128xi32, #tpu.memory_space<vmem>> -> memref<128xi32, #tpu.memory_space<vmem>>
        %dma_start3A_253 = arith.constant 0 : i32
        %dma_start3A_254 = arith.constant 0 : i32
        %dma_start3A_255 = tpu.memref_slice %arg2[%dma_start3A_253, %dma_start3A_254] : memref<10000x64xf32, #tpu.memory_space<hbm>> -> memref<10000x64xf32, #tpu.memory_space<hbm>>
        tpu.enqueue_indirect_dma source(%dma_start3A_255 : memref<10000x64xf32, #tpu.memory_space<hbm>>) target(%arg9 : memref<128x64xf32, #tpu.memory_space<vmem>>) offsets(%dma_start3A_252 : memref<128xi32, #tpu.memory_space<vmem>>) semaphore(%arg18 : memref<!tpu.dma_semaphore, #tpu.memory_space<semaphore_mem>>)
      } else {
      }
      %mul3A_126 = arith.constant 8 : i32
      %mul3A_127 = arith.muli %mul3A_126, %scan3A_119 : i32
      %add3A_128 = arith.constant 1 : i32
      %add3A_129 = arith.addi %mul3A_127, %add3A_128 : i32
      %lt3A_130 = arith.cmpi slt, %add3A_129, %min3A_52 : i32
      %convert_element_type3A_131 = arith.extui %lt3A_130 : i1 to i32
      %cond3A_132 = arith.constant 0 : i32
      %cond3A_133 = arith.cmpi ne, %convert_element_type3A_131, %cond3A_132 : i32
      scf.if %cond3A_133 {
        %ge3A = arith.constant 1 : i32
        %ge3A_247 = arith.cmpi sge, %scan3A_119, %ge3A : i32
        %convert_element_type3A_248 = arith.extui %ge3A_247 : i1 to i32
        %cond3A_249 = arith.constant 0 : i32
        %cond3A_250 = arith.cmpi ne, %convert_element_type3A_248, %cond3A_249 : i32
        scf.if %cond3A_250 {
          %dma_wait3A_256 = arith.constant 0 : i32
          %dma_wait3A_257 = arith.constant 0 : i32
          %dma_wait3A_258 = tpu.memref_slice %arg8[%dma_wait3A_256, %dma_wait3A_257] : memref<80x128xi32, #tpu.memory_space<vmem>> -> memref<1x128xi32, #tpu.memory_space<vmem>>
          %dma_wait3A_259 = tpu.memref_squeeze %dma_wait3A_258 : memref<1x128xi32, #tpu.memory_space<vmem>> -> memref<128xi32, #tpu.memory_space<vmem>>
          %dma_wait3A_260 = arith.constant 0 : i32
          %dma_wait3A_261 = arith.constant 0 : i32
          %dma_wait3A_262 = tpu.memref_slice %arg17[%dma_wait3A_260, %dma_wait3A_261] : memref<10000x64xf32, #tpu.memory_space<vmem_shared>> -> memref<10000x64xf32, #tpu.memory_space<vmem_shared>>
          tpu.wait_indirect_dma semaphore(%arg27 : memref<!tpu.dma_semaphore, #tpu.memory_space<semaphore_mem>>) src(%arg10 : memref<128x64xf32, #tpu.memory_space<vmem>>) dst(%dma_wait3A_262 : memref<10000x64xf32, #tpu.memory_space<vmem_shared>>)
        } else {
        }
        %dma_start3A = arith.constant 0 : i32
        %dma_start3A_251 = tpu.memref_slice %arg7[%add3A_129, %dma_start3A] : memref<80x128xi32, #tpu.memory_space<vmem>> -> memref<1x128xi32, #tpu.memory_space<vmem>>
        %dma_start3A_252 = tpu.memref_squeeze %dma_start3A_251 : memref<1x128xi32, #tpu.memory_space<vmem>> -> memref<128xi32, #tpu.memory_space<vmem>>
        %dma_start3A_253 = arith.constant 0 : i32
        %dma_start3A_254 = arith.constant 0 : i32
        %dma_start3A_255 = tpu.memref_slice %arg2[%dma_start3A_253, %dma_start3A_254] : memref<10000x64xf32, #tpu.memory_space<hbm>> -> memref<10000x64xf32, #tpu.memory_space<hbm>>
        tpu.enqueue_indirect_dma source(%dma_start3A_255 : memref<10000x64xf32, #tpu.memory_space<hbm>>) target(%arg10 : memref<128x64xf32, #tpu.memory_space<vmem>>) offsets(%dma_start3A_252 : memref<128xi32, #tpu.memory_space<vmem>>) semaphore(%arg19 : memref<!tpu.dma_semaphore, #tpu.memory_space<semaphore_mem>>)
      } else {
      }
      %mul3A_134 = arith.constant 8 : i32
      %mul3A_135 = arith.muli %mul3A_134, %scan3A_119 : i32
      %add3A_136 = arith.constant 2 : i32
      %add3A_137 = arith.addi %mul3A_135, %add3A_136 : i32
      %lt3A_138 = arith.cmpi slt, %add3A_137, %min3A_52 : i32
      %convert_element_type3A_139 = arith.extui %lt3A_138 : i1 to i32
      %cond3A_140 = arith.constant 0 : i32
      %cond3A_141 = arith.cmpi ne, %convert_element_type3A_139, %cond3A_140 : i32
      scf.if %cond3A_141 {
        %ge3A = arith.constant 1 : i32
        %ge3A_247 = arith.cmpi sge, %scan3A_119, %ge3A : i32
        %convert_element_type3A_248 = arith.extui %ge3A_247 : i1 to i32
        %cond3A_249 = arith.constant 0 : i32
        %cond3A_250 = arith.cmpi ne, %convert_element_type3A_248, %cond3A_249 : i32
        scf.if %cond3A_250 {
          %dma_wait3A_256 = arith.constant 0 : i32
          %dma_wait3A_257 = arith.constant 0 : i32
          %dma_wait3A_258 = tpu.memref_slice %arg8[%dma_wait3A_256, %dma_wait3A_257] : memref<80x128xi32, #tpu.memory_space<vmem>> -> memref<1x128xi32, #tpu.memory_space<vmem>>
          %dma_wait3A_259 = tpu.memref_squeeze %dma_wait3A_258 : memref<1x128xi32, #tpu.memory_space<vmem>> -> memref<128xi32, #tpu.memory_space<vmem>>
          %dma_wait3A_260 = arith.constant 0 : i32
          %dma_wait3A_261 = arith.constant 0 : i32
          %dma_wait3A_262 = tpu.memref_slice %arg17[%dma_wait3A_260, %dma_wait3A_261] : memref<10000x64xf32, #tpu.memory_space<vmem_shared>> -> memref<10000x64xf32, #tpu.memory_space<vmem_shared>>
          tpu.wait_indirect_dma semaphore(%arg28 : memref<!tpu.dma_semaphore, #tpu.memory_space<semaphore_mem>>) src(%arg11 : memref<128x64xf32, #tpu.memory_space<vmem>>) dst(%dma_wait3A_262 : memref<10000x64xf32, #tpu.memory_space<vmem_shared>>)
        } else {
        }
        %dma_start3A = arith.constant 0 : i32
        %dma_start3A_251 = tpu.memref_slice %arg7[%add3A_137, %dma_start3A] : memref<80x128xi32, #tpu.memory_space<vmem>> -> memref<1x128xi32, #tpu.memory_space<vmem>>
        %dma_start3A_252 = tpu.memref_squeeze %dma_start3A_251 : memref<1x128xi32, #tpu.memory_space<vmem>> -> memref<128xi32, #tpu.memory_space<vmem>>
        %dma_start3A_253 = arith.constant 0 : i32
        %dma_start3A_254 = arith.constant 0 : i32
        %dma_start3A_255 = tpu.memref_slice %arg2[%dma_start3A_253, %dma_start3A_254] : memref<10000x64xf32, #tpu.memory_space<hbm>> -> memref<10000x64xf32, #tpu.memory_space<hbm>>
        tpu.enqueue_indirect_dma source(%dma_start3A_255 : memref<10000x64xf32, #tpu.memory_space<hbm>>) target(%arg11 : memref<128x64xf32, #tpu.memory_space<vmem>>) offsets(%dma_start3A_252 : memref<128xi32, #tpu.memory_space<vmem>>) semaphore(%arg20 : memref<!tpu.dma_semaphore, #tpu.memory_space<semaphore_mem>>)
      } else {
      }
      %mul3A_142 = arith.constant 8 : i32
      %mul3A_143 = arith.muli %mul3A_142, %scan3A_119 : i32
      %add3A_144 = arith.constant 3 : i32
      %add3A_145 = arith.addi %mul3A_143, %add3A_144 : i32
      %lt3A_146 = arith.cmpi slt, %add3A_145, %min3A_52 : i32
      %convert_element_type3A_147 = arith.extui %lt3A_146 : i1 to i32
      %cond3A_148 = arith.constant 0 : i32
      %cond3A_149 = arith.cmpi ne, %convert_element_type3A_147, %cond3A_148 : i32
      scf.if %cond3A_149 {
        %ge3A = arith.constant 1 : i32
        %ge3A_247 = arith.cmpi sge, %scan3A_119, %ge3A : i32
        %convert_element_type3A_248 = arith.extui %ge3A_247 : i1 to i32
        %cond3A_249 = arith.constant 0 : i32
        %cond3A_250 = arith.cmpi ne, %convert_element_type3A_248, %cond3A_249 : i32
        scf.if %cond3A_250 {
          %dma_wait3A_256 = arith.constant 0 : i32
          %dma_wait3A_257 = arith.constant 0 : i32
          %dma_wait3A_258 = tpu.memref_slice %arg8[%dma_wait3A_256, %dma_wait3A_257] : memref<80x128xi32, #tpu.memory_space<vmem>> -> memref<1x128xi32, #tpu.memory_space<vmem>>
          %dma_wait3A_259 = tpu.memref_squeeze %dma_wait3A_258 : memref<1x128xi32, #tpu.memory_space<vmem>> -> memref<128xi32, #tpu.memory_space<vmem>>
          %dma_wait3A_260 = arith.constant 0 : i32
          %dma_wait3A_261 = arith.constant 0 : i32
          %dma_wait3A_262 = tpu.memref_slice %arg17[%dma_wait3A_260, %dma_wait3A_261] : memref<10000x64xf32, #tpu.memory_space<vmem_shared>> -> memref<10000x64xf32, #tpu.memory_space<vmem_shared>>
          tpu.wait_indirect_dma semaphore(%arg29 : memref<!tpu.dma_semaphore, #tpu.memory_space<semaphore_mem>>) src(%arg12 : memref<128x64xf32, #tpu.memory_space<vmem>>) dst(%dma_wait3A_262 : memref<10000x64xf32, #tpu.memory_space<vmem_shared>>)
        } else {
        }
        %dma_start3A = arith.constant 0 : i32
        %dma_start3A_251 = tpu.memref_slice %arg7[%add3A_145, %dma_start3A] : memref<80x128xi32, #tpu.memory_space<vmem>> -> memref<1x128xi32, #tpu.memory_space<vmem>>
        %dma_start3A_252 = tpu.memref_squeeze %dma_start3A_251 : memref<1x128xi32, #tpu.memory_space<vmem>> -> memref<128xi32, #tpu.memory_space<vmem>>
        %dma_start3A_253 = arith.constant 0 : i32
        %dma_start3A_254 = arith.constant 0 : i32
        %dma_start3A_255 = tpu.memref_slice %arg2[%dma_start3A_253, %dma_start3A_254] : memref<10000x64xf32, #tpu.memory_space<hbm>> -> memref<10000x64xf32, #tpu.memory_space<hbm>>
        tpu.enqueue_indirect_dma source(%dma_start3A_255 : memref<10000x64xf32, #tpu.memory_space<hbm>>) target(%arg12 : memref<128x64xf32, #tpu.memory_space<vmem>>) offsets(%dma_start3A_252 : memref<128xi32, #tpu.memory_space<vmem>>) semaphore(%arg21 : memref<!tpu.dma_semaphore, #tpu.memory_space<semaphore_mem>>)
      } else {
      }
      %mul3A_150 = arith.constant 8 : i32
      %mul3A_151 = arith.muli %mul3A_150, %scan3A_119 : i32
      %add3A_152 = arith.constant 4 : i32
      %add3A_153 = arith.addi %mul3A_151, %add3A_152 : i32
      %lt3A_154 = arith.cmpi slt, %add3A_153, %min3A_52 : i32
      %convert_element_type3A_155 = arith.extui %lt3A_154 : i1 to i32
      %cond3A_156 = arith.constant 0 : i32
      %cond3A_157 = arith.cmpi ne, %convert_element_type3A_155, %cond3A_156 : i32
      scf.if %cond3A_157 {
        %ge3A = arith.constant 1 : i32
        %ge3A_247 = arith.cmpi sge, %scan3A_119, %ge3A : i32
        %convert_element_type3A_248 = arith.extui %ge3A_247 : i1 to i32
        %cond3A_249 = arith.constant 0 : i32
        %cond3A_250 = arith.cmpi ne, %convert_element_type3A_248, %cond3A_249 : i32
        scf.if %cond3A_250 {
          %dma_wait3A_256 = arith.constant 0 : i32
          %dma_wait3A_257 = arith.constant 0 : i32
          %dma_wait3A_258 = tpu.memref_slice %arg8[%dma_wait3A_256, %dma_wait3A_257] : memref<80x128xi32, #tpu.memory_space<vmem>> -> memref<1x128xi32, #tpu.memory_space<vmem>>
          %dma_wait3A_259 = tpu.memref_squeeze %dma_wait3A_258 : memref<1x128xi32, #tpu.memory_space<vmem>> -> memref<128xi32, #tpu.memory_space<vmem>>
          %dma_wait3A_260 = arith.constant 0 : i32
          %dma_wait3A_261 = arith.constant 0 : i32
          %dma_wait3A_262 = tpu.memref_slice %arg17[%dma_wait3A_260, %dma_wait3A_261] : memref<10000x64xf32, #tpu.memory_space<vmem_shared>> -> memref<10000x64xf32, #tpu.memory_space<vmem_shared>>
          tpu.wait_indirect_dma semaphore(%arg30 : memref<!tpu.dma_semaphore, #tpu.memory_space<semaphore_mem>>) src(%arg13 : memref<128x64xf32, #tpu.memory_space<vmem>>) dst(%dma_wait3A_262 : memref<10000x64xf32, #tpu.memory_space<vmem_shared>>)
        } else {
        }
        %dma_start3A = arith.constant 0 : i32
        %dma_start3A_251 = tpu.memref_slice %arg7[%add3A_153, %dma_start3A] : memref<80x128xi32, #tpu.memory_space<vmem>> -> memref<1x128xi32, #tpu.memory_space<vmem>>
        %dma_start3A_252 = tpu.memref_squeeze %dma_start3A_251 : memref<1x128xi32, #tpu.memory_space<vmem>> -> memref<128xi32, #tpu.memory_space<vmem>>
        %dma_start3A_253 = arith.constant 0 : i32
        %dma_start3A_254 = arith.constant 0 : i32
        %dma_start3A_255 = tpu.memref_slice %arg2[%dma_start3A_253, %dma_start3A_254] : memref<10000x64xf32, #tpu.memory_space<hbm>> -> memref<10000x64xf32, #tpu.memory_space<hbm>>
        tpu.enqueue_indirect_dma source(%dma_start3A_255 : memref<10000x64xf32, #tpu.memory_space<hbm>>) target(%arg13 : memref<128x64xf32, #tpu.memory_space<vmem>>) offsets(%dma_start3A_252 : memref<128xi32, #tpu.memory_space<vmem>>) semaphore(%arg22 : memref<!tpu.dma_semaphore, #tpu.memory_space<semaphore_mem>>)
      } else {
      }
      %mul3A_158 = arith.constant 8 : i32
      %mul3A_159 = arith.muli %mul3A_158, %scan3A_119 : i32
      %add3A_160 = arith.constant 5 : i32
      %add3A_161 = arith.addi %mul3A_159, %add3A_160 : i32
      %lt3A_162 = arith.cmpi slt, %add3A_161, %min3A_52 : i32
      %convert_element_type3A_163 = arith.extui %lt3A_162 : i1 to i32
      %cond3A_164 = arith.constant 0 : i32
      %cond3A_165 = arith.cmpi ne, %convert_element_type3A_163, %cond3A_164 : i32
      scf.if %cond3A_165 {
        %ge3A = arith.constant 1 : i32
        %ge3A_247 = arith.cmpi sge, %scan3A_119, %ge3A : i32
        %convert_element_type3A_248 = arith.extui %ge3A_247 : i1 to i32
        %cond3A_249 = arith.constant 0 : i32
        %cond3A_250 = arith.cmpi ne, %convert_element_type3A_248, %cond3A_249 : i32
        scf.if %cond3A_250 {
          %dma_wait3A_256 = arith.constant 0 : i32
          %dma_wait3A_257 = arith.constant 0 : i32
          %dma_wait3A_258 = tpu.memref_slice %arg8[%dma_wait3A_256, %dma_wait3A_257] : memref<80x128xi32, #tpu.memory_space<vmem>> -> memref<1x128xi32, #tpu.memory_space<vmem>>
          %dma_wait3A_259 = tpu.memref_squeeze %dma_wait3A_258 : memref<1x128xi32, #tpu.memory_space<vmem>> -> memref<128xi32, #tpu.memory_space<vmem>>
          %dma_wait3A_260 = arith.constant 0 : i32
          %dma_wait3A_261 = arith.constant 0 : i32
          %dma_wait3A_262 = tpu.memref_slice %arg17[%dma_wait3A_260, %dma_wait3A_261] : memref<10000x64xf32, #tpu.memory_space<vmem_shared>> -> memref<10000x64xf32, #tpu.memory_space<vmem_shared>>
          tpu.wait_indirect_dma semaphore(%arg31 : memref<!tpu.dma_semaphore, #tpu.memory_space<semaphore_mem>>) src(%arg14 : memref<128x64xf32, #tpu.memory_space<vmem>>) dst(%dma_wait3A_262 : memref<10000x64xf32, #tpu.memory_space<vmem_shared>>)
        } else {
        }
        %dma_start3A = arith.constant 0 : i32
        %dma_start3A_251 = tpu.memref_slice %arg7[%add3A_161, %dma_start3A] : memref<80x128xi32, #tpu.memory_space<vmem>> -> memref<1x128xi32, #tpu.memory_space<vmem>>
        %dma_start3A_252 = tpu.memref_squeeze %dma_start3A_251 : memref<1x128xi32, #tpu.memory_space<vmem>> -> memref<128xi32, #tpu.memory_space<vmem>>
        %dma_start3A_253 = arith.constant 0 : i32
        %dma_start3A_254 = arith.constant 0 : i32
        %dma_start3A_255 = tpu.memref_slice %arg2[%dma_start3A_253, %dma_start3A_254] : memref<10000x64xf32, #tpu.memory_space<hbm>> -> memref<10000x64xf32, #tpu.memory_space<hbm>>
        tpu.enqueue_indirect_dma source(%dma_start3A_255 : memref<10000x64xf32, #tpu.memory_space<hbm>>) target(%arg14 : memref<128x64xf32, #tpu.memory_space<vmem>>) offsets(%dma_start3A_252 : memref<128xi32, #tpu.memory_space<vmem>>) semaphore(%arg23 : memref<!tpu.dma_semaphore, #tpu.memory_space<semaphore_mem>>)
      } else {
      }
      %mul3A_166 = arith.constant 8 : i32
      %mul3A_167 = arith.muli %mul3A_166, %scan3A_119 : i32
      %add3A_168 = arith.constant 6 : i32
      %add3A_169 = arith.addi %mul3A_167, %add3A_168 : i32
      %lt3A_170 = arith.cmpi slt, %add3A_169, %min3A_52 : i32
      %convert_element_type3A_171 = arith.extui %lt3A_170 : i1 to i32
      %cond3A_172 = arith.constant 0 : i32
      %cond3A_173 = arith.cmpi ne, %convert_element_type3A_171, %cond3A_172 : i32
      scf.if %cond3A_173 {
        %ge3A = arith.constant 1 : i32
        %ge3A_247 = arith.cmpi sge, %scan3A_119, %ge3A : i32
        %convert_element_type3A_248 = arith.extui %ge3A_247 : i1 to i32
        %cond3A_249 = arith.constant 0 : i32
        %cond3A_250 = arith.cmpi ne, %convert_element_type3A_248, %cond3A_249 : i32
        scf.if %cond3A_250 {
          %dma_wait3A_256 = arith.constant 0 : i32
          %dma_wait3A_257 = arith.constant 0 : i32
          %dma_wait3A_258 = tpu.memref_slice %arg8[%dma_wait3A_256, %dma_wait3A_257] : memref<80x128xi32, #tpu.memory_space<vmem>> -> memref<1x128xi32, #tpu.memory_space<vmem>>
          %dma_wait3A_259 = tpu.memref_squeeze %dma_wait3A_258 : memref<1x128xi32, #tpu.memory_space<vmem>> -> memref<128xi32, #tpu.memory_space<vmem>>
          %dma_wait3A_260 = arith.constant 0 : i32
          %dma_wait3A_261 = arith.constant 0 : i32
          %dma_wait3A_262 = tpu.memref_slice %arg17[%dma_wait3A_260, %dma_wait3A_261] : memref<10000x64xf32, #tpu.memory_space<vmem_shared>> -> memref<10000x64xf32, #tpu.memory_space<vmem_shared>>
          tpu.wait_indirect_dma semaphore(%arg32 : memref<!tpu.dma_semaphore, #tpu.memory_space<semaphore_mem>>) src(%arg15 : memref<128x64xf32, #tpu.memory_space<vmem>>) dst(%dma_wait3A_262 : memref<10000x64xf32, #tpu.memory_space<vmem_shared>>)
        } else {
        }
        %dma_start3A = arith.constant 0 : i32
        %dma_start3A_251 = tpu.memref_slice %arg7[%add3A_169, %dma_start3A] : memref<80x128xi32, #tpu.memory_space<vmem>> -> memref<1x128xi32, #tpu.memory_space<vmem>>
        %dma_start3A_252 = tpu.memref_squeeze %dma_start3A_251 : memref<1x128xi32, #tpu.memory_space<vmem>> -> memref<128xi32, #tpu.memory_space<vmem>>
        %dma_start3A_253 = arith.constant 0 : i32
        %dma_start3A_254 = arith.constant 0 : i32
        %dma_start3A_255 = tpu.memref_slice %arg2[%dma_start3A_253, %dma_start3A_254] : memref<10000x64xf32, #tpu.memory_space<hbm>> -> memref<10000x64xf32, #tpu.memory_space<hbm>>
        tpu.enqueue_indirect_dma source(%dma_start3A_255 : memref<10000x64xf32, #tpu.memory_space<hbm>>) target(%arg15 : memref<128x64xf32, #tpu.memory_space<vmem>>) offsets(%dma_start3A_252 : memref<128xi32, #tpu.memory_space<vmem>>) semaphore(%arg24 : memref<!tpu.dma_semaphore, #tpu.memory_space<semaphore_mem>>)
      } else {
      }
      %mul3A_174 = arith.constant 8 : i32
      %mul3A_175 = arith.muli %mul3A_174, %scan3A_119 : i32
      %add3A_176 = arith.constant 7 : i32
      %add3A_177 = arith.addi %mul3A_175, %add3A_176 : i32
      %lt3A_178 = arith.cmpi slt, %add3A_177, %min3A_52 : i32
      %convert_element_type3A_179 = arith.extui %lt3A_178 : i1 to i32
      %cond3A_180 = arith.constant 0 : i32
      %cond3A_181 = arith.cmpi ne, %convert_element_type3A_179, %cond3A_180 : i32
      scf.if %cond3A_181 {
        %ge3A = arith.constant 1 : i32
        %ge3A_247 = arith.cmpi sge, %scan3A_119, %ge3A : i32
        %convert_element_type3A_248 = arith.extui %ge3A_247 : i1 to i32
        %cond3A_249 = arith.constant 0 : i32
        %cond3A_250 = arith.cmpi ne, %convert_element_type3A_248, %cond3A_249 : i32
        scf.if %cond3A_250 {
          %dma_wait3A_256 = arith.constant 0 : i32
          %dma_wait3A_257 = arith.constant 0 : i32
          %dma_wait3A_258 = tpu.memref_slice %arg8[%dma_wait3A_256, %dma_wait3A_257] : memref<80x128xi32, #tpu.memory_space<vmem>> -> memref<1x128xi32, #tpu.memory_space<vmem>>
          %dma_wait3A_259 = tpu.memref_squeeze %dma_wait3A_258 : memref<1x128xi32, #tpu.memory_space<vmem>> -> memref<128xi32, #tpu.memory_space<vmem>>
          %dma_wait3A_260 = arith.constant 0 : i32
          %dma_wait3A_261 = arith.constant 0 : i32
          %dma_wait3A_262 = tpu.memref_slice %arg17[%dma_wait3A_260, %dma_wait3A_261] : memref<10000x64xf32, #tpu.memory_space<vmem_shared>> -> memref<10000x64xf32, #tpu.memory_space<vmem_shared>>
          tpu.wait_indirect_dma semaphore(%arg33 : memref<!tpu.dma_semaphore, #tpu.memory_space<semaphore_mem>>) src(%arg16 : memref<128x64xf32, #tpu.memory_space<vmem>>) dst(%dma_wait3A_262 : memref<10000x64xf32, #tpu.memory_space<vmem_shared>>)
        } else {
        }
        %dma_start3A = arith.constant 0 : i32
        %dma_start3A_251 = tpu.memref_slice %arg7[%add3A_177, %dma_start3A] : memref<80x128xi32, #tpu.memory_space<vmem>> -> memref<1x128xi32, #tpu.memory_space<vmem>>
        %dma_start3A_252 = tpu.memref_squeeze %dma_start3A_251 : memref<1x128xi32, #tpu.memory_space<vmem>> -> memref<128xi32, #tpu.memory_space<vmem>>
        %dma_start3A_253 = arith.constant 0 : i32
        %dma_start3A_254 = arith.constant 0 : i32
        %dma_start3A_255 = tpu.memref_slice %arg2[%dma_start3A_253, %dma_start3A_254] : memref<10000x64xf32, #tpu.memory_space<hbm>> -> memref<10000x64xf32, #tpu.memory_space<hbm>>
        tpu.enqueue_indirect_dma source(%dma_start3A_255 : memref<10000x64xf32, #tpu.memory_space<hbm>>) target(%arg16 : memref<128x64xf32, #tpu.memory_space<vmem>>) offsets(%dma_start3A_252 : memref<128xi32, #tpu.memory_space<vmem>>) semaphore(%arg25 : memref<!tpu.dma_semaphore, #tpu.memory_space<semaphore_mem>>)
      } else {
      }
      %mul3A_182 = arith.constant 8 : i32
      %mul3A_183 = arith.muli %mul3A_182, %scan3A_119 : i32
      %add3A_184 = arith.constant 0 : i32
      %add3A_185 = arith.addi %mul3A_183, %add3A_184 : i32
      %lt3A_186 = arith.cmpi slt, %add3A_185, %min3A_52 : i32
      %convert_element_type3A_187 = arith.extui %lt3A_186 : i1 to i32
      %cond3A_188 = arith.constant 0 : i32
      %cond3A_189 = arith.cmpi ne, %convert_element_type3A_187, %cond3A_188 : i32
      scf.if %cond3A_189 {
        %dma_wait3A_247 = arith.constant 0 : i32
        %dma_wait3A_248 = tpu.memref_slice %arg7[%add3A_185, %dma_wait3A_247] : memref<80x128xi32, #tpu.memory_space<vmem>> -> memref<1x128xi32, #tpu.memory_space<vmem>>
        %dma_wait3A_249 = tpu.memref_squeeze %dma_wait3A_248 : memref<1x128xi32, #tpu.memory_space<vmem>> -> memref<128xi32, #tpu.memory_space<vmem>>
        %dma_wait3A_250 = arith.constant 0 : i32
        %dma_wait3A_251 = arith.constant 0 : i32
        %dma_wait3A_252 = tpu.memref_slice %arg2[%dma_wait3A_250, %dma_wait3A_251] : memref<10000x64xf32, #tpu.memory_space<hbm>> -> memref<10000x64xf32, #tpu.memory_space<hbm>>
        tpu.wait_indirect_dma semaphore(%arg18 : memref<!tpu.dma_semaphore, #tpu.memory_space<semaphore_mem>>) src(%dma_wait3A_252 : memref<10000x64xf32, #tpu.memory_space<hbm>>) dst(%arg9 : memref<128x64xf32, #tpu.memory_space<vmem>>)
        %dma_start3A = arith.constant 0 : i32
        %dma_start3A_253 = tpu.memref_slice %arg8[%add3A_185, %dma_start3A] : memref<80x128xi32, #tpu.memory_space<vmem>> -> memref<1x128xi32, #tpu.memory_space<vmem>>
        %dma_start3A_254 = tpu.memref_squeeze %dma_start3A_253 : memref<1x128xi32, #tpu.memory_space<vmem>> -> memref<128xi32, #tpu.memory_space<vmem>>
        %dma_start3A_255 = arith.constant 0 : i32
        %dma_start3A_256 = arith.constant 0 : i32
        %dma_start3A_257 = tpu.memref_slice %arg17[%dma_start3A_255, %dma_start3A_256] : memref<10000x64xf32, #tpu.memory_space<vmem_shared>> -> memref<10000x64xf32, #tpu.memory_space<vmem_shared>>
        tpu.enqueue_indirect_dma source(%arg9 : memref<128x64xf32, #tpu.memory_space<vmem>>) target(%dma_start3A_257 : memref<10000x64xf32, #tpu.memory_space<vmem_shared>>) offsets(%dma_start3A_254 : memref<128xi32, #tpu.memory_space<vmem>>) semaphore(%arg26 : memref<!tpu.dma_semaphore, #tpu.memory_space<semaphore_mem>>) {add = true}
      } else {
      }
      %mul3A_190 = arith.constant 8 : i32
      %mul3A_191 = arith.muli %mul3A_190, %scan3A_119 : i32
      %add3A_192 = arith.constant 1 : i32
      %add3A_193 = arith.addi %mul3A_191, %add3A_192 : i32
      %lt3A_194 = arith.cmpi slt, %add3A_193, %min3A_52 : i32
      %convert_element_type3A_195 = arith.extui %lt3A_194 : i1 to i32
      %cond3A_196 = arith.constant 0 : i32
      %cond3A_197 = arith.cmpi ne, %convert_element_type3A_195, %cond3A_196 : i32
      scf.if %cond3A_197 {
        %dma_wait3A_247 = arith.constant 0 : i32
        %dma_wait3A_248 = tpu.memref_slice %arg7[%add3A_193, %dma_wait3A_247] : memref<80x128xi32, #tpu.memory_space<vmem>> -> memref<1x128xi32, #tpu.memory_space<vmem>>
        %dma_wait3A_249 = tpu.memref_squeeze %dma_wait3A_248 : memref<1x128xi32, #tpu.memory_space<vmem>> -> memref<128xi32, #tpu.memory_space<vmem>>
        %dma_wait3A_250 = arith.constant 0 : i32
        %dma_wait3A_251 = arith.constant 0 : i32
        %dma_wait3A_252 = tpu.memref_slice %arg2[%dma_wait3A_250, %dma_wait3A_251] : memref<10000x64xf32, #tpu.memory_space<hbm>> -> memref<10000x64xf32, #tpu.memory_space<hbm>>
        tpu.wait_indirect_dma semaphore(%arg19 : memref<!tpu.dma_semaphore, #tpu.memory_space<semaphore_mem>>) src(%dma_wait3A_252 : memref<10000x64xf32, #tpu.memory_space<hbm>>) dst(%arg10 : memref<128x64xf32, #tpu.memory_space<vmem>>)
        %dma_start3A = arith.constant 0 : i32
        %dma_start3A_253 = tpu.memref_slice %arg8[%add3A_193, %dma_start3A] : memref<80x128xi32, #tpu.memory_space<vmem>> -> memref<1x128xi32, #tpu.memory_space<vmem>>
        %dma_start3A_254 = tpu.memref_squeeze %dma_start3A_253 : memref<1x128xi32, #tpu.memory_space<vmem>> -> memref<128xi32, #tpu.memory_space<vmem>>
        %dma_start3A_255 = arith.constant 0 : i32
        %dma_start3A_256 = arith.constant 0 : i32
        %dma_start3A_257 = tpu.memref_slice %arg17[%dma_start3A_255, %dma_start3A_256] : memref<10000x64xf32, #tpu.memory_space<vmem_shared>> -> memref<10000x64xf32, #tpu.memory_space<vmem_shared>>
        tpu.enqueue_indirect_dma source(%arg10 : memref<128x64xf32, #tpu.memory_space<vmem>>) target(%dma_start3A_257 : memref<10000x64xf32, #tpu.memory_space<vmem_shared>>) offsets(%dma_start3A_254 : memref<128xi32, #tpu.memory_space<vmem>>) semaphore(%arg27 : memref<!tpu.dma_semaphore, #tpu.memory_space<semaphore_mem>>) {add = true}
      } else {
      }
      %mul3A_198 = arith.constant 8 : i32
      %mul3A_199 = arith.muli %mul3A_198, %scan3A_119 : i32
      %add3A_200 = arith.constant 2 : i32
      %add3A_201 = arith.addi %mul3A_199, %add3A_200 : i32
      %lt3A_202 = arith.cmpi slt, %add3A_201, %min3A_52 : i32
      %convert_element_type3A_203 = arith.extui %lt3A_202 : i1 to i32
      %cond3A_204 = arith.constant 0 : i32
      %cond3A_205 = arith.cmpi ne, %convert_element_type3A_203, %cond3A_204 : i32
      scf.if %cond3A_205 {
        %dma_wait3A_247 = arith.constant 0 : i32
        %dma_wait3A_248 = tpu.memref_slice %arg7[%add3A_201, %dma_wait3A_247] : memref<80x128xi32, #tpu.memory_space<vmem>> -> memref<1x128xi32, #tpu.memory_space<vmem>>
        %dma_wait3A_249 = tpu.memref_squeeze %dma_wait3A_248 : memref<1x128xi32, #tpu.memory_space<vmem>> -> memref<128xi32, #tpu.memory_space<vmem>>
        %dma_wait3A_250 = arith.constant 0 : i32
        %dma_wait3A_251 = arith.constant 0 : i32
        %dma_wait3A_252 = tpu.memref_slice %arg2[%dma_wait3A_250, %dma_wait3A_251] : memref<10000x64xf32, #tpu.memory_space<hbm>> -> memref<10000x64xf32, #tpu.memory_space<hbm>>
        tpu.wait_indirect_dma semaphore(%arg20 : memref<!tpu.dma_semaphore, #tpu.memory_space<semaphore_mem>>) src(%dma_wait3A_252 : memref<10000x64xf32, #tpu.memory_space<hbm>>) dst(%arg11 : memref<128x64xf32, #tpu.memory_space<vmem>>)
        %dma_start3A = arith.constant 0 : i32
        %dma_start3A_253 = tpu.memref_slice %arg8[%add3A_201, %dma_start3A] : memref<80x128xi32, #tpu.memory_space<vmem>> -> memref<1x128xi32, #tpu.memory_space<vmem>>
        %dma_start3A_254 = tpu.memref_squeeze %dma_start3A_253 : memref<1x128xi32, #tpu.memory_space<vmem>> -> memref<128xi32, #tpu.memory_space<vmem>>
        %dma_start3A_255 = arith.constant 0 : i32
        %dma_start3A_256 = arith.constant 0 : i32
        %dma_start3A_257 = tpu.memref_slice %arg17[%dma_start3A_255, %dma_start3A_256] : memref<10000x64xf32, #tpu.memory_space<vmem_shared>> -> memref<10000x64xf32, #tpu.memory_space<vmem_shared>>
        tpu.enqueue_indirect_dma source(%arg11 : memref<128x64xf32, #tpu.memory_space<vmem>>) target(%dma_start3A_257 : memref<10000x64xf32, #tpu.memory_space<vmem_shared>>) offsets(%dma_start3A_254 : memref<128xi32, #tpu.memory_space<vmem>>) semaphore(%arg28 : memref<!tpu.dma_semaphore, #tpu.memory_space<semaphore_mem>>) {add = true}
      } else {
      }
      %mul3A_206 = arith.constant 8 : i32
      %mul3A_207 = arith.muli %mul3A_206, %scan3A_119 : i32
      %add3A_208 = arith.constant 3 : i32
      %add3A_209 = arith.addi %mul3A_207, %add3A_208 : i32
      %lt3A_210 = arith.cmpi slt, %add3A_209, %min3A_52 : i32
      %convert_element_type3A_211 = arith.extui %lt3A_210 : i1 to i32
      %cond3A_212 = arith.constant 0 : i32
      %cond3A_213 = arith.cmpi ne, %convert_element_type3A_211, %cond3A_212 : i32
      scf.if %cond3A_213 {
        %dma_wait3A_247 = arith.constant 0 : i32
        %dma_wait3A_248 = tpu.memref_slice %arg7[%add3A_209, %dma_wait3A_247] : memref<80x128xi32, #tpu.memory_space<vmem>> -> memref<1x128xi32, #tpu.memory_space<vmem>>
        %dma_wait3A_249 = tpu.memref_squeeze %dma_wait3A_248 : memref<1x128xi32, #tpu.memory_space<vmem>> -> memref<128xi32, #tpu.memory_space<vmem>>
        %dma_wait3A_250 = arith.constant 0 : i32
        %dma_wait3A_251 = arith.constant 0 : i32
        %dma_wait3A_252 = tpu.memref_slice %arg2[%dma_wait3A_250, %dma_wait3A_251] : memref<10000x64xf32, #tpu.memory_space<hbm>> -> memref<10000x64xf32, #tpu.memory_space<hbm>>
        tpu.wait_indirect_dma semaphore(%arg21 : memref<!tpu.dma_semaphore, #tpu.memory_space<semaphore_mem>>) src(%dma_wait3A_252 : memref<10000x64xf32, #tpu.memory_space<hbm>>) dst(%arg12 : memref<128x64xf32, #tpu.memory_space<vmem>>)
        %dma_start3A = arith.constant 0 : i32
        %dma_start3A_253 = tpu.memref_slice %arg8[%add3A_209, %dma_start3A] : memref<80x128xi32, #tpu.memory_space<vmem>> -> memref<1x128xi32, #tpu.memory_space<vmem>>
        %dma_start3A_254 = tpu.memref_squeeze %dma_start3A_253 : memref<1x128xi32, #tpu.memory_space<vmem>> -> memref<128xi32, #tpu.memory_space<vmem>>
        %dma_start3A_255 = arith.constant 0 : i32
        %dma_start3A_256 = arith.constant 0 : i32
        %dma_start3A_257 = tpu.memref_slice %arg17[%dma_start3A_255, %dma_start3A_256] : memref<10000x64xf32, #tpu.memory_space<vmem_shared>> -> memref<10000x64xf32, #tpu.memory_space<vmem_shared>>
        tpu.enqueue_indirect_dma source(%arg12 : memref<128x64xf32, #tpu.memory_space<vmem>>) target(%dma_start3A_257 : memref<10000x64xf32, #tpu.memory_space<vmem_shared>>) offsets(%dma_start3A_254 : memref<128xi32, #tpu.memory_space<vmem>>) semaphore(%arg29 : memref<!tpu.dma_semaphore, #tpu.memory_space<semaphore_mem>>) {add = true}
      } else {
      }
      %mul3A_214 = arith.constant 8 : i32
      %mul3A_215 = arith.muli %mul3A_214, %scan3A_119 : i32
      %add3A_216 = arith.constant 4 : i32
      %add3A_217 = arith.addi %mul3A_215, %add3A_216 : i32
      %lt3A_218 = arith.cmpi slt, %add3A_217, %min3A_52 : i32
      %convert_element_type3A_219 = arith.extui %lt3A_218 : i1 to i32
      %cond3A_220 = arith.constant 0 : i32
      %cond3A_221 = arith.cmpi ne, %convert_element_type3A_219, %cond3A_220 : i32
      scf.if %cond3A_221 {
        %dma_wait3A_247 = arith.constant 0 : i32
        %dma_wait3A_248 = tpu.memref_slice %arg7[%add3A_217, %dma_wait3A_247] : memref<80x128xi32, #tpu.memory_space<vmem>> -> memref<1x128xi32, #tpu.memory_space<vmem>>
        %dma_wait3A_249 = tpu.memref_squeeze %dma_wait3A_248 : memref<1x128xi32, #tpu.memory_space<vmem>> -> memref<128xi32, #tpu.memory_space<vmem>>
        %dma_wait3A_250 = arith.constant 0 : i32
        %dma_wait3A_251 = arith.constant 0 : i32
        %dma_wait3A_252 = tpu.memref_slice %arg2[%dma_wait3A_250, %dma_wait3A_251] : memref<10000x64xf32, #tpu.memory_space<hbm>> -> memref<10000x64xf32, #tpu.memory_space<hbm>>
        tpu.wait_indirect_dma semaphore(%arg22 : memref<!tpu.dma_semaphore, #tpu.memory_space<semaphore_mem>>) src(%dma_wait3A_252 : memref<10000x64xf32, #tpu.memory_space<hbm>>) dst(%arg13 : memref<128x64xf32, #tpu.memory_space<vmem>>)
        %dma_start3A = arith.constant 0 : i32
        %dma_start3A_253 = tpu.memref_slice %arg8[%add3A_217, %dma_start3A] : memref<80x128xi32, #tpu.memory_space<vmem>> -> memref<1x128xi32, #tpu.memory_space<vmem>>
        %dma_start3A_254 = tpu.memref_squeeze %dma_start3A_253 : memref<1x128xi32, #tpu.memory_space<vmem>> -> memref<128xi32, #tpu.memory_space<vmem>>
        %dma_start3A_255 = arith.constant 0 : i32
        %dma_start3A_256 = arith.constant 0 : i32
        %dma_start3A_257 = tpu.memref_slice %arg17[%dma_start3A_255, %dma_start3A_256] : memref<10000x64xf32, #tpu.memory_space<vmem_shared>> -> memref<10000x64xf32, #tpu.memory_space<vmem_shared>>
        tpu.enqueue_indirect_dma source(%arg13 : memref<128x64xf32, #tpu.memory_space<vmem>>) target(%dma_start3A_257 : memref<10000x64xf32, #tpu.memory_space<vmem_shared>>) offsets(%dma_start3A_254 : memref<128xi32, #tpu.memory_space<vmem>>) semaphore(%arg30 : memref<!tpu.dma_semaphore, #tpu.memory_space<semaphore_mem>>) {add = true}
      } else {
      }
      %mul3A_222 = arith.constant 8 : i32
      %mul3A_223 = arith.muli %mul3A_222, %scan3A_119 : i32
      %add3A_224 = arith.constant 5 : i32
      %add3A_225 = arith.addi %mul3A_223, %add3A_224 : i32
      %lt3A_226 = arith.cmpi slt, %add3A_225, %min3A_52 : i32
      %convert_element_type3A_227 = arith.extui %lt3A_226 : i1 to i32
      %cond3A_228 = arith.constant 0 : i32
      %cond3A_229 = arith.cmpi ne, %convert_element_type3A_227, %cond3A_228 : i32
      scf.if %cond3A_229 {
        %dma_wait3A_247 = arith.constant 0 : i32
        %dma_wait3A_248 = tpu.memref_slice %arg7[%add3A_225, %dma_wait3A_247] : memref<80x128xi32, #tpu.memory_space<vmem>> -> memref<1x128xi32, #tpu.memory_space<vmem>>
        %dma_wait3A_249 = tpu.memref_squeeze %dma_wait3A_248 : memref<1x128xi32, #tpu.memory_space<vmem>> -> memref<128xi32, #tpu.memory_space<vmem>>
        %dma_wait3A_250 = arith.constant 0 : i32
        %dma_wait3A_251 = arith.constant 0 : i32
        %dma_wait3A_252 = tpu.memref_slice %arg2[%dma_wait3A_250, %dma_wait3A_251] : memref<10000x64xf32, #tpu.memory_space<hbm>> -> memref<10000x64xf32, #tpu.memory_space<hbm>>
        tpu.wait_indirect_dma semaphore(%arg23 : memref<!tpu.dma_semaphore, #tpu.memory_space<semaphore_mem>>) src(%dma_wait3A_252 : memref<10000x64xf32, #tpu.memory_space<hbm>>) dst(%arg14 : memref<128x64xf32, #tpu.memory_space<vmem>>)
        %dma_start3A = arith.constant 0 : i32
        %dma_start3A_253 = tpu.memref_slice %arg8[%add3A_225, %dma_start3A] : memref<80x128xi32, #tpu.memory_space<vmem>> -> memref<1x128xi32, #tpu.memory_space<vmem>>
        %dma_start3A_254 = tpu.memref_squeeze %dma_start3A_253 : memref<1x128xi32, #tpu.memory_space<vmem>> -> memref<128xi32, #tpu.memory_space<vmem>>
        %dma_start3A_255 = arith.constant 0 : i32
        %dma_start3A_256 = arith.constant 0 : i32
        %dma_start3A_257 = tpu.memref_slice %arg17[%dma_start3A_255, %dma_start3A_256] : memref<10000x64xf32, #tpu.memory_space<vmem_shared>> -> memref<10000x64xf32, #tpu.memory_space<vmem_shared>>
        tpu.enqueue_indirect_dma source(%arg14 : memref<128x64xf32, #tpu.memory_space<vmem>>) target(%dma_start3A_257 : memref<10000x64xf32, #tpu.memory_space<vmem_shared>>) offsets(%dma_start3A_254 : memref<128xi32, #tpu.memory_space<vmem>>) semaphore(%arg31 : memref<!tpu.dma_semaphore, #tpu.memory_space<semaphore_mem>>) {add = true}
      } else {
      }
      %mul3A_230 = arith.constant 8 : i32
      %mul3A_231 = arith.muli %mul3A_230, %scan3A_119 : i32
      %add3A_232 = arith.constant 6 : i32
      %add3A_233 = arith.addi %mul3A_231, %add3A_232 : i32
      %lt3A_234 = arith.cmpi slt, %add3A_233, %min3A_52 : i32
      %convert_element_type3A_235 = arith.extui %lt3A_234 : i1 to i32
      %cond3A_236 = arith.constant 0 : i32
      %cond3A_237 = arith.cmpi ne, %convert_element_type3A_235, %cond3A_236 : i32
      scf.if %cond3A_237 {
        %dma_wait3A_247 = arith.constant 0 : i32
        %dma_wait3A_248 = tpu.memref_slice %arg7[%add3A_233, %dma_wait3A_247] : memref<80x128xi32, #tpu.memory_space<vmem>> -> memref<1x128xi32, #tpu.memory_space<vmem>>
        %dma_wait3A_249 = tpu.memref_squeeze %dma_wait3A_248 : memref<1x128xi32, #tpu.memory_space<vmem>> -> memref<128xi32, #tpu.memory_space<vmem>>
        %dma_wait3A_250 = arith.constant 0 : i32
        %dma_wait3A_251 = arith.constant 0 : i32
        %dma_wait3A_252 = tpu.memref_slice %arg2[%dma_wait3A_250, %dma_wait3A_251] : memref<10000x64xf32, #tpu.memory_space<hbm>> -> memref<10000x64xf32, #tpu.memory_space<hbm>>
        tpu.wait_indirect_dma semaphore(%arg24 : memref<!tpu.dma_semaphore, #tpu.memory_space<semaphore_mem>>) src(%dma_wait3A_252 : memref<10000x64xf32, #tpu.memory_space<hbm>>) dst(%arg15 : memref<128x64xf32, #tpu.memory_space<vmem>>)
        %dma_start3A = arith.constant 0 : i32
        %dma_start3A_253 = tpu.memref_slice %arg8[%add3A_233, %dma_start3A] : memref<80x128xi32, #tpu.memory_space<vmem>> -> memref<1x128xi32, #tpu.memory_space<vmem>>
        %dma_start3A_254 = tpu.memref_squeeze %dma_start3A_253 : memref<1x128xi32, #tpu.memory_space<vmem>> -> memref<128xi32, #tpu.memory_space<vmem>>
        %dma_start3A_255 = arith.constant 0 : i32
        %dma_start3A_256 = arith.constant 0 : i32
        %dma_start3A_257 = tpu.memref_slice %arg17[%dma_start3A_255, %dma_start3A_256] : memref<10000x64xf32, #tpu.memory_space<vmem_shared>> -> memref<10000x64xf32, #tpu.memory_space<vmem_shared>>
        tpu.enqueue_indirect_dma source(%arg15 : memref<128x64xf32, #tpu.memory_space<vmem>>) target(%dma_start3A_257 : memref<10000x64xf32, #tpu.memory_space<vmem_shared>>) offsets(%dma_start3A_254 : memref<128xi32, #tpu.memory_space<vmem>>) semaphore(%arg32 : memref<!tpu.dma_semaphore, #tpu.memory_space<semaphore_mem>>) {add = true}
      } else {
      }
      %mul3A_238 = arith.constant 8 : i32
      %mul3A_239 = arith.muli %mul3A_238, %scan3A_119 : i32
      %add3A_240 = arith.constant 7 : i32
      %add3A_241 = arith.addi %mul3A_239, %add3A_240 : i32
      %lt3A_242 = arith.cmpi slt, %add3A_241, %min3A_52 : i32
      %convert_element_type3A_243 = arith.extui %lt3A_242 : i1 to i32
      %cond3A_244 = arith.constant 0 : i32
      %cond3A_245 = arith.cmpi ne, %convert_element_type3A_243, %cond3A_244 : i32
      scf.if %cond3A_245 {
        %dma_wait3A_247 = arith.constant 0 : i32
        %dma_wait3A_248 = tpu.memref_slice %arg7[%add3A_241, %dma_wait3A_247] : memref<80x128xi32, #tpu.memory_space<vmem>> -> memref<1x128xi32, #tpu.memory_space<vmem>>
        %dma_wait3A_249 = tpu.memref_squeeze %dma_wait3A_248 : memref<1x128xi32, #tpu.memory_space<vmem>> -> memref<128xi32, #tpu.memory_space<vmem>>
        %dma_wait3A_250 = arith.constant 0 : i32
        %dma_wait3A_251 = arith.constant 0 : i32
        %dma_wait3A_252 = tpu.memref_slice %arg2[%dma_wait3A_250, %dma_wait3A_251] : memref<10000x64xf32, #tpu.memory_space<hbm>> -> memref<10000x64xf32, #tpu.memory_space<hbm>>
        tpu.wait_indirect_dma semaphore(%arg25 : memref<!tpu.dma_semaphore, #tpu.memory_space<semaphore_mem>>) src(%dma_wait3A_252 : memref<10000x64xf32, #tpu.memory_space<hbm>>) dst(%arg16 : memref<128x64xf32, #tpu.memory_space<vmem>>)
        %dma_start3A = arith.constant 0 : i32
        %dma_start3A_253 = tpu.memref_slice %arg8[%add3A_241, %dma_start3A] : memref<80x128xi32, #tpu.memory_space<vmem>> -> memref<1x128xi32, #tpu.memory_space<vmem>>
        %dma_start3A_254 = tpu.memref_squeeze %dma_start3A_253 : memref<1x128xi32, #tpu.memory_space<vmem>> -> memref<128xi32, #tpu.memory_space<vmem>>
        %dma_start3A_255 = arith.constant 0 : i32
        %dma_start3A_256 = arith.constant 0 : i32
        %dma_start3A_257 = tpu.memref_slice %arg17[%dma_start3A_255, %dma_start3A_256] : memref<10000x64xf32, #tpu.memory_space<vmem_shared>> -> memref<10000x64xf32, #tpu.memory_space<vmem_shared>>
        tpu.enqueue_indirect_dma source(%arg16 : memref<128x64xf32, #tpu.memory_space<vmem>>) target(%dma_start3A_257 : memref<10000x64xf32, #tpu.memory_space<vmem_shared>>) offsets(%dma_start3A_254 : memref<128xi32, #tpu.memory_space<vmem>>) semaphore(%arg33 : memref<!tpu.dma_semaphore, #tpu.memory_space<semaphore_mem>>) {add = true}
      } else {
      }
      %scan3A_246 = arith.constant 0 : i32
      scf.yield %scan3A_246 : i32
    }
    %scan3A_62 = arith.constant 10 : i32
    %dma_wait3A = arith.constant 0 : i32
    %dma_wait3A_63 = arith.constant 0 : i32
    %dma_wait3A_64 = tpu.memref_slice %arg8[%dma_wait3A, %dma_wait3A_63] : memref<80x128xi32, #tpu.memory_space<vmem>> -> memref<1x128xi32, #tpu.memory_space<vmem>>
    %dma_wait3A_65 = tpu.memref_squeeze %dma_wait3A_64 : memref<1x128xi32, #tpu.memory_space<vmem>> -> memref<128xi32, #tpu.memory_space<vmem>>
    %dma_wait3A_66 = arith.constant 0 : i32
    %dma_wait3A_67 = arith.constant 0 : i32
    %dma_wait3A_68 = tpu.memref_slice %arg17[%dma_wait3A_66, %dma_wait3A_67] : memref<10000x64xf32, #tpu.memory_space<vmem_shared>> -> memref<10000x64xf32, #tpu.memory_space<vmem_shared>>
    tpu.wait_indirect_dma semaphore(%arg26 : memref<!tpu.dma_semaphore, #tpu.memory_space<semaphore_mem>>) src(%arg9 : memref<128x64xf32, #tpu.memory_space<vmem>>) dst(%dma_wait3A_68 : memref<10000x64xf32, #tpu.memory_space<vmem_shared>>)
    %dma_wait3A_69 = arith.constant 0 : i32
    %dma_wait3A_70 = arith.constant 0 : i32
    %dma_wait3A_71 = tpu.memref_slice %arg8[%dma_wait3A_69, %dma_wait3A_70] : memref<80x128xi32, #tpu.memory_space<vmem>> -> memref<1x128xi32, #tpu.memory_space<vmem>>
    %dma_wait3A_72 = tpu.memref_squeeze %dma_wait3A_71 : memref<1x128xi32, #tpu.memory_space<vmem>> -> memref<128xi32, #tpu.memory_space<vmem>>
    %dma_wait3A_73 = arith.constant 0 : i32
    %dma_wait3A_74 = arith.constant 0 : i32
    %dma_wait3A_75 = tpu.memref_slice %arg17[%dma_wait3A_73, %dma_wait3A_74] : memref<10000x64xf32, #tpu.memory_space<vmem_shared>> -> memref<10000x64xf32, #tpu.memory_space<vmem_shared>>
    tpu.wait_indirect_dma semaphore(%arg27 : memref<!tpu.dma_semaphore, #tpu.memory_space<semaphore_mem>>) src(%arg10 : memref<128x64xf32, #tpu.memory_space<vmem>>) dst(%dma_wait3A_75 : memref<10000x64xf32, #tpu.memory_space<vmem_shared>>)
    %dma_wait3A_76 = arith.constant 0 : i32
    %dma_wait3A_77 = arith.constant 0 : i32
    %dma_wait3A_78 = tpu.memref_slice %arg8[%dma_wait3A_76, %dma_wait3A_77] : memref<80x128xi32, #tpu.memory_space<vmem>> -> memref<1x128xi32, #tpu.memory_space<vmem>>
    %dma_wait3A_79 = tpu.memref_squeeze %dma_wait3A_78 : memref<1x128xi32, #tpu.memory_space<vmem>> -> memref<128xi32, #tpu.memory_space<vmem>>
    %dma_wait3A_80 = arith.constant 0 : i32
    %dma_wait3A_81 = arith.constant 0 : i32
    %dma_wait3A_82 = tpu.memref_slice %arg17[%dma_wait3A_80, %dma_wait3A_81] : memref<10000x64xf32, #tpu.memory_space<vmem_shared>> -> memref<10000x64xf32, #tpu.memory_space<vmem_shared>>
    tpu.wait_indirect_dma semaphore(%arg28 : memref<!tpu.dma_semaphore, #tpu.memory_space<semaphore_mem>>) src(%arg11 : memref<128x64xf32, #tpu.memory_space<vmem>>) dst(%dma_wait3A_82 : memref<10000x64xf32, #tpu.memory_space<vmem_shared>>)
    %dma_wait3A_83 = arith.constant 0 : i32
    %dma_wait3A_84 = arith.constant 0 : i32
    %dma_wait3A_85 = tpu.memref_slice %arg8[%dma_wait3A_83, %dma_wait3A_84] : memref<80x128xi32, #tpu.memory_space<vmem>> -> memref<1x128xi32, #tpu.memory_space<vmem>>
    %dma_wait3A_86 = tpu.memref_squeeze %dma_wait3A_85 : memref<1x128xi32, #tpu.memory_space<vmem>> -> memref<128xi32, #tpu.memory_space<vmem>>
    %dma_wait3A_87 = arith.constant 0 : i32
    %dma_wait3A_88 = arith.constant 0 : i32
    %dma_wait3A_89 = tpu.memref_slice %arg17[%dma_wait3A_87, %dma_wait3A_88] : memref<10000x64xf32, #tpu.memory_space<vmem_shared>> -> memref<10000x64xf32, #tpu.memory_space<vmem_shared>>
    tpu.wait_indirect_dma semaphore(%arg29 : memref<!tpu.dma_semaphore, #tpu.memory_space<semaphore_mem>>) src(%arg12 : memref<128x64xf32, #tpu.memory_space<vmem>>) dst(%dma_wait3A_89 : memref<10000x64xf32, #tpu.memory_space<vmem_shared>>)
    %dma_wait3A_90 = arith.constant 0 : i32
    %dma_wait3A_91 = arith.constant 0 : i32
    %dma_wait3A_92 = tpu.memref_slice %arg8[%dma_wait3A_90, %dma_wait3A_91] : memref<80x128xi32, #tpu.memory_space<vmem>> -> memref<1x128xi32, #tpu.memory_space<vmem>>
    %dma_wait3A_93 = tpu.memref_squeeze %dma_wait3A_92 : memref<1x128xi32, #tpu.memory_space<vmem>> -> memref<128xi32, #tpu.memory_space<vmem>>
    %dma_wait3A_94 = arith.constant 0 : i32
    %dma_wait3A_95 = arith.constant 0 : i32
    %dma_wait3A_96 = tpu.memref_slice %arg17[%dma_wait3A_94, %dma_wait3A_95] : memref<10000x64xf32, #tpu.memory_space<vmem_shared>> -> memref<10000x64xf32, #tpu.memory_space<vmem_shared>>
    tpu.wait_indirect_dma semaphore(%arg30 : memref<!tpu.dma_semaphore, #tpu.memory_space<semaphore_mem>>) src(%arg13 : memref<128x64xf32, #tpu.memory_space<vmem>>) dst(%dma_wait3A_96 : memref<10000x64xf32, #tpu.memory_space<vmem_shared>>)
    %dma_wait3A_97 = arith.constant 0 : i32
    %dma_wait3A_98 = arith.constant 0 : i32
    %dma_wait3A_99 = tpu.memref_slice %arg8[%dma_wait3A_97, %dma_wait3A_98] : memref<80x128xi32, #tpu.memory_space<vmem>> -> memref<1x128xi32, #tpu.memory_space<vmem>>
    %dma_wait3A_100 = tpu.memref_squeeze %dma_wait3A_99 : memref<1x128xi32, #tpu.memory_space<vmem>> -> memref<128xi32, #tpu.memory_space<vmem>>
    %dma_wait3A_101 = arith.constant 0 : i32
    %dma_wait3A_102 = arith.constant 0 : i32
    %dma_wait3A_103 = tpu.memref_slice %arg17[%dma_wait3A_101, %dma_wait3A_102] : memref<10000x64xf32, #tpu.memory_space<vmem_shared>> -> memref<10000x64xf32, #tpu.memory_space<vmem_shared>>
    tpu.wait_indirect_dma semaphore(%arg31 : memref<!tpu.dma_semaphore, #tpu.memory_space<semaphore_mem>>) src(%arg14 : memref<128x64xf32, #tpu.memory_space<vmem>>) dst(%dma_wait3A_103 : memref<10000x64xf32, #tpu.memory_space<vmem_shared>>)
    %dma_wait3A_104 = arith.constant 0 : i32
    %dma_wait3A_105 = arith.constant 0 : i32
    %dma_wait3A_106 = tpu.memref_slice %arg8[%dma_wait3A_104, %dma_wait3A_105] : memref<80x128xi32, #tpu.memory_space<vmem>> -> memref<1x128xi32, #tpu.memory_space<vmem>>
    %dma_wait3A_107 = tpu.memref_squeeze %dma_wait3A_106 : memref<1x128xi32, #tpu.memory_space<vmem>> -> memref<128xi32, #tpu.memory_space<vmem>>
    %dma_wait3A_108 = arith.constant 0 : i32
    %dma_wait3A_109 = arith.constant 0 : i32
    %dma_wait3A_110 = tpu.memref_slice %arg17[%dma_wait3A_108, %dma_wait3A_109] : memref<10000x64xf32, #tpu.memory_space<vmem_shared>> -> memref<10000x64xf32, #tpu.memory_space<vmem_shared>>
    tpu.wait_indirect_dma semaphore(%arg32 : memref<!tpu.dma_semaphore, #tpu.memory_space<semaphore_mem>>) src(%arg15 : memref<128x64xf32, #tpu.memory_space<vmem>>) dst(%dma_wait3A_110 : memref<10000x64xf32, #tpu.memory_space<vmem_shared>>)
    %dma_wait3A_111 = arith.constant 0 : i32
    %dma_wait3A_112 = arith.constant 0 : i32
    %dma_wait3A_113 = tpu.memref_slice %arg8[%dma_wait3A_111, %dma_wait3A_112] : memref<80x128xi32, #tpu.memory_space<vmem>> -> memref<1x128xi32, #tpu.memory_space<vmem>>
    %dma_wait3A_114 = tpu.memref_squeeze %dma_wait3A_113 : memref<1x128xi32, #tpu.memory_space<vmem>> -> memref<128xi32, #tpu.memory_space<vmem>>
    %dma_wait3A_115 = arith.constant 0 : i32
    %dma_wait3A_116 = arith.constant 0 : i32
    %dma_wait3A_117 = tpu.memref_slice %arg17[%dma_wait3A_115, %dma_wait3A_116] : memref<10000x64xf32, #tpu.memory_space<vmem_shared>> -> memref<10000x64xf32, #tpu.memory_space<vmem_shared>>
    tpu.wait_indirect_dma semaphore(%arg33 : memref<!tpu.dma_semaphore, #tpu.memory_space<semaphore_mem>>) src(%arg16 : memref<128x64xf32, #tpu.memory_space<vmem>>) dst(%dma_wait3A_117 : memref<10000x64xf32, #tpu.memory_space<vmem_shared>>)
    %barrier3A_118 = arith.constant 0 : index
    tpu.barrier barrier_id(%barrier3A_118)
    "tpu.region"() ({
      %run_scoped3A = tpu.sem_alloc : memref<!tpu.dma_semaphore, #tpu.memory_space<semaphore_mem>>
      %dma_start3A = arith.constant 0 : i32
      %dma_start3A_119 = tpu.memref_slice %arg6[%arg0, %mul3A_2, %dma_start3A] : memref<2x10000x64xf32, #tpu.memory_space<hbm>> -> memref<1x625x64xf32, #tpu.memory_space<hbm>>
      %dma_start3A_120 = tpu.memref_squeeze %dma_start3A_119 : memref<1x625x64xf32, #tpu.memory_space<hbm>> -> memref<625x64xf32, #tpu.memory_space<hbm>>
      %dma_start3A_121 = arith.constant 0 : i32
      %dma_start3A_122 = tpu.memref_slice %arg17[%mul3A_2, %dma_start3A_121] : memref<10000x64xf32, #tpu.memory_space<vmem_shared>> -> memref<625x64xf32, #tpu.memory_space<vmem_shared>>
      tpu.enqueue_dma source(%dma_start3A_122 : memref<625x64xf32, #tpu.memory_space<vmem_shared>>) target(%dma_start3A_120 : memref<625x64xf32, #tpu.memory_space<hbm>>) target_semaphore(%run_scoped3A : memref<!tpu.dma_semaphore, #tpu.memory_space<semaphore_mem>>)
      %dma_wait3A_123 = arith.constant 0 : i32
      %dma_wait3A_124 = tpu.memref_slice %arg6[%arg0, %mul3A_2, %dma_wait3A_123] : memref<2x10000x64xf32, #tpu.memory_space<hbm>> -> memref<1x625x64xf32, #tpu.memory_space<hbm>>
      %dma_wait3A_125 = tpu.memref_squeeze %dma_wait3A_124 : memref<1x625x64xf32, #tpu.memory_space<hbm>> -> memref<625x64xf32, #tpu.memory_space<hbm>>
      %dma_wait3A_126 = arith.constant 0 : i32
      %dma_wait3A_127 = tpu.memref_slice %arg17[%mul3A_2, %dma_wait3A_126] : memref<10000x64xf32, #tpu.memory_space<vmem_shared>> -> memref<625x64xf32, #tpu.memory_space<vmem_shared>>
      tpu.wait_dma2 semaphore(%run_scoped3A : memref<!tpu.dma_semaphore, #tpu.memory_space<semaphore_mem>>) src(%dma_wait3A_127 : memref<625x64xf32, #tpu.memory_space<vmem_shared>>) dst(%dma_wait3A_125 : memref<625x64xf32, #tpu.memory_space<hbm>>)
      tpu.yield
    }) : () -> ()
    return
  }
}

module attributes {stable_mosaic.version = 14 : i64} {
  func.func @_mm1_body(%arg0: i32, %arg1: memref<5000x128xf32, #tpu.memory_space<vmem>>, %arg2: memref<128x64xf32, #tpu.memory_space<vmem>>, %arg3: memref<2x5000x16xf32, #tpu.memory_space<vmem>>, %arg4: memref<5000x64xf32, #tpu.memory_space<vmem>>) attributes {dimension_semantics = [#tpu.dimension_semantics<arbitrary>], iteration_bounds = array<i64: 2>, scalar_prefetch = 0 : i64, scratch_operands = 0 : i64, tpu.core_type = #tpu.core_type<tc>, window_params = [{transform_indices = @transform_0, window_bounds = array<i64: 5000, 128>}, {pipeline_mode = #tpu.pipeline_mode<synchronous>, transform_indices = @transform_1, window_bounds = array<i64: 128, 64>}, {transform_indices = @transform_2, window_bounds = array<i64: 2, 5000, 16>}, {transform_indices = @transform_3, window_bounds = array<i64: 5000, 64>}]} {
    %get3A = arith.constant 0 : index
    %get3A_0 = arith.constant 0 : index
    %get3A_1 = arith.constant 0 : index
    %get3A_2 = vector.load %arg3[%get3A, %get3A_0, %get3A_1] : memref<2x5000x16xf32, #tpu.memory_space<vmem>>, vector<1x5000x1xf32>
    %get3A_3 = vector.shape_cast %get3A_2 : vector<1x5000x1xf32> to vector<5000x1xf32>
    %get3A_4 = arith.constant 1 : index
    %get3A_5 = arith.constant 0 : index
    %get3A_6 = arith.constant 0 : index
    %get3A_7 = vector.load %arg3[%get3A_4, %get3A_5, %get3A_6] : memref<2x5000x16xf32, #tpu.memory_space<vmem>>, vector<1x5000x1xf32>
    %get3A_8 = vector.shape_cast %get3A_7 : vector<1x5000x1xf32> to vector<5000x1xf32>
    %add3A = arith.addf %get3A_3, %get3A_8 : vector<5000x1xf32>
    %add3A_9 = arith.constant 1.000000e+00 : f32
    %add3A_10 = vector.broadcast %add3A_9 : f32 to vector<5000x1xf32>
    %add3A_11 = arith.addf %add3A, %add3A_10 : vector<5000x1xf32>
    %rsqrt3A = math.rsqrt %add3A_11 : vector<5000x1xf32>
    %get3A_12 = arith.constant 0 : index
    %get3A_13 = arith.constant 0 : index
    %get3A_14 = vector.load %arg1[%get3A_12, %get3A_13] : memref<5000x128xf32, #tpu.memory_space<vmem>>, vector<5000x128xf32>
    %get3A_15 = arith.constant 0 : index
    %get3A_16 = arith.constant 0 : index
    %get3A_17 = vector.load %arg2[%get3A_15, %get3A_16] : memref<128x64xf32, #tpu.memory_space<vmem>>, vector<128x64xf32>
    %dot_general3A = arith.constant dense<0.000000e+00> : vector<5000x64xf32>
    %dot_general3A_18 = tpu.matmul %get3A_14, %get3A_17, %dot_general3A {dimension_numbers = #tpu.dot_dimension_numbers<[1], [0], [0], [1], [0, 0, 1, 1], [], []>, transpose_lhs_hint = false} : vector<5000x128xf32>, vector<128x64xf32>, vector<5000x64xf32> -> vector<5000x64xf32>
    %mul3A = vector.broadcast %rsqrt3A : vector<5000x1xf32> to vector<5000x64xf32>
    %mul3A_19 = arith.mulf %mul3A, %dot_general3A_18 : vector<5000x64xf32>
    %swap3A = arith.constant 0 : index
    %swap3A_20 = arith.constant 0 : index
    %swap3A_21 = vector.load %arg4[%swap3A, %swap3A_20] : memref<5000x64xf32, #tpu.memory_space<vmem>>, vector<5000x64xf32>
    tpu.vector_store %arg4[%swap3A, %swap3A_20], %mul3A_19 {strides = array<i32>} : memref<5000x64xf32, #tpu.memory_space<vmem>>, vector<5000x64xf32>,
    return
  }
  func.func @transform_0(%arg0: i32) -> (i32, i32) {
    %c0_i32 = arith.constant 0 : i32
    %c0_i32_0 = arith.constant 0 : i32
    return %arg0, %c0_i32 : i32, i32
  }
  func.func @transform_1(%arg0: i32) -> (i32, i32) {
    %c0_i32 = arith.constant 0 : i32
    %c0_i32_0 = arith.constant 0 : i32
    %c0_i32_1 = arith.constant 0 : i32
    return %c0_i32, %c0_i32_0 : i32, i32
  }
  func.func @transform_2(%arg0: i32) -> (i32, i32, i32) {
    %c0_i32 = arith.constant 0 : i32
    %c0_i32_0 = arith.constant 0 : i32
    %c0_i32_1 = arith.constant 0 : i32
    return %c0_i32, %arg0, %c0_i32_0 : i32, i32, i32
  }
  func.func @transform_3(%arg0: i32) -> (i32, i32) {
    %c0_i32 = arith.constant 0 : i32
    %c0_i32_0 = arith.constant 0 : i32
    return %arg0, %c0_i32 : i32, i32
  }
}

module attributes {stable_mosaic.version = 14 : i64} {
  func.func @_mid_body(%arg0: i32, %arg1: memref<2x5000x64xf32, #tpu.memory_space<vmem>>, %arg2: memref<5000x64xf32, #tpu.memory_space<vmem>>, %arg3: memref<2x5000x16xf32, #tpu.memory_space<vmem>>, %arg4: memref<64x128xf32, #tpu.memory_space<vmem>>, %arg5: memref<1x64xf32, #tpu.memory_space<vmem>>, %arg6: memref<5000x128xf32, #tpu.memory_space<vmem>>) attributes {dimension_semantics = [#tpu.dimension_semantics<arbitrary>], iteration_bounds = array<i64: 2>, scalar_prefetch = 0 : i64, scratch_operands = 0 : i64, tpu.core_type = #tpu.core_type<tc>, window_params = [{transform_indices = @transform_0, window_bounds = array<i64: 2, 5000, 64>}, {transform_indices = @transform_1, window_bounds = array<i64: 5000, 64>}, {transform_indices = @transform_2, window_bounds = array<i64: 2, 5000, 16>}, {pipeline_mode = #tpu.pipeline_mode<synchronous>, transform_indices = @transform_3, window_bounds = array<i64: 64, 128>}, {pipeline_mode = #tpu.pipeline_mode<synchronous>, transform_indices = @transform_4, window_bounds = array<i64: 1, 64>}, {transform_indices = @transform_5, window_bounds = array<i64: 5000, 128>}]} {
    %get3A = arith.constant 0 : index
    %get3A_0 = arith.constant 0 : index
    %get3A_1 = arith.constant 0 : index
    %get3A_2 = vector.load %arg3[%get3A, %get3A_0, %get3A_1] : memref<2x5000x16xf32, #tpu.memory_space<vmem>>, vector<1x5000x1xf32>
    %get3A_3 = vector.shape_cast %get3A_2 : vector<1x5000x1xf32> to vector<5000x1xf32>
    %get3A_4 = arith.constant 1 : index
    %get3A_5 = arith.constant 0 : index
    %get3A_6 = arith.constant 0 : index
    %get3A_7 = vector.load %arg3[%get3A_4, %get3A_5, %get3A_6] : memref<2x5000x16xf32, #tpu.memory_space<vmem>>, vector<1x5000x1xf32>
    %get3A_8 = vector.shape_cast %get3A_7 : vector<1x5000x1xf32> to vector<5000x1xf32>
    %add3A = arith.addf %get3A_3, %get3A_8 : vector<5000x1xf32>
    %add3A_9 = arith.constant 1.000000e+00 : f32
    %add3A_10 = vector.broadcast %add3A_9 : f32 to vector<5000x1xf32>
    %add3A_11 = arith.addf %add3A, %add3A_10 : vector<5000x1xf32>
    %rsqrt3A = math.rsqrt %add3A_11 : vector<5000x1xf32>
    %get3A_12 = arith.constant 0 : index
    %get3A_13 = arith.constant 0 : index
    %get3A_14 = arith.constant 0 : index
    %get3A_15 = vector.load %arg1[%get3A_12, %get3A_13, %get3A_14] : memref<2x5000x64xf32, #tpu.memory_space<vmem>>, vector<1x5000x64xf32>
    %get3A_16 = vector.shape_cast %get3A_15 : vector<1x5000x64xf32> to vector<5000x64xf32>
    %get3A_17 = arith.constant 1 : index
    %get3A_18 = arith.constant 0 : index
    %get3A_19 = arith.constant 0 : index
    %get3A_20 = vector.load %arg1[%get3A_17, %get3A_18, %get3A_19] : memref<2x5000x64xf32, #tpu.memory_space<vmem>>, vector<1x5000x64xf32>
    %get3A_21 = vector.shape_cast %get3A_20 : vector<1x5000x64xf32> to vector<5000x64xf32>
    %add3A_22 = arith.addf %get3A_16, %get3A_21 : vector<5000x64xf32>
    %get3A_23 = arith.constant 0 : index
    %get3A_24 = arith.constant 0 : index
    %get3A_25 = vector.load %arg2[%get3A_23, %get3A_24] : memref<5000x64xf32, #tpu.memory_space<vmem>>, vector<5000x64xf32>
    %add3A_26 = arith.addf %add3A_22, %get3A_25 : vector<5000x64xf32>
    %mul3A = vector.broadcast %rsqrt3A : vector<5000x1xf32> to vector<5000x64xf32>
    %mul3A_27 = arith.mulf %mul3A, %add3A_26 : vector<5000x64xf32>
    %get3A_28 = arith.constant 0 : index
    %get3A_29 = arith.constant 0 : index
    %get3A_30 = vector.load %arg5[%get3A_28, %get3A_29] : memref<1x64xf32, #tpu.memory_space<vmem>>, vector<1x64xf32>
    %add3A_31 = vector.broadcast %get3A_30 : vector<1x64xf32> to vector<5000x64xf32>
    %add3A_32 = arith.addf %mul3A_27, %add3A_31 : vector<5000x64xf32>
    %max3A = arith.constant 0.000000e+00 : f32
    %max3A_33 = vector.broadcast %max3A : f32 to vector<5000x64xf32>
    %max3A_34 = arith.maximumf %add3A_32, %max3A_33 : vector<5000x64xf32>
    %get3A_35 = arith.constant 0 : index
    %get3A_36 = arith.constant 0 : index
    %get3A_37 = vector.load %arg4[%get3A_35, %get3A_36] : memref<64x128xf32, #tpu.memory_space<vmem>>, vector<64x128xf32>
    %dot_general3A = arith.constant dense<0.000000e+00> : vector<5000x128xf32>
    %dot_general3A_38 = tpu.matmul %max3A_34, %get3A_37, %dot_general3A {dimension_numbers = #tpu.dot_dimension_numbers<[1], [0], [0], [1], [0, 0, 1, 1], [], []>, transpose_lhs_hint = false} : vector<5000x64xf32>, vector<64x128xf32>, vector<5000x128xf32> -> vector<5000x128xf32>
    %mul3A_39 = vector.broadcast %rsqrt3A : vector<5000x1xf32> to vector<5000x128xf32>
    %mul3A_40 = arith.mulf %mul3A_39, %dot_general3A_38 : vector<5000x128xf32>
    %swap3A = arith.constant 0 : index
    %swap3A_41 = arith.constant 0 : index
    %swap3A_42 = vector.load %arg6[%swap3A, %swap3A_41] : memref<5000x128xf32, #tpu.memory_space<vmem>>, vector<5000x128xf32>
    tpu.vector_store %arg6[%swap3A, %swap3A_41], %mul3A_40 {strides = array<i32>} : memref<5000x128xf32, #tpu.memory_space<vmem>>, vector<5000x128xf32>,
    return
  }
  func.func @transform_0(%arg0: i32) -> (i32, i32, i32) {
    %c0_i32 = arith.constant 0 : i32
    %c0_i32_0 = arith.constant 0 : i32
    %c0_i32_1 = arith.constant 0 : i32
    return %c0_i32, %arg0, %c0_i32_0 : i32, i32, i32
  }
  func.func @transform_1(%arg0: i32) -> (i32, i32) {
    %c0_i32 = arith.constant 0 : i32
    %c0_i32_0 = arith.constant 0 : i32
    return %arg0, %c0_i32 : i32, i32
  }
  func.func @transform_2(%arg0: i32) -> (i32, i32, i32) {
    %c0_i32 = arith.constant 0 : i32
    %c0_i32_0 = arith.constant 0 : i32
    %c0_i32_1 = arith.constant 0 : i32
    return %c0_i32, %arg0, %c0_i32_0 : i32, i32, i32
  }
  func.func @transform_3(%arg0: i32) -> (i32, i32) {
    %c0_i32 = arith.constant 0 : i32
    %c0_i32_0 = arith.constant 0 : i32
    %c0_i32_1 = arith.constant 0 : i32
    return %c0_i32, %c0_i32_0 : i32, i32
  }
  func.func @transform_4(%arg0: i32) -> (i32, i32) {
    %c0_i32 = arith.constant 0 : i32
    %c0_i32_0 = arith.constant 0 : i32
    %c0_i32_1 = arith.constant 0 : i32
    return %c0_i32, %c0_i32_0 : i32, i32
  }
  func.func @transform_5(%arg0: i32) -> (i32, i32) {
    %c0_i32 = arith.constant 0 : i32
    %c0_i32_0 = arith.constant 0 : i32
    return %arg0, %c0_i32 : i32, i32
  }
}

module attributes {stable_mosaic.version = 14 : i64} {
  func.func @_fin_body(%arg0: i32, %arg1: memref<2x5000x128xf32, #tpu.memory_space<vmem>>, %arg2: memref<5000x128xf32, #tpu.memory_space<vmem>>, %arg3: memref<2x5000x16xf32, #tpu.memory_space<vmem>>, %arg4: memref<1x128xf32, #tpu.memory_space<vmem>>, %arg5: memref<5000x1xi32, #tpu.memory_space<vmem>>, %arg6: memref<128x128xf32, #tpu.memory_space<vmem>>, %arg7: memref<1x128xf32, #tpu.memory_space<vmem>>, %arg8: memref<256x128xf32, #tpu.memory_space<vmem>>, %arg9: memref<256x128xf32, #tpu.memory_space<vmem>>, %arg10: memref<256x1xf32, #tpu.memory_space<vmem>>) attributes {dimension_semantics = [#tpu.dimension_semantics<arbitrary>], iteration_bounds = array<i64: 2>, scalar_prefetch = 0 : i64, scratch_operands = 2 : i64, tpu.core_type = #tpu.core_type<tc>, window_params = [{transform_indices = @transform_0, window_bounds = array<i64: 2, 5000, 128>}, {transform_indices = @transform_1, window_bounds = array<i64: 5000, 128>}, {transform_indices = @transform_2, window_bounds = array<i64: 2, 5000, 16>}, {pipeline_mode = #tpu.pipeline_mode<synchronous>, transform_indices = @transform_3, window_bounds = array<i64: 1, 128>}, {transform_indices = @transform_4, window_bounds = array<i64: 5000, 1>}, {pipeline_mode = #tpu.pipeline_mode<synchronous>, transform_indices = @transform_5, window_bounds = array<i64: 128, 128>}, {pipeline_mode = #tpu.pipeline_mode<synchronous>, transform_indices = @transform_6, window_bounds = array<i64: 1, 128>}, {pipeline_mode = #tpu.pipeline_mode<synchronous>, transform_indices = @transform_7, window_bounds = array<i64: 256, 128>}]} {
    %eq3A = arith.constant 0 : i32
    %eq3A_0 = arith.cmpi eq, %arg0, %eq3A : i32
    %convert_element_type3A = arith.extui %eq3A_0 : i1 to i32
    %cond3A = arith.constant 0 : i32
    %cond3A_1 = arith.cmpi ne, %convert_element_type3A, %cond3A : i32
    scf.if %cond3A_1 {
      %broadcast_in_dim3A_66 = arith.constant 0.000000e+00 : f32
      %broadcast_in_dim3A_67 = vector.broadcast %broadcast_in_dim3A_66 : f32 to vector<256x128xf32>
      %swap3A_68 = arith.constant 0 : index
      %swap3A_69 = arith.constant 0 : index
      %swap3A_70 = vector.load %arg9[%swap3A_68, %swap3A_69] : memref<256x128xf32, #tpu.memory_space<vmem>>, vector<256x128xf32>
      tpu.vector_store %arg9[%swap3A_68, %swap3A_69], %broadcast_in_dim3A_67 {strides = array<i32>} : memref<256x128xf32, #tpu.memory_space<vmem>>, vector<256x128xf32>,
      %broadcast_in_dim3A_71 = arith.constant 0.000000e+00 : f32
      %broadcast_in_dim3A_72 = vector.broadcast %broadcast_in_dim3A_71 : f32 to vector<256x1xf32>
      %swap3A_73 = arith.constant 0 : index
      %swap3A_74 = arith.constant 0 : index
      %swap3A_75 = vector.load %arg10[%swap3A_73, %swap3A_74] : memref<256x1xf32, #tpu.memory_space<vmem>>, vector<256x1xf32>
      tpu.vector_store %arg10[%swap3A_73, %swap3A_74], %broadcast_in_dim3A_72 {strides = array<i32>} : memref<256x1xf32, #tpu.memory_space<vmem>>, vector<256x1xf32>,
    } else {
    }
    %get3A = arith.constant 0 : index
    %get3A_2 = arith.constant 0 : index
    %get3A_3 = arith.constant 0 : index
    %get3A_4 = vector.load %arg3[%get3A, %get3A_2, %get3A_3] : memref<2x5000x16xf32, #tpu.memory_space<vmem>>, vector<1x5000x1xf32>
    %get3A_5 = vector.shape_cast %get3A_4 : vector<1x5000x1xf32> to vector<5000x1xf32>
    %get3A_6 = arith.constant 1 : index
    %get3A_7 = arith.constant 0 : index
    %get3A_8 = arith.constant 0 : index
    %get3A_9 = vector.load %arg3[%get3A_6, %get3A_7, %get3A_8] : memref<2x5000x16xf32, #tpu.memory_space<vmem>>, vector<1x5000x1xf32>
    %get3A_10 = vector.shape_cast %get3A_9 : vector<1x5000x1xf32> to vector<5000x1xf32>
    %add3A = arith.addf %get3A_5, %get3A_10 : vector<5000x1xf32>
    %add3A_11 = arith.constant 1.000000e+00 : f32
    %add3A_12 = vector.broadcast %add3A_11 : f32 to vector<5000x1xf32>
    %add3A_13 = arith.addf %add3A, %add3A_12 : vector<5000x1xf32>
    %rsqrt3A = math.rsqrt %add3A_13 : vector<5000x1xf32>
    %get3A_14 = arith.constant 0 : index
    %get3A_15 = arith.constant 0 : index
    %get3A_16 = arith.constant 0 : index
    %get3A_17 = vector.load %arg1[%get3A_14, %get3A_15, %get3A_16] : memref<2x5000x128xf32, #tpu.memory_space<vmem>>, vector<1x5000x128xf32>
    %get3A_18 = vector.shape_cast %get3A_17 : vector<1x5000x128xf32> to vector<5000x128xf32>
    %get3A_19 = arith.constant 1 : index
    %get3A_20 = arith.constant 0 : index
    %get3A_21 = arith.constant 0 : index
    %get3A_22 = vector.load %arg1[%get3A_19, %get3A_20, %get3A_21] : memref<2x5000x128xf32, #tpu.memory_space<vmem>>, vector<1x5000x128xf32>
    %get3A_23 = vector.shape_cast %get3A_22 : vector<1x5000x128xf32> to vector<5000x128xf32>
    %add3A_24 = arith.addf %get3A_18, %get3A_23 : vector<5000x128xf32>
    %get3A_25 = arith.constant 0 : index
    %get3A_26 = arith.constant 0 : index
    %get3A_27 = vector.load %arg2[%get3A_25, %get3A_26] : memref<5000x128xf32, #tpu.memory_space<vmem>>, vector<5000x128xf32>
    %add3A_28 = arith.addf %add3A_24, %get3A_27 : vector<5000x128xf32>
    %mul3A = vector.broadcast %rsqrt3A : vector<5000x1xf32> to vector<5000x128xf32>
    %mul3A_29 = arith.mulf %mul3A, %add3A_28 : vector<5000x128xf32>
    %get3A_30 = arith.constant 0 : index
    %get3A_31 = arith.constant 0 : index
    %get3A_32 = vector.load %arg4[%get3A_30, %get3A_31] : memref<1x128xf32, #tpu.memory_space<vmem>>, vector<1x128xf32>
    %add3A_33 = vector.broadcast %get3A_32 : vector<1x128xf32> to vector<5000x128xf32>
    %add3A_34 = arith.addf %mul3A_29, %add3A_33 : vector<5000x128xf32>
    %max3A = arith.constant 0.000000e+00 : f32
    %max3A_35 = vector.broadcast %max3A : f32 to vector<5000x128xf32>
    %max3A_36 = arith.maximumf %add3A_34, %max3A_35 : vector<5000x128xf32>
    %iota3A = tpu.iota {dimensions = array<i32: 1>} : vector<5000x256xi32>
    %get3A_37 = arith.constant 0 : index
    %get3A_38 = arith.constant 0 : index
    %get3A_39 = vector.load %arg5[%get3A_37, %get3A_38] : memref<5000x1xi32, #tpu.memory_space<vmem>>, vector<5000x1xi32>
    %eq3A_40 = vector.broadcast %get3A_39 : vector<5000x1xi32> to vector<5000x256xi32>
    %eq3A_41 = arith.cmpi eq, %eq3A_40, %iota3A : vector<5000x256xi32>
    %convert_element_type3A_42 = arith.extui %eq3A_41 : vector<5000x256xi1> to vector<5000x256xi32>
    %convert_element_type3A_43 = arith.sitofp %convert_element_type3A_42 : vector<5000x256xi32> to vector<5000x256xf32>
    %get3A_44 = arith.constant 0 : index
    %get3A_45 = arith.constant 0 : index
    %get3A_46 = vector.load %arg9[%get3A_44, %get3A_45] : memref<256x128xf32, #tpu.memory_space<vmem>>, vector<256x128xf32>
    %dot_general3A = arith.constant dense<0.000000e+00> : vector<256x128xf32>
    %dot_general3A_47 = tpu.matmul %convert_element_type3A_43, %max3A_36, %dot_general3A {dimension_numbers = #tpu.dot_dimension_numbers<[0], [0], [1], [1], [0, 1, 1, 1], [], []>, transpose_lhs_hint = false} : vector<5000x256xf32>, vector<5000x128xf32>, vector<256x128xf32> -> vector<256x128xf32>
    %add3A_48 = arith.addf %get3A_46, %dot_general3A_47 : vector<256x128xf32>
    %swap3A = arith.constant 0 : index
    %swap3A_49 = arith.constant 0 : index
    %swap3A_50 = vector.load %arg9[%swap3A, %swap3A_49] : memref<256x128xf32, #tpu.memory_space<vmem>>, vector<256x128xf32>
    tpu.vector_store %arg9[%swap3A, %swap3A_49], %add3A_48 {strides = array<i32>} : memref<256x128xf32, #tpu.memory_space<vmem>>, vector<256x128xf32>,
    %get3A_51 = arith.constant 0 : index
    %get3A_52 = arith.constant 0 : index
    %get3A_53 = vector.load %arg10[%get3A_51, %get3A_52] : memref<256x1xf32, #tpu.memory_space<vmem>>, vector<256x1xf32>
    %broadcast_in_dim3A = arith.constant 1.000000e+00 : f32
    %broadcast_in_dim3A_54 = vector.broadcast %broadcast_in_dim3A : f32 to vector<5000x1xf32>
    %dot_general3A_55 = arith.constant dense<0.000000e+00> : vector<256x1xf32>
    %dot_general3A_56 = tpu.matmul %convert_element_type3A_43, %broadcast_in_dim3A_54, %dot_general3A_55 {dimension_numbers = #tpu.dot_dimension_numbers<[0], [0], [1], [1], [0, 1, 1, 1], [], []>, transpose_lhs_hint = false} : vector<5000x256xf32>, vector<5000x1xf32>, vector<256x1xf32> -> vector<256x1xf32>
    %add3A_57 = arith.addf %get3A_53, %dot_general3A_56 : vector<256x1xf32>
    %swap3A_58 = arith.constant 0 : index
    %swap3A_59 = arith.constant 0 : index
    %swap3A_60 = vector.load %arg10[%swap3A_58, %swap3A_59] : memref<256x1xf32, #tpu.memory_space<vmem>>, vector<256x1xf32>
    tpu.vector_store %arg10[%swap3A_58, %swap3A_59], %add3A_57 {strides = array<i32>} : memref<256x1xf32, #tpu.memory_space<vmem>>, vector<256x1xf32>,
    %eq3A_61 = arith.constant 1 : i32
    %eq3A_62 = arith.cmpi eq, %arg0, %eq3A_61 : i32
    %convert_element_type3A_63 = arith.extui %eq3A_62 : i1 to i32
    %cond3A_64 = arith.constant 0 : i32
    %cond3A_65 = arith.cmpi ne, %convert_element_type3A_63, %cond3A_64 : i32
    scf.if %cond3A_65 {
      %get3A_66 = arith.constant 0 : index
      %get3A_67 = arith.constant 0 : index
      %get3A_68 = vector.load %arg9[%get3A_66, %get3A_67] : memref<256x128xf32, #tpu.memory_space<vmem>>, vector<256x128xf32>
      %get3A_69 = arith.constant 0 : index
      %get3A_70 = arith.constant 0 : index
      %get3A_71 = vector.load %arg10[%get3A_69, %get3A_70] : memref<256x1xf32, #tpu.memory_space<vmem>>, vector<256x1xf32>
      %max3A_72 = arith.constant 1.000000e+00 : f32
      %max3A_73 = vector.broadcast %max3A_72 : f32 to vector<256x1xf32>
      %max3A_74 = arith.maximumf %get3A_71, %max3A_73 : vector<256x1xf32>
      %div3A = vector.broadcast %max3A_74 : vector<256x1xf32> to vector<256x128xf32>
      %div3A_75 = arith.divf %get3A_68, %div3A : vector<256x128xf32>
      %get3A_76 = arith.constant 0 : index
      %get3A_77 = arith.constant 0 : index
      %get3A_78 = vector.load %arg6[%get3A_76, %get3A_77] : memref<128x128xf32, #tpu.memory_space<vmem>>, vector<128x128xf32>
      %dot_general3A_79 = arith.constant dense<0.000000e+00> : vector<256x128xf32>
      %dot_general3A_80 = tpu.matmul %div3A_75, %get3A_78, %dot_general3A_79 {dimension_numbers = #tpu.dot_dimension_numbers<[1], [0], [0], [1], [0, 0, 1, 1], [], []>, transpose_lhs_hint = false} : vector<256x128xf32>, vector<128x128xf32>, vector<256x128xf32> -> vector<256x128xf32>
      %get3A_81 = arith.constant 0 : index
      %get3A_82 = arith.constant 0 : index
      %get3A_83 = vector.load %arg7[%get3A_81, %get3A_82] : memref<1x128xf32, #tpu.memory_space<vmem>>, vector<1x128xf32>
      %add3A_84 = vector.broadcast %get3A_83 : vector<1x128xf32> to vector<256x128xf32>
      %add3A_85 = arith.addf %dot_general3A_80, %add3A_84 : vector<256x128xf32>
      %swap3A_86 = arith.constant 0 : index
      %swap3A_87 = arith.constant 0 : index
      %swap3A_88 = vector.load %arg8[%swap3A_86, %swap3A_87] : memref<256x128xf32, #tpu.memory_space<vmem>>, vector<256x128xf32>
      tpu.vector_store %arg8[%swap3A_86, %swap3A_87], %add3A_85 {strides = array<i32>} : memref<256x128xf32, #tpu.memory_space<vmem>>, vector<256x128xf32>,
    } else {
    }
    return
  }
  func.func @transform_0(%arg0: i32) -> (i32, i32, i32) {
    %c0_i32 = arith.constant 0 : i32
    %c0_i32_0 = arith.constant 0 : i32
    %c0_i32_1 = arith.constant 0 : i32
    return %c0_i32, %arg0, %c0_i32_0 : i32, i32, i32
  }
  func.func @transform_1(%arg0: i32) -> (i32, i32) {
    %c0_i32 = arith.constant 0 : i32
    %c0_i32_0 = arith.constant 0 : i32
    return %arg0, %c0_i32 : i32, i32
  }
  func.func @transform_2(%arg0: i32) -> (i32, i32, i32) {
    %c0_i32 = arith.constant 0 : i32
    %c0_i32_0 = arith.constant 0 : i32
    %c0_i32_1 = arith.constant 0 : i32
    return %c0_i32, %arg0, %c0_i32_0 : i32, i32, i32
  }
  func.func @transform_3(%arg0: i32) -> (i32, i32) {
    %c0_i32 = arith.constant 0 : i32
    %c0_i32_0 = arith.constant 0 : i32
    %c0_i32_1 = arith.constant 0 : i32
    return %c0_i32, %c0_i32_0 : i32, i32
  }
  func.func @transform_4(%arg0: i32) -> (i32, i32) {
    %c0_i32 = arith.constant 0 : i32
    %c0_i32_0 = arith.constant 0 : i32
    return %arg0, %c0_i32 : i32, i32
  }
  func.func @transform_5(%arg0: i32) -> (i32, i32) {
    %c0_i32 = arith.constant 0 : i32
    %c0_i32_0 = arith.constant 0 : i32
    %c0_i32_1 = arith.constant 0 : i32
    return %c0_i32, %c0_i32_0 : i32, i32
  }
  func.func @transform_6(%arg0: i32) -> (i32, i32) {
    %c0_i32 = arith.constant 0 : i32
    %c0_i32_0 = arith.constant 0 : i32
    %c0_i32_1 = arith.constant 0 : i32
    return %c0_i32, %c0_i32_0 : i32, i32
  }
  func.func @transform_7(%arg0: i32) -> (i32, i32) {
    %c0_i32 = arith.constant 0 : i32
    %c0_i32_0 = arith.constant 0 : i32
    %c0_i32_1 = arith.constant 0 : i32
    return %c0_i32, %c0_i32_0 : i32, i32
  }
}

</mosaic_0001>

<sc_bundles>
// kernel: kernel.11.cloned.1.call-start
scs
__scs_entry_jumppad:
0x0: {  	(pc) =	sbr.rel $0x88, $3  }
0x1: {  	(tag) =	ssettag $0x0;
	lr =	simm.s32 $0x1  }
0x2: {  	[smem:$0x3F98] =	sst lr;
	_ =	strace $0xD0000000  }
0x3: {  	_ = 	snop  }
0x4: {  	_ = 	snop  }
0x5: {  	_ = 	snop  }
0x6: {  	_ = 	snop  }
0x7: {  	_ = 	snop  }
__scs_overlays_trampoline_lowered:
0x8: {  	[smem:$0x3FA7] =	sst s0  }
0x9: {  	[smem:$0x3FA8] =	sst s1  }
0xa: {  	[smem:$0x3FA9] =	sst s2  }
0xb: {  	[smem:$0x3FAA] =	sst s3  }
0xc: {  	[smem:$0x3FAB] =	sst s4  }
0xd: {  	[smem:$0x3FAC] =	sst s5  }
0xe: {  	[smem:$0x3FAD] =	sst s6  }
0xf: {  	[smem:$0x3FAE] =	sst s7  }
0x10: {  	[smem:$0x3FAF] =	sst s8  }
0x11: {  	[smem:$0x3FB0] =	sst s9;
	s0 =	simm.s32 @!p0 $0x0  }
0x12: {  	s1 =	sld [smem:$0x3F96];
	s0 =	simm.s32 @p0 $0x1  }
0x13: {  	[smem:$0x3FB1] =	sst s0;
	s0 =	simm.s32 @!p1 $0x0  }
0x14: {  	s2 =	sld [smem:$0x3F95];
	s0 =	simm.s32 @p1 $0x1  }
0x15: {  	[smem:$0x3FB2] =	sst s0;
	s0 =	simm.s32 @!p2 $0x0  }
0x16: {  	s3 =	sld [smem:$0x3FDB];
	s0 =	simm.s32 @p2 $0x1  }
0x17: {  	s4 =	simm.s32 $0x1BF5;
	[smem:$0x3FB4] =	sst s0  }
0x18: {  	s0 =	sld [smem:$0x3F97];
	_ =	swait.ge [sflag:s4], $0x0  }
0x19: {  	s7 =	sld [smem:$0x3F98]  }
0x1a: {  	s8 =	sadd.s32 $0xFFFFE003, lr  }
0x1b: {  	s9 =	sadd.s32 $0xFFFFFEF7, lr;
	s5 =	simm.s32 $0xFFFFFFFF;
	p2 =	slt.u32 s8, $0xFFFFF086  }
0x1c: {  	p1 =	slt.u32 s9, $0xF7A;
	s5 =	simm.s32 @!p2 $0x0  }
0x1d: {  	s5 =	simm.s32 @p1 $0x1;
	p0 =	seq.s32 s7, s2  }
0x1e: {  	s7 =	smul.u32 @!p0 $0xF7A, s2;
	p2 =	seq.s32 @!p0 s5, $0x0  }
0x1f: {  	s9 =	smul.u32 $0xF7A, s1;
	s8 =	simm.s32 @!p0 $0x1BF5;
	p2 =	por !p2, p0  }
0x20: {  	[sflag:s8] =	ssyncset.s32 @!p0 $0xFFFFF086;
	s6 =	sadd.s32 @!p0 s3, s7;
	s7 =	simm.s32 @!p0 $0x108  }
0x21: {  	s3 =	sadd.s32 s3, s9;
	s6 =	sadd.s32 @!p0 $0x88, s6;
	s7 =	simm.s32 @p2 $0x1082  }
0x22: {  	[simem:s7], [sflag:s8] =	dma.local @!p0 [hbm:s6], $0xF7A  }
0x23: {  	s9 =	sor.u32 $0xD0000000, s2;
	s6 =	simm.s32 $0x108;
	_ =	swait.ge @!p0 [sflag:s8], $0x0  }
0x24: {  	s3 =	sadd.s32 $0x88, s3;
	s6 =	simm.s32 @!p1 $0x1082;
	[sflag:s4] =	ssyncset.s32 $0xFFFFF086  }
0x25: {  	[simem:s6], [sflag:s4] =	dma.local [hbm:s3], $0xF7A  }
0x26: {  	[smem:$0x3F98] =	sst s1;
	(tag) =	ssettag s2;
	_ =	strace s9  }
0x27: {  	s1 =	sld [smem:$0x3FA8]  }
0x28: {  	s2 =	sld [smem:$0x3FA9]  }
0x29: {  	s4 =	sld [smem:$0x3FAB]  }
0x2a: {  	p0 =	seq.s32 s5, $0x0;
	s5 =	sld [smem:$0x3FAC]  }
0x2b: {  	s6 =	sld [smem:$0x3FAD]  }
0x2c: {  	s7 =	sld [smem:$0x3FAE]  }
0x2d: {  	s3 =	simm.s32 $0x108;
	s8 =	sld [smem:$0x3FAF]  }
0x2e: {  	s3 =	simm.s32 @!p0 $0x1082;
	s9 =	sld [smem:$0x3FB0]  }
0x2f: {  	lr =	sadd.s32 s0, s3;
	s0 =	sld [smem:$0x3FA7]  }
0x30: {  	s3 =	sld [smem:$0x3FAA]  }
0x31: {  	[smem:$0x3FB3] =	sst s10  }
0x32: {  	s10 =	sld [smem:$0x3FB1];
	_ =	sdelay $0x3  }
0x33: {  	p0 =	seq.s32 s10, $0x1;
	s10 =	sld [smem:$0x3FB3];
	_ =	sdelay $0x3  }
0x34: {  	[smem:$0x3FB3] =	sst s10  }
0x35: {  	s10 =	sld [smem:$0x3FB2];
	_ =	sdelay $0x3  }
0x36: {  	p1 =	seq.s32 s10, $0x1;
	s10 =	sld [smem:$0x3FB3];
	_ =	sdelay $0x3  }
0x37: {  	[smem:$0x3FB3] =	sst s10  }
0x38: {  	s10 =	sld [smem:$0x3FB4]  }
0x39: {  	_ = 	snop;
	(pc) =	sbr.ind lr, $3  }
0x3a: {  	_ = 	snop  }
0x3b: {  	_ = 	snop  }
0x3c: {  	p2 =	seq.s32 s10, $0x1;
	s10 =	sld [smem:$0x3FB3]  }
0x3d: {  	_ =	shalt  }
0x3e: {  	_ =	shalt  }
0x3f: {  	_ =	shalt  }
0x40: {  	_ =	shalt  }
0x41: {  	_ =	shalt  }
0x42: {  	_ =	shalt  }
0x43: {  	_ =	shalt  }
0x44: {  	_ =	shalt  }
0x45: {  	_ =	shalt  }
0x46: {  	_ =	shalt  }
0x47: {  	_ =	shalt  }
0x48: {  	_ =	shalt  }
0x49: {  	_ =	shalt  }
0x4a: {  	_ =	shalt  }
0x4b: {  	_ =	shalt  }
0x4c: {  	_ =	shalt  }
0x4d: {  	_ =	shalt  }
0x4e: {  	_ =	shalt  }
0x4f: {  	_ =	shalt  }
0x50: {  	_ =	shalt  }
0x51: {  	_ =	shalt  }
0x52: {  	_ =	shalt  }
0x53: {  	_ =	shalt  }
0x54: {  	_ =	shalt  }
0x55: {  	_ =	shalt  }
0x56: {  	_ =	shalt  }
0x57: {  	_ =	shalt  }
0x58: {  	_ =	shalt  }
0x59: {  	_ =	shalt  }
0x5a: {  	_ =	shalt  }
0x5b: {  	_ =	shalt  }
0x5c: {  	_ =	shalt  }
0x5d: {  	_ =	shalt  }
0x5e: {  	_ =	shalt  }
0x5f: {  	_ =	shalt  }
0x60: {  	_ =	shalt  }
0x61: {  	_ =	shalt  }
0x62: {  	_ =	shalt  }
0x63: {  	_ =	shalt  }
0x64: {  	_ =	shalt  }
0x65: {  	_ =	shalt  }
0x66: {  	_ =	shalt  }
0x67: {  	_ =	shalt  }
0x68: {  	_ =	shalt  }
0x69: {  	_ =	shalt  }
0x6a: {  	_ =	shalt  }
0x6b: {  	_ =	shalt  }
0x6c: {  	_ =	shalt  }
0x6d: {  	_ =	shalt  }
0x6e: {  	_ =	shalt  }
0x6f: {  	_ =	shalt  }
0x70: {  	_ =	shalt  }
0x71: {  	_ =	shalt  }
0x72: {  	_ =	shalt  }
0x73: {  	_ =	shalt  }
0x74: {  	_ =	shalt  }
0x75: {  	_ =	shalt  }
0x76: {  	_ =	shalt  }
0x77: {  	_ =	shalt  }
0x78: {  	_ =	shalt  }
0x79: {  	_ =	shalt  }
0x7a: {  	_ =	shalt  }
0x7b: {  	_ =	shalt  }
0x7c: {  	_ =	shalt  }
0x7d: {  	_ =	shalt  }
0x7e: {  	_ =	shalt  }
0x7f: {  	_ =	shalt  }
0x80: {  	_ =	shalt  }
0x81: {  	_ =	shalt  }
0x82: {  	_ =	shalt  }
0x83: {  	_ =	shalt  }
0x84: {  	_ =	shalt  }
0x85: {  	_ =	shalt  }
0x86: {  	_ =	shalt  }
0x87: {  	_ =	shalt  }
.Lfunc_end0:
.L_simem_size_0:
called_computation.1_lowered:
.L_overlay_start_0:
0x88: {  	s2 =	sld [smem:$0x3FD9]  }
0x89: {  	s3 =	sld [smem:$0x3FFE];
	_ =	sdelay $0x1  }
0x8a: {  	s1 =	srdreg.scid  }
0x8b: {  	s0 =	sand.u32 $0x1, s1  }
0x8c: {  	s16 =	sshll.u32 s0, $0xA;
	s2 =	sadd.s32 s3, s2  }
0x8d: {  	s2 =	sadd.s32 s2, s16  }
0x8e: {  	[smem:$0x3FBF] =	sst s2  }
0x8f: {  	_ = 	snop  }
0x90: {  	(tm) =	ssettm $0x1  }
0x91: {  	s17 =	sld [smem:$0x3FFB];
	_ =	sdelay $0x3  }
0x92: {  	_ =	strace s17  }
0x93: {  	s2 =	sld [smem:$0x3FFC];
	_ =	sdelay $0x3  }
0x94: {  	_ =	strace s2  }
0x95: {  	s2 =	sld [smem:$0x3FFD];
	_ =	sdelay $0x3  }
0x96: {  	_ =	strace s2  }
0x97: {  	_ =	strace $0x8FFFFFFF  }
0x98: {  	s18 =	sld [smem:$0x3FDB];
	_ =	sdelay $0x1  }
0x99: {  	s19 =	simm.s32 $_scs_section_size  }
0x9a: {  	s4 =	simm.s32 $_size__tile_overlayer_lowered;
	s5 =	simm.s32 $_tile_overlayer_lowered  }
0x9b: {  	s22 =	simm.s32 $0x1BFF;
	s21 =	sshll.u32 s5, $0x1;
	s2 =	sadd.s32 s19, s18  }
0x9c: {  	s6 =	simm.s32 $0x0;
	s20 =	sshll.u32 s4, $0x1;
	s4 =	sadd.s32 s21, s2  }
0x9d: {  	[timem:s6], [sflag:s22] =	dma.local [hbm:s4], s20  }
0x9e: {  	_ =	swait.ge [sflag:s22], s20  }
0x9f: {  	s3 =	ssub.s32 $0x0, s20;
	[sflag:s22] =	ssyncset.done $0x0  }
0xa0: {  	[sflag:s22] =	ssyncadd.s32 s3;
	_ =	sdelay $0x1  }
0xa1: {  	s23 =	simm.s32 $0x1B8B  }
0xa2: {  	_ =	swait.ge [sflag:s23], $0x1  }
0xa3: {  	[sflag:s23] =	ssyncset.done $0x0  }
0xa4: {  	s25 =	simm.s32 $0x1B8E;
	s24 =	sld [smem:$0x3FFE];
	[sflag:s23] =	ssyncadd.s32 $0xFFFFFFFF  }
0xa5: {  	s26 =	simm.s32 $execute0_lowered;
	[smem:$0x3FD2] =	sst s25  }
0xa6: {  	s4 =	sshll.u32 s26, $0x1;
	_ =	strace $0x80000049;
	[dreg:$0x1] =	wrdreg $0xFFFFFFFF  }
0xa7: {  	s28 =	simm.s32 $_size_execute0_lowered;
	s2 =	sadd.s32 s2, s4;
	[dreg:$0x0] =	wrdreg $0x0  }
0xa8: {  	s4 =	sshll.u32 s28, $0x1;
	[dreg:$0x2] =	wrdreg s2  }
0xa9: {  	[dreg:$0x3] =	wrdreg s4  }
0xaa: {  	[dreg:$0x4] =	wrdreg $0xC0  }
0xab: {  	_ =	task [dreg:s6], $0x5FFFF  }
0xac: {  	[dreg:$0x1] =	wrdreg $0xFFFFFFFF  }
0xad: {  	[dreg:$0x0] =	wrdreg $0x60  }
0xae: {  	[dreg:$0x2] =	wrdreg s24  }
0xaf: {  	[dreg:$0x3] =	wrdreg $0x150000  }
0xb0: {  	[dreg:$0x4] =	wrdreg $0x9  }
0xb1: {  	_ =	task.clear_ibuf [dreg:s6], $0x5FFFF;
	_ =	strace $0x90000049  }
0xb2: {  	s29 =	simm.s32 $0x9;
	_ =	strace $0x8000004B  }
0xb3: {  	_ =	swait.ge [sflag:s29], $0x1  }
0xb4: {  	[sflag:s29] =	ssyncadd.s32 $0xFFFFFFFF  }
0xb5: {  	_ =	strace $0x9000004B  }
0xb6: {  	_ =	sfence  }
0xb7: {  	s30 =	sld [smem:$0x0];
	_ =	sdelay $0x2  }
0xb8: {  	s31 =	sshll.u32 s1, $0xD;
	s1 =	sshrl.u32 s1, $0x2  }
0xb9: {  	s3 =	sand.u32 $0x4000, s31;
	s1 =	sadd.s32 s1, s30  }
0xba: {  	s0 =	sor.u32 s3, s0;
	s1 =	sshll.u32 s1, $0x11  }
0xbb: {  	s0 =	sor.u32 s1, s0  }
0xbc: {  	s0 =	sadd.s32 $0x8F2B, s0  }
0xbd: {  	[sflag:s0] =	ssyncadd.remote.s32 $0x1  }
0xbe: {  	_ =	sfence.sel $0xFFFF  }
0xbf: {  	[dreg:$0x0] =	wrdreg $0xFFFFFFFF;
	(pc) =	sbr.abs _section_cstart, $3  }
0xc0: {  	[dreg:$0x1] =	wrdreg $0xFFFFFFFF  }
0xc1: {  	_ =	task.clear_ibuf [dreg:s6], $0x2FFFF;
	_ =	strace $0x9FFFFFFF  }
0xc2: {  	(tm) =	ssettm $0x7FFFFFFF  }
0xc3: {  	_ =	shalt  }
tec
execute0_lowered:
.L_overlay_start_1:
0x0: {  	(tag) =	ssettag $0x1  }
0x1: {  	s0 =	srdreg.scid;
	s2 =	rddreg [dreg:$0x0]  }
0x2: {  	s8 =	stileid.u32;
	s9 =	rddreg [dreg:$0x1];
	s4 =	simm.s32 $0x0  }
0x3: {  	s0 =	sand.u32 $0x1, s0;
	s3 =	smul.u32 $0x9C40, s8;
	[smem:$0x7FF] =	sst s4  }
0x4: {  	s19 =	sadd.s32 $0x96600, s2;
	s6 =	sadd.s32 $0xD200, s2;
	s30 =	sshll.u32 s8, $0x6  }
0x5: {  	s1 =	sshll.u32 s0, $0x4;
	s5 =	smul.u32 $0x9C400, s0;
	_ =	strace $0x8000004A  }
0x6: {  	[dreg:$0x6] =	wrdreg s6;
	s0 =	ssub.s32 $0x2, s0;
	s1 =	sor.u32 s8, s1  }
0x7: {  	s7 =	sshrl.u32 s0, $0x1;
	s29 =	sadd.s32 s3, s9;
	s1 =	smul.u32 $0x9C4, s1  }
0x8: {  	s5 =	sadd.s32 s3, s5;
	s0 =	ssub.s32 s0, s7;
	s3 =	sor.u32 $0x1C11, s30  }
0x9: {  	s5 =	sshrl.u32 s5, $0x3;
	s0 =	smax.u32 s0, $0x1;
	[dreg:$0x7] =	wrdreg s3  }
0xa: {  	s26 =	sshrl.u32 s1, $0x1;
	s28 =	sadd.s32 $0x9C4, s1;
	s1 =	sshrl.u32 s1, $0x5  }
0xb: {  	[dreg:$0xb] =	wrdreg s0;
	s4 =	sand.u32 $0xFFF0, s26;
	s6 =	sshrl.u32 s28, $0x5  }
0xc: {  	s4 =	sadd.s32 s4, s2;
	s6 =	ssub.s32 s6, s1;
	s1 =	sshrl.u32 s29, $0x3  }
0xd: {  	s2 =	sadd.s32 s5, s2;
	s31 =	sadd.s32 $0x17200, s4;
	[dreg:$0xc] =	wrdreg s1  }
0xe: {  	p0 =	slt.s32 s6, $0x50;
	s4 =	sadd.s32 $0x3200, s4;
	[dreg:$0x8] =	wrdreg s31  }
0xf: {  	s2 =	sadd.s32 $0xAA000, s2;
	s6 =	simm.s32 @!p0 $0x50;
	[dreg:$0x9] =	wrdreg s4  }
0x10: {  	[dreg:$0xa] =	wrdreg s2;
	s2 =	simm.s32 $0x11;
	s4 =	simm.s32 $0x0  }
.LBB2_1:
0x11: {  	[dreg:$0xd] =	wrdreg s4  }
0x12: {  	s0 =	rddreg [dreg:$0x6]  }
0x13: {  	[spmem:s1], [sflag:s3] =	dma.local [hbm:s0], $0x1388  }
0x14: {  	_ =	swait.ge [sflag:s2], $0x1388  }
0x15: {  	[sflag:s2] =	ssyncset.done $0x0  }
0x16: {  	[sflag:s2] =	ssyncadd.s32 $0xFFFFEC78  }
0x17: {  	[bflag:$0x0] =	sbarrier.arrive $0xFFFF  }
0x18: {  	s21 =	simm.s32 $0x0;
	s22 =	rddreg [dreg:$0x8]  }
0x19: {  	[tilespmem:s21], [sflag:$0x11] =	stream.linear.gather [hbm4b:s22+s21], $0x2800, $0x38;
	[tilespmem:$0x1EC40] =	vst v63  }
0x1a: {  	_ =	swait.ge [sflag:s2], $0x2800  }
0x1b: {  	s24 =	simm.s32 $0x2800;
	[sflag:s2] =	ssyncset.done $0x0  }
0x1c: {  	p5 =	sle.s32 s6, $0x0;
	s23 =	rddreg [dreg:$0x9];
	[sflag:s2] =	ssyncadd.s32 $0xFFFFD800  }
0x1d: {  	[tilespmem:s24], [sflag:$0x11] =	stream.linear.gather [hbm4b:s23+s21], $0x2800, $0x38;
	[tilespmem:$0x1EC40] =	vst v63  }
0x1e: {  	p0 =	sle.s32 s6, $0x4;
	p2 =	sle.s32 s6, $0x1;
	_ =	swait.ge [sflag:s2], $0x2800  }
0x1f: {  	p6 =	sle.s32 s6, $0x2;
	p1 =	por @!p5 $0x1, $0x1;
	[sflag:s2] =	ssyncset.done $0x0  }
0x20: {  	s0 =	simm.s32 @!p5 $0x0;
	[sflag:s2] =	ssyncadd.s32 $0xFFFFD800;
	s2 =	simm.s32 @!p6 $0x0  }
0x21: {  	p3 =	por @!p2 $0x1, $0x1;
	p1 =	por p1, p5;
	s2 =	simm.s32 @p6 $0x1  }
0x22: {  	p4 =	por @!p6 $0x1, $0x1;
	s1 =	simm.s32 @!p1 $0x9;
	[smem:$0x7F8] =	sst s2  }
0x23: {  	s11 =	simm.s32 @!p5 $0x80;
	s13 =	simm.s32 @!p5 $0x5000;
	_ =	swait.ge @!p1 [sflag:s1], $0x2000  }
0x24: {  	s5 =	simm.s32 @!p2 $0x7000;
	p3 =	por p3, p2;
	[sflag:s1] =	ssyncset.done @!p1 $0x0  }
0x25: {  	s7 =	simm.s32 @!p2 $0x80;
	s2 =	simm.s32 @!p3 $0xA;
	[sflag:s1] =	ssyncadd.s32 @!p1 $0xFFFFE000  }
0x26: {  	[tilespmem:s13], [sflag:$0x1] =	stream.indirect.gather @!p5 [hbm4b:s19+s11], $0x40, s0, s11, $0xb8;
	[tilespmem:$0x1EC40] =	vst v63  }
0x27: {  	s12 =	simm.s32 @!p6 $0x9000;
	s30 =	simm.s32 @!p0 $0xD000;
	_ =	swait.ge @!p3 [sflag:s2], $0x2000  }
0x28: {  	p1 =	por p4, p6;
	p4 =	sle.s32 s6, $0x3;
	[sflag:s2] =	ssyncset.done @!p3 $0x0  }
0x29: {  	s0 =	simm.s32 @!p2 $0x80;
	s1 =	simm.s32 @!p1 $0xB;
	[sflag:s2] =	ssyncadd.s32 @!p3 $0xFFFFE000  }
0x2a: {  	[tilespmem:s5], [sflag:$0x2] =	stream.indirect.gather @!p2 [hbm4b:s19+s7], $0x40, s0, s7, $0xb8;
	[tilespmem:$0x1EC40] =	vst v63  }
0x2b: {  	s31 =	simm.s32 @!p0 $0x80;
	p3 =	por @!p4 $0x1, $0x1;
	_ =	swait.ge @!p1 [sflag:s1], $0x2000  }
0x2c: {  	s2 =	simm.s32 @!p6 $0x80;
	p3 =	por p3, p4;
	[sflag:s1] =	ssyncset.done @!p1 $0x0  }
0x2d: {  	s0 =	simm.s32 @!p6 $0x100;
	[sflag:s1] =	ssyncadd.s32 @!p1 $0xFFFFE000;
	s1 =	simm.s32 @!p3 $0xC  }
0x2e: {  	[tilespmem:s12], [sflag:$0x3] =	stream.indirect.gather @!p6 [hbm4b:s19+s2], $0x40, s0, s2, $0xb8;
	[tilespmem:$0x1EC40] =	vst v63  }
0x2f: {  	s4 =	simm.s32 @!p4 $0xB000;
	p1 =	por @!p0 $0x1, $0x1;
	_ =	swait.ge @!p3 [sflag:s1], $0x2000  }
0x30: {  	s16 =	simm.s32 @!p4 $0x80;
	p1 =	por p1, p0;
	[sflag:s1] =	ssyncset.done @!p3 $0x0  }
0x31: {  	s0 =	simm.s32 @!p4 $0x180;
	[sflag:s1] =	ssyncadd.s32 @!p3 $0xFFFFE000;
	s1 =	simm.s32 @!p1 $0xD  }
0x32: {  	[tilespmem:s4], [sflag:$0x4] =	stream.indirect.gather @!p4 [hbm4b:s19+s16], $0x40, s0, s16, $0xb8;
	[tilespmem:$0x1EC40] =	vst v63  }
0x33: {  	p6 =	sle.s32 s6, $0x5;
	s0 =	simm.s32 @!p0 $0x0;
	_ =	swait.ge @!p1 [sflag:s1], $0x2000  }
0x34: {  	p3 =	por @!p6 $0x1, $0x1;
	s0 =	simm.s32 @p0 $0x1;
	[sflag:s1] =	ssyncset.done @!p1 $0x0  }
0x35: {  	[smem:$0x7F9] =	sst s0;
	[sflag:s1] =	ssyncadd.s32 @!p1 $0xFFFFE000;
	p1 =	por p3, p6  }
0x36: {  	s0 =	simm.s32 @!p0 $0x200;
	p3 =	sle.s32 s6, $0x6;
	s1 =	simm.s32 @!p1 $0xE  }
0x37: {  	[tilespmem:s30], [sflag:$0x5] =	stream.indirect.gather @!p0 [hbm4b:s19+s31], $0x40, s0, s31, $0xb8;
	[tilespmem:$0x1EC40] =	vst v63  }
0x38: {  	s3 =	simm.s32 @!p6 $0x80;
	p0 =	por @!p3 $0x1, $0x1;
	_ =	swait.ge @!p1 [sflag:s1], $0x2000  }
0x39: {  	s0 =	simm.s32 @!p6 $0x280;
	p0 =	por p0, p3;
	[sflag:s1] =	ssyncset.done @!p1 $0x0  }
0x3a: {  	s8 =	simm.s32 @!p0 $0xF;
	[sflag:s1] =	ssyncadd.s32 @!p1 $0xFFFFE000;
	s1 =	simm.s32 @!p6 $0xF000  }
0x3b: {  	[tilespmem:s1], [sflag:$0x6] =	stream.indirect.gather @!p6 [hbm4b:s19+s3], $0x40, s0, s3, $0xb8;
	[tilespmem:$0x1EC40] =	vst v63  }
0x3c: {  	_ =	swait.ge @!p0 [sflag:s8], $0x2000  }
0x3d: {  	p1 =	sle.s32 s6, $0x7;
	[sflag:s8] =	ssyncset.done @!p0 $0x0  }
0x3e: {  	s9 =	simm.s32 @!p3 $0x80;
	[sflag:s8] =	ssyncadd.s32 @!p0 $0xFFFFE000;
	p0 =	por @!p1 $0x1, $0x1  }
0x3f: {  	s10 =	simm.s32 @!p3 $0x11000;
	s0 =	simm.s32 @!p3 $0x300;
	p0 =	por p0, p1  }
0x40: {  	[tilespmem:s10], [sflag:$0x7] =	stream.indirect.gather @!p3 [hbm4b:s19+s9], $0x40, s0, s9, $0xb8;
	[tilespmem:$0x1EC40] =	vst v63  }
0x41: {  	s0 =	simm.s32 @!p0 $0x10  }
0x42: {  	_ =	swait.ge @!p0 [sflag:s0], $0x2000  }
0x43: {  	s15 =	simm.s32 @!p5 $0x1;
	s14 =	simm.s32 @!p1 $0x380;
	[sflag:s0] =	ssyncset.done @!p0 $0x0  }
0x44: {  	s8 =	simm.s32 @!p1 $0x80;
	[sflag:s0] =	ssyncadd.s32 @!p0 $0xFFFFE000;
	s0 =	simm.s32 @!p1 $0x13000  }
0x45: {  	[tilespmem:s0], [sflag:$0x8] =	stream.indirect.gather @!p1 [hbm4b:s19+s8], $0x40, s14, s8, $0xb8;
	[tilespmem:$0x1EC40] =	vst v63  }
0x46: {  	_ =	swait.ge @!p5 [sflag:s15], $0x2000  }
0x47: {  	[sflag:s15] =	ssyncset.done @!p5 $0x0  }
0x48: {  	s28 =	simm.s32 $0x2000;
	s25 =	sld [smem:$0x7F8];
	[sflag:s15] =	ssyncadd.s32 @!p5 $0xFFFFE000  }
0x49: {  	s24 =	simm.s32 $0x1000;
	s14 =	simm.s32 @!p5 $0x2800;
	s20 =	rddreg [dreg:$0x1]  }
0x4a: {  	[spmem:s20] =	stream.indirect.scatter.add.f32 @!p5 [tilespmem:s13], [sflag:$0x9], $0x40, s14, s11, $0xb8;
	[tilespmem:$0x1EC40] =	vst v63  }
0x4b: {  	s18 =	simm.s32 @!p4 $0x2980;
	s15 =	simm.s32 @!p2 $0x2880;
	s13 =	simm.s32 @!p2 $0x2  }
0x4c: {  	p5 =	seq.s32 s25, $0x1;
	s14 =	simm.s32 @!p6 $0x2A80;
	_ =	swait.ge @!p2 [sflag:s13], $0x2000  }
0x4d: {  	p6 =	por p6, p6;
	s25 =	simm.s32 $0xF;
	[sflag:s13] =	ssyncset.done @!p2 $0x0  }
0x4e: {  	s17 =	simm.s32 @!p5 $0x2900;
	s21 =	simm.s32 @!p5 $0x3;
	[sflag:s13] =	ssyncadd.s32 @!p2 $0xFFFFE000  }
0x4f: {  	[spmem:s20] =	stream.indirect.scatter.add.f32 @!p2 [tilespmem:s5], [sflag:$0xA], $0x40, s15, s7, $0xb8;
	[tilespmem:$0x1EC40] =	vst v63  }
0x50: {  	s26 =	sld [smem:$0x7F9];
	s7 =	simm.s32 @!p1 $0x0;
	_ =	swait.ge @!p5 [sflag:s21], $0x2000  }
0x51: {  	s5 =	simm.s32 @!p3 $0x2B00;
	s7 =	simm.s32 @p1 $0x1;
	[sflag:s21] =	ssyncset.done @!p5 $0x0  }
0x52: {  	[smem:$0x7FA] =	sst s7;
	s7 =	simm.s32 @!p4 $0x4;
	[sflag:s21] =	ssyncadd.s32 @!p5 $0xFFFFE000  }
0x53: {  	[spmem:s20] =	stream.indirect.scatter.add.f32 @!p5 [tilespmem:s12], [sflag:$0xB], $0x40, s17, s2, $0xb8;
	[tilespmem:$0x1EC40] =	vst v63  }
0x54: {  	s15 =	simm.s32 @!p1 $0x2B80;
	p3 =	por p3, p3;
	_ =	swait.ge @!p4 [sflag:s7], $0x2000  }
0x55: {  	p2 =	sle.s32 s6, $0x8;
	p0 =	seq.s32 s26, $0x1;
	[sflag:s7] =	ssyncset.done @!p4 $0x0  }
0x56: {  	s13 =	simm.s32 @!p3 $0x7;
	s11 =	simm.s32 @!p0 $0x2A00;
	[sflag:s7] =	ssyncadd.s32 @!p4 $0xFFFFE000  }
0x57: {  	[spmem:s20] =	stream.indirect.scatter.add.f32 @!p4 [tilespmem:s4], [sflag:$0xC], $0x40, s18, s16, $0xb8;
	[tilespmem:$0x1EC40] =	vst v63  }
0x58: {  	p0 =	por p0, p0;
	s2 =	simm.s32 @!p3 $0x0;
	p4 =	sle.s32 s6, $0xE  }
0x59: {  	s17 =	simm.s32 @!p0 $0x5;
	s2 =	simm.s32 @p3 $0x1;
	s4 =	simm.s32 @!p4 $0x0  }
0x5a: {  	p3 =	sle.s32 s6, $0xC;
	[smem:$0x7FB] =	sst s2;
	s4 =	simm.s32 @p4 $0x1  }
0x5b: {  	s2 =	simm.s32 $0xD;
	[smem:$0x7FC] =	sst s4;
	s4 =	simm.s32 @!p3 $0x0  }
0x5c: {  	s26 =	simm.s32 @!p3 $0x400;
	s29 =	simm.s32 @!p3 $0x600;
	s4 =	simm.s32 @p3 $0x1  }
0x5d: {  	s7 =	simm.s32 $0xA;
	s16 =	simm.s32 $0x9;
	[smem:$0x7FD] =	sst s4  }
0x5e: {  	s18 =	simm.s32 @!p6 $0x6;
	s4 =	simm.s32 $0xB;
	_ =	swait.ge @!p0 [sflag:s17], $0x2000  }
.LBB2_2:
0x5f: {  	s12 =	simm.s32 @!p2 $0x0;
	p4 =	sge.s32 s16, s6;
	s21 =	sld [smem:$0x7FA]  }
0x60: {  	p1 =	sge.s32 s2, s6;
	[sflag:s17] =	ssyncset.done @!p0 $0x0;
	p3 =	seq.s32 @!p2 s24, $0x0  }
0x61: {  	s12 =	simm.s32 @p2 $0x1;
	s2 =	simm.s32 @!p1 $0x0;
	[sflag:s17] =	ssyncadd.s32 @!p0 $0xFFFFE000  }
0x62: {  	s2 =	simm.s32 @p1 $0x1;
	p1 =	seq.s32 s21, $0x1;
	s21 =	rddreg [dreg:$0x1]  }
0x63: {  	[spmem:s21] =	stream.indirect.scatter.add.f32 @!p0 [tilespmem:s30], [sflag:$0xD], $0x40, s11, s31, $0xb8;
	[tilespmem:$0x1EC40] =	vst v63  }
0x64: {  	[smem:$0x7F3] =	sst s12;
	s12 =	simm.s32 @!p4 $0x0;
	p0 =	por p3, p2  }
0x65: {  	s12 =	simm.s32 @p4 $0x1;
	[smem:$0x7EE] =	sst s2;
	s2 =	simm.s32 @!p0 $0x0  }
0x66: {  	[smem:$0x7F4] =	sst s12;
	s2 =	simm.s32 @p0 $0x1  }
0x67: {  	[smem:$0x7ED] =	sst s2  }
0x68: {  	_ =	swait.ge @!p6 [sflag:s18], $0x2000  }
0x69: {  	[sflag:s18] =	ssyncset.done @!p6 $0x0;
	s22 =	sld [smem:$0x7FD]  }
0x6a: {  	[sflag:s18] =	ssyncadd.s32 @!p6 $0xFFFFE000  }
0x6b: {  	[spmem:s21] =	stream.indirect.scatter.add.f32 @!p6 [tilespmem:s1], [sflag:$0xE], $0x40, s14, s3, $0xb8;
	[tilespmem:$0x1EC40] =	vst v63  }
0x6c: {  	p0 =	seq.s32 s22, $0x1  }
0x6d: {  	s2 =	simm.s32 @!p0 $0x0  }
0x6e: {  	s23 =	sld [smem:$0x7FB];
	s2 =	simm.s32 @p0 $0x1;
	p0 =	seq.s32 @!p0 s24, $0x0  }
0x6f: {  	[smem:$0x7FD] =	sst s2;
	s2 =	simm.s32 @!p0 $0x0  }
0x70: {  	s17 =	sshra.s32 @!p2 s24, $0x2;
	s2 =	simm.s32 @p0 $0x1  }
0x71: {  	p2 =	sge.s32 s7, s6;
	p0 =	seq.s32 s23, $0x1;
	[smem:$0x7F1] =	sst s2  }
0x72: {  	p3 =	seq.s32 @!p2 s24, $0x0;
	_ =	swait.ge @!p0 [sflag:s13], $0x2000  }
0x73: {  	p3 =	por p3, p2;
	s2 =	sld [smem:$0x7FC];
	[sflag:s13] =	ssyncset.done @!p0 $0x0  }
0x74: {  	s1 =	simm.s32 @!p3 $0x0;
	[sflag:s13] =	ssyncadd.s32 @!p0 $0xFFFFE000  }
0x75: {  	[spmem:s21] =	stream.indirect.scatter.add.f32 @!p0 [tilespmem:s10], [sflag:$0xF], $0x40, s5, s9, $0xb8;
	[tilespmem:$0x1EC40] =	vst v63  }
0x76: {  	s1 =	simm.s32 @p3 $0x1;
	p3 =	seq.s32 s2, $0x1  }
0x77: {  	s12 =	simm.s32 @!p1 $0x8;
	[smem:$0x7F0] =	sst s1;
	s2 =	simm.s32 @!p3 $0x0  }
0x78: {  	s11 =	sshra.s32 @!p4 s24, $0x2;
	s7 =	sld [smem:$0x7ED];
	s2 =	simm.s32 @p3 $0x1  }
0x79: {  	p6 =	seq.s32 @!p4 s24, $0x0;
	s3 =	sadd.s32 @!p4 $0x80, s11;
	[smem:$0x7FC] =	sst s2  }
0x7a: {  	p5 =	por p6, p4;
	p6 =	sge.s32 s4, s6;
	_ =	swait.ge @!p1 [sflag:s12], $0x2000  }
0x7b: {  	p0 =	seq.s32 @!p6 s24, $0x0;
	[sflag:s12] =	ssyncset.done @!p1 $0x0;
	s9 =	sld [smem:$0x7EE]  }
0x7c: {  	p4 =	seq.s32 s7, $0x1;
	s1 =	sshra.s32 @!p3 s24, $0x2;
	[sflag:s12] =	ssyncadd.s32 @!p1 $0xFFFFE000  }
0x7d: {  	[spmem:s21] =	stream.indirect.scatter.add.f32 @!p1 [tilespmem:s0], [sflag:$0x10], $0x40, s15, s8, $0xb8;
	[tilespmem:$0x1EC40] =	vst v63  }
0x7e: {  	s7 =	simm.s32 @!p0 $0x0;
	s2 =	sadd.s32 @!p3 $0x300, s1;
	p3 =	seq.s32 s9, $0x1  }
0x7f: {  	s7 =	simm.s32 @p0 $0x1;
	p0 =	seq.s32 @!p3 s24, $0x0  }
0x80: {  	[smem:$0x7EF] =	sst s7;
	s7 =	simm.s32 @!p0 $0x0  }
0x81: {  	s7 =	simm.s32 @p0 $0x1  }
0x82: {  	s5 =	simm.s32 @!p4 $0x9;
	[smem:$0x7F2] =	sst s7  }
0x83: {  	_ =	swait.ge @!p4 [sflag:s5], $0x2000  }
0x84: {  	s10 =	sld [smem:$0x7F3];
	_ =	sdelay $0x1  }
0x85: {  	s4 =	simm.s32 @!p5 $0xA  }
0x86: {  	[sflag:s5] =	ssyncset.done @!p4 $0x0;
	s12 =	sld [smem:$0x7F4];
	p1 =	seq.s32 s10, $0x1  }
0x87: {  	[sflag:s5] =	ssyncadd.s32 @!p4 $0xFFFFE000;
	s18 =	simm.s32 @!p1 $0x80;
	s13 =	simm.s32 @!p1 $0x5000  }
0x88: {  	[tilespmem:s13], [sflag:$0x1] =	stream.indirect.gather @!p1 [hbm4b:s19+s18], $0x40, s17, s18, $0xb8;
	[tilespmem:$0x1EC40] =	vst v63  }
0x89: {  	p4 =	seq.s32 s12, $0x1;
	_ =	swait.ge @!p5 [sflag:s4], $0x2000  }
0x8a: {  	s22 =	simm.s32 @!p4 $0x7000;
	[sflag:s4] =	ssyncset.done @!p5 $0x0;
	s14 =	sld [smem:$0x7EF]  }
0x8b: {  	s23 =	simm.s32 @!p4 $0x80;
	s15 =	sld [smem:$0x7F0];
	[sflag:s4] =	ssyncadd.s32 @!p5 $0xFFFFE000  }
0x8c: {  	[tilespmem:s22], [sflag:$0x2] =	stream.indirect.gather @!p4 [hbm4b:s19+s23], $0x40, s3, s23, $0xb8;
	[tilespmem:$0x1EC40] =	vst v63  }
0x8d: {  	s5 =	simm.s32 @!p2 $0x0;
	p1 =	seq.s32 s14, $0x1  }
0x8e: {  	s5 =	simm.s32 @p2 $0x1;
	p0 =	por p1, p6;
	p1 =	seq.s32 s15, $0x1  }
0x8f: {  	[smem:$0x7F5] =	sst s5;
	s10 =	simm.s32 @!p1 $0xB  }
0x90: {  	s8 =	sshra.s32 @!p6 s24, $0x2;
	s7 =	sshra.s32 @!p2 s24, $0x2;
	_ =	swait.ge @!p1 [sflag:s10], $0x2000  }
0x91: {  	s12 =	simm.s32 @!p2 $0x80;
	s5 =	sadd.s32 @!p2 $0x100, s7;
	[sflag:s10] =	ssyncset.done @!p1 $0x0  }
0x92: {  	s3 =	sadd.s32 @!p6 $0x2980, s8;
	s14 =	simm.s32 @!p2 $0x9000;
	[sflag:s10] =	ssyncadd.s32 @!p1 $0xFFFFE000  }
0x93: {  	[tilespmem:s14], [sflag:$0x3] =	stream.indirect.gather @!p2 [hbm4b:s19+s12], $0x40, s5, s12, $0xb8;
	[tilespmem:$0x1EC40] =	vst v63  }
0x94: {  	[dreg:$0x3] =	wrdreg s3;
	s5 =	simm.s32 @!p2 $0x9000  }
0x95: {  	[dreg:$0x4] =	wrdreg s5;
	s5 =	simm.s32 @!p2 $0x80  }
0x96: {  	s3 =	simm.s32 @!p0 $0xC;
	[dreg:$0x5] =	wrdreg s5  }
0x97: {  	_ =	swait.ge @!p0 [sflag:s3], $0x2000  }
0x98: {  	s20 =	sld [smem:$0x7FD]  }
0x99: {  	s10 =	sld [smem:$0x7F1]  }
0x9a: {  	s7 =	sadd.s32 @!p2 $0x2900, s7;
	s4 =	sadd.s32 @!p4 $0x2880, s11;
	s12 =	sld [smem:$0x7F2]  }
0x9b: {  	s15 =	sadd.s32 @!p6 $0x180, s8;
	s8 =	simm.s32 @!p6 $0xB000;
	[sflag:s3] =	ssyncset.done @!p0 $0x0  }
0x9c: {  	[sflag:s3] =	ssyncadd.s32 @!p0 $0xFFFFE000;
	p4 =	seq.s32 s20, $0x1;
	p2 =	seq.s32 s10, $0x1  }
0x9d: {  	p5 =	seq.s32 s12, $0x1;
	s12 =	simm.s32 @!p6 $0x80;
	p1 =	por p2, p4  }
0x9e: {  	[tilespmem:s8], [sflag:$0x4] =	stream.indirect.gather @!p6 [hbm4b:s19+s12], $0x40, s15, s12, $0xb8;
	[tilespmem:$0x1EC40] =	vst v63  }
0x9f: {  	s3 =	simm.s32 @!p1 $0xD  }
0xa0: {  	s16 =	smov.u32 s28;
	_ =	swait.ge @!p1 [sflag:s3], $0x2000  }
0xa1: {  	s28 =	sadd.s32 $0x1000, s28;
	s15 =	sld [smem:$0x7FC];
	[sflag:s3] =	ssyncset.done @!p1 $0x0  }
0xa2: {  	s30 =	simm.s32 @!p4 $0xD000;
	s31 =	simm.s32 @!p4 $0x80;
	[sflag:s3] =	ssyncadd.s32 @!p1 $0xFFFFE000  }
0xa3: {  	[tilespmem:s30], [sflag:$0x5] =	stream.indirect.gather @!p4 [hbm4b:s19+s31], $0x40, s29, s31, $0xb8;
	[tilespmem:$0x1EC40] =	vst v63  }
0xa4: {  	p0 =	sne.s32 s28, $0xA000;
	p2 =	por p5, p3;
	p5 =	seq.s32 s15, $0x1  }
0xa5: {  	s9 =	sshra.s32 @!p3 s24, $0x2;
	s5 =	sadd.s32 @!p5 $0x2B00, s1;
	s1 =	simm.s32 @!p0 $0x0  }
0xa6: {  	s0 =	sadd.s32 @!p3 $0x280, s9;
	s14 =	sadd.s32 @!p3 $0x2A80, s9;
	s1 =	simm.s32 @p0 $0x1  }
0xa7: {  	s11 =	sadd.s32 @!p4 $0x2A00, s26;
	s3 =	simm.s32 @!p2 $0xE;
	[smem:$0x7F7] =	sst s1  }
0xa8: {  	p4 =	por p3, p3;
	p0 =	seq.s32 @!p5 s24, $0x0;
	_ =	swait.ge @!p2 [sflag:s3], $0x2000  }
0xa9: {  	s1 =	simm.s32 @!p3 $0xF000;
	p3 =	por p0, p5;
	[sflag:s3] =	ssyncset.done @!p2 $0x0  }
0xaa: {  	s8 =	simm.s32 @!p3 $0xF;
	[sflag:s3] =	ssyncadd.s32 @!p2 $0xFFFFE000;
	s3 =	simm.s32 @!p4 $0x80  }
0xab: {  	[tilespmem:s1], [sflag:$0x6] =	stream.indirect.gather @!p4 [hbm4b:s19+s3], $0x40, s0, s3, $0xb8;
	[tilespmem:$0x1EC40] =	vst v63  }
0xac: {  	p1 =	sge.s32 s25, s6;
	_ =	swait.ge @!p3 [sflag:s8], $0x2000  }
0xad: {  	s9 =	simm.s32 @!p5 $0x80;
	p0 =	seq.s32 @!p1 s24, $0x0;
	[sflag:s8] =	ssyncset.done @!p3 $0x0  }
0xae: {  	s10 =	simm.s32 @!p5 $0x11000;
	p0 =	por p0, p1;
	[sflag:s8] =	ssyncadd.s32 @!p3 $0xFFFFE000  }
0xaf: {  	[tilespmem:s10], [sflag:$0x7] =	stream.indirect.gather @!p5 [hbm4b:s19+s9], $0x40, s2, s9, $0xb8;
	[tilespmem:$0x1EC40] =	vst v63  }
0xb0: {  	s2 =	simm.s32 @!p0 $0x10  }
0xb1: {  	s15 =	sshra.s32 @!p1 s24, $0x2;
	_ =	swait.ge @!p0 [sflag:s2], $0x2000  }
0xb2: {  	s26 =	sadd.s32 @!p1 $0x380, s15;
	[sflag:s2] =	ssyncset.done @!p0 $0x0  }
0xb3: {  	s0 =	simm.s32 @!p1 $0x13000;
	[sflag:s2] =	ssyncadd.s32 @!p0 $0xFFFFE000;
	p0 =	por p4, p4  }
0xb4: {  	s8 =	simm.s32 @!p1 $0x80;
	s20 =	sld [smem:$0x7F3];
	s2 =	simm.s32 @!p0 $0x0  }
0xb5: {  	[tilespmem:s0], [sflag:$0x8] =	stream.indirect.gather @!p1 [hbm4b:s19+s8], $0x40, s26, s8, $0xb8;
	[tilespmem:$0x1EC40] =	vst v63  }
0xb6: {  	s24 =	sld [smem:$0x7F4];
	s2 =	simm.s32 @p0 $0x1  }
0xb7: {  	[smem:$0x7F6] =	sst s2;
	s2 =	simm.s32 @!p1 $0x0  }
0xb8: {  	p3 =	seq.s32 s20, $0x1;
	s2 =	simm.s32 @p1 $0x1  }
0xb9: {  	s20 =	simm.s32 @!p3 $0x1;
	[smem:$0x7FA] =	sst s2  }
0xba: {  	p5 =	seq.s32 s24, $0x1;
	_ =	swait.ge @!p3 [sflag:s20], $0x2000  }
0xbb: {  	s24 =	smov.u32 s16;
	s26 =	sld [smem:$0x7FD];
	[sflag:s20] =	ssyncset.done @!p3 $0x0  }
0xbc: {  	s17 =	sadd.s32 @!p3 $0x2800, s17;
	s16 =	sld [smem:$0x7FC];
	[sflag:s20] =	ssyncadd.s32 @!p3 $0xFFFFE000  }
0xbd: {  	[spmem:s21] =	stream.indirect.scatter.add.f32 @!p3 [tilespmem:s13], [sflag:$0x9], $0x40, s17, s18, $0xb8;
	[tilespmem:$0x1EC40] =	vst v63  }
0xbe: {  	s29 =	simm.s32 @!p5 $0x2;
	p2 =	seq.s32 s26, $0x1  }
0xbf: {  	p4 =	seq.s32 s16, $0x1;
	_ =	swait.ge @!p5 [sflag:s29], $0x2000;
	p0 =	por p2, p2  }
0xc0: {  	p2 =	por p4, p4;
	[sflag:s29] =	ssyncset.done @!p5 $0x0;
	s20 =	sld [smem:$0x7F5]  }
0xc1: {  	s2 =	simm.s32 @!p2 $0x0;
	[sflag:s29] =	ssyncadd.s32 @!p5 $0xFFFFE000  }
0xc2: {  	[spmem:s21] =	stream.indirect.scatter.add.f32 @!p5 [tilespmem:s22], [sflag:$0xA], $0x40, s4, s23, $0xb8;
	[tilespmem:$0x1EC40] =	vst v63  }
0xc3: {  	s2 =	simm.s32 @p2 $0x1;
	p4 =	seq.s32 s20, $0x1  }
0xc4: {  	[smem:$0x7FB] =	sst s2;
	s16 =	simm.s32 @!p4 $0x3  }
0xc5: {  	_ =	swait.ge @!p4 [sflag:s16], $0x2000  }
0xc6: {  	s25 =	sadd.s32 $0x8, s25;
	[sflag:s16] =	ssyncset.done @!p4 $0x0;
	s20 =	rddreg [dreg:$0x5]  }
0xc7: {  	s23 =	sadd.s32 $0xFFFFFFFF, s25;
	[sflag:s16] =	ssyncadd.s32 @!p4 $0xFFFFE000;
	s16 =	rddreg [dreg:$0x4]  }
0xc8: {  	[spmem:s21] =	stream.indirect.scatter.add.f32 @!p4 [tilespmem:s16], [sflag:$0xB], $0x40, s7, s20, $0xb8;
	[tilespmem:$0x1EC40] =	vst v63  }
0xc9: {  	p4 =	sge.s32 s23, s6  }
0xca: {  	s22 =	sadd.s32 $0xFFFFFFFD, s25;
	s4 =	simm.s32 @!p4 $0x0  }
0xcb: {  	p3 =	sge.s32 s22, s6;
	s4 =	simm.s32 @p4 $0x1  }
0xcc: {  	s18 =	simm.s32 @!p6 $0x4;
	[smem:$0x7FC] =	sst s4;
	s4 =	simm.s32 @!p3 $0x0  }
0xcd: {  	_ =	swait.ge @!p6 [sflag:s18], $0x2000;
	s4 =	simm.s32 @p3 $0x1  }
0xce: {  	s17 =	simm.s32 @!p0 $0x5;
	[smem:$0x7FD] =	sst s4;
	[sflag:s18] =	ssyncset.done @!p6 $0x0  }
0xcf: {  	s7 =	simm.s32 @!p6 $0xB000;
	s4 =	rddreg [dreg:$0x3];
	[sflag:s18] =	ssyncadd.s32 @!p6 $0xFFFFE000  }
0xd0: {  	[spmem:s21] =	stream.indirect.scatter.add.f32 @!p6 [tilespmem:s7], [sflag:$0xC], $0x40, s4, s12, $0xb8;
	[tilespmem:$0x1EC40] =	vst v63  }
0xd1: {  	s22 =	sld [smem:$0x7F6];
	_ =	swait.ge @!p0 [sflag:s17], $0x2000  }
0xd2: {  	s23 =	sld [smem:$0x7F7]  }
0xd3: {  	s26 =	sshra.s32 @!p3 s24, $0x2  }
0xd4: {  	s29 =	sadd.s32 @!p3 $0x200, s26;
	p3 =	seq.s32 s22, $0x1  }
0xd5: {  	s18 =	simm.s32 @!p3 $0x6;
	p6 =	por p3, p3;
	p3 =	seq.s32 s23, $0x1  }
.Ltmp0:
0xd6: {  	_ = 	snop;
	(pc) =	sbr.rel @p3 .LBB2_2-.Ltmp0, $4  }
0xd7: {  	_ = 	snop  }
0xd8: {  	s15 =	sadd.s32 @!p1 $0x2B80, s15;
	s13 =	simm.s32 @!p2 $0x7  }
0xd9: {  	s2 =	sadd.s32 $0xFFFFFFFE, s25;
	s20 =	sadd.s32 $0xFFFFFFF9, s25;
	s16 =	sadd.s32 $0xFFFFFFFA, s25  }
0xda: {  	p2 =	sge.s32 s20, s6;
	s7 =	sadd.s32 $0xFFFFFFFB, s25;
	s4 =	sadd.s32 $0xFFFFFFFC, s25  }
0xdb: {  	[sflag:s17] =	ssyncset.done @!p0 $0x0  }
0xdc: {  	[sflag:s17] =	ssyncadd.s32 @!p0 $0xFFFFE000  }
0xdd: {  	s21 =	rddreg [dreg:$0x1]  }
0xde: {  	[spmem:s21] =	stream.indirect.scatter.add.f32 @!p0 [tilespmem:s30], [sflag:$0xD], $0x40, s11, s31, $0xb8;
	[tilespmem:$0x1EC40] =	vst v63  }
0xdf: {  	_ =	swait.ge @!p6 [sflag:s18], $0x2000  }
0xe0: {  	[sflag:s18] =	ssyncset.done @!p6 $0x0;
	s23 =	sld [smem:$0x7FB]  }
0xe1: {  	[sflag:s18] =	ssyncadd.s32 @!p6 $0xFFFFE000  }
0xe2: {  	[spmem:s21] =	stream.indirect.scatter.add.f32 @!p6 [tilespmem:s1], [sflag:$0xE], $0x40, s14, s3, $0xb8;
	[tilespmem:$0x1EC40] =	vst v63  }
0xe3: {  	p0 =	seq.s32 s23, $0x1  }
0xe4: {  	_ =	swait.ge @!p0 [sflag:s13], $0x2000  }
0xe5: {  	[sflag:s13] =	ssyncset.done @!p0 $0x0  }
0xe6: {  	s28 =	sld [smem:$0x7FA];
	[sflag:s13] =	ssyncadd.s32 @!p0 $0xFFFFE000  }
0xe7: {  	[spmem:s21] =	stream.indirect.scatter.add.f32 @!p0 [tilespmem:s10], [sflag:$0xF], $0x40, s5, s9, $0xb8;
	[tilespmem:$0x1EC40] =	vst v63  }
0xe8: {  	p0 =	sge.s32 s16, s6  }
0xe9: {  	s1 =	simm.s32 @!p0 $0x0  }
0xea: {  	p1 =	seq.s32 s28, $0x1;
	s1 =	simm.s32 @p0 $0x1  }
0xeb: {  	p3 =	seq.s32 @!p2 s24, $0x0;
	s3 =	simm.s32 @!p1 $0x8;
	[smem:$0x7EB] =	sst s1  }
0xec: {  	p3 =	por p3, p2;
	_ =	swait.ge @!p1 [sflag:s3], $0x2000  }
0xed: {  	s9 =	simm.s32 @!p3 $0x9;
	[sflag:s3] =	ssyncset.done @!p1 $0x0  }
0xee: {  	s5 =	simm.s32 @!p2 $0x5000;
	p4 =	seq.s32 @!p0 s24, $0x0;
	[sflag:s3] =	ssyncadd.s32 @!p1 $0xFFFFE000  }
0xef: {  	[spmem:s21] =	stream.indirect.scatter.add.f32 @!p1 [tilespmem:s0], [sflag:$0x10], $0x40, s15, s8, $0xb8;
	[tilespmem:$0x1EC40] =	vst v63  }
0xf0: {  	p4 =	por p4, p0;
	s1 =	sshra.s32 @!p2 s24, $0x2;
	_ =	swait.ge @!p3 [sflag:s9], $0x2000  }
0xf1: {  	s10 =	simm.s32 @!p4 $0xA;
	s3 =	simm.s32 @!p2 $0x80;
	[sflag:s9] =	ssyncset.done @!p3 $0x0  }
0xf2: {  	s0 =	sshra.s32 @!p0 s24, $0x2;
	p1 =	sge.s32 s7, s6;
	[sflag:s9] =	ssyncadd.s32 @!p3 $0xFFFFE000  }
0xf3: {  	[tilespmem:s5], [sflag:$0x1] =	stream.indirect.gather @!p2 [hbm4b:s19+s3], $0x40, s1, s3, $0xb8;
	[tilespmem:$0x1EC40] =	vst v63  }
0xf4: {  	s7 =	simm.s32 @!p0 $0x7000;
	p3 =	seq.s32 @!p1 s24, $0x0;
	_ =	swait.ge @!p4 [sflag:s10], $0x2000  }
0xf5: {  	s8 =	simm.s32 @!p0 $0x80;
	p3 =	por p3, p1;
	[sflag:s10] =	ssyncset.done @!p4 $0x0  }
0xf6: {  	s9 =	sadd.s32 @!p0 $0x80, s0;
	[sflag:s10] =	ssyncadd.s32 @!p4 $0xFFFFE000;
	s10 =	simm.s32 @!p3 $0xB  }
0xf7: {  	[tilespmem:s7], [sflag:$0x2] =	stream.indirect.gather @!p0 [hbm4b:s19+s8], $0x40, s9, s8, $0xb8;
	[tilespmem:$0x1EC40] =	vst v63  }
0xf8: {  	_ =	swait.ge @!p3 [sflag:s10], $0x2000  }
0xf9: {  	p6 =	sge.s32 s4, s6;
	s4 =	sshra.s32 @!p1 s24, $0x2;
	[sflag:s10] =	ssyncset.done @!p3 $0x0  }
0xfa: {  	s11 =	simm.s32 @!p1 $0x9000;
	[sflag:s10] =	ssyncadd.s32 @!p3 $0xFFFFE000;
	p3 =	seq.s32 @!p6 s24, $0x0  }
0xfb: {  	s9 =	simm.s32 @!p1 $0x80;
	s10 =	sadd.s32 @!p1 $0x100, s4;
	p3 =	por p3, p6  }
0xfc: {  	[tilespmem:s11], [sflag:$0x3] =	stream.indirect.gather @!p1 [hbm4b:s19+s9], $0x40, s10, s9, $0xb8;
	[tilespmem:$0x1EC40] =	vst v63  }
0xfd: {  	s12 =	simm.s32 @!p3 $0xC  }
0xfe: {  	s13 =	simm.s32 @!p6 $0x80;
	_ =	swait.ge @!p3 [sflag:s12], $0x2000  }
0xff: {  	s10 =	sshra.s32 @!p6 s24, $0x2;
	[sflag:s12] =	ssyncset.done @!p3 $0x0;
	s30 =	sld [smem:$0x7FD]  }
0x100: {  	s14 =	sadd.s32 @!p6 $0x180, s10;
	[sflag:s12] =	ssyncadd.s32 @!p3 $0xFFFFE000;
	s12 =	simm.s32 @!p6 $0xB000  }
0x101: {  	[tilespmem:s12], [sflag:$0x4] =	stream.indirect.gather @!p6 [hbm4b:s19+s13], $0x40, s14, s13, $0xb8;
	[tilespmem:$0x1EC40] =	vst v63  }
0x102: {  	p5 =	seq.s32 s30, $0x1  }
0x103: {  	p4 =	seq.s32 @!p5 s24, $0x0  }
0x104: {  	p4 =	por p4, p5  }
0x105: {  	s15 =	simm.s32 @!p4 $0xD  }
0x106: {  	p0 =	sge.s32 s2, s6;
	_ =	swait.ge @!p4 [sflag:s15], $0x2000  }
0x107: {  	p3 =	por p5, p5;
	p5 =	seq.s32 @!p0 s24, $0x0;
	[sflag:s15] =	ssyncset.done @!p4 $0x0  }
0x108: {  	[sflag:s15] =	ssyncadd.s32 @!p4 $0xFFFFE000;
	p4 =	por p5, p0  }
0x109: {  	s14 =	simm.s32 @!p3 $0xD000;
	s15 =	simm.s32 @!p3 $0x80;
	s16 =	simm.s32 @!p4 $0xE  }
0x10a: {  	[tilespmem:s14], [sflag:$0x5] =	stream.indirect.gather @!p3 [hbm4b:s19+s15], $0x40, s29, s15, $0xb8;
	[tilespmem:$0x1EC40] =	vst v63  }
0x10b: {  	_ =	swait.ge @!p4 [sflag:s16], $0x2000  }
0x10c: {  	s31 =	sld [smem:$0x7FC]  }
0x10d: {  	s2 =	sshra.s32 @!p0 s24, $0x2;
	[sflag:s16] =	ssyncset.done @!p4 $0x0  }
0x10e: {  	s17 =	simm.s32 @!p0 $0xF000;
	[sflag:s16] =	ssyncadd.s32 @!p4 $0xFFFFE000;
	s16 =	simm.s32 @!p0 $0x0  }
0x10f: {  	s18 =	simm.s32 @!p0 $0x80;
	s16 =	simm.s32 @p0 $0x1;
	p3 =	seq.s32 s31, $0x1  }
0x110: {  	[smem:$0x7EC] =	sst s16;
	s16 =	sadd.s32 @!p0 $0x280, s2;
	p5 =	seq.s32 @!p3 s24, $0x0  }
0x111: {  	[tilespmem:s17], [sflag:$0x6] =	stream.indirect.gather @!p0 [hbm4b:s19+s18], $0x40, s16, s18, $0xb8;
	[tilespmem:$0x1EC40] =	vst v63  }
0x112: {  	p5 =	por p5, p3  }
0x113: {  	s20 =	simm.s32 @!p5 $0xF  }
0x114: {  	_ =	swait.ge @!p5 [sflag:s20], $0x2000  }
0x115: {  	p4 =	sge.s32 s25, s6;
	s16 =	sshra.s32 @!p3 s24, $0x2;
	[sflag:s20] =	ssyncset.done @!p5 $0x0  }
0x116: {  	s28 =	simm.s32 @!p3 $0x11000;
	[sflag:s20] =	ssyncadd.s32 @!p5 $0xFFFFE000;
	p5 =	seq.s32 @!p4 s24, $0x0  }
0x117: {  	s22 =	sadd.s32 @!p3 $0x300, s16;
	s20 =	simm.s32 @!p3 $0x80;
	p5 =	por p5, p4  }
0x118: {  	[tilespmem:s28], [sflag:$0x7] =	stream.indirect.gather @!p3 [hbm4b:s19+s20], $0x40, s22, s20, $0xb8;
	[tilespmem:$0x1EC40] =	vst v63  }
0x119: {  	s22 =	simm.s32 @!p5 $0x10  }
0x11a: {  	_ =	swait.ge @!p5 [sflag:s22], $0x2000  }
0x11b: {  	s23 =	sshra.s32 @!p4 s24, $0x2;
	s25 =	simm.s32 @!p4 $0x80;
	[sflag:s22] =	ssyncset.done @!p5 $0x0  }
0x11c: {  	s24 =	simm.s32 @!p4 $0x13000;
	[sflag:s22] =	ssyncadd.s32 @!p5 $0xFFFFE000;
	s22 =	sadd.s32 @!p4 $0x380, s23  }
0x11d: {  	[tilespmem:s24], [sflag:$0x8] =	stream.indirect.gather @!p4 [hbm4b:s19+s25], $0x40, s22, s25, $0xb8;
	[tilespmem:$0x1EC40] =	vst v63  }
0x11e: {  	s22 =	simm.s32 @!p2 $0x1  }
0x11f: {  	_ =	swait.ge @!p2 [sflag:s22], $0x2000  }
0x120: {  	[sflag:s22] =	ssyncset.done @!p2 $0x0  }
0x121: {  	s1 =	sadd.s32 @!p2 $0x2800, s1;
	[sflag:s22] =	ssyncadd.s32 @!p2 $0xFFFFE000  }
0x122: {  	[spmem:s21] =	stream.indirect.scatter.add.f32 @!p2 [tilespmem:s5], [sflag:$0x9], $0x40, s1, s3, $0xb8;
	[tilespmem:$0x1EC40] =	vst v63  }
0x123: {  	s5 =	sld [smem:$0x7EB];
	_ =	sdelay $0x2  }
0x124: {  	p0 =	seq.s32 s5, $0x1  }
0x125: {  	s1 =	simm.s32 @!p0 $0x2  }
0x126: {  	_ =	swait.ge @!p0 [sflag:s1], $0x2000  }
0x127: {  	[sflag:s1] =	ssyncset.done @!p0 $0x0  }
0x128: {  	s0 =	sadd.s32 @!p0 $0x2880, s0;
	[sflag:s1] =	ssyncadd.s32 @!p0 $0xFFFFE000  }
0x129: {  	[spmem:s21] =	stream.indirect.scatter.add.f32 @!p0 [tilespmem:s7], [sflag:$0xA], $0x40, s0, s8, $0xb8;
	[tilespmem:$0x1EC40] =	vst v63  }
0x12a: {  	s0 =	simm.s32 @!p1 $0x3  }
0x12b: {  	_ =	swait.ge @!p1 [sflag:s0], $0x2000  }
0x12c: {  	[sflag:s0] =	ssyncset.done @!p1 $0x0  }
0x12d: {  	[sflag:s0] =	ssyncadd.s32 @!p1 $0xFFFFE000;
	s0 =	sadd.s32 @!p1 $0x2900, s4  }
0x12e: {  	[spmem:s21] =	stream.indirect.scatter.add.f32 @!p1 [tilespmem:s11], [sflag:$0xB], $0x40, s0, s9, $0xb8;
	[tilespmem:$0x1EC40] =	vst v63  }
0x12f: {  	s0 =	simm.s32 @!p6 $0x4  }
0x130: {  	_ =	swait.ge @!p6 [sflag:s0], $0x2000  }
0x131: {  	[sflag:s0] =	ssyncset.done @!p6 $0x0  }
0x132: {  	[sflag:s0] =	ssyncadd.s32 @!p6 $0xFFFFE000;
	s0 =	sadd.s32 @!p6 $0x2980, s10  }
0x133: {  	[spmem:s21] =	stream.indirect.scatter.add.f32 @!p6 [tilespmem:s12], [sflag:$0xC], $0x40, s0, s13, $0xb8;
	[tilespmem:$0x1EC40] =	vst v63  }
0x134: {  	s13 =	sld [smem:$0x7FD];
	_ =	sdelay $0x2  }
0x135: {  	p1 =	seq.s32 s13, $0x1  }
0x136: {  	p0 =	por p1, p1  }
0x137: {  	s0 =	simm.s32 @!p0 $0x5  }
0x138: {  	_ =	swait.ge @!p0 [sflag:s0], $0x2000  }
0x139: {  	[sflag:s0] =	ssyncset.done @!p0 $0x0  }
0x13a: {  	[sflag:s0] =	ssyncadd.s32 @!p0 $0xFFFFE000;
	s0 =	sadd.s32 @!p1 $0x2A00, s26  }
0x13b: {  	[spmem:s21] =	stream.indirect.scatter.add.f32 @!p0 [tilespmem:s14], [sflag:$0xD], $0x40, s0, s15, $0xb8;
	[tilespmem:$0x1EC40] =	vst v63  }
0x13c: {  	s15 =	sld [smem:$0x7EC];
	_ =	sdelay $0x2  }
0x13d: {  	p1 =	seq.s32 s15, $0x1  }
0x13e: {  	p0 =	por p1, p1  }
0x13f: {  	s0 =	simm.s32 @!p0 $0x6  }
0x140: {  	_ =	swait.ge @!p0 [sflag:s0], $0x2000  }
0x141: {  	[sflag:s0] =	ssyncset.done @!p0 $0x0  }
0x142: {  	[sflag:s0] =	ssyncadd.s32 @!p0 $0xFFFFE000;
	s0 =	sadd.s32 @!p1 $0x2A80, s2  }
0x143: {  	[spmem:s21] =	stream.indirect.scatter.add.f32 @!p0 [tilespmem:s17], [sflag:$0xE], $0x40, s0, s18, $0xb8;
	[tilespmem:$0x1EC40] =	vst v63  }
0x144: {  	p0 =	por p3, p3  }
0x145: {  	s0 =	simm.s32 @!p0 $0x7  }
0x146: {  	_ =	swait.ge @!p0 [sflag:s0], $0x2000  }
0x147: {  	[sflag:s0] =	ssyncset.done @!p0 $0x0  }
0x148: {  	[sflag:s0] =	ssyncadd.s32 @!p0 $0xFFFFE000;
	s0 =	sadd.s32 @!p3 $0x2B00, s16  }
0x149: {  	[spmem:s21] =	stream.indirect.scatter.add.f32 @!p0 [tilespmem:s28], [sflag:$0xF], $0x40, s0, s20, $0xb8;
	[tilespmem:$0x1EC40] =	vst v63  }
0x14a: {  	s0 =	simm.s32 @!p4 $0x8  }
0x14b: {  	_ =	swait.ge @!p4 [sflag:s0], $0x2000  }
0x14c: {  	[sflag:s0] =	ssyncset.done @!p4 $0x0  }
0x14d: {  	s20 =	simm.s32 $0x9;
	[sflag:s0] =	ssyncadd.s32 @!p4 $0xFFFFE000;
	s0 =	sadd.s32 @!p4 $0x2B80, s23  }
0x14e: {  	[spmem:s21] =	stream.indirect.scatter.add.f32 @!p4 [tilespmem:s24], [sflag:$0x10], $0x40, s0, s25, $0xb8;
	[tilespmem:$0x1EC40] =	vst v63  }
0x14f: {  	_ =	swait.ge [sflag:s20], $0x2000  }
0x150: {  	[sflag:s20] =	ssyncset.done $0x0  }
0x151: {  	s21 =	simm.s32 $0xA;
	[sflag:s20] =	ssyncadd.s32 $0xFFFFE000  }
0x152: {  	_ =	swait.ge [sflag:s21], $0x2000  }
0x153: {  	[sflag:s21] =	ssyncset.done $0x0  }
0x154: {  	s22 =	simm.s32 $0xB;
	[sflag:s21] =	ssyncadd.s32 $0xFFFFE000  }
0x155: {  	_ =	swait.ge [sflag:s22], $0x2000  }
0x156: {  	[sflag:s22] =	ssyncset.done $0x0  }
0x157: {  	s23 =	simm.s32 $0xC;
	[sflag:s22] =	ssyncadd.s32 $0xFFFFE000  }
0x158: {  	_ =	swait.ge [sflag:s23], $0x2000  }
0x159: {  	[sflag:s23] =	ssyncset.done $0x0  }
0x15a: {  	s24 =	simm.s32 $0xD;
	[sflag:s23] =	ssyncadd.s32 $0xFFFFE000  }
0x15b: {  	_ =	swait.ge [sflag:s24], $0x2000  }
0x15c: {  	[sflag:s24] =	ssyncset.done $0x0  }
0x15d: {  	s25 =	simm.s32 $0xE;
	[sflag:s24] =	ssyncadd.s32 $0xFFFFE000  }
0x15e: {  	_ =	swait.ge [sflag:s25], $0x2000  }
0x15f: {  	[sflag:s25] =	ssyncset.done $0x0  }
0x160: {  	s26 =	simm.s32 $0xF;
	[sflag:s25] =	ssyncadd.s32 $0xFFFFE000  }
0x161: {  	_ =	swait.ge [sflag:s26], $0x2000  }
0x162: {  	[sflag:s26] =	ssyncset.done $0x0  }
0x163: {  	s28 =	simm.s32 $0x10;
	[sflag:s26] =	ssyncadd.s32 $0xFFFFE000  }
0x164: {  	_ =	swait.ge [sflag:s28], $0x2000  }
0x165: {  	[sflag:s28] =	ssyncset.done $0x0  }
0x166: {  	[sflag:s28] =	ssyncadd.s32 $0xFFFFE000  }
0x167: {  	[bflag:$0x0] =	sbarrier.arrive $0xFFFF  }
0x168: {  	s3 =	rddreg [dreg:$0x7]  }
0x169: {  	s29 =	rddreg [dreg:$0xa]  }
0x16a: {  	s2 =	simm.s32 $0x11;
	s1 =	rddreg [dreg:$0xc]  }
0x16b: {  	[hbm:s29], [sflag:s3] =	dma.local [spmem:s1], $0x1388  }
0x16c: {  	_ =	swait.ge [sflag:s2], $0x1388  }
0x16d: {  	s30 =	rddreg [dreg:$0xd]  }
0x16e: {  	s31 =	rddreg [dreg:$0xb];
	s4 =	sadd.s32 $0x1, s30  }
0x16f: {  	p0 =	sne.s32 s4, s31  }
.Ltmp1:
0x170: {  	_ = 	snop;
	(pc) =	sbr.rel @p0 .LBB2_1-.Ltmp1, $3  }
0x171: {  	_ =	sdelay $0x1  }
0x172: {  	[sflag:s2] =	ssyncset.done $0x0  }
0x173: {  	[sflag:s2] =	ssyncadd.s32 $0xFFFFEC78  }
0x174: {  	_ =	sfence.sel $0x180000  }
0x175: {  	[bflag:$0x0] =	sbarrier.arrive $0xFFFF  }
0x176: {  	_ =	strace $0x9000004A  }
0x177: {  	s0 =	stileid.u32;
	[bflag:$0x2] =	sbarrier.arrive $0xFFFF  }
0x178: {  	p0 =	sne.s32 s0, $0x0;
	s0 =	rddreg [dreg:$0x2]  }
0x179: {  	s0 =	sadd.s32 @!p0 $0x100000, s0  }
0x17a: {  	[sflag:s0] =	ssyncadd.tile.s32 @!p0 $0x1;
	_ =	shalt  }
.Lfunc_end2:
_tile_overlayer_lowered:
.L_overlay_start_2:
0x17b: {  	(tag) =	ssettag $0x2  }
0x17c: {  	s0 =	rddreg [dreg:$0x0];
	s2 =	stileid.u32  }
0x17d: {  	s1 =	rddreg [dreg:$0x1];
	p0 =	sne.s32 s2, $0x0  }
0x17e: {  	s3 =	rddreg [dreg:$0x2];
	[bflag:$0x3] =	sbarrier.arrive $0xFFFF;
	s2 =	simm.s32 @!p0 $0x1C11  }
0x17f: {  	[timem:s3], [sflag:s2] =	dma.local @!p0 [hbm:s0], s1  }
0x180: {  	s0 =	simm.s32 @!p0 $0x11  }
0x181: {  	_ =	swait.ge @!p0 [sflag:s0], s1  }
0x182: {  	s1 =	ssub.s32 @!p0 $0x0, s1;
	[sflag:s0] =	ssyncset.done @!p0 $0x0  }
0x183: {  	[sflag:s0] =	ssyncadd.s32 @!p0 s1  }
0x184: {  	[bflag:$0x3] =	sbarrier.arrive $0xFFFF  }
0x185: {  	_ =	shalt  }

// kernel: kernel.14.cloned.1.call-start
scs
__scs_entry_jumppad:
0x0: {  	(pc) =	sbr.rel $0x88, $3  }
0x1: {  	(tag) =	ssettag $0x0;
	lr =	simm.s32 $0x1  }
0x2: {  	[smem:$0x3F98] =	sst lr;
	_ =	strace $0xD0000000  }
0x3: {  	_ = 	snop  }
0x4: {  	_ = 	snop  }
0x5: {  	_ = 	snop  }
0x6: {  	_ = 	snop  }
0x7: {  	_ = 	snop  }
__scs_overlays_trampoline_lowered:
0x8: {  	[smem:$0x3FA7] =	sst s0  }
0x9: {  	[smem:$0x3FA8] =	sst s1  }
0xa: {  	[smem:$0x3FA9] =	sst s2  }
0xb: {  	[smem:$0x3FAA] =	sst s3  }
0xc: {  	[smem:$0x3FAB] =	sst s4  }
0xd: {  	[smem:$0x3FAC] =	sst s5  }
0xe: {  	[smem:$0x3FAD] =	sst s6  }
0xf: {  	[smem:$0x3FAE] =	sst s7  }
0x10: {  	[smem:$0x3FAF] =	sst s8  }
0x11: {  	[smem:$0x3FB0] =	sst s9;
	s0 =	simm.s32 @!p0 $0x0  }
0x12: {  	s1 =	sld [smem:$0x3F96];
	s0 =	simm.s32 @p0 $0x1  }
0x13: {  	[smem:$0x3FB1] =	sst s0;
	s0 =	simm.s32 @!p1 $0x0  }
0x14: {  	s2 =	sld [smem:$0x3F95];
	s0 =	simm.s32 @p1 $0x1  }
0x15: {  	[smem:$0x3FB2] =	sst s0;
	s0 =	simm.s32 @!p2 $0x0  }
0x16: {  	s3 =	sld [smem:$0x3FDB];
	s0 =	simm.s32 @p2 $0x1  }
0x17: {  	s4 =	simm.s32 $0x1BF5;
	[smem:$0x3FB4] =	sst s0  }
0x18: {  	s0 =	sld [smem:$0x3F97];
	_ =	swait.ge [sflag:s4], $0x0  }
0x19: {  	s7 =	sld [smem:$0x3F98]  }
0x1a: {  	s8 =	sadd.s32 $0xFFFFE003, lr  }
0x1b: {  	s9 =	sadd.s32 $0xFFFFFEF7, lr;
	s5 =	simm.s32 $0xFFFFFFFF;
	p2 =	slt.u32 s8, $0xFFFFF086  }
0x1c: {  	p1 =	slt.u32 s9, $0xF7A;
	s5 =	simm.s32 @!p2 $0x0  }
0x1d: {  	s5 =	simm.s32 @p1 $0x1;
	p0 =	seq.s32 s7, s2  }
0x1e: {  	s7 =	smul.u32 @!p0 $0xF7A, s2;
	p2 =	seq.s32 @!p0 s5, $0x0  }
0x1f: {  	s9 =	smul.u32 $0xF7A, s1;
	s8 =	simm.s32 @!p0 $0x1BF5;
	p2 =	por !p2, p0  }
0x20: {  	[sflag:s8] =	ssyncset.s32 @!p0 $0xFFFFF086;
	s6 =	sadd.s32 @!p0 s3, s7;
	s7 =	simm.s32 @!p0 $0x108  }
0x21: {  	s3 =	sadd.s32 s3, s9;
	s6 =	sadd.s32 @!p0 $0x88, s6;
	s7 =	simm.s32 @p2 $0x1082  }
0x22: {  	[simem:s7], [sflag:s8] =	dma.local @!p0 [hbm:s6], $0xF7A  }
0x23: {  	s9 =	sor.u32 $0xD0000000, s2;
	s6 =	simm.s32 $0x108;
	_ =	swait.ge @!p0 [sflag:s8], $0x0  }
0x24: {  	s3 =	sadd.s32 $0x88, s3;
	s6 =	simm.s32 @!p1 $0x1082;
	[sflag:s4] =	ssyncset.s32 $0xFFFFF086  }
0x25: {  	[simem:s6], [sflag:s4] =	dma.local [hbm:s3], $0xF7A  }
0x26: {  	[smem:$0x3F98] =	sst s1;
	(tag) =	ssettag s2;
	_ =	strace s9  }
0x27: {  	s1 =	sld [smem:$0x3FA8]  }
0x28: {  	s2 =	sld [smem:$0x3FA9]  }
0x29: {  	s4 =	sld [smem:$0x3FAB]  }
0x2a: {  	p0 =	seq.s32 s5, $0x0;
	s5 =	sld [smem:$0x3FAC]  }
0x2b: {  	s6 =	sld [smem:$0x3FAD]  }
0x2c: {  	s7 =	sld [smem:$0x3FAE]  }
0x2d: {  	s3 =	simm.s32 $0x108;
	s8 =	sld [smem:$0x3FAF]  }
0x2e: {  	s3 =	simm.s32 @!p0 $0x1082;
	s9 =	sld [smem:$0x3FB0]  }
0x2f: {  	lr =	sadd.s32 s0, s3;
	s0 =	sld [smem:$0x3FA7]  }
0x30: {  	s3 =	sld [smem:$0x3FAA]  }
0x31: {  	[smem:$0x3FB3] =	sst s10  }
0x32: {  	s10 =	sld [smem:$0x3FB1];
	_ =	sdelay $0x3  }
0x33: {  	p0 =	seq.s32 s10, $0x1;
	s10 =	sld [smem:$0x3FB3];
	_ =	sdelay $0x3  }
0x34: {  	[smem:$0x3FB3] =	sst s10  }
0x35: {  	s10 =	sld [smem:$0x3FB2];
	_ =	sdelay $0x3  }
0x36: {  	p1 =	seq.s32 s10, $0x1;
	s10 =	sld [smem:$0x3FB3];
	_ =	sdelay $0x3  }
0x37: {  	[smem:$0x3FB3] =	sst s10  }
0x38: {  	s10 =	sld [smem:$0x3FB4]  }
0x39: {  	_ = 	snop;
	(pc) =	sbr.ind lr, $3  }
0x3a: {  	_ = 	snop  }
0x3b: {  	_ = 	snop  }
0x3c: {  	p2 =	seq.s32 s10, $0x1;
	s10 =	sld [smem:$0x3FB3]  }
0x3d: {  	_ =	shalt  }
0x3e: {  	_ =	shalt  }
0x3f: {  	_ =	shalt  }
0x40: {  	_ =	shalt  }
0x41: {  	_ =	shalt  }
0x42: {  	_ =	shalt  }
0x43: {  	_ =	shalt  }
0x44: {  	_ =	shalt  }
0x45: {  	_ =	shalt  }
0x46: {  	_ =	shalt  }
0x47: {  	_ =	shalt  }
0x48: {  	_ =	shalt  }
0x49: {  	_ =	shalt  }
0x4a: {  	_ =	shalt  }
0x4b: {  	_ =	shalt  }
0x4c: {  	_ =	shalt  }
0x4d: {  	_ =	shalt  }
0x4e: {  	_ =	shalt  }
0x4f: {  	_ =	shalt  }
0x50: {  	_ =	shalt  }
0x51: {  	_ =	shalt  }
0x52: {  	_ =	shalt  }
0x53: {  	_ =	shalt  }
0x54: {  	_ =	shalt  }
0x55: {  	_ =	shalt  }
0x56: {  	_ =	shalt  }
0x57: {  	_ =	shalt  }
0x58: {  	_ =	shalt  }
0x59: {  	_ =	shalt  }
0x5a: {  	_ =	shalt  }
0x5b: {  	_ =	shalt  }
0x5c: {  	_ =	shalt  }
0x5d: {  	_ =	shalt  }
0x5e: {  	_ =	shalt  }
0x5f: {  	_ =	shalt  }
0x60: {  	_ =	shalt  }
0x61: {  	_ =	shalt  }
0x62: {  	_ =	shalt  }
0x63: {  	_ =	shalt  }
0x64: {  	_ =	shalt  }
0x65: {  	_ =	shalt  }
0x66: {  	_ =	shalt  }
0x67: {  	_ =	shalt  }
0x68: {  	_ =	shalt  }
0x69: {  	_ =	shalt  }
0x6a: {  	_ =	shalt  }
0x6b: {  	_ =	shalt  }
0x6c: {  	_ =	shalt  }
0x6d: {  	_ =	shalt  }
0x6e: {  	_ =	shalt  }
0x6f: {  	_ =	shalt  }
0x70: {  	_ =	shalt  }
0x71: {  	_ =	shalt  }
0x72: {  	_ =	shalt  }
0x73: {  	_ =	shalt  }
0x74: {  	_ =	shalt  }
0x75: {  	_ =	shalt  }
0x76: {  	_ =	shalt  }
0x77: {  	_ =	shalt  }
0x78: {  	_ =	shalt  }
0x79: {  	_ =	shalt  }
0x7a: {  	_ =	shalt  }
0x7b: {  	_ =	shalt  }
0x7c: {  	_ =	shalt  }
0x7d: {  	_ =	shalt  }
0x7e: {  	_ =	shalt  }
0x7f: {  	_ =	shalt  }
0x80: {  	_ =	shalt  }
0x81: {  	_ =	shalt  }
0x82: {  	_ =	shalt  }
0x83: {  	_ =	shalt  }
0x84: {  	_ =	shalt  }
0x85: {  	_ =	shalt  }
0x86: {  	_ =	shalt  }
0x87: {  	_ =	shalt  }
.Lfunc_end0:
.L_simem_size_0:
called_computation.2_lowered:
.L_overlay_start_0:
0x88: {  	s2 =	sld [smem:$0x3FD9]  }
0x89: {  	s3 =	sld [smem:$0x3FFE];
	_ =	sdelay $0x1  }
0x8a: {  	s1 =	srdreg.scid  }
0x8b: {  	s0 =	sand.u32 $0x1, s1  }
0x8c: {  	s16 =	sshll.u32 s0, $0xA;
	s2 =	sadd.s32 s3, s2  }
0x8d: {  	s2 =	sadd.s32 s2, s16  }
0x8e: {  	[smem:$0x3FBF] =	sst s2  }
0x8f: {  	_ = 	snop  }
0x90: {  	(tm) =	ssettm $0x1  }
0x91: {  	s17 =	sld [smem:$0x3FFB];
	_ =	sdelay $0x3  }
0x92: {  	_ =	strace s17  }
0x93: {  	s2 =	sld [smem:$0x3FFC];
	_ =	sdelay $0x3  }
0x94: {  	_ =	strace s2  }
0x95: {  	s2 =	sld [smem:$0x3FFD];
	_ =	sdelay $0x3  }
0x96: {  	_ =	strace s2  }
0x97: {  	_ =	strace $0x8FFFFFFF  }
0x98: {  	s18 =	sld [smem:$0x3FDB];
	_ =	sdelay $0x1  }
0x99: {  	s19 =	simm.s32 $_scs_section_size  }
0x9a: {  	s4 =	simm.s32 $_size__tile_overlayer_lowered;
	s5 =	simm.s32 $_tile_overlayer_lowered  }
0x9b: {  	s22 =	simm.s32 $0x1BFF;
	s21 =	sshll.u32 s5, $0x1;
	s2 =	sadd.s32 s19, s18  }
0x9c: {  	s6 =	simm.s32 $0x0;
	s20 =	sshll.u32 s4, $0x1;
	s4 =	sadd.s32 s21, s2  }
0x9d: {  	[timem:s6], [sflag:s22] =	dma.local [hbm:s4], s20  }
0x9e: {  	_ =	swait.ge [sflag:s22], s20  }
0x9f: {  	s3 =	ssub.s32 $0x0, s20;
	[sflag:s22] =	ssyncset.done $0x0  }
0xa0: {  	[sflag:s22] =	ssyncadd.s32 s3;
	_ =	sdelay $0x1  }
0xa1: {  	s23 =	simm.s32 $0x1B8B  }
0xa2: {  	_ =	swait.ge [sflag:s23], $0x1  }
0xa3: {  	[sflag:s23] =	ssyncset.done $0x0  }
0xa4: {  	s25 =	simm.s32 $0x1B8E;
	s24 =	sld [smem:$0x3FFE];
	[sflag:s23] =	ssyncadd.s32 $0xFFFFFFFF  }
0xa5: {  	s26 =	simm.s32 $execute0_lowered;
	[smem:$0x3FD2] =	sst s25  }
0xa6: {  	s4 =	sshll.u32 s26, $0x1;
	_ =	strace $0x8000004C;
	[dreg:$0x1] =	wrdreg $0xFFFFFFFF  }
0xa7: {  	s28 =	simm.s32 $_size_execute0_lowered;
	s2 =	sadd.s32 s2, s4;
	[dreg:$0x0] =	wrdreg $0x0  }
0xa8: {  	s4 =	sshll.u32 s28, $0x1;
	[dreg:$0x2] =	wrdreg s2  }
0xa9: {  	[dreg:$0x3] =	wrdreg s4  }
0xaa: {  	[dreg:$0x4] =	wrdreg $0xC0  }
0xab: {  	_ =	task [dreg:s6], $0x5FFFF  }
0xac: {  	[dreg:$0x1] =	wrdreg $0xFFFFFFFF  }
0xad: {  	[dreg:$0x0] =	wrdreg $0x60  }
0xae: {  	[dreg:$0x2] =	wrdreg s24  }
0xaf: {  	[dreg:$0x3] =	wrdreg $0xC5800  }
0xb0: {  	[dreg:$0x4] =	wrdreg $0x9  }
0xb1: {  	_ =	task.clear_ibuf [dreg:s6], $0x5FFFF;
	_ =	strace $0x9000004C  }
0xb2: {  	s29 =	simm.s32 $0x9;
	_ =	strace $0x8000004E  }
0xb3: {  	_ =	swait.ge [sflag:s29], $0x1  }
0xb4: {  	[sflag:s29] =	ssyncadd.s32 $0xFFFFFFFF  }
0xb5: {  	_ =	strace $0x9000004E  }
0xb6: {  	_ =	sfence  }
0xb7: {  	s30 =	sld [smem:$0x0];
	_ =	sdelay $0x2  }
0xb8: {  	s31 =	sshll.u32 s1, $0xD;
	s1 =	sshrl.u32 s1, $0x2  }
0xb9: {  	s3 =	sand.u32 $0x4000, s31;
	s1 =	sadd.s32 s1, s30  }
0xba: {  	s0 =	sor.u32 s3, s0;
	s1 =	sshll.u32 s1, $0x11  }
0xbb: {  	s0 =	sor.u32 s1, s0  }
0xbc: {  	s0 =	sadd.s32 $0x8F2B, s0  }
0xbd: {  	[sflag:s0] =	ssyncadd.remote.s32 $0x1  }
0xbe: {  	_ =	sfence.sel $0xFFFF  }
0xbf: {  	[dreg:$0x0] =	wrdreg $0xFFFFFFFF;
	(pc) =	sbr.abs _section_cstart, $3  }
0xc0: {  	[dreg:$0x1] =	wrdreg $0xFFFFFFFF  }
0xc1: {  	_ =	task.clear_ibuf [dreg:s6], $0x2FFFF;
	_ =	strace $0x9FFFFFFF  }
0xc2: {  	(tm) =	ssettm $0x7FFFFFFF  }
0xc3: {  	_ =	shalt  }
tec
execute0_lowered:
.L_overlay_start_1:
0x0: {  	(tag) =	ssettag $0x1  }
0x1: {  	s0 =	rddreg [dreg:$0x0]  }
0x2: {  	s2 =	rddreg [dreg:$0x1]  }
0x3: {  	s1 =	srdreg.scid;
	s12 =	stileid.u32  }
0x4: {  	s4 =	simm.s32 $0x0;
	s19 =	simm.s32 $0x9;
	s1 =	sand.u32 $0x1, s1  }
0x5: {  	s3 =	smul.u32 $0x13880, s12;
	[smem:$0x7FF] =	sst s4;
	s4 =	sadd.s32 $0x6F400, s0  }
0x6: {  	s9 =	sadd.s32 $0xDB200, s0;
	s10 =	sadd.s32 $0xD1200, s0;
	s8 =	sadd.s32 $0x3200, s0  }
0x7: {  	s23 =	sshll.u32 s12, $0x6;
	s5 =	smul.u32 $0x138800, s1;
	s6 =	sshll.u32 s1, $0x4  }
0x8: {  	_ =	strace $0x8000004D;
	[dreg:$0x3] =	wrdreg s8;
	s7 =	sor.u32 s12, s6  }
0x9: {  	s1 =	ssub.s32 $0x2, s1;
	s8 =	sor.u32 $0x1C09, s23;
	s6 =	smul.u32 $0xFA0, s7  }
0xa: {  	s23 =	simm.s32 $0x7;
	s22 =	sshrl.u32 s1, $0x1;
	s21 =	smul.u32 $0xFFFFFF83, s7  }
0xb: {  	[dreg:$0x5] =	wrdreg s8;
	s5 =	sadd.s32 s3, s5;
	s11 =	smul.u32 $0x4E2, s7  }
0xc: {  	s1 =	ssub.s32 s1, s22;
	s7 =	smul.u32 $0x2710, s7;
	s3 =	sadd.s32 s3, s2  }
0xd: {  	s22 =	simm.s32 $0x6;
	s5 =	sshrl.u32 s5, $0x3;
	[dreg:$0x4] =	wrdreg s3  }
0xe: {  	s31 =	smax.u32 s1, $0x1;
	s6 =	sadd.s32 $0xFA0, s6;
	s0 =	sadd.s32 s5, s0  }
0xf: {  	s24 =	sadd.s32 s9, s11;
	s7 =	sshrl.u32 s7, $0x3;
	[dreg:$0xd] =	wrdreg s31  }
0x10: {  	s11 =	sadd.s32 s10, s11;
	s6 =	sshrl.u32 s6, $0x5;
	[dreg:$0x6] =	wrdreg s24  }
0x11: {  	[dreg:$0x7] =	wrdreg s11;
	s25 =	sadd.s32 $0x258, s7;
	s29 =	sadd.s32 $0x4B0, s7  }
0x12: {  	s0 =	sadd.s32 $0xE5200, s0;
	s24 =	simm.s32 $0x8;
	s5 =	sadd.s32 s21, s6  }
0x13: {  	s26 =	sadd.s32 s9, s25;
	s28 =	sadd.s32 s10, s25;
	s30 =	sadd.s32 s9, s29  }
0x14: {  	[dreg:$0xc] =	wrdreg s0;
	s21 =	simm.s32 $0x5;
	p0 =	slt.s32 s5, $0x3C  }
0x15: {  	s6 =	smov.u32 s5;
	s3 =	smov.u32 s5;
	[dreg:$0x8] =	wrdreg s26  }
0x16: {  	[dreg:$0x9] =	wrdreg s28;
	s6 =	simm.s32 @!p0 $0x3C;
	p0 =	slt.s32 s5, $0x78  }
0x17: {  	[dreg:$0xa] =	wrdreg s30;
	s3 =	simm.s32 @!p0 $0x78;
	p0 =	slt.s32 s5, $0xB4  }
0x18: {  	s11 =	sadd.s32 $0xFFFFFFC4, s3;
	s5 =	simm.s32 @!p0 $0xB4;
	s3 =	sadd.s32 s10, s29  }
0x19: {  	s25 =	simm.s32 $0x0;
	s14 =	sadd.s32 $0xFFFFFF88, s5;
	[dreg:$0xb] =	wrdreg s3  }
.LBB2_1:
0x1a: {  	s0 =	rddreg [dreg:$0x4]  }
0x1b: {  	s17 =	rddreg [dreg:$0x3];
	s26 =	sshrl.u32 s0, $0x3  }
0x1c: {  	[spmem:s26], [sflag:s8] =	dma.local [hbm:s17], $0x2710  }
0x1d: {  	_ =	swait.ge [sflag:s19], $0x2710  }
0x1e: {  	[sflag:s19] =	ssyncset.done $0x0  }
0x1f: {  	[sflag:s19] =	ssyncadd.s32 $0xFFFFD8F0  }
0x20: {  	[bflag:$0x0] =	sbarrier.arrive $0xFFFF  }
0x21: {  	s18 =	simm.s32 $0x0;
	s1 =	rddreg [dreg:$0x6]  }
0x22: {  	[tilespmem:s18], [sflag:$0x9] =	stream.linear.gather [hbm4b:s1+s18], $0x12C0, $0x38;
	[tilespmem:$0x1FE00] =	vst v63  }
0x23: {  	_ =	swait.ge [sflag:s19], $0x12C0  }
0x24: {  	s3 =	simm.s32 $0x12C0;
	[sflag:s19] =	ssyncset.done $0x0  }
0x25: {  	p2 =	sle.s32 s6, $0x0;
	s20 =	rddreg [dreg:$0x7];
	[sflag:s19] =	ssyncadd.s32 $0xFFFFED40  }
0x26: {  	[tilespmem:s3], [sflag:$0x9] =	stream.linear.gather [hbm4b:s20+s18], $0x12C0, $0x38;
	[tilespmem:$0x1FE00] =	vst v63  }
0x27: {  	p1 =	sle.s32 s6, $0x1;
	p0 =	por @!p2 $0x1, $0x1;
	_ =	swait.ge [sflag:s19], $0x12C0  }
0x28: {  	s0 =	simm.s32 @!p2 $0x50;
	p3 =	por p0, p2;
	[sflag:s19] =	ssyncset.done $0x0  }
0x29: {  	p4 =	por @!p1 $0x1, $0x1;
	s1 =	simm.s32 @!p3 $0x5;
	[sflag:s19] =	ssyncadd.s32 $0xFFFFED40  }
0x2a: {  	s9 =	simm.s32 @!p2 $0x2580;
	s10 =	simm.s32 @!p1 $0x4D80;
	_ =	swait.ge @!p3 [sflag:s1], $0x2800  }
0x2b: {  	p0 =	sle.s32 s6, $0x2;
	p4 =	por p4, p1;
	[sflag:s1] =	ssyncset.done @!p3 $0x0  }
0x2c: {  	s5 =	simm.s32 @!p4 $0x6;
	s3 =	simm.s32 @!p2 $0x0;
	[sflag:s1] =	ssyncadd.s32 @!p3 $0xFFFFD800  }
0x2d: {  	[tilespmem:s9], [sflag:$0x1] =	stream.indirect.gather @!p2 [hbm4b:s4+s0], $0x80, s3, s0, $0xb8;
	[tilespmem:$0x1FE00] =	vst v63  }
0x2e: {  	s13 =	simm.s32 @!p1 $0x50;
	p3 =	por @!p0 $0x1, $0x1;
	_ =	swait.ge @!p4 [sflag:s5], $0x2800  }
0x2f: {  	s1 =	simm.s32 @!p1 $0x50;
	p5 =	por p3, p0;
	[sflag:s5] =	ssyncset.done @!p4 $0x0  }
0x30: {  	p3 =	sle.s32 s6, $0x3;
	[sflag:s5] =	ssyncadd.s32 @!p4 $0xFFFFD800;
	s5 =	simm.s32 @!p5 $0x7  }
0x31: {  	[tilespmem:s10], [sflag:$0x2] =	stream.indirect.gather @!p1 [hbm4b:s4+s13], $0x80, s1, s13, $0xb8;
	[tilespmem:$0x1FE00] =	vst v63  }
0x32: {  	s3 =	simm.s32 @!p0 $0x7580;
	p4 =	por @!p3 $0x1, $0x1;
	_ =	swait.ge @!p5 [sflag:s5], $0x2800  }
0x33: {  	s1 =	simm.s32 @!p0 $0xA0;
	p4 =	por p4, p3;
	[sflag:s5] =	ssyncset.done @!p5 $0x0  }
0x34: {  	s12 =	simm.s32 @!p4 $0x8;
	[sflag:s5] =	ssyncadd.s32 @!p5 $0xFFFFD800;
	s5 =	simm.s32 @!p0 $0x50  }
0x35: {  	[tilespmem:s3], [sflag:$0x3] =	stream.indirect.gather @!p0 [hbm4b:s4+s5], $0x80, s1, s5, $0xb8;
	[tilespmem:$0x1FE00] =	vst v63  }
0x36: {  	_ =	swait.ge @!p4 [sflag:s12], $0x2800  }
0x37: {  	s15 =	simm.s32 @!p2 $0x1;
	s16 =	simm.s32 @!p3 $0xF0;
	[sflag:s12] =	ssyncset.done @!p4 $0x0  }
0x38: {  	s7 =	simm.s32 @!p3 $0x50;
	s1 =	simm.s32 @!p3 $0x9D80;
	[sflag:s12] =	ssyncadd.s32 @!p4 $0xFFFFD800  }
0x39: {  	[tilespmem:s1], [sflag:$0x4] =	stream.indirect.gather @!p3 [hbm4b:s4+s7], $0x80, s16, s7, $0xb8;
	[tilespmem:$0x1FE00] =	vst v63  }
0x3a: {  	_ =	swait.ge @!p2 [sflag:s15], $0x2800  }
0x3b: {  	s29 =	simm.s32 $0x500;
	[sflag:s15] =	ssyncset.done @!p2 $0x0  }
0x3c: {  	s12 =	simm.s32 @!p2 $0x12C0;
	s16 =	simm.s32 @!p1 $0x2;
	[sflag:s15] =	ssyncadd.s32 @!p2 $0xFFFFD800  }
0x3d: {  	[spmem:s2] =	stream.indirect.scatter.add.f32 @!p2 [tilespmem:s9], [sflag:$0x5], $0x80, s12, s0, $0xb8;
	[tilespmem:$0x1FE00] =	vst v63  }
0x3e: {  	s31 =	simm.s32 $0xA00;
	s17 =	simm.s32 $0x6;
	_ =	swait.ge @!p1 [sflag:s16], $0x2800  }
0x3f: {  	p4 =	por p3, p3;
	s15 =	simm.s32 @!p1 $0x1310;
	[sflag:s16] =	ssyncset.done @!p1 $0x0  }
0x40: {  	s9 =	simm.s32 @!p0 $0x1360;
	s12 =	simm.s32 @!p4 $0x13B0;
	[sflag:s16] =	ssyncadd.s32 @!p1 $0xFFFFD800  }
0x41: {  	[spmem:s2] =	stream.indirect.scatter.add.f32 @!p1 [tilespmem:s10], [sflag:$0x6], $0x80, s15, s13, $0xb8;
	[tilespmem:$0x1FE00] =	vst v63  }
0x42: {  	s0 =	simm.s32 $0x7;
	p2 =	sle.s32 s6, $0x7;
	s10 =	simm.s32 @!p0 $0x3  }
0x43: {  	s28 =	simm.s32 @!p2 $0x140;
	p1 =	sle.s32 s6, $0x4;
	_ =	swait.ge @!p0 [sflag:s10], $0x2800  }
0x44: {  	s16 =	simm.s32 @!p4 $0x4;
	p3 =	por @!p1 $0x0, $0x0;
	[sflag:s10] =	ssyncset.done @!p0 $0x0  }
0x45: {  	s30 =	simm.s32 @!p1 $0x50;
	p5 =	por p3, p1;
	[sflag:s10] =	ssyncadd.s32 @!p0 $0xFFFFD800  }
.LBB2_2:
0x46: {  	[spmem:s2] =	stream.indirect.scatter.add.f32 @!p0 [tilespmem:s3], [sflag:$0x7], $0x80, s9, s5, $0xb8;
	[tilespmem:$0x1FE00] =	vst v63  }
0x47: {  	s10 =	smov.u32 s31  }
0x48: {  	s3 =	simm.s32 @!p5 $0x5;
	s5 =	sadd.s32 $0xFFFFFFFE, s0;
	_ =	swait.ge @!p4 [sflag:s16], $0x2800  }
0x49: {  	p0 =	sge.s32 s17, s6;
	p3 =	sge.s32 s5, s6;
	[sflag:s16] =	ssyncset.done @!p4 $0x0  }
0x4a: {  	s31 =	sadd.s32 $0x500, s31;
	p6 =	seq.s32 @!p3 s29, $0x0;
	[sflag:s16] =	ssyncadd.s32 @!p4 $0xFFFFD800  }
0x4b: {  	[spmem:s2] =	stream.indirect.scatter.add.f32 @!p4 [tilespmem:s1], [sflag:$0x8], $0x80, s12, s7, $0xb8;
	[tilespmem:$0x1FE00] =	vst v63  }
0x4c: {  	s1 =	sshra.s32 @!p1 s29, $0x2;
	p4 =	por p6, p3;
	_ =	swait.ge @!p5 [sflag:s3], $0x2800  }
0x4d: {  	s7 =	sshra.s32 @!p3 s29, $0x2;
	s5 =	simm.s32 @!p4 $0x6;
	[sflag:s3] =	ssyncset.done @!p5 $0x0  }
0x4e: {  	s12 =	simm.s32 @!p1 $0x2580;
	[sflag:s3] =	ssyncadd.s32 @!p5 $0xFFFFD800;
	s3 =	sadd.s32 @!p3 $0x50, s7  }
0x4f: {  	[tilespmem:s12], [sflag:$0x1] =	stream.indirect.gather @!p1 [hbm4b:s4+s30], $0x80, s1, s30, $0xb8;
	[tilespmem:$0x1FE00] =	vst v63  }
0x50: {  	s13 =	simm.s32 @!p3 $0x4D80;
	p5 =	seq.s32 @!p0 s29, $0x0;
	_ =	swait.ge @!p4 [sflag:s5], $0x2800  }
0x51: {  	s15 =	simm.s32 @!p3 $0x50;
	p5 =	por p5, p0;
	[sflag:s5] =	ssyncset.done @!p4 $0x0  }
0x52: {  	s9 =	sshra.s32 @!p0 s29, $0x2;
	[sflag:s5] =	ssyncadd.s32 @!p4 $0xFFFFD800;
	s5 =	simm.s32 @!p5 $0x7  }
0x53: {  	[tilespmem:s13], [sflag:$0x2] =	stream.indirect.gather @!p3 [hbm4b:s4+s15], $0x80, s3, s15, $0xb8;
	[tilespmem:$0x1FE00] =	vst v63  }
0x54: {  	s16 =	sadd.s32 @!p0 $0xA0, s9;
	s9 =	sadd.s32 @!p0 $0x1360, s9;
	_ =	swait.ge @!p5 [sflag:s5], $0x2800  }
0x55: {  	p4 =	seq.s32 @!p2 s29, $0x0;
	s3 =	simm.s32 @!p0 $0x7580;
	[sflag:s5] =	ssyncset.done @!p5 $0x0  }
0x56: {  	p4 =	por p4, p2;
	[sflag:s5] =	ssyncadd.s32 @!p5 $0xFFFFD800;
	s5 =	simm.s32 @!p0 $0x50  }
0x57: {  	[tilespmem:s3], [sflag:$0x3] =	stream.indirect.gather @!p0 [hbm4b:s4+s5], $0x80, s16, s5, $0xb8;
	[tilespmem:$0x1FE00] =	vst v63  }
0x58: {  	s17 =	simm.s32 @!p1 $0x1;
	s18 =	sadd.s32 @!p1 $0x12C0, s1;
	s16 =	simm.s32 @!p4 $0x8  }
0x59: {  	s20 =	sadd.s32 @!p3 $0x1310, s7;
	s1 =	simm.s32 @!p2 $0x9D80;
	_ =	swait.ge @!p4 [sflag:s16], $0x2800  }
0x5a: {  	s8 =	sadd.s32 @!p2 $0xF0, s28;
	s7 =	simm.s32 @!p2 $0x50;
	[sflag:s16] =	ssyncset.done @!p4 $0x0  }
0x5b: {  	p6 =	sne.s32 s31, $0x4B00;
	s29 =	smov.u32 s10;
	[sflag:s16] =	ssyncadd.s32 @!p4 $0xFFFFD800  }
0x5c: {  	[tilespmem:s1], [sflag:$0x4] =	stream.indirect.gather @!p2 [hbm4b:s4+s7], $0x80, s8, s7, $0xb8;
	[tilespmem:$0x1FE00] =	vst v63  }
0x5d: {  	p4 =	por p2, p2;
	s8 =	simm.s32 @!p3 $0x2;
	_ =	swait.ge @!p1 [sflag:s17], $0x2800  }
0x5e: {  	[sflag:s17] =	ssyncset.done @!p1 $0x0  }
0x5f: {  	s0 =	sadd.s32 $0x4, s0;
	[sflag:s17] =	ssyncadd.s32 @!p1 $0xFFFFD800  }
0x60: {  	[spmem:s2] =	stream.indirect.scatter.add.f32 @!p1 [tilespmem:s12], [sflag:$0x5], $0x80, s18, s30, $0xb8;
	[tilespmem:$0x1FE00] =	vst v63  }
0x61: {  	s10 =	simm.s32 @!p0 $0x3;
	s12 =	sadd.s32 @!p4 $0x13B0, s28;
	_ =	swait.ge @!p3 [sflag:s8], $0x2800  }
0x62: {  	s16 =	simm.s32 @!p4 $0x4;
	s17 =	sadd.s32 $0xFFFFFFFF, s0;
	[sflag:s8] =	ssyncset.done @!p3 $0x0  }
.Ltmp0:
0x63: {  	s18 =	sadd.s32 $0xFFFFFFFD, s0;
	[sflag:s8] =	ssyncadd.s32 @!p3 $0xFFFFD800;
	(pc) =	sbr.rel @p6 .LBB2_2-.Ltmp0, $4  }
0x64: {  	[spmem:s2] =	stream.indirect.scatter.add.f32 @!p3 [tilespmem:s13], [sflag:$0x6], $0x80, s20, s15, $0xb8;
	[tilespmem:$0x1FE00] =	vst v63  }
0x65: {  	p2 =	sge.s32 s0, s6;
	p1 =	sge.s32 s18, s6;
	_ =	swait.ge @!p0 [sflag:s10], $0x2800  }
0x66: {  	s30 =	simm.s32 @!p1 $0x50;
	p3 =	seq.s32 @!p1 s29, $0x0;
	[sflag:s10] =	ssyncset.done @!p0 $0x0  }
0x67: {  	s28 =	sshra.s32 @!p2 s29, $0x2;
	p5 =	por p3, p1;
	[sflag:s10] =	ssyncadd.s32 @!p0 $0xFFFFD800  }
0x68: {  	[spmem:s2] =	stream.indirect.scatter.add.f32 @!p0 [tilespmem:s3], [sflag:$0x7], $0x80, s9, s5, $0xb8;
	[tilespmem:$0x1FE00] =	vst v63  }
0x69: {  	_ =	swait.ge @!p4 [sflag:s16], $0x2800  }
0x6a: {  	s0 =	sadd.s32 $0xFFFFFFFE, s0;
	s3 =	simm.s32 @!p5 $0x5;
	[sflag:s16] =	ssyncset.done @!p4 $0x0  }
0x6b: {  	p0 =	sge.s32 s17, s6;
	p3 =	sge.s32 s0, s6;
	[sflag:s16] =	ssyncadd.s32 @!p4 $0xFFFFD800  }
0x6c: {  	[spmem:s2] =	stream.indirect.scatter.add.f32 @!p4 [tilespmem:s1], [sflag:$0x8], $0x80, s12, s7, $0xb8;
	[tilespmem:$0x1FE00] =	vst v63  }
0x6d: {  	s0 =	sshra.s32 @!p1 s29, $0x2;
	p6 =	seq.s32 @!p3 s29, $0x0;
	_ =	swait.ge @!p5 [sflag:s3], $0x2800  }
0x6e: {  	s5 =	sshra.s32 @!p3 s29, $0x2;
	p4 =	por p6, p3;
	[sflag:s3] =	ssyncset.done @!p5 $0x0  }
0x6f: {  	s1 =	simm.s32 @!p4 $0x6;
	[sflag:s3] =	ssyncadd.s32 @!p5 $0xFFFFD800;
	s3 =	simm.s32 @!p1 $0x2580  }
0x70: {  	[tilespmem:s3], [sflag:$0x1] =	stream.indirect.gather @!p1 [hbm4b:s4+s30], $0x80, s0, s30, $0xb8;
	[tilespmem:$0x1FE00] =	vst v63  }
0x71: {  	s8 =	simm.s32 @!p3 $0x4D80;
	p5 =	seq.s32 @!p0 s29, $0x0;
	_ =	swait.ge @!p4 [sflag:s1], $0x2800  }
0x72: {  	s9 =	simm.s32 @!p3 $0x50;
	p5 =	por p5, p0;
	[sflag:s1] =	ssyncset.done @!p4 $0x0  }
0x73: {  	s7 =	sadd.s32 @!p3 $0x50, s5;
	[sflag:s1] =	ssyncadd.s32 @!p4 $0xFFFFD800;
	s1 =	simm.s32 @!p5 $0x7  }
0x74: {  	[tilespmem:s8], [sflag:$0x2] =	stream.indirect.gather @!p3 [hbm4b:s4+s9], $0x80, s7, s9, $0xb8;
	[tilespmem:$0x1FE00] =	vst v63  }
0x75: {  	s10 =	sshra.s32 @!p0 s29, $0x2;
	s12 =	simm.s32 @!p0 $0x7580;
	_ =	swait.ge @!p5 [sflag:s1], $0x2800  }
0x76: {  	p4 =	seq.s32 @!p2 s29, $0x0;
	s7 =	sadd.s32 @!p0 $0xA0, s10;
	[sflag:s1] =	ssyncset.done @!p5 $0x0  }
0x77: {  	p4 =	por p4, p2;
	[sflag:s1] =	ssyncadd.s32 @!p5 $0xFFFFD800;
	s1 =	simm.s32 @!p0 $0x50  }
0x78: {  	[tilespmem:s12], [sflag:$0x3] =	stream.indirect.gather @!p0 [hbm4b:s4+s1], $0x80, s7, s1, $0xb8;
	[tilespmem:$0x1FE00] =	vst v63  }
0x79: {  	s7 =	simm.s32 @!p4 $0x8  }
0x7a: {  	_ =	swait.ge @!p4 [sflag:s7], $0x2800  }
0x7b: {  	s13 =	simm.s32 @!p2 $0x9D80;
	[sflag:s7] =	ssyncset.done @!p4 $0x0  }
0x7c: {  	s15 =	sadd.s32 @!p2 $0xF0, s28;
	[sflag:s7] =	ssyncadd.s32 @!p4 $0xFFFFD800;
	s7 =	simm.s32 @!p2 $0x50  }
0x7d: {  	[tilespmem:s13], [sflag:$0x4] =	stream.indirect.gather @!p2 [hbm4b:s4+s7], $0x80, s15, s7, $0xb8;
	[tilespmem:$0x1FE00] =	vst v63  }
0x7e: {  	s15 =	simm.s32 @!p1 $0x1  }
0x7f: {  	_ =	swait.ge @!p1 [sflag:s15], $0x2800  }
0x80: {  	[sflag:s15] =	ssyncset.done @!p1 $0x0  }
0x81: {  	s0 =	sadd.s32 @!p1 $0x12C0, s0;
	[sflag:s15] =	ssyncadd.s32 @!p1 $0xFFFFD800;
	s15 =	simm.s32 @!p3 $0x2  }
0x82: {  	[spmem:s2] =	stream.indirect.scatter.add.f32 @!p1 [tilespmem:s3], [sflag:$0x5], $0x80, s0, s30, $0xb8;
	[tilespmem:$0x1FE00] =	vst v63  }
0x83: {  	_ =	swait.ge @!p3 [sflag:s15], $0x2800  }
0x84: {  	[sflag:s15] =	ssyncset.done @!p3 $0x0  }
0x85: {  	s0 =	sadd.s32 @!p3 $0x1310, s5;
	s3 =	simm.s32 @!p0 $0x3;
	[sflag:s15] =	ssyncadd.s32 @!p3 $0xFFFFD800  }
0x86: {  	[spmem:s2] =	stream.indirect.scatter.add.f32 @!p3 [tilespmem:s8], [sflag:$0x6], $0x80, s0, s9, $0xb8;
	[tilespmem:$0x1FE00] =	vst v63  }
0x87: {  	_ =	swait.ge @!p0 [sflag:s3], $0x2800  }
0x88: {  	p1 =	por p2, p2;
	[sflag:s3] =	ssyncset.done @!p0 $0x0  }
0x89: {  	s5 =	simm.s32 @!p1 $0x4;
	s0 =	sadd.s32 @!p0 $0x1360, s10;
	[sflag:s3] =	ssyncadd.s32 @!p0 $0xFFFFD800  }
0x8a: {  	[spmem:s2] =	stream.indirect.scatter.add.f32 @!p0 [tilespmem:s12], [sflag:$0x7], $0x80, s0, s1, $0xb8;
	[tilespmem:$0x1FE00] =	vst v63  }
0x8b: {  	_ =	swait.ge @!p1 [sflag:s5], $0x2800  }
0x8c: {  	[sflag:s5] =	ssyncset.done @!p1 $0x0  }
0x8d: {  	s0 =	sadd.s32 @!p1 $0x13B0, s28;
	[sflag:s5] =	ssyncadd.s32 @!p1 $0xFFFFD800  }
0x8e: {  	[spmem:s2] =	stream.indirect.scatter.add.f32 @!p1 [tilespmem:s13], [sflag:$0x8], $0x80, s0, s7, $0xb8;
	[tilespmem:$0x1FE00] =	vst v63  }
0x8f: {  	_ =	swait.ge [sflag:s21], $0x2800  }
0x90: {  	[sflag:s21] =	ssyncset.done $0x0  }
0x91: {  	[sflag:s21] =	ssyncadd.s32 $0xFFFFD800  }
0x92: {  	_ =	swait.ge [sflag:s22], $0x2800  }
0x93: {  	[sflag:s22] =	ssyncset.done $0x0  }
0x94: {  	[sflag:s22] =	ssyncadd.s32 $0xFFFFD800  }
0x95: {  	_ =	swait.ge [sflag:s23], $0x2800  }
0x96: {  	[sflag:s23] =	ssyncset.done $0x0  }
0x97: {  	[sflag:s23] =	ssyncadd.s32 $0xFFFFD800  }
0x98: {  	_ =	swait.ge [sflag:s24], $0x2800  }
0x99: {  	[sflag:s24] =	ssyncset.done $0x0  }
0x9a: {  	s16 =	simm.s32 $0x0;
	s17 =	rddreg [dreg:$0x8];
	[sflag:s24] =	ssyncadd.s32 $0xFFFFD800  }
0x9b: {  	[tilespmem:s16], [sflag:$0x9] =	stream.linear.gather [hbm4b:s17+s16], $0x12C0, $0x38;
	[tilespmem:$0x1FE00] =	vst v63  }
0x9c: {  	_ =	swait.ge [sflag:s19], $0x12C0  }
0x9d: {  	s20 =	simm.s32 $0x12C0;
	[sflag:s19] =	ssyncset.done $0x0  }
0x9e: {  	p2 =	sle.s32 s11, $0x0;
	s18 =	rddreg [dreg:$0x9];
	[sflag:s19] =	ssyncadd.s32 $0xFFFFED40  }
0x9f: {  	[tilespmem:s20], [sflag:$0x9] =	stream.linear.gather [hbm4b:s18+s16], $0x12C0, $0x38;
	[tilespmem:$0x1FE00] =	vst v63  }
0xa0: {  	s8 =	simm.s32 @!p2 $0x2580;
	p0 =	por @!p2 $0x1, $0x1;
	_ =	swait.ge [sflag:s19], $0x12C0  }
0xa1: {  	s3 =	simm.s32 @!p2 $0x0;
	p3 =	por p0, p2;
	[sflag:s19] =	ssyncset.done $0x0  }
0xa2: {  	s1 =	simm.s32 @!p3 $0x5;
	p1 =	sle.s32 s11, $0x1;
	[sflag:s19] =	ssyncadd.s32 $0xFFFFED40  }
0xa3: {  	p0 =	sle.s32 s11, $0x2;
	p4 =	por @!p1 $0x1, $0x1;
	_ =	swait.ge @!p3 [sflag:s1], $0x2800  }
0xa4: {  	s0 =	simm.s32 @!p2 $0x50;
	p4 =	por p4, p1;
	[sflag:s1] =	ssyncset.done @!p3 $0x0  }
0xa5: {  	s10 =	simm.s32 @!p1 $0x4D80;
	s5 =	simm.s32 @!p4 $0x6;
	[sflag:s1] =	ssyncadd.s32 @!p3 $0xFFFFD800  }
0xa6: {  	[tilespmem:s8], [sflag:$0x1] =	stream.indirect.gather @!p2 [hbm4b:s4+s0], $0x80, s3, s0, $0xb8;
	[tilespmem:$0x1FE00] =	vst v63  }
0xa7: {  	s13 =	simm.s32 @!p1 $0x50;
	p3 =	por @!p0 $0x1, $0x1;
	_ =	swait.ge @!p4 [sflag:s5], $0x2800  }
0xa8: {  	s1 =	simm.s32 @!p1 $0x50;
	p5 =	por p3, p0;
	[sflag:s5] =	ssyncset.done @!p4 $0x0  }
0xa9: {  	p3 =	sle.s32 s11, $0x3;
	[sflag:s5] =	ssyncadd.s32 @!p4 $0xFFFFD800;
	s5 =	simm.s32 @!p5 $0x7  }
0xaa: {  	[tilespmem:s10], [sflag:$0x2] =	stream.indirect.gather @!p1 [hbm4b:s4+s13], $0x80, s1, s13, $0xb8;
	[tilespmem:$0x1FE00] =	vst v63  }
0xab: {  	s3 =	simm.s32 @!p0 $0x7580;
	p4 =	por @!p3 $0x1, $0x1;
	_ =	swait.ge @!p5 [sflag:s5], $0x2800  }
0xac: {  	s1 =	simm.s32 @!p0 $0xA0;
	p4 =	por p4, p3;
	[sflag:s5] =	ssyncset.done @!p5 $0x0  }
0xad: {  	s9 =	simm.s32 @!p4 $0x8;
	[sflag:s5] =	ssyncadd.s32 @!p5 $0xFFFFD800;
	s5 =	simm.s32 @!p0 $0x50  }
0xae: {  	[tilespmem:s3], [sflag:$0x3] =	stream.indirect.gather @!p0 [hbm4b:s4+s5], $0x80, s1, s5, $0xb8;
	[tilespmem:$0x1FE00] =	vst v63  }
0xaf: {  	_ =	swait.ge @!p4 [sflag:s9], $0x2800  }
0xb0: {  	s12 =	simm.s32 @!p2 $0x1;
	s15 =	simm.s32 @!p3 $0xF0;
	[sflag:s9] =	ssyncset.done @!p4 $0x0  }
0xb1: {  	s7 =	simm.s32 @!p3 $0x50;
	s1 =	simm.s32 @!p3 $0x9D80;
	[sflag:s9] =	ssyncadd.s32 @!p4 $0xFFFFD800  }
0xb2: {  	[tilespmem:s1], [sflag:$0x4] =	stream.indirect.gather @!p3 [hbm4b:s4+s7], $0x80, s15, s7, $0xb8;
	[tilespmem:$0x1FE00] =	vst v63  }
0xb3: {  	_ =	swait.ge @!p2 [sflag:s12], $0x2800  }
0xb4: {  	s31 =	simm.s32 $0xA00;
	[sflag:s12] =	ssyncset.done @!p2 $0x0  }
0xb5: {  	s9 =	simm.s32 @!p2 $0x12C0;
	s15 =	simm.s32 @!p1 $0x2;
	[sflag:s12] =	ssyncadd.s32 @!p2 $0xFFFFD800  }
0xb6: {  	[spmem:s2] =	stream.indirect.scatter.add.f32 @!p2 [tilespmem:s8], [sflag:$0x5], $0x80, s9, s0, $0xb8;
	[tilespmem:$0x1FE00] =	vst v63  }
0xb7: {  	s29 =	simm.s32 $0x500;
	p4 =	por p3, p3;
	_ =	swait.ge @!p1 [sflag:s15], $0x2800  }
0xb8: {  	s17 =	simm.s32 $0x6;
	s16 =	simm.s32 @!p4 $0x4;
	[sflag:s15] =	ssyncset.done @!p1 $0x0  }
0xb9: {  	s12 =	simm.s32 @!p4 $0x13B0;
	s8 =	simm.s32 @!p1 $0x1310;
	[sflag:s15] =	ssyncadd.s32 @!p1 $0xFFFFD800  }
0xba: {  	[spmem:s2] =	stream.indirect.scatter.add.f32 @!p1 [tilespmem:s10], [sflag:$0x6], $0x80, s8, s13, $0xb8;
	[tilespmem:$0x1FE00] =	vst v63  }
0xbb: {  	s9 =	simm.s32 @!p0 $0x1360;
	s0 =	simm.s32 $0x7;
	s8 =	simm.s32 @!p0 $0x3  }
0xbc: {  	p2 =	sle.s32 s11, $0x7;
	p1 =	sle.s32 s11, $0x4;
	_ =	swait.ge @!p0 [sflag:s8], $0x2800  }
0xbd: {  	s28 =	simm.s32 @!p2 $0x140;
	p3 =	por @!p1 $0x0, $0x0;
	[sflag:s8] =	ssyncset.done @!p0 $0x0  }
0xbe: {  	s30 =	simm.s32 @!p1 $0x50;
	p5 =	por p3, p1;
	[sflag:s8] =	ssyncadd.s32 @!p0 $0xFFFFD800  }
.LBB2_4:
0xbf: {  	[spmem:s2] =	stream.indirect.scatter.add.f32 @!p0 [tilespmem:s3], [sflag:$0x7], $0x80, s9, s5, $0xb8;
	[tilespmem:$0x1FE00] =	vst v63  }
0xc0: {  	s10 =	smov.u32 s31  }
0xc1: {  	s3 =	simm.s32 @!p5 $0x5;
	s5 =	sadd.s32 $0xFFFFFFFE, s0;
	_ =	swait.ge @!p4 [sflag:s16], $0x2800  }
0xc2: {  	p0 =	sge.s32 s17, s11;
	p3 =	sge.s32 s5, s11;
	[sflag:s16] =	ssyncset.done @!p4 $0x0  }
0xc3: {  	s31 =	sadd.s32 $0x500, s31;
	p6 =	seq.s32 @!p3 s29, $0x0;
	[sflag:s16] =	ssyncadd.s32 @!p4 $0xFFFFD800  }
0xc4: {  	[spmem:s2] =	stream.indirect.scatter.add.f32 @!p4 [tilespmem:s1], [sflag:$0x8], $0x80, s12, s7, $0xb8;
	[tilespmem:$0x1FE00] =	vst v63  }
0xc5: {  	s1 =	sshra.s32 @!p1 s29, $0x2;
	p4 =	por p6, p3;
	_ =	swait.ge @!p5 [sflag:s3], $0x2800  }
0xc6: {  	s7 =	sshra.s32 @!p3 s29, $0x2;
	s5 =	simm.s32 @!p4 $0x6;
	[sflag:s3] =	ssyncset.done @!p5 $0x0  }
0xc7: {  	s8 =	simm.s32 @!p1 $0x2580;
	[sflag:s3] =	ssyncadd.s32 @!p5 $0xFFFFD800;
	s3 =	sadd.s32 @!p3 $0x50, s7  }
0xc8: {  	[tilespmem:s8], [sflag:$0x1] =	stream.indirect.gather @!p1 [hbm4b:s4+s30], $0x80, s1, s30, $0xb8;
	[tilespmem:$0x1FE00] =	vst v63  }
0xc9: {  	s13 =	simm.s32 @!p3 $0x4D80;
	p5 =	seq.s32 @!p0 s29, $0x0;
	_ =	swait.ge @!p4 [sflag:s5], $0x2800  }
0xca: {  	s15 =	simm.s32 @!p3 $0x50;
	p5 =	por p5, p0;
	[sflag:s5] =	ssyncset.done @!p4 $0x0  }
0xcb: {  	s9 =	sshra.s32 @!p0 s29, $0x2;
	[sflag:s5] =	ssyncadd.s32 @!p4 $0xFFFFD800;
	s5 =	simm.s32 @!p5 $0x7  }
0xcc: {  	[tilespmem:s13], [sflag:$0x2] =	stream.indirect.gather @!p3 [hbm4b:s4+s15], $0x80, s3, s15, $0xb8;
	[tilespmem:$0x1FE00] =	vst v63  }
0xcd: {  	s12 =	sadd.s32 @!p0 $0xA0, s9;
	s9 =	sadd.s32 @!p0 $0x1360, s9;
	_ =	swait.ge @!p5 [sflag:s5], $0x2800  }
0xce: {  	p4 =	seq.s32 @!p2 s29, $0x0;
	s3 =	simm.s32 @!p0 $0x7580;
	[sflag:s5] =	ssyncset.done @!p5 $0x0  }
0xcf: {  	p4 =	por p4, p2;
	[sflag:s5] =	ssyncadd.s32 @!p5 $0xFFFFD800;
	s5 =	simm.s32 @!p0 $0x50  }
0xd0: {  	[tilespmem:s3], [sflag:$0x3] =	stream.indirect.gather @!p0 [hbm4b:s4+s5], $0x80, s12, s5, $0xb8;
	[tilespmem:$0x1FE00] =	vst v63  }
0xd1: {  	s16 =	simm.s32 @!p1 $0x1;
	s17 =	sadd.s32 @!p1 $0x12C0, s1;
	s12 =	simm.s32 @!p4 $0x8  }
0xd2: {  	s18 =	sadd.s32 @!p3 $0x1310, s7;
	s1 =	simm.s32 @!p2 $0x9D80;
	_ =	swait.ge @!p4 [sflag:s12], $0x2800  }
0xd3: {  	s20 =	sadd.s32 @!p2 $0xF0, s28;
	s7 =	simm.s32 @!p2 $0x50;
	[sflag:s12] =	ssyncset.done @!p4 $0x0  }
0xd4: {  	p6 =	sne.s32 s31, $0x4B00;
	s29 =	smov.u32 s10;
	[sflag:s12] =	ssyncadd.s32 @!p4 $0xFFFFD800  }
0xd5: {  	[tilespmem:s1], [sflag:$0x4] =	stream.indirect.gather @!p2 [hbm4b:s4+s7], $0x80, s20, s7, $0xb8;
	[tilespmem:$0x1FE00] =	vst v63  }
0xd6: {  	s10 =	simm.s32 @!p3 $0x2;
	p4 =	por p2, p2;
	_ =	swait.ge @!p1 [sflag:s16], $0x2800  }
0xd7: {  	[sflag:s16] =	ssyncset.done @!p1 $0x0  }
0xd8: {  	s0 =	sadd.s32 $0x4, s0;
	[sflag:s16] =	ssyncadd.s32 @!p1 $0xFFFFD800  }
0xd9: {  	[spmem:s2] =	stream.indirect.scatter.add.f32 @!p1 [tilespmem:s8], [sflag:$0x5], $0x80, s17, s30, $0xb8;
	[tilespmem:$0x1FE00] =	vst v63  }
0xda: {  	s12 =	sadd.s32 @!p4 $0x13B0, s28;
	s20 =	sadd.s32 $0xFFFFFFFD, s0;
	_ =	swait.ge @!p3 [sflag:s10], $0x2800  }
0xdb: {  	s16 =	simm.s32 @!p4 $0x4;
	s8 =	simm.s32 @!p0 $0x3;
	[sflag:s10] =	ssyncset.done @!p3 $0x0  }
.Ltmp1:
0xdc: {  	s17 =	sadd.s32 $0xFFFFFFFF, s0;
	[sflag:s10] =	ssyncadd.s32 @!p3 $0xFFFFD800;
	(pc) =	sbr.rel @p6 .LBB2_4-.Ltmp1, $4  }
0xdd: {  	[spmem:s2] =	stream.indirect.scatter.add.f32 @!p3 [tilespmem:s13], [sflag:$0x6], $0x80, s18, s15, $0xb8;
	[tilespmem:$0x1FE00] =	vst v63  }
0xde: {  	p2 =	sge.s32 s0, s11;
	p1 =	sge.s32 s20, s11;
	_ =	swait.ge @!p0 [sflag:s8], $0x2800  }
0xdf: {  	s30 =	simm.s32 @!p1 $0x50;
	p3 =	seq.s32 @!p1 s29, $0x0;
	[sflag:s8] =	ssyncset.done @!p0 $0x0  }
0xe0: {  	s28 =	sshra.s32 @!p2 s29, $0x2;
	p5 =	por p3, p1;
	[sflag:s8] =	ssyncadd.s32 @!p0 $0xFFFFD800  }
0xe1: {  	[spmem:s2] =	stream.indirect.scatter.add.f32 @!p0 [tilespmem:s3], [sflag:$0x7], $0x80, s9, s5, $0xb8;
	[tilespmem:$0x1FE00] =	vst v63  }
0xe2: {  	_ =	swait.ge @!p4 [sflag:s16], $0x2800  }
0xe3: {  	s0 =	sadd.s32 $0xFFFFFFFE, s0;
	s3 =	simm.s32 @!p5 $0x5;
	[sflag:s16] =	ssyncset.done @!p4 $0x0  }
0xe4: {  	p0 =	sge.s32 s17, s11;
	p3 =	sge.s32 s0, s11;
	[sflag:s16] =	ssyncadd.s32 @!p4 $0xFFFFD800  }
0xe5: {  	[spmem:s2] =	stream.indirect.scatter.add.f32 @!p4 [tilespmem:s1], [sflag:$0x8], $0x80, s12, s7, $0xb8;
	[tilespmem:$0x1FE00] =	vst v63  }
0xe6: {  	s0 =	sshra.s32 @!p1 s29, $0x2;
	p6 =	seq.s32 @!p3 s29, $0x0;
	_ =	swait.ge @!p5 [sflag:s3], $0x2800  }
0xe7: {  	s5 =	sshra.s32 @!p3 s29, $0x2;
	p4 =	por p6, p3;
	[sflag:s3] =	ssyncset.done @!p5 $0x0  }
0xe8: {  	s1 =	simm.s32 @!p4 $0x6;
	[sflag:s3] =	ssyncadd.s32 @!p5 $0xFFFFD800;
	s3 =	simm.s32 @!p1 $0x2580  }
0xe9: {  	[tilespmem:s3], [sflag:$0x1] =	stream.indirect.gather @!p1 [hbm4b:s4+s30], $0x80, s0, s30, $0xb8;
	[tilespmem:$0x1FE00] =	vst v63  }
0xea: {  	s8 =	simm.s32 @!p3 $0x4D80;
	p5 =	seq.s32 @!p0 s29, $0x0;
	_ =	swait.ge @!p4 [sflag:s1], $0x2800  }
0xeb: {  	s9 =	simm.s32 @!p3 $0x50;
	p5 =	por p5, p0;
	[sflag:s1] =	ssyncset.done @!p4 $0x0  }
0xec: {  	s7 =	sadd.s32 @!p3 $0x50, s5;
	[sflag:s1] =	ssyncadd.s32 @!p4 $0xFFFFD800;
	s1 =	simm.s32 @!p5 $0x7  }
0xed: {  	[tilespmem:s8], [sflag:$0x2] =	stream.indirect.gather @!p3 [hbm4b:s4+s9], $0x80, s7, s9, $0xb8;
	[tilespmem:$0x1FE00] =	vst v63  }
0xee: {  	s10 =	sshra.s32 @!p0 s29, $0x2;
	s12 =	simm.s32 @!p0 $0x7580;
	_ =	swait.ge @!p5 [sflag:s1], $0x2800  }
0xef: {  	p4 =	seq.s32 @!p2 s29, $0x0;
	s7 =	sadd.s32 @!p0 $0xA0, s10;
	[sflag:s1] =	ssyncset.done @!p5 $0x0  }
0xf0: {  	p4 =	por p4, p2;
	[sflag:s1] =	ssyncadd.s32 @!p5 $0xFFFFD800;
	s1 =	simm.s32 @!p0 $0x50  }
0xf1: {  	[tilespmem:s12], [sflag:$0x3] =	stream.indirect.gather @!p0 [hbm4b:s4+s1], $0x80, s7, s1, $0xb8;
	[tilespmem:$0x1FE00] =	vst v63  }
0xf2: {  	s7 =	simm.s32 @!p4 $0x8  }
0xf3: {  	_ =	swait.ge @!p4 [sflag:s7], $0x2800  }
0xf4: {  	s13 =	simm.s32 @!p2 $0x9D80;
	[sflag:s7] =	ssyncset.done @!p4 $0x0  }
0xf5: {  	s15 =	sadd.s32 @!p2 $0xF0, s28;
	[sflag:s7] =	ssyncadd.s32 @!p4 $0xFFFFD800;
	s7 =	simm.s32 @!p2 $0x50  }
0xf6: {  	[tilespmem:s13], [sflag:$0x4] =	stream.indirect.gather @!p2 [hbm4b:s4+s7], $0x80, s15, s7, $0xb8;
	[tilespmem:$0x1FE00] =	vst v63  }
0xf7: {  	s15 =	simm.s32 @!p1 $0x1  }
0xf8: {  	_ =	swait.ge @!p1 [sflag:s15], $0x2800  }
0xf9: {  	[sflag:s15] =	ssyncset.done @!p1 $0x0  }
0xfa: {  	s0 =	sadd.s32 @!p1 $0x12C0, s0;
	[sflag:s15] =	ssyncadd.s32 @!p1 $0xFFFFD800;
	s15 =	simm.s32 @!p3 $0x2  }
0xfb: {  	[spmem:s2] =	stream.indirect.scatter.add.f32 @!p1 [tilespmem:s3], [sflag:$0x5], $0x80, s0, s30, $0xb8;
	[tilespmem:$0x1FE00] =	vst v63  }
0xfc: {  	_ =	swait.ge @!p3 [sflag:s15], $0x2800  }
0xfd: {  	[sflag:s15] =	ssyncset.done @!p3 $0x0  }
0xfe: {  	s0 =	sadd.s32 @!p3 $0x1310, s5;
	s3 =	simm.s32 @!p0 $0x3;
	[sflag:s15] =	ssyncadd.s32 @!p3 $0xFFFFD800  }
0xff: {  	[spmem:s2] =	stream.indirect.scatter.add.f32 @!p3 [tilespmem:s8], [sflag:$0x6], $0x80, s0, s9, $0xb8;
	[tilespmem:$0x1FE00] =	vst v63  }
0x100: {  	_ =	swait.ge @!p0 [sflag:s3], $0x2800  }
0x101: {  	p1 =	por p2, p2;
	[sflag:s3] =	ssyncset.done @!p0 $0x0  }
0x102: {  	s5 =	simm.s32 @!p1 $0x4;
	s0 =	sadd.s32 @!p0 $0x1360, s10;
	[sflag:s3] =	ssyncadd.s32 @!p0 $0xFFFFD800  }
0x103: {  	[spmem:s2] =	stream.indirect.scatter.add.f32 @!p0 [tilespmem:s12], [sflag:$0x7], $0x80, s0, s1, $0xb8;
	[tilespmem:$0x1FE00] =	vst v63  }
0x104: {  	_ =	swait.ge @!p1 [sflag:s5], $0x2800  }
0x105: {  	[sflag:s5] =	ssyncset.done @!p1 $0x0  }
0x106: {  	s0 =	sadd.s32 @!p1 $0x13B0, s28;
	[sflag:s5] =	ssyncadd.s32 @!p1 $0xFFFFD800  }
0x107: {  	[spmem:s2] =	stream.indirect.scatter.add.f32 @!p1 [tilespmem:s13], [sflag:$0x8], $0x80, s0, s7, $0xb8;
	[tilespmem:$0x1FE00] =	vst v63  }
0x108: {  	_ =	swait.ge [sflag:s21], $0x2800  }
0x109: {  	[sflag:s21] =	ssyncset.done $0x0  }
0x10a: {  	[sflag:s21] =	ssyncadd.s32 $0xFFFFD800  }
0x10b: {  	_ =	swait.ge [sflag:s22], $0x2800  }
0x10c: {  	[sflag:s22] =	ssyncset.done $0x0  }
0x10d: {  	[sflag:s22] =	ssyncadd.s32 $0xFFFFD800  }
0x10e: {  	_ =	swait.ge [sflag:s23], $0x2800  }
0x10f: {  	[sflag:s23] =	ssyncset.done $0x0  }
0x110: {  	[sflag:s23] =	ssyncadd.s32 $0xFFFFD800  }
0x111: {  	_ =	swait.ge [sflag:s24], $0x2800  }
0x112: {  	[sflag:s24] =	ssyncset.done $0x0  }
0x113: {  	s16 =	simm.s32 $0x0;
	s17 =	rddreg [dreg:$0xa];
	[sflag:s24] =	ssyncadd.s32 $0xFFFFD800  }
0x114: {  	[tilespmem:s16], [sflag:$0x9] =	stream.linear.gather [hbm4b:s17+s16], $0x12C0, $0x38;
	[tilespmem:$0x1FE00] =	vst v63  }
0x115: {  	_ =	swait.ge [sflag:s19], $0x12C0  }
0x116: {  	s20 =	simm.s32 $0x12C0;
	[sflag:s19] =	ssyncset.done $0x0  }
0x117: {  	p2 =	sle.s32 s14, $0x0;
	s18 =	rddreg [dreg:$0xb];
	[sflag:s19] =	ssyncadd.s32 $0xFFFFED40  }
0x118: {  	[tilespmem:s20], [sflag:$0x9] =	stream.linear.gather [hbm4b:s18+s16], $0x12C0, $0x38;
	[tilespmem:$0x1FE00] =	vst v63  }
0x119: {  	s8 =	simm.s32 @!p2 $0x2580;
	p0 =	por @!p2 $0x1, $0x1;
	_ =	swait.ge [sflag:s19], $0x12C0  }
0x11a: {  	s3 =	simm.s32 @!p2 $0x0;
	p3 =	por p0, p2;
	[sflag:s19] =	ssyncset.done $0x0  }
0x11b: {  	s1 =	simm.s32 @!p3 $0x5;
	p1 =	sle.s32 s14, $0x1;
	[sflag:s19] =	ssyncadd.s32 $0xFFFFED40  }
0x11c: {  	p0 =	sle.s32 s14, $0x2;
	p4 =	por @!p1 $0x1, $0x1;
	_ =	swait.ge @!p3 [sflag:s1], $0x2800  }
0x11d: {  	s0 =	simm.s32 @!p2 $0x50;
	p4 =	por p4, p1;
	[sflag:s1] =	ssyncset.done @!p3 $0x0  }
0x11e: {  	s10 =	simm.s32 @!p1 $0x4D80;
	s5 =	simm.s32 @!p4 $0x6;
	[sflag:s1] =	ssyncadd.s32 @!p3 $0xFFFFD800  }
0x11f: {  	[tilespmem:s8], [sflag:$0x1] =	stream.indirect.gather @!p2 [hbm4b:s4+s0], $0x80, s3, s0, $0xb8;
	[tilespmem:$0x1FE00] =	vst v63  }
0x120: {  	s13 =	simm.s32 @!p1 $0x50;
	p3 =	por @!p0 $0x1, $0x1;
	_ =	swait.ge @!p4 [sflag:s5], $0x2800  }
0x121: {  	s1 =	simm.s32 @!p1 $0x50;
	p5 =	por p3, p0;
	[sflag:s5] =	ssyncset.done @!p4 $0x0  }
0x122: {  	p3 =	sle.s32 s14, $0x3;
	[sflag:s5] =	ssyncadd.s32 @!p4 $0xFFFFD800;
	s5 =	simm.s32 @!p5 $0x7  }
0x123: {  	[tilespmem:s10], [sflag:$0x2] =	stream.indirect.gather @!p1 [hbm4b:s4+s13], $0x80, s1, s13, $0xb8;
	[tilespmem:$0x1FE00] =	vst v63  }
0x124: {  	s3 =	simm.s32 @!p0 $0x7580;
	p4 =	por @!p3 $0x1, $0x1;
	_ =	swait.ge @!p5 [sflag:s5], $0x2800  }
0x125: {  	s1 =	simm.s32 @!p0 $0xA0;
	p4 =	por p4, p3;
	[sflag:s5] =	ssyncset.done @!p5 $0x0  }
0x126: {  	s9 =	simm.s32 @!p4 $0x8;
	[sflag:s5] =	ssyncadd.s32 @!p5 $0xFFFFD800;
	s5 =	simm.s32 @!p0 $0x50  }
0x127: {  	[tilespmem:s3], [sflag:$0x3] =	stream.indirect.gather @!p0 [hbm4b:s4+s5], $0x80, s1, s5, $0xb8;
	[tilespmem:$0x1FE00] =	vst v63  }
0x128: {  	_ =	swait.ge @!p4 [sflag:s9], $0x2800  }
0x129: {  	s12 =	simm.s32 @!p2 $0x1;
	s15 =	simm.s32 @!p3 $0xF0;
	[sflag:s9] =	ssyncset.done @!p4 $0x0  }
0x12a: {  	s7 =	simm.s32 @!p3 $0x50;
	s1 =	simm.s32 @!p3 $0x9D80;
	[sflag:s9] =	ssyncadd.s32 @!p4 $0xFFFFD800  }
0x12b: {  	[tilespmem:s1], [sflag:$0x4] =	stream.indirect.gather @!p3 [hbm4b:s4+s7], $0x80, s15, s7, $0xb8;
	[tilespmem:$0x1FE00] =	vst v63  }
0x12c: {  	_ =	swait.ge @!p2 [sflag:s12], $0x2800  }
0x12d: {  	s31 =	simm.s32 $0xA00;
	[sflag:s12] =	ssyncset.done @!p2 $0x0  }
0x12e: {  	s9 =	simm.s32 @!p2 $0x12C0;
	s15 =	simm.s32 @!p1 $0x2;
	[sflag:s12] =	ssyncadd.s32 @!p2 $0xFFFFD800  }
0x12f: {  	[spmem:s2] =	stream.indirect.scatter.add.f32 @!p2 [tilespmem:s8], [sflag:$0x5], $0x80, s9, s0, $0xb8;
	[tilespmem:$0x1FE00] =	vst v63  }
0x130: {  	s29 =	simm.s32 $0x500;
	p4 =	por p3, p3;
	_ =	swait.ge @!p1 [sflag:s15], $0x2800  }
0x131: {  	s17 =	simm.s32 $0x6;
	s16 =	simm.s32 @!p4 $0x4;
	[sflag:s15] =	ssyncset.done @!p1 $0x0  }
0x132: {  	s12 =	simm.s32 @!p4 $0x13B0;
	s8 =	simm.s32 @!p1 $0x1310;
	[sflag:s15] =	ssyncadd.s32 @!p1 $0xFFFFD800  }
0x133: {  	[spmem:s2] =	stream.indirect.scatter.add.f32 @!p1 [tilespmem:s10], [sflag:$0x6], $0x80, s8, s13, $0xb8;
	[tilespmem:$0x1FE00] =	vst v63  }
0x134: {  	s9 =	simm.s32 @!p0 $0x1360;
	p2 =	sle.s32 s14, $0x4;
	s8 =	simm.s32 @!p0 $0x3  }
0x135: {  	s0 =	simm.s32 $0x7;
	p3 =	por @!p2 $0x0, $0x0;
	_ =	swait.ge @!p0 [sflag:s8], $0x2800  }
0x136: {  	s30 =	simm.s32 @!p2 $0x50;
	p1 =	sle.s32 s14, $0x7;
	[sflag:s8] =	ssyncset.done @!p0 $0x0  }
0x137: {  	p5 =	por p3, p2;
	s28 =	simm.s32 @!p1 $0x140;
	[sflag:s8] =	ssyncadd.s32 @!p0 $0xFFFFD800  }
.LBB2_6:
0x138: {  	[spmem:s2] =	stream.indirect.scatter.add.f32 @!p0 [tilespmem:s3], [sflag:$0x7], $0x80, s9, s5, $0xb8;
	[tilespmem:$0x1FE00] =	vst v63  }
0x139: {  	s10 =	smov.u32 s31  }
0x13a: {  	s3 =	simm.s32 @!p5 $0x5;
	s5 =	sadd.s32 $0xFFFFFFFE, s0;
	_ =	swait.ge @!p4 [sflag:s16], $0x2800  }
0x13b: {  	p0 =	sge.s32 s17, s14;
	p3 =	sge.s32 s5, s14;
	[sflag:s16] =	ssyncset.done @!p4 $0x0  }
0x13c: {  	s31 =	sadd.s32 $0x500, s31;
	p6 =	seq.s32 @!p3 s29, $0x0;
	[sflag:s16] =	ssyncadd.s32 @!p4 $0xFFFFD800  }
0x13d: {  	[spmem:s2] =	stream.indirect.scatter.add.f32 @!p4 [tilespmem:s1], [sflag:$0x8], $0x80, s12, s7, $0xb8;
	[tilespmem:$0x1FE00] =	vst v63  }
0x13e: {  	s1 =	sshra.s32 @!p2 s29, $0x2;
	p4 =	por p6, p3;
	_ =	swait.ge @!p5 [sflag:s3], $0x2800  }
0x13f: {  	s7 =	sshra.s32 @!p3 s29, $0x2;
	s5 =	simm.s32 @!p4 $0x6;
	[sflag:s3] =	ssyncset.done @!p5 $0x0  }
0x140: {  	s8 =	simm.s32 @!p2 $0x2580;
	[sflag:s3] =	ssyncadd.s32 @!p5 $0xFFFFD800;
	s3 =	sadd.s32 @!p3 $0x50, s7  }
0x141: {  	[tilespmem:s8], [sflag:$0x1] =	stream.indirect.gather @!p2 [hbm4b:s4+s30], $0x80, s1, s30, $0xb8;
	[tilespmem:$0x1FE00] =	vst v63  }
0x142: {  	s13 =	simm.s32 @!p3 $0x4D80;
	p5 =	seq.s32 @!p0 s29, $0x0;
	_ =	swait.ge @!p4 [sflag:s5], $0x2800  }
0x143: {  	s15 =	simm.s32 @!p3 $0x50;
	p5 =	por p5, p0;
	[sflag:s5] =	ssyncset.done @!p4 $0x0  }
0x144: {  	s9 =	sshra.s32 @!p0 s29, $0x2;
	[sflag:s5] =	ssyncadd.s32 @!p4 $0xFFFFD800;
	s5 =	simm.s32 @!p5 $0x7  }
0x145: {  	[tilespmem:s13], [sflag:$0x2] =	stream.indirect.gather @!p3 [hbm4b:s4+s15], $0x80, s3, s15, $0xb8;
	[tilespmem:$0x1FE00] =	vst v63  }
0x146: {  	s12 =	sadd.s32 @!p0 $0xA0, s9;
	s9 =	sadd.s32 @!p0 $0x1360, s9;
	_ =	swait.ge @!p5 [sflag:s5], $0x2800  }
0x147: {  	p4 =	seq.s32 @!p1 s29, $0x0;
	s3 =	simm.s32 @!p0 $0x7580;
	[sflag:s5] =	ssyncset.done @!p5 $0x0  }
0x148: {  	p4 =	por p4, p1;
	[sflag:s5] =	ssyncadd.s32 @!p5 $0xFFFFD800;
	s5 =	simm.s32 @!p0 $0x50  }
0x149: {  	[tilespmem:s3], [sflag:$0x3] =	stream.indirect.gather @!p0 [hbm4b:s4+s5], $0x80, s12, s5, $0xb8;
	[tilespmem:$0x1FE00] =	vst v63  }
0x14a: {  	s16 =	simm.s32 @!p2 $0x1;
	s17 =	sadd.s32 @!p2 $0x12C0, s1;
	s12 =	simm.s32 @!p4 $0x8  }
0x14b: {  	s18 =	sadd.s32 @!p3 $0x1310, s7;
	s1 =	simm.s32 @!p1 $0x9D80;
	_ =	swait.ge @!p4 [sflag:s12], $0x2800  }
0x14c: {  	s20 =	sadd.s32 @!p1 $0xF0, s28;
	s7 =	simm.s32 @!p1 $0x50;
	[sflag:s12] =	ssyncset.done @!p4 $0x0  }
0x14d: {  	p6 =	sne.s32 s31, $0x4B00;
	s29 =	smov.u32 s10;
	[sflag:s12] =	ssyncadd.s32 @!p4 $0xFFFFD800  }
0x14e: {  	[tilespmem:s1], [sflag:$0x4] =	stream.indirect.gather @!p1 [hbm4b:s4+s7], $0x80, s20, s7, $0xb8;
	[tilespmem:$0x1FE00] =	vst v63  }
0x14f: {  	s10 =	simm.s32 @!p3 $0x2;
	p4 =	por p1, p1;
	_ =	swait.ge @!p2 [sflag:s16], $0x2800  }
0x150: {  	[sflag:s16] =	ssyncset.done @!p2 $0x0  }
0x151: {  	s0 =	sadd.s32 $0x4, s0;
	[sflag:s16] =	ssyncadd.s32 @!p2 $0xFFFFD800  }
0x152: {  	[spmem:s2] =	stream.indirect.scatter.add.f32 @!p2 [tilespmem:s8], [sflag:$0x5], $0x80, s17, s30, $0xb8;
	[tilespmem:$0x1FE00] =	vst v63  }
0x153: {  	s12 =	sadd.s32 @!p4 $0x13B0, s28;
	s20 =	sadd.s32 $0xFFFFFFFD, s0;
	_ =	swait.ge @!p3 [sflag:s10], $0x2800  }
0x154: {  	s16 =	simm.s32 @!p4 $0x4;
	s8 =	simm.s32 @!p0 $0x3;
	[sflag:s10] =	ssyncset.done @!p3 $0x0  }
.Ltmp2:
0x155: {  	s17 =	sadd.s32 $0xFFFFFFFF, s0;
	[sflag:s10] =	ssyncadd.s32 @!p3 $0xFFFFD800;
	(pc) =	sbr.rel @p6 .LBB2_6-.Ltmp2, $4  }
0x156: {  	[spmem:s2] =	stream.indirect.scatter.add.f32 @!p3 [tilespmem:s13], [sflag:$0x6], $0x80, s18, s15, $0xb8;
	[tilespmem:$0x1FE00] =	vst v63  }
0x157: {  	p1 =	sge.s32 s0, s14;
	p2 =	sge.s32 s20, s14;
	_ =	swait.ge @!p0 [sflag:s8], $0x2800  }
0x158: {  	s30 =	simm.s32 @!p2 $0x50;
	p3 =	seq.s32 @!p2 s29, $0x0;
	[sflag:s8] =	ssyncset.done @!p0 $0x0  }
0x159: {  	s28 =	sshra.s32 @!p1 s29, $0x2;
	p5 =	por p3, p2;
	[sflag:s8] =	ssyncadd.s32 @!p0 $0xFFFFD800  }
0x15a: {  	[spmem:s2] =	stream.indirect.scatter.add.f32 @!p0 [tilespmem:s3], [sflag:$0x7], $0x80, s9, s5, $0xb8;
	[tilespmem:$0x1FE00] =	vst v63  }
0x15b: {  	_ =	swait.ge @!p4 [sflag:s16], $0x2800  }
0x15c: {  	s0 =	sadd.s32 $0xFFFFFFFE, s0;
	s3 =	simm.s32 @!p5 $0x5;
	[sflag:s16] =	ssyncset.done @!p4 $0x0  }
0x15d: {  	p0 =	sge.s32 s17, s14;
	p3 =	sge.s32 s0, s14;
	[sflag:s16] =	ssyncadd.s32 @!p4 $0xFFFFD800  }
0x15e: {  	[spmem:s2] =	stream.indirect.scatter.add.f32 @!p4 [tilespmem:s1], [sflag:$0x8], $0x80, s12, s7, $0xb8;
	[tilespmem:$0x1FE00] =	vst v63  }
0x15f: {  	s0 =	sshra.s32 @!p2 s29, $0x2;
	p6 =	seq.s32 @!p3 s29, $0x0;
	_ =	swait.ge @!p5 [sflag:s3], $0x2800  }
0x160: {  	s5 =	sshra.s32 @!p3 s29, $0x2;
	p4 =	por p6, p3;
	[sflag:s3] =	ssyncset.done @!p5 $0x0  }
0x161: {  	s1 =	simm.s32 @!p4 $0x6;
	[sflag:s3] =	ssyncadd.s32 @!p5 $0xFFFFD800;
	s3 =	simm.s32 @!p2 $0x2580  }
0x162: {  	[tilespmem:s3], [sflag:$0x1] =	stream.indirect.gather @!p2 [hbm4b:s4+s30], $0x80, s0, s30, $0xb8;
	[tilespmem:$0x1FE00] =	vst v63  }
0x163: {  	s8 =	simm.s32 @!p3 $0x4D80;
	p5 =	seq.s32 @!p0 s29, $0x0;
	_ =	swait.ge @!p4 [sflag:s1], $0x2800  }
0x164: {  	s9 =	simm.s32 @!p3 $0x50;
	p5 =	por p5, p0;
	[sflag:s1] =	ssyncset.done @!p4 $0x0  }
0x165: {  	s7 =	sadd.s32 @!p3 $0x50, s5;
	[sflag:s1] =	ssyncadd.s32 @!p4 $0xFFFFD800;
	s1 =	simm.s32 @!p5 $0x7  }
0x166: {  	[tilespmem:s8], [sflag:$0x2] =	stream.indirect.gather @!p3 [hbm4b:s4+s9], $0x80, s7, s9, $0xb8;
	[tilespmem:$0x1FE00] =	vst v63  }
0x167: {  	s10 =	sshra.s32 @!p0 s29, $0x2;
	s12 =	simm.s32 @!p0 $0x7580;
	_ =	swait.ge @!p5 [sflag:s1], $0x2800  }
0x168: {  	p4 =	seq.s32 @!p1 s29, $0x0;
	s7 =	sadd.s32 @!p0 $0xA0, s10;
	[sflag:s1] =	ssyncset.done @!p5 $0x0  }
0x169: {  	p4 =	por p4, p1;
	[sflag:s1] =	ssyncadd.s32 @!p5 $0xFFFFD800;
	s1 =	simm.s32 @!p0 $0x50  }
0x16a: {  	[tilespmem:s12], [sflag:$0x3] =	stream.indirect.gather @!p0 [hbm4b:s4+s1], $0x80, s7, s1, $0xb8;
	[tilespmem:$0x1FE00] =	vst v63  }
0x16b: {  	s7 =	simm.s32 @!p4 $0x8  }
0x16c: {  	_ =	swait.ge @!p4 [sflag:s7], $0x2800  }
0x16d: {  	s13 =	simm.s32 @!p1 $0x9D80;
	[sflag:s7] =	ssyncset.done @!p4 $0x0  }
0x16e: {  	s15 =	sadd.s32 @!p1 $0xF0, s28;
	[sflag:s7] =	ssyncadd.s32 @!p4 $0xFFFFD800;
	s7 =	simm.s32 @!p1 $0x50  }
0x16f: {  	[tilespmem:s13], [sflag:$0x4] =	stream.indirect.gather @!p1 [hbm4b:s4+s7], $0x80, s15, s7, $0xb8;
	[tilespmem:$0x1FE00] =	vst v63  }
0x170: {  	s15 =	simm.s32 @!p2 $0x1  }
0x171: {  	_ =	swait.ge @!p2 [sflag:s15], $0x2800  }
0x172: {  	[sflag:s15] =	ssyncset.done @!p2 $0x0  }
0x173: {  	s0 =	sadd.s32 @!p2 $0x12C0, s0;
	[sflag:s15] =	ssyncadd.s32 @!p2 $0xFFFFD800  }
0x174: {  	[spmem:s2] =	stream.indirect.scatter.add.f32 @!p2 [tilespmem:s3], [sflag:$0x5], $0x80, s0, s30, $0xb8;
	[tilespmem:$0x1FE00] =	vst v63  }
0x175: {  	s0 =	simm.s32 @!p3 $0x2  }
0x176: {  	_ =	swait.ge @!p3 [sflag:s0], $0x2800  }
0x177: {  	[sflag:s0] =	ssyncset.done @!p3 $0x0  }
0x178: {  	[sflag:s0] =	ssyncadd.s32 @!p3 $0xFFFFD800;
	s0 =	sadd.s32 @!p3 $0x1310, s5  }
0x179: {  	[spmem:s2] =	stream.indirect.scatter.add.f32 @!p3 [tilespmem:s8], [sflag:$0x6], $0x80, s0, s9, $0xb8;
	[tilespmem:$0x1FE00] =	vst v63  }
0x17a: {  	s0 =	simm.s32 @!p0 $0x3  }
0x17b: {  	_ =	swait.ge @!p0 [sflag:s0], $0x2800  }
0x17c: {  	[sflag:s0] =	ssyncset.done @!p0 $0x0  }
0x17d: {  	[sflag:s0] =	ssyncadd.s32 @!p0 $0xFFFFD800;
	s0 =	sadd.s32 @!p0 $0x1360, s10  }
0x17e: {  	[spmem:s2] =	stream.indirect.scatter.add.f32 @!p0 [tilespmem:s12], [sflag:$0x7], $0x80, s0, s1, $0xb8;
	[tilespmem:$0x1FE00] =	vst v63  }
0x17f: {  	p0 =	por p1, p1  }
0x180: {  	s0 =	simm.s32 @!p0 $0x4  }
0x181: {  	_ =	swait.ge @!p0 [sflag:s0], $0x2800  }
0x182: {  	[sflag:s0] =	ssyncset.done @!p0 $0x0  }
0x183: {  	[sflag:s0] =	ssyncadd.s32 @!p0 $0xFFFFD800;
	s0 =	sadd.s32 @!p0 $0x13B0, s28  }
0x184: {  	[spmem:s2] =	stream.indirect.scatter.add.f32 @!p0 [tilespmem:s13], [sflag:$0x8], $0x80, s0, s7, $0xb8;
	[tilespmem:$0x1FE00] =	vst v63  }
0x185: {  	_ =	swait.ge [sflag:s21], $0x2800  }
0x186: {  	[sflag:s21] =	ssyncset.done $0x0  }
0x187: {  	[sflag:s21] =	ssyncadd.s32 $0xFFFFD800  }
0x188: {  	_ =	swait.ge [sflag:s22], $0x2800  }
0x189: {  	[sflag:s22] =	ssyncset.done $0x0  }
0x18a: {  	[sflag:s22] =	ssyncadd.s32 $0xFFFFD800  }
0x18b: {  	_ =	swait.ge [sflag:s23], $0x2800  }
0x18c: {  	[sflag:s23] =	ssyncset.done $0x0  }
0x18d: {  	[sflag:s23] =	ssyncadd.s32 $0xFFFFD800  }
0x18e: {  	_ =	swait.ge [sflag:s24], $0x2800  }
0x18f: {  	[sflag:s24] =	ssyncset.done $0x0  }
0x190: {  	[sflag:s24] =	ssyncadd.s32 $0xFFFFD800  }
0x191: {  	[bflag:$0x0] =	sbarrier.arrive $0xFFFF  }
0x192: {  	s8 =	rddreg [dreg:$0x5]  }
0x193: {  	s30 =	rddreg [dreg:$0xc]  }
0x194: {  	[hbm:s30], [sflag:s8] =	dma.local [spmem:s26], $0x2710  }
0x195: {  	_ =	swait.ge [sflag:s19], $0x2710  }
0x196: {  	s25 =	sadd.s32 $0x1, s25;
	s31 =	rddreg [dreg:$0xd]  }
0x197: {  	p0 =	sne.s32 s25, s31  }
.Ltmp3:
0x198: {  	_ = 	snop;
	(pc) =	sbr.rel @p0 .LBB2_1-.Ltmp3, $3  }
0x199: {  	_ =	sdelay $0x1  }
0x19a: {  	[sflag:s19] =	ssyncset.done $0x0  }
0x19b: {  	[sflag:s19] =	ssyncadd.s32 $0xFFFFD8F0  }
0x19c: {  	_ =	sfence.sel $0x180000  }
0x19d: {  	[bflag:$0x0] =	sbarrier.arrive $0xFFFF  }
0x19e: {  	_ =	strace $0x9000004D  }
0x19f: {  	s0 =	stileid.u32;
	[bflag:$0x2] =	sbarrier.arrive $0xFFFF  }
0x1a0: {  	p0 =	sne.s32 s0, $0x0;
	s0 =	rddreg [dreg:$0x2]  }
0x1a1: {  	s0 =	sadd.s32 @!p0 $0x100000, s0  }
0x1a2: {  	[sflag:s0] =	ssyncadd.tile.s32 @!p0 $0x1;
	_ =	shalt  }
.Lfunc_end2:
_tile_overlayer_lowered:
.L_overlay_start_2:
0x1a3: {  	(tag) =	ssettag $0x2  }
0x1a4: {  	s0 =	rddreg [dreg:$0x0];
	s2 =	stileid.u32  }
0x1a5: {  	s1 =	rddreg [dreg:$0x1];
	p0 =	sne.s32 s2, $0x0  }
0x1a6: {  	s3 =	rddreg [dreg:$0x2];
	[bflag:$0x3] =	sbarrier.arrive $0xFFFF;
	s2 =	simm.s32 @!p0 $0x1C09  }
0x1a7: {  	[timem:s3], [sflag:s2] =	dma.local @!p0 [hbm:s0], s1  }
0x1a8: {  	s0 =	simm.s32 @!p0 $0x9  }
0x1a9: {  	_ =	swait.ge @!p0 [sflag:s0], s1  }
0x1aa: {  	s1 =	ssub.s32 @!p0 $0x0, s1;
	[sflag:s0] =	ssyncset.done @!p0 $0x0  }
0x1ab: {  	[sflag:s0] =	ssyncadd.s32 @!p0 s1  }
0x1ac: {  	[bflag:$0x3] =	sbarrier.arrive $0xFFFF  }
0x1ad: {  	_ =	shalt  }

// kernel: kernel.8.cloned.1.call-start
scs
__scs_entry_jumppad:
0x0: {  	(pc) =	sbr.rel $0x88, $3  }
0x1: {  	(tag) =	ssettag $0x0;
	lr =	simm.s32 $0x1  }
0x2: {  	[smem:$0x3F98] =	sst lr;
	_ =	strace $0xD0000000  }
0x3: {  	_ = 	snop  }
0x4: {  	_ = 	snop  }
0x5: {  	_ = 	snop  }
0x6: {  	_ = 	snop  }
0x7: {  	_ = 	snop  }
__scs_overlays_trampoline_lowered:
0x8: {  	[smem:$0x3FA7] =	sst s0  }
0x9: {  	[smem:$0x3FA8] =	sst s1  }
0xa: {  	[smem:$0x3FA9] =	sst s2  }
0xb: {  	[smem:$0x3FAA] =	sst s3  }
0xc: {  	[smem:$0x3FAB] =	sst s4  }
0xd: {  	[smem:$0x3FAC] =	sst s5  }
0xe: {  	[smem:$0x3FAD] =	sst s6  }
0xf: {  	[smem:$0x3FAE] =	sst s7  }
0x10: {  	[smem:$0x3FAF] =	sst s8  }
0x11: {  	[smem:$0x3FB0] =	sst s9;
	s0 =	simm.s32 @!p0 $0x0  }
0x12: {  	s1 =	sld [smem:$0x3F96];
	s0 =	simm.s32 @p0 $0x1  }
0x13: {  	[smem:$0x3FB1] =	sst s0;
	s0 =	simm.s32 @!p1 $0x0  }
0x14: {  	s2 =	sld [smem:$0x3F95];
	s0 =	simm.s32 @p1 $0x1  }
0x15: {  	[smem:$0x3FB2] =	sst s0;
	s0 =	simm.s32 @!p2 $0x0  }
0x16: {  	s3 =	sld [smem:$0x3FDB];
	s0 =	simm.s32 @p2 $0x1  }
0x17: {  	s4 =	simm.s32 $0x1BF5;
	[smem:$0x3FB4] =	sst s0  }
0x18: {  	s0 =	sld [smem:$0x3F97];
	_ =	swait.ge [sflag:s4], $0x0  }
0x19: {  	s7 =	sld [smem:$0x3F98]  }
0x1a: {  	s8 =	sadd.s32 $0xFFFFE003, lr  }
0x1b: {  	s9 =	sadd.s32 $0xFFFFFEF7, lr;
	s5 =	simm.s32 $0xFFFFFFFF;
	p2 =	slt.u32 s8, $0xFFFFF086  }
0x1c: {  	p1 =	slt.u32 s9, $0xF7A;
	s5 =	simm.s32 @!p2 $0x0  }
0x1d: {  	s5 =	simm.s32 @p1 $0x1;
	p0 =	seq.s32 s7, s2  }
0x1e: {  	s7 =	smul.u32 @!p0 $0xF7A, s2;
	p2 =	seq.s32 @!p0 s5, $0x0  }
0x1f: {  	s9 =	smul.u32 $0xF7A, s1;
	s8 =	simm.s32 @!p0 $0x1BF5;
	p2 =	por !p2, p0  }
0x20: {  	[sflag:s8] =	ssyncset.s32 @!p0 $0xFFFFF086;
	s6 =	sadd.s32 @!p0 s3, s7;
	s7 =	simm.s32 @!p0 $0x108  }
0x21: {  	s3 =	sadd.s32 s3, s9;
	s6 =	sadd.s32 @!p0 $0x88, s6;
	s7 =	simm.s32 @p2 $0x1082  }
0x22: {  	[simem:s7], [sflag:s8] =	dma.local @!p0 [hbm:s6], $0xF7A  }
0x23: {  	s9 =	sor.u32 $0xD0000000, s2;
	s6 =	simm.s32 $0x108;
	_ =	swait.ge @!p0 [sflag:s8], $0x0  }
0x24: {  	s3 =	sadd.s32 $0x88, s3;
	s6 =	simm.s32 @!p1 $0x1082;
	[sflag:s4] =	ssyncset.s32 $0xFFFFF086  }
0x25: {  	[simem:s6], [sflag:s4] =	dma.local [hbm:s3], $0xF7A  }
0x26: {  	[smem:$0x3F98] =	sst s1;
	(tag) =	ssettag s2;
	_ =	strace s9  }
0x27: {  	s1 =	sld [smem:$0x3FA8]  }
0x28: {  	s2 =	sld [smem:$0x3FA9]  }
0x29: {  	s4 =	sld [smem:$0x3FAB]  }
0x2a: {  	p0 =	seq.s32 s5, $0x0;
	s5 =	sld [smem:$0x3FAC]  }
0x2b: {  	s6 =	sld [smem:$0x3FAD]  }
0x2c: {  	s7 =	sld [smem:$0x3FAE]  }
0x2d: {  	s3 =	simm.s32 $0x108;
	s8 =	sld [smem:$0x3FAF]  }
0x2e: {  	s3 =	simm.s32 @!p0 $0x1082;
	s9 =	sld [smem:$0x3FB0]  }
0x2f: {  	lr =	sadd.s32 s0, s3;
	s0 =	sld [smem:$0x3FA7]  }
0x30: {  	s3 =	sld [smem:$0x3FAA]  }
0x31: {  	[smem:$0x3FB3] =	sst s10  }
0x32: {  	s10 =	sld [smem:$0x3FB1];
	_ =	sdelay $0x3  }
0x33: {  	p0 =	seq.s32 s10, $0x1;
	s10 =	sld [smem:$0x3FB3];
	_ =	sdelay $0x3  }
0x34: {  	[smem:$0x3FB3] =	sst s10  }
0x35: {  	s10 =	sld [smem:$0x3FB2];
	_ =	sdelay $0x3  }
0x36: {  	p1 =	seq.s32 s10, $0x1;
	s10 =	sld [smem:$0x3FB3];
	_ =	sdelay $0x3  }
0x37: {  	[smem:$0x3FB3] =	sst s10  }
0x38: {  	s10 =	sld [smem:$0x3FB4]  }
0x39: {  	_ = 	snop;
	(pc) =	sbr.ind lr, $3  }
0x3a: {  	_ = 	snop  }
0x3b: {  	_ = 	snop  }
0x3c: {  	p2 =	seq.s32 s10, $0x1;
	s10 =	sld [smem:$0x3FB3]  }
0x3d: {  	_ =	shalt  }
0x3e: {  	_ =	shalt  }
0x3f: {  	_ =	shalt  }
0x40: {  	_ =	shalt  }
0x41: {  	_ =	shalt  }
0x42: {  	_ =	shalt  }
0x43: {  	_ =	shalt  }
0x44: {  	_ =	shalt  }
0x45: {  	_ =	shalt  }
0x46: {  	_ =	shalt  }
0x47: {  	_ =	shalt  }
0x48: {  	_ =	shalt  }
0x49: {  	_ =	shalt  }
0x4a: {  	_ =	shalt  }
0x4b: {  	_ =	shalt  }
0x4c: {  	_ =	shalt  }
0x4d: {  	_ =	shalt  }
0x4e: {  	_ =	shalt  }
0x4f: {  	_ =	shalt  }
0x50: {  	_ =	shalt  }
0x51: {  	_ =	shalt  }
0x52: {  	_ =	shalt  }
0x53: {  	_ =	shalt  }
0x54: {  	_ =	shalt  }
0x55: {  	_ =	shalt  }
0x56: {  	_ =	shalt  }
0x57: {  	_ =	shalt  }
0x58: {  	_ =	shalt  }
0x59: {  	_ =	shalt  }
0x5a: {  	_ =	shalt  }
0x5b: {  	_ =	shalt  }
0x5c: {  	_ =	shalt  }
0x5d: {  	_ =	shalt  }
0x5e: {  	_ =	shalt  }
0x5f: {  	_ =	shalt  }
0x60: {  	_ =	shalt  }
0x61: {  	_ =	shalt  }
0x62: {  	_ =	shalt  }
0x63: {  	_ =	shalt  }
0x64: {  	_ =	shalt  }
0x65: {  	_ =	shalt  }
0x66: {  	_ =	shalt  }
0x67: {  	_ =	shalt  }
0x68: {  	_ =	shalt  }
0x69: {  	_ =	shalt  }
0x6a: {  	_ =	shalt  }
0x6b: {  	_ =	shalt  }
0x6c: {  	_ =	shalt  }
0x6d: {  	_ =	shalt  }
0x6e: {  	_ =	shalt  }
0x6f: {  	_ =	shalt  }
0x70: {  	_ =	shalt  }
0x71: {  	_ =	shalt  }
0x72: {  	_ =	shalt  }
0x73: {  	_ =	shalt  }
0x74: {  	_ =	shalt  }
0x75: {  	_ =	shalt  }
0x76: {  	_ =	shalt  }
0x77: {  	_ =	shalt  }
0x78: {  	_ =	shalt  }
0x79: {  	_ =	shalt  }
0x7a: {  	_ =	shalt  }
0x7b: {  	_ =	shalt  }
0x7c: {  	_ =	shalt  }
0x7d: {  	_ =	shalt  }
0x7e: {  	_ =	shalt  }
0x7f: {  	_ =	shalt  }
0x80: {  	_ =	shalt  }
0x81: {  	_ =	shalt  }
0x82: {  	_ =	shalt  }
0x83: {  	_ =	shalt  }
0x84: {  	_ =	shalt  }
0x85: {  	_ =	shalt  }
0x86: {  	_ =	shalt  }
0x87: {  	_ =	shalt  }
.Lfunc_end0:
.L_simem_size_0:
called_computation_lowered:
.L_overlay_start_0:
0x88: {  	s2 =	sld [smem:$0x3FD9]  }
0x89: {  	s3 =	sld [smem:$0x3FFE];
	_ =	sdelay $0x1  }
0x8a: {  	s1 =	srdreg.scid  }
0x8b: {  	s0 =	sand.u32 $0x1, s1  }
0x8c: {  	s17 =	sshll.u32 s0, $0xA;
	s2 =	sadd.s32 s3, s2  }
0x8d: {  	s2 =	sadd.s32 s2, s17  }
0x8e: {  	[smem:$0x3FBF] =	sst s2  }
0x8f: {  	_ = 	snop  }
0x90: {  	s2 =	sld [smem:$0x3FD0];
	(tm) =	ssettm $0x1  }
0x91: {  	s18 =	sld [smem:$0x3FFB];
	_ =	sdelay $0x3  }
0x92: {  	_ =	strace s18  }
0x93: {  	s3 =	sld [smem:$0x3FFC];
	_ =	sdelay $0x3  }
0x94: {  	_ =	strace s3  }
0x95: {  	s3 =	sld [smem:$0x3FFD];
	_ =	sdelay $0x3  }
0x96: {  	_ =	strace s3  }
0x97: {  	_ =	strace $0x8FFFFFFF  }
0x98: {  	s19 =	sld [smem:$0x3FDB];
	_ =	sdelay $0x1  }
0x99: {  	s4 =	simm.s32 $_scs_section_size  }
0x9a: {  	s5 =	simm.s32 $_size__tile_overlayer_lowered;
	s6 =	simm.s32 $_tile_overlayer_lowered  }
0x9b: {  	s22 =	simm.s32 $0x1BFF;
	s21 =	sshll.u32 s6, $0x1;
	s3 =	sadd.s32 s4, s19  }
0x9c: {  	s7 =	simm.s32 $0x0;
	s20 =	sshll.u32 s5, $0x1;
	s5 =	sadd.s32 s21, s3  }
0x9d: {  	[timem:s7], [sflag:s22] =	dma.local [hbm:s5], s20  }
0x9e: {  	_ =	swait.ge [sflag:s22], s20  }
0x9f: {  	s4 =	ssub.s32 $0x0, s20;
	[sflag:s22] =	ssyncset.done $0x0  }
0xa0: {  	[sflag:s22] =	ssyncadd.s32 s4;
	_ =	sdelay $0x1  }
0xa1: {  	s23 =	simm.s32 $0x1B8B  }
0xa2: {  	_ =	swait.ge [sflag:s23], $0x1  }
0xa3: {  	[sflag:s23] =	ssyncset.done $0x0  }
0xa4: {  	s25 =	simm.s32 $0x1B8E;
	s24 =	sld [smem:$0x3FFE];
	[sflag:s23] =	ssyncadd.s32 $0xFFFFFFFF  }
0xa5: {  	s26 =	simm.s32 $execute0_lowered;
	[smem:$0x3FD2] =	sst s25  }
0xa6: {  	s5 =	sshll.u32 s26, $0x1;
	_ =	strace $0x80000046;
	[dreg:$0x1] =	wrdreg $0xFFFFFFFF  }
0xa7: {  	s28 =	simm.s32 $_size_execute0_lowered;
	s3 =	sadd.s32 s3, s5;
	[dreg:$0x0] =	wrdreg $0x0  }
0xa8: {  	s5 =	sshll.u32 s28, $0x1;
	[dreg:$0x2] =	wrdreg s3  }
0xa9: {  	[dreg:$0x3] =	wrdreg s5  }
0xaa: {  	[dreg:$0x4] =	wrdreg $0xC0  }
0xab: {  	_ =	task [dreg:s7], $0x5FFFF  }
0xac: {  	[dreg:$0x1] =	wrdreg $0xFFFFFFFF  }
0xad: {  	[dreg:$0x0] =	wrdreg $0x60  }
0xae: {  	[dreg:$0x2] =	wrdreg s24  }
0xaf: {  	[dreg:$0x3] =	wrdreg s2  }
0xb0: {  	[dreg:$0x4] =	wrdreg $0x2F800  }
0xb1: {  	[dreg:$0x5] =	wrdreg $0x9  }
0xb2: {  	_ =	task.clear_ibuf [dreg:s7], $0x6FFFF;
	_ =	strace $0x90000046  }
0xb3: {  	s29 =	simm.s32 $0x9;
	_ =	strace $0x80000048  }
0xb4: {  	_ =	swait.ge [sflag:s29], $0x1  }
0xb5: {  	[sflag:s29] =	ssyncadd.s32 $0xFFFFFFFF  }
0xb6: {  	_ =	strace $0x90000048  }
0xb7: {  	_ =	sfence  }
0xb8: {  	s30 =	sld [smem:$0x0];
	_ =	sdelay $0x2  }
0xb9: {  	s31 =	sshll.u32 s1, $0xD;
	s1 =	sshrl.u32 s1, $0x2  }
0xba: {  	s3 =	sand.u32 $0x4000, s31;
	s1 =	sadd.s32 s1, s30  }
0xbb: {  	s0 =	sor.u32 s3, s0;
	s1 =	sshll.u32 s1, $0x11  }
0xbc: {  	s0 =	sor.u32 s1, s0  }
0xbd: {  	s0 =	sadd.s32 $0x8F2B, s0  }
0xbe: {  	[sflag:s0] =	ssyncadd.remote.s32 $0x1  }
0xbf: {  	_ =	sfence.sel $0xFFFF  }
0xc0: {  	[dreg:$0x0] =	wrdreg $0xFFFFFFFF;
	(pc) =	sbr.abs _section_cstart, $3  }
0xc1: {  	[dreg:$0x1] =	wrdreg $0xFFFFFFFF  }
0xc2: {  	_ =	task.clear_ibuf [dreg:s7], $0x2FFFF;
	_ =	strace $0x9FFFFFFF  }
0xc3: {  	(tm) =	ssettm $0x7FFFFFFF  }
tec
execute0_lowered:
.L_overlay_start_1:
0x0: {  	(tag) =	ssettag $0x1  }
0x1: {  	s0 =	srdreg.scid  }
0x2: {  	s7 =	sand.u32 $0x1, s0  }
0x3: {  	s0 =	stileid.u32;
	s1 =	sshll.u32 s7, $0x4  }
0x4: {  	s8 =	rddreg [dreg:$0x0];
	s1 =	sor.u32 s0, s1  }
0x5: {  	s2 =	rddreg [dreg:$0x1];
	s5 =	smul.u32 $0x9C4, s1  }
0x6: {  	s3 =	rddreg [dreg:$0x2];
	s4 =	simm.s32 $0x0;
	s14 =	simm.s32 $0x1  }
0x7: {  	s15 =	simm.s32 $0x0;
	s10 =	smul.u32 $0x2710, s0;
	s9 =	sadd.s32 $0x9C4, s5  }
0x8: {  	s6 =	sshrl.u32 s5, $0x1;
	s5 =	sshrl.u32 s5, $0x5;
	s9 =	sshrl.u32 s9, $0x5  }
0x9: {  	[smem:$0x7FF] =	sst s4;
	s11 =	smul.u32 $0x27100, s7;
	s5 =	ssub.s32 s9, s5  }
0xa: {  	s7 =	ssub.s32 $0x2, s7;
	s12 =	sshll.u32 s0, $0x6;
	p0 =	slt.s32 s5, $0x1  }
0xb: {  	s31 =	sshrl.u32 s7, $0x1;
	s12 =	sor.u32 $0x1C02, s12;
	p3 =	slt.u32 @!p0 s5, $0x2  }
0xc: {  	s1 =	rddreg [dreg:$0x3];
	_ =	strace $0x80000047;
	p1 =	por p3, p0  }
0xd: {  	s11 =	sadd.s32 s10, s11;
	s13 =	sadd.s32 s10, s3;
	p4 =	slt.u32 @!p1 s5, $0x3  }
0xe: {  	s10 =	simm.s32 $0x2;
	s11 =	sshrl.u32 s11, $0x3;
	p2 =	por @!p0 p4, p3  }
0xf: {  	s13 =	sshrl.u32 s13, $0x3;
	s6 =	sand.u32 $0xFFF0, s6;
	p2 =	por p2, p0  }
0x10: {  	s30 =	sadd.s32 s6, s8;
	s6 =	sadd.s32 $0xD200, s8;
	p5 =	slt.u32 @!p2 s5, $0x4  }
0x11: {  	s8 =	sadd.s32 s11, s8;
	s11 =	ssub.s32 s7, s31;
	p4 =	por @!p1 p5, p4  }
0x12: {  	s7 =	sadd.s32 $0x3200, s30;
	s8 =	sadd.s32 $0xD400, s8;
	p3 =	por @!p0 p4, p3  }
0x13: {  	s9 =	smax.u32 s11, $0x1;
	s11 =	simm.s32 $0x2780;
	p3 =	por p3, p0  }
.LBB2_1:
0x14: {  	[tilespmem:s4], [sflag:$0x2] =	stream.linear.gather [hbm4b:s7+s4], $0x2780, $0x38;
	[tilespmem:$0x5690] =	vst v63  }
0x15: {  	_ =	swait.ge [sflag:s10], $0x2780  }
0x16: {  	[sflag:s10] =	ssyncset.done $0x0  }
0x17: {  	[sflag:s10] =	ssyncadd.s32 $0xFFFFD880  }
0x18: {  	[tilespmem:s11], [sflag:$0x2] =	stream.linear.gather [hbm4b:s6+s4], $0x800, $0x38;
	[tilespmem:$0x5690] =	vst v63  }
0x19: {  	_ =	swait.ge [sflag:s10], $0x800  }
0x1a: {  	[sflag:s10] =	ssyncset.done $0x0  }
0x1b: {  	[sflag:s10] =	ssyncadd.s32 $0xFFFFF800  }
0x1c: {  	[spmem:s13], [sflag:s12] =	dma.local [hbm:s2], $0x4E2  }
0x1d: {  	_ =	swait.ge [sflag:s10], $0x4E2  }
0x1e: {  	[sflag:s10] =	ssyncset.done $0x0  }
0x1f: {  	s16 =	simm.s32 @!p0 $0x80;
	s17 =	simm.s32 @!p0 $0x0;
	[sflag:s10] =	ssyncadd.s32 $0xFFFFFB1E  }
0x20: {  	s18 =	simm.s32 @!p0 $0x2780;
	p4 =	sle.s32 s5, $0x4;
	[bflag:$0x0] =	sbarrier.arrive $0xFFFF  }
0x21: {  	[spmem:s3] =	stream.indirect.scatter.add.f32 @!p0 [tilespmem:s18], [sflag:$0x1], $0x10, s17, s16, $0xb8;
	[tilespmem:$0x5690] =	vst v63  }
0x22: {  	s19 =	simm.s32 @!p4 $0x1;
	s16 =	simm.s32 @!p1 $0x80;
	s17 =	simm.s32 @!p1 $0x2780  }
0x23: {  	[spmem:s3] =	stream.indirect.scatter.add.f32 @!p1 [tilespmem:s17], [sflag:$0x1], $0x10, s16, s16, $0xb8;
	[tilespmem:$0x5690] =	vst v63  }
0x24: {  	s18 =	simm.s32 @!p2 $0x2780;
	s16 =	simm.s32 @!p2 $0x80;
	s17 =	simm.s32 @!p2 $0x100  }
0x25: {  	[spmem:s3] =	stream.indirect.scatter.add.f32 @!p2 [tilespmem:s18], [sflag:$0x1], $0x10, s17, s16, $0xb8;
	[tilespmem:$0x5690] =	vst v63  }
0x26: {  	s16 =	simm.s32 @!p3 $0x80;
	s17 =	simm.s32 @!p3 $0x180;
	s18 =	simm.s32 @!p3 $0x2780  }
0x27: {  	[spmem:s3] =	stream.indirect.scatter.add.f32 @!p3 [tilespmem:s18], [sflag:$0x1], $0x10, s17, s16, $0xb8;
	[tilespmem:$0x5690] =	vst v63  }
0x28: {  	s20 =	simm.s32 @!p4 $0x2780;
	_ =	swait.ge @!p4 [sflag:s19], $0x800  }
0x29: {  	s18 =	simm.s32 $0x200;
	s16 =	simm.s32 $0x5;
	[sflag:s19] =	ssyncset.done @!p4 $0x0  }
0x2a: {  	s17 =	simm.s32 $0x280;
	[sflag:s19] =	ssyncadd.s32 @!p4 $0xFFFFF800;
	s19 =	simm.s32 @!p4 $0x80  }
.LBB2_2:
0x2b: {  	[spmem:s3] =	stream.indirect.scatter.add.f32 @!p4 [tilespmem:s20], [sflag:$0x1], $0x10, s18, s19, $0xb8;
	[tilespmem:$0x5690] =	vst v63  }
0x2c: {  	p4 =	sge.s32 s16, s5;
	s16 =	sadd.s32 $0x1, s16  }
0x2d: {  	p5 =	sne.s32 s16, $0x4F  }
.Ltmp0:
0x2e: {  	(pc) =	sbr.rel @p5 .LBB2_2-.Ltmp0, $4  }
0x2f: {  	s18 =	smov.u32 s17;
	s19 =	simm.s32 @!p4 $0x1  }
0x30: {  	_ =	swait.ge @!p4 [sflag:s19], $0x800  }
0x31: {  	s17 =	sadd.s32 $0x80, s17;
	[sflag:s19] =	ssyncset.done @!p4 $0x0  }
0x32: {  	s20 =	simm.s32 @!p4 $0x2780;
	[sflag:s19] =	ssyncadd.s32 @!p4 $0xFFFFF800;
	s19 =	simm.s32 @!p4 $0x80  }
0x33: {  	[spmem:s3] =	stream.indirect.scatter.add.f32 @!p4 [tilespmem:s20], [sflag:$0x1], $0x10, s18, s19, $0xb8;
	[tilespmem:$0x5690] =	vst v63  }
0x34: {  	_ =	swait.ge [sflag:s14], $0x800  }
0x35: {  	[sflag:s14] =	ssyncset.done $0x0  }
0x36: {  	[sflag:s14] =	ssyncadd.s32 $0xFFFFF800  }
0x37: {  	_ =	swait.ge [sflag:s14], $0x800  }
0x38: {  	[sflag:s14] =	ssyncset.done $0x0  }
0x39: {  	[sflag:s14] =	ssyncadd.s32 $0xFFFFF800  }
0x3a: {  	_ =	swait.ge [sflag:s14], $0x800  }
0x3b: {  	[sflag:s14] =	ssyncset.done $0x0  }
0x3c: {  	[sflag:s14] =	ssyncadd.s32 $0xFFFFF800  }
0x3d: {  	_ =	swait.ge [sflag:s14], $0x800  }
0x3e: {  	s15 =	sadd.s32 $0x1, s15;
	[sflag:s14] =	ssyncset.done $0x0  }
0x3f: {  	p4 =	sne.s32 s15, s9;
	[sflag:s14] =	ssyncadd.s32 $0xFFFFF800  }
.Ltmp1:
0x40: {  	[bflag:$0x0] =	sbarrier.arrive $0xFFFF;
	(pc) =	sbr.rel @p4 .LBB2_1-.Ltmp1, $4  }
0x41: {  	[hbm:s8], [sflag:s12] =	dma.local [spmem:s13], $0x4E2  }
0x42: {  	_ =	swait.ge [sflag:s10], $0x4E2  }
0x43: {  	[sflag:s10] =	ssyncset.done $0x0  }
0x44: {  	[sflag:s10] =	ssyncadd.s32 $0xFFFFFB1E  }
0x45: {  	_ =	sfence.sel $0x180000  }
0x46: {  	[bflag:$0x0] =	sbarrier.arrive $0xFFFF  }
0x47: {  	p0 =	sne.s32 s0, $0x0;
	_ =	strace $0x90000047  }
0x48: {  	s0 =	sadd.s32 @!p0 $0x100000, s1;
	[bflag:$0x2] =	sbarrier.arrive $0xFFFF  }
0x49: {  	[sflag:s0] =	ssyncadd.tile.s32 @!p0 $0x1;
	_ =	shalt  }
.Lfunc_end2:
_tile_overlayer_lowered:
.L_overlay_start_2:
0x4a: {  	(tag) =	ssettag $0x2  }
0x4b: {  	s0 =	rddreg [dreg:$0x0];
	s2 =	stileid.u32  }
0x4c: {  	s1 =	rddreg [dreg:$0x1];
	p0 =	sne.s32 s2, $0x0  }
0x4d: {  	s3 =	rddreg [dreg:$0x2];
	[bflag:$0x3] =	sbarrier.arrive $0xFFFF;
	s2 =	simm.s32 @!p0 $0x1C02  }
0x4e: {  	[timem:s3], [sflag:s2] =	dma.local @!p0 [hbm:s0], s1  }
0x4f: {  	s0 =	simm.s32 @!p0 $0x2  }
0x50: {  	_ =	swait.ge @!p0 [sflag:s0], s1  }
0x51: {  	s1 =	ssub.s32 @!p0 $0x0, s1;
	[sflag:s0] =	ssyncset.done @!p0 $0x0  }
0x52: {  	[sflag:s0] =	ssyncadd.s32 @!p0 s1  }
0x53: {  	[bflag:$0x3] =	sbarrier.arrive $0xFFFF  }
0x54: {  	_ =	shalt  }

</sc_bundles>
